<compile_context>
chip_gen: v7x
topology: tpu7x:2x2x1
jax: 0.10.2.dev20260603
libtpu: 0.0.44.dev20260713+nightly
codegen_flags: <defaults>
</compile_context>

<pallas_src>
import jax
import jax.numpy as jnp
from jax import lax
from jax.experimental import pallas as pl
from jax.experimental.pallas import tpu as pltpu
from jax.experimental.pallas import tpu_sc as plsc

_N = 32768
_Q = 4096
_K = 25
_C = 32
_NC = _N // _C
_QB = 128
_NCORES = 2
_NSUB = 16
_NW = _NCORES * _NSUB
_QW = _Q // _NW
_RW = _QW * _K // 128
_SB = 5
_RSB = _RW // _SB
_DR = 2048
_BIG = float(1e30)


def _round_bf16(a):
    return a.astype(jnp.bfloat16).astype(jnp.float32)


def _chunk_topk_body(x_ref, y_ref, xt_ref, yt_ref, out_ref, cm_ref):
    xq = x_ref[...]
    yq = y_ref[...]
    qq = xq * xq + yq * yq
    xqb = _round_bf16(xq)
    yqb = _round_bf16(yq)
    cm = None
    for r in range(_C):
        xr = xt_ref[r:r + 1, :]
        yr = yt_ref[r:r + 1, :]
        s = xqb * _round_bf16(xr) + yqb * _round_bf16(yr)
        d = (qq - 2.0 * s) + (xr * xr + yr * yr)
        cm = d if cm is None else jnp.minimum(cm, d)
    cm_ref[...] = cm
    iota = lax.broadcasted_iota(jnp.int32, (_QB, _NC), 1).astype(jnp.float32)
    for t in range(_K):
        cmv = cm_ref[...]
        m = jnp.min(cmv, axis=1, keepdims=True)
        idxf = jnp.min(jnp.where(cmv == m, iota, jnp.float32(1e9)),
                       axis=1, keepdims=True)
        out_ref[:, t:t + 1] = idxf.astype(jnp.int32)
        cm_ref[...] = jnp.where(iota == idxf, _BIG, cmv)


def _gather_body(idx_hbm, table_hbm, out_hbm, idx_v, rows_v, sem):
    w = lax.axis_index("s") * _NCORES + lax.axis_index("c")
    pltpu.sync_copy(idx_hbm.at[w], idx_v)
    for b in range(_SB):
        cps = []
        for r in range(_RSB):
            cps.append(pltpu.async_copy(
                table_hbm.at[idx_v.at[b * _RSB + r]], rows_v.at[r], sem))
        for cp in cps:
            cp.wait()
        pltpu.sync_copy(rows_v, out_hbm.at[w, b])


def _combine_body(x_ref, y_ref, xn_ref, yn_ref, hn_ref, un_ref, o_ref):
    xq = x_ref[...]
    yq = y_ref[...]
    xnv = xn_ref[...]
    ynv = yn_ref[...]
    qq = xq * xq + yq * yq
    s = (_round_bf16(xq) * _round_bf16(xnv)
         + _round_bf16(yq) * _round_bf16(ynv))
    d2 = (qq - 2.0 * s) + (xnv * xnv + ynv * ynv)
    nid = lax.broadcasted_iota(jnp.int32, d2.shape, 1).astype(jnp.float32)
    keep = jnp.zeros(d2.shape, dtype=jnp.bool_)
    v = d2
    for _ in range(_K):
        m = jnp.min(v, axis=1, keepdims=True)
        sel = v == m
        p = jnp.min(jnp.where(sel, nid, jnp.float32(1e9)),
                    axis=1, keepdims=True)
        chosen = sel & (nid == p)
        keep = keep | chosen
        v = jnp.where(chosen, _BIG, v)
    hv = hn_ref[...]
    dx = xq - xnv
    dy = yq - ynv
    xh = dx / hv
    yh = dy / hv
    e = jnp.exp(-(xh * xh + yh * yh))
    kern = jnp.where(keep, e, jnp.float32(0.0))
    dnr = jnp.sum(kern, axis=1, keepdims=True)
    nr = jnp.sum(un_ref[...] * kern, axis=1, keepdims=True)
    o_ref[...] = nr / dnr


def _stage_a(x2, y2, xt, yt):
    qp = x2.shape[0]
    return pl.pallas_call(
        _chunk_topk_body,
        grid=(qp // _QB,),
        in_specs=[
            pl.BlockSpec((_QB, 1), lambda i: (i, 0)),
            pl.BlockSpec((_QB, 1), lambda i: (i, 0)),
            pl.BlockSpec((_C, _NC), lambda i: (0, 0)),
            pl.BlockSpec((_C, _NC), lambda i: (0, 0)),
        ],
        out_specs=pl.BlockSpec((_QB, _K), lambda i: (i, 0)),
        out_shape=jax.ShapeDtypeStruct((qp, _K), jnp.int32),
        scratch_shapes=[pltpu.VMEM((_QB, _NC), jnp.float32)],
    )(x2, y2, xt, yt)


def _stage_b(idx3, table):
    rl = idx3.shape[2]
    return pl.kernel(
        _gather_body,
        out_type=jax.ShapeDtypeStruct((_NW, _SB, _RSB, rl, 4 * _C),
                                      jnp.float32),
        mesh=plsc.VectorSubcoreMesh(core_axis_name="c", subcore_axis_name="s",
                                    num_cores=_NCORES, num_subcores=_NSUB),
        scratch_types=[
            pltpu.VMEM((_RW, rl), jnp.int32),
            pltpu.VMEM((_RSB, rl, 4 * _C), jnp.float32),
            pltpu.SemaphoreType.DMA,
        ],
    )(idx3, table)


def _deint_body(g_ref, x_ref, y_ref, h_ref, u_ref):
    v = g_ref[...]
    x_ref[...] = v[:, 0:_C]
    y_ref[...] = v[:, _C:2 * _C]
    h_ref[...] = v[:, 2 * _C:3 * _C]
    u_ref[...] = v[:, 3 * _C:4 * _C]


def _stage_d(g2):
    out = jax.ShapeDtypeStruct((g2.shape[0], _C), jnp.float32)
    return pl.pallas_call(
        _deint_body,
        grid=(g2.shape[0] // _DR,),
        in_specs=[pl.BlockSpec((_DR, 4 * _C), lambda i: (i, 0))],
        out_specs=[pl.BlockSpec((_DR, _C), lambda i: (i, 0))] * 4,
        out_shape=(out,) * 4,
    )(g2)


def _stage_c(x2, y2, xn, yn, hn, un):
    qp = x2.shape[0]
    return pl.pallas_call(
        _combine_body,
        grid=(qp // _QB,),
        in_specs=[
            pl.BlockSpec((_QB, 1), lambda i: (i, 0)),
            pl.BlockSpec((_QB, 1), lambda i: (i, 0)),
        ] + [pl.BlockSpec((_QB, _K * _C), lambda i: (i, 0))] * 4,
        out_specs=pl.BlockSpec((_QB, 1), lambda i: (i, 0)),
        out_shape=jax.ShapeDtypeStruct((qp, 1), jnp.float32),
    )(x2, y2, xn, yn, hn, un)


def kernel(x, y, nodes, h, u):
    xs = nodes[:, 0].reshape(_NC, _C)
    ys = nodes[:, 1].reshape(_NC, _C)
    x2 = x.reshape(_Q, 1)
    y2 = y.reshape(_Q, 1)

    table = jnp.concatenate(
        [xs, ys, h.reshape(_NC, _C), u.reshape(_NC, _C)], axis=1)

    outs = []
    qh = _Q // 2
    for p in range(2):
        sl = slice(p * qh, (p + 1) * qh)
        x2p, y2p = x2[sl], y2[sl]
        cidx = _stage_a(x2p, y2p, xs.T, ys.T)
        cidx = lax.sort(cidx, dimension=1)

        idx3 = cidx.reshape(_NW, _RW, qh * _K // (_NW * _RW))
        g2 = _stage_b(idx3, table).reshape(qh * _K, 4 * _C)

        dx_, dy_, dh_, du_ = _stage_d(g2)
        xn = dx_.reshape(qh, _K * _C)
        yn = dy_.reshape(qh, _K * _C)
        hn = dh_.reshape(qh, _K * _C)
        un = du_.reshape(qh, _K * _C)

        outs.append(_stage_c(x2p, y2p, xn, yn, hn, un))
    return jnp.concatenate(outs, axis=0).reshape(_Q)

# --- scband reference (transcript-rebuilt; emitter-appended) ---
"""Pipeline reference for scband-gconv-net-60215441490239 (READ-ONLY COPY).

The authoritative reference and input builder live on the scoring server;
editing this copy changes nothing except your own understanding.
"""

import jax, jax.numpy as jnp
import numpy as np

N = 32768   # total RBF/SPH nodes (free + fixed)
Q = 4096    # query points
K = 25      # max_nbrs


def _activation(xh, yh):
    # Gaussian SPH kernel stand-in for the pde-supplied activation(xh, yh)
    return jnp.exp(-(xh * xh + yh * yh))


def _knn(nodes, x, y, k):
    # knn(nodes, target, k): for each query (x,y) find k nearest nodes
    q = jnp.stack([x, y], axis=1)                       # [Q, 2]
    d2 = (jnp.sum(q * q, axis=1, keepdims=True)
          - 2.0 * (q @ nodes.T)
          + jnp.sum(nodes * nodes, axis=1)[None, :])    # [Q, N]
    _, idx = jax.lax.top_k(-jax.lax.stop_gradient(d2), k)  # [Q, K]
    return idx


def setup_inputs(seed: int = 0) -> dict:
    key = jax.random.key(seed)
    k1, k2, k3, k4, k5 = jax.random.split(key, 5)
    x = jax.random.uniform(k1, (Q,), dtype=jnp.float32)
    y = jax.random.uniform(k2, (Q,), dtype=jnp.float32)
    # learned parameters (self.points/self.f_points stacked, self.h, self.u)
    nodes = jax.random.uniform(k3, (N, 2), dtype=jnp.float32)
    dx = np.float32(1.0 / np.sqrt(N))
    h = dx * (1.0 + 0.1 * jax.random.uniform(k4, (N,), dtype=jnp.float32))
    u = 0.01 * jax.random.normal(k5, (N,), dtype=jnp.float32)
    return {"x": x, "y": y, "nodes": nodes, "h": h, "u": u}


def reference(x, y, nodes, h, u):
    idx = _knn(nodes, x, y, K)                 # [Q, K] neighbor node ids per query
    xn = jnp.take(nodes[:, 0], idx)            # gather neighbor coords [Q, K]
    yn = jnp.take(nodes[:, 1], idx)
    hj = jnp.take(h, idx)                      # neighbor widths [Q, K]
    xh = (x[:, None] - xn) / hj
    yh = (y[:, None] - yn) / hj
    kern = _activation(xh, yh)                 # message kernel [Q, K]
    # use_pu=True: denominator uses u_j = 1.0 (partition of unity)
    dnr = jnp.sum(kern, axis=1)                # aggr='add' over neighbors
    nr = jnp.sum(jnp.take(u, idx) * kern, axis=1)
    return nr / dnr

if __name__ == "__main__":
    import jax
    _d = setup_inputs()
    print(jax.jit(kernel)(*tuple(_d.values())))

</pallas_src>

<mosaic_0001>
#map = affine_map<(d0, d1) -> (0, 0, 0)>
#map1 = affine_map<(d0, d1) -> (0, 0)>
#map2 = affine_map<(d0, d1) -> (0, 0, 0, 0, 0)>
module attributes {stable_mosaic.version = 14 : i64} {
  func.func @_gather_body(%arg0: i32, %arg1: i32, %arg2: memref<32x25x64xi32, #tpu.memory_space<hbm>>, %arg3: memref<1024x128xf32, #tpu.memory_space<hbm>>, %arg4: memref<32x5x5x64x128xf32, #tpu.memory_space<hbm>>, %arg5: memref<25x64xi32, #tpu.memory_space<vmem>>, %arg6: memref<5x64x128xf32, #tpu.memory_space<vmem>>, %arg7: memref<!tpu.dma_semaphore, #tpu.memory_space<semaphore_mem>>) attributes {dimension_semantics = [#tpu.dimension_semantics<core_parallel>, #tpu.dimension_semantics<subcore_parallel>], iteration_bounds = array<i64: 2, 16>, scalar_prefetch = 0 : i64, scratch_operands = 3 : i64, tpu.core_type = #tpu.core_type<sc_vector_subcore>, window_params = [{transform_indices = #map}, {transform_indices = #map1}, {transform_indices = #map2}]} {
    %mul3A = arith.constant 2 : i32
    %mul3A_0 = arith.muli %arg1, %mul3A : i32
    %add3A = arith.addi %mul3A_0, %arg0 : i32
    "tpu.region"() ({
      %run_scoped3A_603 = tpu.sem_alloc : memref<!tpu.dma_semaphore, #tpu.memory_space<semaphore_mem>>
      %dma_start3A_604 = arith.constant 0 : i32
      %dma_start3A_605 = arith.constant 0 : i32
      %dma_start3A_606 = tpu.memref_slice %arg2[%add3A, %dma_start3A_604, %dma_start3A_605] : memref<32x25x64xi32, #tpu.memory_space<hbm>> -> memref<1x25x64xi32, #tpu.memory_space<hbm>>
      %dma_start3A_607 = tpu.memref_squeeze %dma_start3A_606 : memref<1x25x64xi32, #tpu.memory_space<hbm>> -> memref<25x64xi32, #tpu.memory_space<hbm>>
      %dma_start3A_608 = arith.constant 0 : i32
      %dma_start3A_609 = arith.constant 0 : i32
      %dma_start3A_610 = tpu.memref_slice %arg2[%add3A, %dma_start3A_608, %dma_start3A_609] : memref<32x25x64xi32, #tpu.memory_space<hbm>> -> memref<1x25x64xi32, #tpu.memory_space<hbm>>
      %dma_start3A_611 = tpu.memref_squeeze %dma_start3A_610 : memref<1x25x64xi32, #tpu.memory_space<hbm>> -> memref<25x64xi32, #tpu.memory_space<hbm>>
      tpu.enqueue_dma source(%dma_start3A_611 : memref<25x64xi32, #tpu.memory_space<hbm>>) target(%arg5 : memref<25x64xi32, #tpu.memory_space<vmem>>) target_semaphore(%run_scoped3A_603 : memref<!tpu.dma_semaphore, #tpu.memory_space<semaphore_mem>>)
      %dma_wait3A_612 = arith.constant 0 : i32
      %dma_wait3A_613 = arith.constant 0 : i32
      %dma_wait3A_614 = tpu.memref_slice %arg2[%add3A, %dma_wait3A_612, %dma_wait3A_613] : memref<32x25x64xi32, #tpu.memory_space<hbm>> -> memref<1x25x64xi32, #tpu.memory_space<hbm>>
      %dma_wait3A_615 = tpu.memref_squeeze %dma_wait3A_614 : memref<1x25x64xi32, #tpu.memory_space<hbm>> -> memref<25x64xi32, #tpu.memory_space<hbm>>
      %dma_wait3A_616 = arith.constant 0 : i32
      %dma_wait3A_617 = arith.constant 0 : i32
      %dma_wait3A_618 = tpu.memref_slice %arg2[%add3A, %dma_wait3A_616, %dma_wait3A_617] : memref<32x25x64xi32, #tpu.memory_space<hbm>> -> memref<1x25x64xi32, #tpu.memory_space<hbm>>
      %dma_wait3A_619 = tpu.memref_squeeze %dma_wait3A_618 : memref<1x25x64xi32, #tpu.memory_space<hbm>> -> memref<25x64xi32, #tpu.memory_space<hbm>>
      tpu.wait_dma2 semaphore(%run_scoped3A_603 : memref<!tpu.dma_semaphore, #tpu.memory_space<semaphore_mem>>) src(%dma_wait3A_619 : memref<25x64xi32, #tpu.memory_space<hbm>>) dst(%arg5 : memref<25x64xi32, #tpu.memory_space<vmem>>)
      tpu.yield
    }) : () -> ()
    %dma_start3A = arith.constant 0 : i32
    %dma_start3A_1 = arith.constant 0 : i32
    %dma_start3A_2 = arith.constant 0 : i32
    %dma_start3A_3 = arith.constant 0 : i32
    %dma_start3A_4 = tpu.memref_slice %arg6[%dma_start3A_1, %dma_start3A_2, %dma_start3A_3] : memref<5x64x128xf32, #tpu.memory_space<vmem>> -> memref<1x64x128xf32, #tpu.memory_space<vmem>>
    %dma_start3A_5 = tpu.memref_squeeze %dma_start3A_4 : memref<1x64x128xf32, #tpu.memory_space<vmem>> -> memref<64x128xf32, #tpu.memory_space<vmem>>
    %dma_start3A_6 = arith.constant 0 : i32
    %dma_start3A_7 = tpu.memref_slice %arg5[%dma_start3A, %dma_start3A_6] : memref<25x64xi32, #tpu.memory_space<vmem>> -> memref<1x64xi32, #tpu.memory_space<vmem>>
    %dma_start3A_8 = tpu.memref_squeeze %dma_start3A_7 : memref<1x64xi32, #tpu.memory_space<vmem>> -> memref<64xi32, #tpu.memory_space<vmem>>
    %dma_start3A_9 = arith.constant 0 : i32
    %dma_start3A_10 = arith.constant 0 : i32
    %dma_start3A_11 = tpu.memref_slice %arg3[%dma_start3A_9, %dma_start3A_10] : memref<1024x128xf32, #tpu.memory_space<hbm>> -> memref<1024x128xf32, #tpu.memory_space<hbm>>
    tpu.enqueue_indirect_dma source(%dma_start3A_11 : memref<1024x128xf32, #tpu.memory_space<hbm>>) target(%dma_start3A_5 : memref<64x128xf32, #tpu.memory_space<vmem>>) offsets(%dma_start3A_8 : memref<64xi32, #tpu.memory_space<vmem>>) semaphore(%arg7 : memref<!tpu.dma_semaphore, #tpu.memory_space<semaphore_mem>>)
    %dma_start3A_12 = arith.constant 1 : i32
    %dma_start3A_13 = arith.constant 1 : i32
    %dma_start3A_14 = arith.constant 0 : i32
    %dma_start3A_15 = arith.constant 0 : i32
    %dma_start3A_16 = tpu.memref_slice %arg6[%dma_start3A_13, %dma_start3A_14, %dma_start3A_15] : memref<5x64x128xf32, #tpu.memory_space<vmem>> -> memref<1x64x128xf32, #tpu.memory_space<vmem>>
    %dma_start3A_17 = tpu.memref_squeeze %dma_start3A_16 : memref<1x64x128xf32, #tpu.memory_space<vmem>> -> memref<64x128xf32, #tpu.memory_space<vmem>>
    %dma_start3A_18 = arith.constant 0 : i32
    %dma_start3A_19 = tpu.memref_slice %arg5[%dma_start3A_12, %dma_start3A_18] : memref<25x64xi32, #tpu.memory_space<vmem>> -> memref<1x64xi32, #tpu.memory_space<vmem>>
    %dma_start3A_20 = tpu.memref_squeeze %dma_start3A_19 : memref<1x64xi32, #tpu.memory_space<vmem>> -> memref<64xi32, #tpu.memory_space<vmem>>
    %dma_start3A_21 = arith.constant 0 : i32
    %dma_start3A_22 = arith.constant 0 : i32
    %dma_start3A_23 = tpu.memref_slice %arg3[%dma_start3A_21, %dma_start3A_22] : memref<1024x128xf32, #tpu.memory_space<hbm>> -> memref<1024x128xf32, #tpu.memory_space<hbm>>
    tpu.enqueue_indirect_dma source(%dma_start3A_23 : memref<1024x128xf32, #tpu.memory_space<hbm>>) target(%dma_start3A_17 : memref<64x128xf32, #tpu.memory_space<vmem>>) offsets(%dma_start3A_20 : memref<64xi32, #tpu.memory_space<vmem>>) semaphore(%arg7 : memref<!tpu.dma_semaphore, #tpu.memory_space<semaphore_mem>>)
    %dma_start3A_24 = arith.constant 2 : i32
    %dma_start3A_25 = arith.constant 2 : i32
    %dma_start3A_26 = arith.constant 0 : i32
    %dma_start3A_27 = arith.constant 0 : i32
    %dma_start3A_28 = tpu.memref_slice %arg6[%dma_start3A_25, %dma_start3A_26, %dma_start3A_27] : memref<5x64x128xf32, #tpu.memory_space<vmem>> -> memref<1x64x128xf32, #tpu.memory_space<vmem>>
    %dma_start3A_29 = tpu.memref_squeeze %dma_start3A_28 : memref<1x64x128xf32, #tpu.memory_space<vmem>> -> memref<64x128xf32, #tpu.memory_space<vmem>>
    %dma_start3A_30 = arith.constant 0 : i32
    %dma_start3A_31 = tpu.memref_slice %arg5[%dma_start3A_24, %dma_start3A_30] : memref<25x64xi32, #tpu.memory_space<vmem>> -> memref<1x64xi32, #tpu.memory_space<vmem>>
    %dma_start3A_32 = tpu.memref_squeeze %dma_start3A_31 : memref<1x64xi32, #tpu.memory_space<vmem>> -> memref<64xi32, #tpu.memory_space<vmem>>
    %dma_start3A_33 = arith.constant 0 : i32
    %dma_start3A_34 = arith.constant 0 : i32
    %dma_start3A_35 = tpu.memref_slice %arg3[%dma_start3A_33, %dma_start3A_34] : memref<1024x128xf32, #tpu.memory_space<hbm>> -> memref<1024x128xf32, #tpu.memory_space<hbm>>
    tpu.enqueue_indirect_dma source(%dma_start3A_35 : memref<1024x128xf32, #tpu.memory_space<hbm>>) target(%dma_start3A_29 : memref<64x128xf32, #tpu.memory_space<vmem>>) offsets(%dma_start3A_32 : memref<64xi32, #tpu.memory_space<vmem>>) semaphore(%arg7 : memref<!tpu.dma_semaphore, #tpu.memory_space<semaphore_mem>>)
    %dma_start3A_36 = arith.constant 3 : i32
    %dma_start3A_37 = arith.constant 3 : i32
    %dma_start3A_38 = arith.constant 0 : i32
    %dma_start3A_39 = arith.constant 0 : i32
    %dma_start3A_40 = tpu.memref_slice %arg6[%dma_start3A_37, %dma_start3A_38, %dma_start3A_39] : memref<5x64x128xf32, #tpu.memory_space<vmem>> -> memref<1x64x128xf32, #tpu.memory_space<vmem>>
    %dma_start3A_41 = tpu.memref_squeeze %dma_start3A_40 : memref<1x64x128xf32, #tpu.memory_space<vmem>> -> memref<64x128xf32, #tpu.memory_space<vmem>>
    %dma_start3A_42 = arith.constant 0 : i32
    %dma_start3A_43 = tpu.memref_slice %arg5[%dma_start3A_36, %dma_start3A_42] : memref<25x64xi32, #tpu.memory_space<vmem>> -> memref<1x64xi32, #tpu.memory_space<vmem>>
    %dma_start3A_44 = tpu.memref_squeeze %dma_start3A_43 : memref<1x64xi32, #tpu.memory_space<vmem>> -> memref<64xi32, #tpu.memory_space<vmem>>
    %dma_start3A_45 = arith.constant 0 : i32
    %dma_start3A_46 = arith.constant 0 : i32
    %dma_start3A_47 = tpu.memref_slice %arg3[%dma_start3A_45, %dma_start3A_46] : memref<1024x128xf32, #tpu.memory_space<hbm>> -> memref<1024x128xf32, #tpu.memory_space<hbm>>
    tpu.enqueue_indirect_dma source(%dma_start3A_47 : memref<1024x128xf32, #tpu.memory_space<hbm>>) target(%dma_start3A_41 : memref<64x128xf32, #tpu.memory_space<vmem>>) offsets(%dma_start3A_44 : memref<64xi32, #tpu.memory_space<vmem>>) semaphore(%arg7 : memref<!tpu.dma_semaphore, #tpu.memory_space<semaphore_mem>>)
    %dma_start3A_48 = arith.constant 4 : i32
    %dma_start3A_49 = arith.constant 4 : i32
    %dma_start3A_50 = arith.constant 0 : i32
    %dma_start3A_51 = arith.constant 0 : i32
    %dma_start3A_52 = tpu.memref_slice %arg6[%dma_start3A_49, %dma_start3A_50, %dma_start3A_51] : memref<5x64x128xf32, #tpu.memory_space<vmem>> -> memref<1x64x128xf32, #tpu.memory_space<vmem>>
    %dma_start3A_53 = tpu.memref_squeeze %dma_start3A_52 : memref<1x64x128xf32, #tpu.memory_space<vmem>> -> memref<64x128xf32, #tpu.memory_space<vmem>>
    %dma_start3A_54 = arith.constant 0 : i32
    %dma_start3A_55 = tpu.memref_slice %arg5[%dma_start3A_48, %dma_start3A_54] : memref<25x64xi32, #tpu.memory_space<vmem>> -> memref<1x64xi32, #tpu.memory_space<vmem>>
    %dma_start3A_56 = tpu.memref_squeeze %dma_start3A_55 : memref<1x64xi32, #tpu.memory_space<vmem>> -> memref<64xi32, #tpu.memory_space<vmem>>
    %dma_start3A_57 = arith.constant 0 : i32
    %dma_start3A_58 = arith.constant 0 : i32
    %dma_start3A_59 = tpu.memref_slice %arg3[%dma_start3A_57, %dma_start3A_58] : memref<1024x128xf32, #tpu.memory_space<hbm>> -> memref<1024x128xf32, #tpu.memory_space<hbm>>
    tpu.enqueue_indirect_dma source(%dma_start3A_59 : memref<1024x128xf32, #tpu.memory_space<hbm>>) target(%dma_start3A_53 : memref<64x128xf32, #tpu.memory_space<vmem>>) offsets(%dma_start3A_56 : memref<64xi32, #tpu.memory_space<vmem>>) semaphore(%arg7 : memref<!tpu.dma_semaphore, #tpu.memory_space<semaphore_mem>>)
    %dma_wait3A = arith.constant 0 : i32
    %dma_wait3A_60 = arith.constant 0 : i32
    %dma_wait3A_61 = arith.constant 0 : i32
    %dma_wait3A_62 = arith.constant 0 : i32
    %dma_wait3A_63 = tpu.memref_slice %arg6[%dma_wait3A_60, %dma_wait3A_61, %dma_wait3A_62] : memref<5x64x128xf32, #tpu.memory_space<vmem>> -> memref<1x64x128xf32, #tpu.memory_space<vmem>>
    %dma_wait3A_64 = tpu.memref_squeeze %dma_wait3A_63 : memref<1x64x128xf32, #tpu.memory_space<vmem>> -> memref<64x128xf32, #tpu.memory_space<vmem>>
    %dma_wait3A_65 = arith.constant 0 : i32
    %dma_wait3A_66 = tpu.memref_slice %arg5[%dma_wait3A, %dma_wait3A_65] : memref<25x64xi32, #tpu.memory_space<vmem>> -> memref<1x64xi32, #tpu.memory_space<vmem>>
    %dma_wait3A_67 = tpu.memref_squeeze %dma_wait3A_66 : memref<1x64xi32, #tpu.memory_space<vmem>> -> memref<64xi32, #tpu.memory_space<vmem>>
    %dma_wait3A_68 = arith.constant 0 : i32
    %dma_wait3A_69 = arith.constant 0 : i32
    %dma_wait3A_70 = tpu.memref_slice %arg3[%dma_wait3A_68, %dma_wait3A_69] : memref<1024x128xf32, #tpu.memory_space<hbm>> -> memref<1024x128xf32, #tpu.memory_space<hbm>>
    tpu.wait_indirect_dma semaphore(%arg7 : memref<!tpu.dma_semaphore, #tpu.memory_space<semaphore_mem>>) src(%dma_wait3A_70 : memref<1024x128xf32, #tpu.memory_space<hbm>>) dst(%dma_wait3A_64 : memref<64x128xf32, #tpu.memory_space<vmem>>)
    %dma_wait3A_71 = arith.constant 1 : i32
    %dma_wait3A_72 = arith.constant 1 : i32
    %dma_wait3A_73 = arith.constant 0 : i32
    %dma_wait3A_74 = arith.constant 0 : i32
    %dma_wait3A_75 = tpu.memref_slice %arg6[%dma_wait3A_72, %dma_wait3A_73, %dma_wait3A_74] : memref<5x64x128xf32, #tpu.memory_space<vmem>> -> memref<1x64x128xf32, #tpu.memory_space<vmem>>
    %dma_wait3A_76 = tpu.memref_squeeze %dma_wait3A_75 : memref<1x64x128xf32, #tpu.memory_space<vmem>> -> memref<64x128xf32, #tpu.memory_space<vmem>>
    %dma_wait3A_77 = arith.constant 0 : i32
    %dma_wait3A_78 = tpu.memref_slice %arg5[%dma_wait3A_71, %dma_wait3A_77] : memref<25x64xi32, #tpu.memory_space<vmem>> -> memref<1x64xi32, #tpu.memory_space<vmem>>
    %dma_wait3A_79 = tpu.memref_squeeze %dma_wait3A_78 : memref<1x64xi32, #tpu.memory_space<vmem>> -> memref<64xi32, #tpu.memory_space<vmem>>
    %dma_wait3A_80 = arith.constant 0 : i32
    %dma_wait3A_81 = arith.constant 0 : i32
    %dma_wait3A_82 = tpu.memref_slice %arg3[%dma_wait3A_80, %dma_wait3A_81] : memref<1024x128xf32, #tpu.memory_space<hbm>> -> memref<1024x128xf32, #tpu.memory_space<hbm>>
    tpu.wait_indirect_dma semaphore(%arg7 : memref<!tpu.dma_semaphore, #tpu.memory_space<semaphore_mem>>) src(%dma_wait3A_82 : memref<1024x128xf32, #tpu.memory_space<hbm>>) dst(%dma_wait3A_76 : memref<64x128xf32, #tpu.memory_space<vmem>>)
    %dma_wait3A_83 = arith.constant 2 : i32
    %dma_wait3A_84 = arith.constant 2 : i32
    %dma_wait3A_85 = arith.constant 0 : i32
    %dma_wait3A_86 = arith.constant 0 : i32
    %dma_wait3A_87 = tpu.memref_slice %arg6[%dma_wait3A_84, %dma_wait3A_85, %dma_wait3A_86] : memref<5x64x128xf32, #tpu.memory_space<vmem>> -> memref<1x64x128xf32, #tpu.memory_space<vmem>>
    %dma_wait3A_88 = tpu.memref_squeeze %dma_wait3A_87 : memref<1x64x128xf32, #tpu.memory_space<vmem>> -> memref<64x128xf32, #tpu.memory_space<vmem>>
    %dma_wait3A_89 = arith.constant 0 : i32
    %dma_wait3A_90 = tpu.memref_slice %arg5[%dma_wait3A_83, %dma_wait3A_89] : memref<25x64xi32, #tpu.memory_space<vmem>> -> memref<1x64xi32, #tpu.memory_space<vmem>>
    %dma_wait3A_91 = tpu.memref_squeeze %dma_wait3A_90 : memref<1x64xi32, #tpu.memory_space<vmem>> -> memref<64xi32, #tpu.memory_space<vmem>>
    %dma_wait3A_92 = arith.constant 0 : i32
    %dma_wait3A_93 = arith.constant 0 : i32
    %dma_wait3A_94 = tpu.memref_slice %arg3[%dma_wait3A_92, %dma_wait3A_93] : memref<1024x128xf32, #tpu.memory_space<hbm>> -> memref<1024x128xf32, #tpu.memory_space<hbm>>
    tpu.wait_indirect_dma semaphore(%arg7 : memref<!tpu.dma_semaphore, #tpu.memory_space<semaphore_mem>>) src(%dma_wait3A_94 : memref<1024x128xf32, #tpu.memory_space<hbm>>) dst(%dma_wait3A_88 : memref<64x128xf32, #tpu.memory_space<vmem>>)
    %dma_wait3A_95 = arith.constant 3 : i32
    %dma_wait3A_96 = arith.constant 3 : i32
    %dma_wait3A_97 = arith.constant 0 : i32
    %dma_wait3A_98 = arith.constant 0 : i32
    %dma_wait3A_99 = tpu.memref_slice %arg6[%dma_wait3A_96, %dma_wait3A_97, %dma_wait3A_98] : memref<5x64x128xf32, #tpu.memory_space<vmem>> -> memref<1x64x128xf32, #tpu.memory_space<vmem>>
    %dma_wait3A_100 = tpu.memref_squeeze %dma_wait3A_99 : memref<1x64x128xf32, #tpu.memory_space<vmem>> -> memref<64x128xf32, #tpu.memory_space<vmem>>
    %dma_wait3A_101 = arith.constant 0 : i32
    %dma_wait3A_102 = tpu.memref_slice %arg5[%dma_wait3A_95, %dma_wait3A_101] : memref<25x64xi32, #tpu.memory_space<vmem>> -> memref<1x64xi32, #tpu.memory_space<vmem>>
    %dma_wait3A_103 = tpu.memref_squeeze %dma_wait3A_102 : memref<1x64xi32, #tpu.memory_space<vmem>> -> memref<64xi32, #tpu.memory_space<vmem>>
    %dma_wait3A_104 = arith.constant 0 : i32
    %dma_wait3A_105 = arith.constant 0 : i32
    %dma_wait3A_106 = tpu.memref_slice %arg3[%dma_wait3A_104, %dma_wait3A_105] : memref<1024x128xf32, #tpu.memory_space<hbm>> -> memref<1024x128xf32, #tpu.memory_space<hbm>>
    tpu.wait_indirect_dma semaphore(%arg7 : memref<!tpu.dma_semaphore, #tpu.memory_space<semaphore_mem>>) src(%dma_wait3A_106 : memref<1024x128xf32, #tpu.memory_space<hbm>>) dst(%dma_wait3A_100 : memref<64x128xf32, #tpu.memory_space<vmem>>)
    %dma_wait3A_107 = arith.constant 4 : i32
    %dma_wait3A_108 = arith.constant 4 : i32
    %dma_wait3A_109 = arith.constant 0 : i32
    %dma_wait3A_110 = arith.constant 0 : i32
    %dma_wait3A_111 = tpu.memref_slice %arg6[%dma_wait3A_108, %dma_wait3A_109, %dma_wait3A_110] : memref<5x64x128xf32, #tpu.memory_space<vmem>> -> memref<1x64x128xf32, #tpu.memory_space<vmem>>
    %dma_wait3A_112 = tpu.memref_squeeze %dma_wait3A_111 : memref<1x64x128xf32, #tpu.memory_space<vmem>> -> memref<64x128xf32, #tpu.memory_space<vmem>>
    %dma_wait3A_113 = arith.constant 0 : i32
    %dma_wait3A_114 = tpu.memref_slice %arg5[%dma_wait3A_107, %dma_wait3A_113] : memref<25x64xi32, #tpu.memory_space<vmem>> -> memref<1x64xi32, #tpu.memory_space<vmem>>
    %dma_wait3A_115 = tpu.memref_squeeze %dma_wait3A_114 : memref<1x64xi32, #tpu.memory_space<vmem>> -> memref<64xi32, #tpu.memory_space<vmem>>
    %dma_wait3A_116 = arith.constant 0 : i32
    %dma_wait3A_117 = arith.constant 0 : i32
    %dma_wait3A_118 = tpu.memref_slice %arg3[%dma_wait3A_116, %dma_wait3A_117] : memref<1024x128xf32, #tpu.memory_space<hbm>> -> memref<1024x128xf32, #tpu.memory_space<hbm>>
    tpu.wait_indirect_dma semaphore(%arg7 : memref<!tpu.dma_semaphore, #tpu.memory_space<semaphore_mem>>) src(%dma_wait3A_118 : memref<1024x128xf32, #tpu.memory_space<hbm>>) dst(%dma_wait3A_112 : memref<64x128xf32, #tpu.memory_space<vmem>>)
    %run_scoped3A = arith.constant 0 : i32
    "tpu.region"() ({
      %run_scoped3A_603 = tpu.sem_alloc : memref<!tpu.dma_semaphore, #tpu.memory_space<semaphore_mem>>
      %dma_start3A_604 = arith.constant 0 : i32
      %dma_start3A_605 = arith.constant 0 : i32
      %dma_start3A_606 = arith.constant 0 : i32
      %dma_start3A_607 = tpu.memref_slice %arg4[%add3A, %run_scoped3A, %dma_start3A_604, %dma_start3A_605, %dma_start3A_606] : memref<32x5x5x64x128xf32, #tpu.memory_space<hbm>> -> memref<1x1x5x64x128xf32, #tpu.memory_space<hbm>>
      %dma_start3A_608 = tpu.memref_squeeze %dma_start3A_607 : memref<1x1x5x64x128xf32, #tpu.memory_space<hbm>> -> memref<5x64x128xf32, #tpu.memory_space<hbm>>
      %dma_start3A_609 = arith.constant 0 : i32
      %dma_start3A_610 = arith.constant 0 : i32
      %dma_start3A_611 = arith.constant 0 : i32
      %dma_start3A_612 = tpu.memref_slice %arg4[%add3A, %run_scoped3A, %dma_start3A_609, %dma_start3A_610, %dma_start3A_611] : memref<32x5x5x64x128xf32, #tpu.memory_space<hbm>> -> memref<1x1x5x64x128xf32, #tpu.memory_space<hbm>>
      %dma_start3A_613 = tpu.memref_squeeze %dma_start3A_612 : memref<1x1x5x64x128xf32, #tpu.memory_space<hbm>> -> memref<5x64x128xf32, #tpu.memory_space<hbm>>
      tpu.enqueue_dma source(%arg6 : memref<5x64x128xf32, #tpu.memory_space<vmem>>) target(%dma_start3A_613 : memref<5x64x128xf32, #tpu.memory_space<hbm>>) target_semaphore(%run_scoped3A_603 : memref<!tpu.dma_semaphore, #tpu.memory_space<semaphore_mem>>)
      %dma_wait3A_614 = arith.constant 0 : i32
      %dma_wait3A_615 = arith.constant 0 : i32
      %dma_wait3A_616 = arith.constant 0 : i32
      %dma_wait3A_617 = tpu.memref_slice %arg4[%add3A, %run_scoped3A, %dma_wait3A_614, %dma_wait3A_615, %dma_wait3A_616] : memref<32x5x5x64x128xf32, #tpu.memory_space<hbm>> -> memref<1x1x5x64x128xf32, #tpu.memory_space<hbm>>
      %dma_wait3A_618 = tpu.memref_squeeze %dma_wait3A_617 : memref<1x1x5x64x128xf32, #tpu.memory_space<hbm>> -> memref<5x64x128xf32, #tpu.memory_space<hbm>>
      %dma_wait3A_619 = arith.constant 0 : i32
      %dma_wait3A_620 = arith.constant 0 : i32
      %dma_wait3A_621 = arith.constant 0 : i32
      %dma_wait3A_622 = tpu.memref_slice %arg4[%add3A, %run_scoped3A, %dma_wait3A_619, %dma_wait3A_620, %dma_wait3A_621] : memref<32x5x5x64x128xf32, #tpu.memory_space<hbm>> -> memref<1x1x5x64x128xf32, #tpu.memory_space<hbm>>
      %dma_wait3A_623 = tpu.memref_squeeze %dma_wait3A_622 : memref<1x1x5x64x128xf32, #tpu.memory_space<hbm>> -> memref<5x64x128xf32, #tpu.memory_space<hbm>>
      tpu.wait_dma2 semaphore(%run_scoped3A_603 : memref<!tpu.dma_semaphore, #tpu.memory_space<semaphore_mem>>) src(%arg6 : memref<5x64x128xf32, #tpu.memory_space<vmem>>) dst(%dma_wait3A_623 : memref<5x64x128xf32, #tpu.memory_space<hbm>>)
      tpu.yield
    }) : () -> ()
    %dma_start3A_119 = arith.constant 5 : i32
    %dma_start3A_120 = arith.constant 0 : i32
    %dma_start3A_121 = arith.constant 0 : i32
    %dma_start3A_122 = arith.constant 0 : i32
    %dma_start3A_123 = tpu.memref_slice %arg6[%dma_start3A_120, %dma_start3A_121, %dma_start3A_122] : memref<5x64x128xf32, #tpu.memory_space<vmem>> -> memref<1x64x128xf32, #tpu.memory_space<vmem>>
    %dma_start3A_124 = tpu.memref_squeeze %dma_start3A_123 : memref<1x64x128xf32, #tpu.memory_space<vmem>> -> memref<64x128xf32, #tpu.memory_space<vmem>>
    %dma_start3A_125 = arith.constant 0 : i32
    %dma_start3A_126 = tpu.memref_slice %arg5[%dma_start3A_119, %dma_start3A_125] : memref<25x64xi32, #tpu.memory_space<vmem>> -> memref<1x64xi32, #tpu.memory_space<vmem>>
    %dma_start3A_127 = tpu.memref_squeeze %dma_start3A_126 : memref<1x64xi32, #tpu.memory_space<vmem>> -> memref<64xi32, #tpu.memory_space<vmem>>
    %dma_start3A_128 = arith.constant 0 : i32
    %dma_start3A_129 = arith.constant 0 : i32
    %dma_start3A_130 = tpu.memref_slice %arg3[%dma_start3A_128, %dma_start3A_129] : memref<1024x128xf32, #tpu.memory_space<hbm>> -> memref<1024x128xf32, #tpu.memory_space<hbm>>
    tpu.enqueue_indirect_dma source(%dma_start3A_130 : memref<1024x128xf32, #tpu.memory_space<hbm>>) target(%dma_start3A_124 : memref<64x128xf32, #tpu.memory_space<vmem>>) offsets(%dma_start3A_127 : memref<64xi32, #tpu.memory_space<vmem>>) semaphore(%arg7 : memref<!tpu.dma_semaphore, #tpu.memory_space<semaphore_mem>>)
    %dma_start3A_131 = arith.constant 6 : i32
    %dma_start3A_132 = arith.constant 1 : i32
    %dma_start3A_133 = arith.constant 0 : i32
    %dma_start3A_134 = arith.constant 0 : i32
    %dma_start3A_135 = tpu.memref_slice %arg6[%dma_start3A_132, %dma_start3A_133, %dma_start3A_134] : memref<5x64x128xf32, #tpu.memory_space<vmem>> -> memref<1x64x128xf32, #tpu.memory_space<vmem>>
    %dma_start3A_136 = tpu.memref_squeeze %dma_start3A_135 : memref<1x64x128xf32, #tpu.memory_space<vmem>> -> memref<64x128xf32, #tpu.memory_space<vmem>>
    %dma_start3A_137 = arith.constant 0 : i32
    %dma_start3A_138 = tpu.memref_slice %arg5[%dma_start3A_131, %dma_start3A_137] : memref<25x64xi32, #tpu.memory_space<vmem>> -> memref<1x64xi32, #tpu.memory_space<vmem>>
    %dma_start3A_139 = tpu.memref_squeeze %dma_start3A_138 : memref<1x64xi32, #tpu.memory_space<vmem>> -> memref<64xi32, #tpu.memory_space<vmem>>
    %dma_start3A_140 = arith.constant 0 : i32
    %dma_start3A_141 = arith.constant 0 : i32
    %dma_start3A_142 = tpu.memref_slice %arg3[%dma_start3A_140, %dma_start3A_141] : memref<1024x128xf32, #tpu.memory_space<hbm>> -> memref<1024x128xf32, #tpu.memory_space<hbm>>
    tpu.enqueue_indirect_dma source(%dma_start3A_142 : memref<1024x128xf32, #tpu.memory_space<hbm>>) target(%dma_start3A_136 : memref<64x128xf32, #tpu.memory_space<vmem>>) offsets(%dma_start3A_139 : memref<64xi32, #tpu.memory_space<vmem>>) semaphore(%arg7 : memref<!tpu.dma_semaphore, #tpu.memory_space<semaphore_mem>>)
    %dma_start3A_143 = arith.constant 7 : i32
    %dma_start3A_144 = arith.constant 2 : i32
    %dma_start3A_145 = arith.constant 0 : i32
    %dma_start3A_146 = arith.constant 0 : i32
    %dma_start3A_147 = tpu.memref_slice %arg6[%dma_start3A_144, %dma_start3A_145, %dma_start3A_146] : memref<5x64x128xf32, #tpu.memory_space<vmem>> -> memref<1x64x128xf32, #tpu.memory_space<vmem>>
    %dma_start3A_148 = tpu.memref_squeeze %dma_start3A_147 : memref<1x64x128xf32, #tpu.memory_space<vmem>> -> memref<64x128xf32, #tpu.memory_space<vmem>>
    %dma_start3A_149 = arith.constant 0 : i32
    %dma_start3A_150 = tpu.memref_slice %arg5[%dma_start3A_143, %dma_start3A_149] : memref<25x64xi32, #tpu.memory_space<vmem>> -> memref<1x64xi32, #tpu.memory_space<vmem>>
    %dma_start3A_151 = tpu.memref_squeeze %dma_start3A_150 : memref<1x64xi32, #tpu.memory_space<vmem>> -> memref<64xi32, #tpu.memory_space<vmem>>
    %dma_start3A_152 = arith.constant 0 : i32
    %dma_start3A_153 = arith.constant 0 : i32
    %dma_start3A_154 = tpu.memref_slice %arg3[%dma_start3A_152, %dma_start3A_153] : memref<1024x128xf32, #tpu.memory_space<hbm>> -> memref<1024x128xf32, #tpu.memory_space<hbm>>
    tpu.enqueue_indirect_dma source(%dma_start3A_154 : memref<1024x128xf32, #tpu.memory_space<hbm>>) target(%dma_start3A_148 : memref<64x128xf32, #tpu.memory_space<vmem>>) offsets(%dma_start3A_151 : memref<64xi32, #tpu.memory_space<vmem>>) semaphore(%arg7 : memref<!tpu.dma_semaphore, #tpu.memory_space<semaphore_mem>>)
    %dma_start3A_155 = arith.constant 8 : i32
    %dma_start3A_156 = arith.constant 3 : i32
    %dma_start3A_157 = arith.constant 0 : i32
    %dma_start3A_158 = arith.constant 0 : i32
    %dma_start3A_159 = tpu.memref_slice %arg6[%dma_start3A_156, %dma_start3A_157, %dma_start3A_158] : memref<5x64x128xf32, #tpu.memory_space<vmem>> -> memref<1x64x128xf32, #tpu.memory_space<vmem>>
    %dma_start3A_160 = tpu.memref_squeeze %dma_start3A_159 : memref<1x64x128xf32, #tpu.memory_space<vmem>> -> memref<64x128xf32, #tpu.memory_space<vmem>>
    %dma_start3A_161 = arith.constant 0 : i32
    %dma_start3A_162 = tpu.memref_slice %arg5[%dma_start3A_155, %dma_start3A_161] : memref<25x64xi32, #tpu.memory_space<vmem>> -> memref<1x64xi32, #tpu.memory_space<vmem>>
    %dma_start3A_163 = tpu.memref_squeeze %dma_start3A_162 : memref<1x64xi32, #tpu.memory_space<vmem>> -> memref<64xi32, #tpu.memory_space<vmem>>
    %dma_start3A_164 = arith.constant 0 : i32
    %dma_start3A_165 = arith.constant 0 : i32
    %dma_start3A_166 = tpu.memref_slice %arg3[%dma_start3A_164, %dma_start3A_165] : memref<1024x128xf32, #tpu.memory_space<hbm>> -> memref<1024x128xf32, #tpu.memory_space<hbm>>
    tpu.enqueue_indirect_dma source(%dma_start3A_166 : memref<1024x128xf32, #tpu.memory_space<hbm>>) target(%dma_start3A_160 : memref<64x128xf32, #tpu.memory_space<vmem>>) offsets(%dma_start3A_163 : memref<64xi32, #tpu.memory_space<vmem>>) semaphore(%arg7 : memref<!tpu.dma_semaphore, #tpu.memory_space<semaphore_mem>>)
    %dma_start3A_167 = arith.constant 9 : i32
    %dma_start3A_168 = arith.constant 4 : i32
    %dma_start3A_169 = arith.constant 0 : i32
    %dma_start3A_170 = arith.constant 0 : i32
    %dma_start3A_171 = tpu.memref_slice %arg6[%dma_start3A_168, %dma_start3A_169, %dma_start3A_170] : memref<5x64x128xf32, #tpu.memory_space<vmem>> -> memref<1x64x128xf32, #tpu.memory_space<vmem>>
    %dma_start3A_172 = tpu.memref_squeeze %dma_start3A_171 : memref<1x64x128xf32, #tpu.memory_space<vmem>> -> memref<64x128xf32, #tpu.memory_space<vmem>>
    %dma_start3A_173 = arith.constant 0 : i32
    %dma_start3A_174 = tpu.memref_slice %arg5[%dma_start3A_167, %dma_start3A_173] : memref<25x64xi32, #tpu.memory_space<vmem>> -> memref<1x64xi32, #tpu.memory_space<vmem>>
    %dma_start3A_175 = tpu.memref_squeeze %dma_start3A_174 : memref<1x64xi32, #tpu.memory_space<vmem>> -> memref<64xi32, #tpu.memory_space<vmem>>
    %dma_start3A_176 = arith.constant 0 : i32
    %dma_start3A_177 = arith.constant 0 : i32
    %dma_start3A_178 = tpu.memref_slice %arg3[%dma_start3A_176, %dma_start3A_177] : memref<1024x128xf32, #tpu.memory_space<hbm>> -> memref<1024x128xf32, #tpu.memory_space<hbm>>
    tpu.enqueue_indirect_dma source(%dma_start3A_178 : memref<1024x128xf32, #tpu.memory_space<hbm>>) target(%dma_start3A_172 : memref<64x128xf32, #tpu.memory_space<vmem>>) offsets(%dma_start3A_175 : memref<64xi32, #tpu.memory_space<vmem>>) semaphore(%arg7 : memref<!tpu.dma_semaphore, #tpu.memory_space<semaphore_mem>>)
    %dma_wait3A_179 = arith.constant 5 : i32
    %dma_wait3A_180 = arith.constant 0 : i32
    %dma_wait3A_181 = arith.constant 0 : i32
    %dma_wait3A_182 = arith.constant 0 : i32
    %dma_wait3A_183 = tpu.memref_slice %arg6[%dma_wait3A_180, %dma_wait3A_181, %dma_wait3A_182] : memref<5x64x128xf32, #tpu.memory_space<vmem>> -> memref<1x64x128xf32, #tpu.memory_space<vmem>>
    %dma_wait3A_184 = tpu.memref_squeeze %dma_wait3A_183 : memref<1x64x128xf32, #tpu.memory_space<vmem>> -> memref<64x128xf32, #tpu.memory_space<vmem>>
    %dma_wait3A_185 = arith.constant 0 : i32
    %dma_wait3A_186 = tpu.memref_slice %arg5[%dma_wait3A_179, %dma_wait3A_185] : memref<25x64xi32, #tpu.memory_space<vmem>> -> memref<1x64xi32, #tpu.memory_space<vmem>>
    %dma_wait3A_187 = tpu.memref_squeeze %dma_wait3A_186 : memref<1x64xi32, #tpu.memory_space<vmem>> -> memref<64xi32, #tpu.memory_space<vmem>>
    %dma_wait3A_188 = arith.constant 0 : i32
    %dma_wait3A_189 = arith.constant 0 : i32
    %dma_wait3A_190 = tpu.memref_slice %arg3[%dma_wait3A_188, %dma_wait3A_189] : memref<1024x128xf32, #tpu.memory_space<hbm>> -> memref<1024x128xf32, #tpu.memory_space<hbm>>
    tpu.wait_indirect_dma semaphore(%arg7 : memref<!tpu.dma_semaphore, #tpu.memory_space<semaphore_mem>>) src(%dma_wait3A_190 : memref<1024x128xf32, #tpu.memory_space<hbm>>) dst(%dma_wait3A_184 : memref<64x128xf32, #tpu.memory_space<vmem>>)
    %dma_wait3A_191 = arith.constant 6 : i32
    %dma_wait3A_192 = arith.constant 1 : i32
    %dma_wait3A_193 = arith.constant 0 : i32
    %dma_wait3A_194 = arith.constant 0 : i32
    %dma_wait3A_195 = tpu.memref_slice %arg6[%dma_wait3A_192, %dma_wait3A_193, %dma_wait3A_194] : memref<5x64x128xf32, #tpu.memory_space<vmem>> -> memref<1x64x128xf32, #tpu.memory_space<vmem>>
    %dma_wait3A_196 = tpu.memref_squeeze %dma_wait3A_195 : memref<1x64x128xf32, #tpu.memory_space<vmem>> -> memref<64x128xf32, #tpu.memory_space<vmem>>
    %dma_wait3A_197 = arith.constant 0 : i32
    %dma_wait3A_198 = tpu.memref_slice %arg5[%dma_wait3A_191, %dma_wait3A_197] : memref<25x64xi32, #tpu.memory_space<vmem>> -> memref<1x64xi32, #tpu.memory_space<vmem>>
    %dma_wait3A_199 = tpu.memref_squeeze %dma_wait3A_198 : memref<1x64xi32, #tpu.memory_space<vmem>> -> memref<64xi32, #tpu.memory_space<vmem>>
    %dma_wait3A_200 = arith.constant 0 : i32
    %dma_wait3A_201 = arith.constant 0 : i32
    %dma_wait3A_202 = tpu.memref_slice %arg3[%dma_wait3A_200, %dma_wait3A_201] : memref<1024x128xf32, #tpu.memory_space<hbm>> -> memref<1024x128xf32, #tpu.memory_space<hbm>>
    tpu.wait_indirect_dma semaphore(%arg7 : memref<!tpu.dma_semaphore, #tpu.memory_space<semaphore_mem>>) src(%dma_wait3A_202 : memref<1024x128xf32, #tpu.memory_space<hbm>>) dst(%dma_wait3A_196 : memref<64x128xf32, #tpu.memory_space<vmem>>)
    %dma_wait3A_203 = arith.constant 7 : i32
    %dma_wait3A_204 = arith.constant 2 : i32
    %dma_wait3A_205 = arith.constant 0 : i32
    %dma_wait3A_206 = arith.constant 0 : i32
    %dma_wait3A_207 = tpu.memref_slice %arg6[%dma_wait3A_204, %dma_wait3A_205, %dma_wait3A_206] : memref<5x64x128xf32, #tpu.memory_space<vmem>> -> memref<1x64x128xf32, #tpu.memory_space<vmem>>
    %dma_wait3A_208 = tpu.memref_squeeze %dma_wait3A_207 : memref<1x64x128xf32, #tpu.memory_space<vmem>> -> memref<64x128xf32, #tpu.memory_space<vmem>>
    %dma_wait3A_209 = arith.constant 0 : i32
    %dma_wait3A_210 = tpu.memref_slice %arg5[%dma_wait3A_203, %dma_wait3A_209] : memref<25x64xi32, #tpu.memory_space<vmem>> -> memref<1x64xi32, #tpu.memory_space<vmem>>
    %dma_wait3A_211 = tpu.memref_squeeze %dma_wait3A_210 : memref<1x64xi32, #tpu.memory_space<vmem>> -> memref<64xi32, #tpu.memory_space<vmem>>
    %dma_wait3A_212 = arith.constant 0 : i32
    %dma_wait3A_213 = arith.constant 0 : i32
    %dma_wait3A_214 = tpu.memref_slice %arg3[%dma_wait3A_212, %dma_wait3A_213] : memref<1024x128xf32, #tpu.memory_space<hbm>> -> memref<1024x128xf32, #tpu.memory_space<hbm>>
    tpu.wait_indirect_dma semaphore(%arg7 : memref<!tpu.dma_semaphore, #tpu.memory_space<semaphore_mem>>) src(%dma_wait3A_214 : memref<1024x128xf32, #tpu.memory_space<hbm>>) dst(%dma_wait3A_208 : memref<64x128xf32, #tpu.memory_space<vmem>>)
    %dma_wait3A_215 = arith.constant 8 : i32
    %dma_wait3A_216 = arith.constant 3 : i32
    %dma_wait3A_217 = arith.constant 0 : i32
    %dma_wait3A_218 = arith.constant 0 : i32
    %dma_wait3A_219 = tpu.memref_slice %arg6[%dma_wait3A_216, %dma_wait3A_217, %dma_wait3A_218] : memref<5x64x128xf32, #tpu.memory_space<vmem>> -> memref<1x64x128xf32, #tpu.memory_space<vmem>>
    %dma_wait3A_220 = tpu.memref_squeeze %dma_wait3A_219 : memref<1x64x128xf32, #tpu.memory_space<vmem>> -> memref<64x128xf32, #tpu.memory_space<vmem>>
    %dma_wait3A_221 = arith.constant 0 : i32
    %dma_wait3A_222 = tpu.memref_slice %arg5[%dma_wait3A_215, %dma_wait3A_221] : memref<25x64xi32, #tpu.memory_space<vmem>> -> memref<1x64xi32, #tpu.memory_space<vmem>>
    %dma_wait3A_223 = tpu.memref_squeeze %dma_wait3A_222 : memref<1x64xi32, #tpu.memory_space<vmem>> -> memref<64xi32, #tpu.memory_space<vmem>>
    %dma_wait3A_224 = arith.constant 0 : i32
    %dma_wait3A_225 = arith.constant 0 : i32
    %dma_wait3A_226 = tpu.memref_slice %arg3[%dma_wait3A_224, %dma_wait3A_225] : memref<1024x128xf32, #tpu.memory_space<hbm>> -> memref<1024x128xf32, #tpu.memory_space<hbm>>
    tpu.wait_indirect_dma semaphore(%arg7 : memref<!tpu.dma_semaphore, #tpu.memory_space<semaphore_mem>>) src(%dma_wait3A_226 : memref<1024x128xf32, #tpu.memory_space<hbm>>) dst(%dma_wait3A_220 : memref<64x128xf32, #tpu.memory_space<vmem>>)
    %dma_wait3A_227 = arith.constant 9 : i32
    %dma_wait3A_228 = arith.constant 4 : i32
    %dma_wait3A_229 = arith.constant 0 : i32
    %dma_wait3A_230 = arith.constant 0 : i32
    %dma_wait3A_231 = tpu.memref_slice %arg6[%dma_wait3A_228, %dma_wait3A_229, %dma_wait3A_230] : memref<5x64x128xf32, #tpu.memory_space<vmem>> -> memref<1x64x128xf32, #tpu.memory_space<vmem>>
    %dma_wait3A_232 = tpu.memref_squeeze %dma_wait3A_231 : memref<1x64x128xf32, #tpu.memory_space<vmem>> -> memref<64x128xf32, #tpu.memory_space<vmem>>
    %dma_wait3A_233 = arith.constant 0 : i32
    %dma_wait3A_234 = tpu.memref_slice %arg5[%dma_wait3A_227, %dma_wait3A_233] : memref<25x64xi32, #tpu.memory_space<vmem>> -> memref<1x64xi32, #tpu.memory_space<vmem>>
    %dma_wait3A_235 = tpu.memref_squeeze %dma_wait3A_234 : memref<1x64xi32, #tpu.memory_space<vmem>> -> memref<64xi32, #tpu.memory_space<vmem>>
    %dma_wait3A_236 = arith.constant 0 : i32
    %dma_wait3A_237 = arith.constant 0 : i32
    %dma_wait3A_238 = tpu.memref_slice %arg3[%dma_wait3A_236, %dma_wait3A_237] : memref<1024x128xf32, #tpu.memory_space<hbm>> -> memref<1024x128xf32, #tpu.memory_space<hbm>>
    tpu.wait_indirect_dma semaphore(%arg7 : memref<!tpu.dma_semaphore, #tpu.memory_space<semaphore_mem>>) src(%dma_wait3A_238 : memref<1024x128xf32, #tpu.memory_space<hbm>>) dst(%dma_wait3A_232 : memref<64x128xf32, #tpu.memory_space<vmem>>)
    %run_scoped3A_239 = arith.constant 1 : i32
    "tpu.region"() ({
      %run_scoped3A_603 = tpu.sem_alloc : memref<!tpu.dma_semaphore, #tpu.memory_space<semaphore_mem>>
      %dma_start3A_604 = arith.constant 0 : i32
      %dma_start3A_605 = arith.constant 0 : i32
      %dma_start3A_606 = arith.constant 0 : i32
      %dma_start3A_607 = tpu.memref_slice %arg4[%add3A, %run_scoped3A_239, %dma_start3A_604, %dma_start3A_605, %dma_start3A_606] : memref<32x5x5x64x128xf32, #tpu.memory_space<hbm>> -> memref<1x1x5x64x128xf32, #tpu.memory_space<hbm>>
      %dma_start3A_608 = tpu.memref_squeeze %dma_start3A_607 : memref<1x1x5x64x128xf32, #tpu.memory_space<hbm>> -> memref<5x64x128xf32, #tpu.memory_space<hbm>>
      %dma_start3A_609 = arith.constant 0 : i32
      %dma_start3A_610 = arith.constant 0 : i32
      %dma_start3A_611 = arith.constant 0 : i32
      %dma_start3A_612 = tpu.memref_slice %arg4[%add3A, %run_scoped3A_239, %dma_start3A_609, %dma_start3A_610, %dma_start3A_611] : memref<32x5x5x64x128xf32, #tpu.memory_space<hbm>> -> memref<1x1x5x64x128xf32, #tpu.memory_space<hbm>>
      %dma_start3A_613 = tpu.memref_squeeze %dma_start3A_612 : memref<1x1x5x64x128xf32, #tpu.memory_space<hbm>> -> memref<5x64x128xf32, #tpu.memory_space<hbm>>
      tpu.enqueue_dma source(%arg6 : memref<5x64x128xf32, #tpu.memory_space<vmem>>) target(%dma_start3A_613 : memref<5x64x128xf32, #tpu.memory_space<hbm>>) target_semaphore(%run_scoped3A_603 : memref<!tpu.dma_semaphore, #tpu.memory_space<semaphore_mem>>)
      %dma_wait3A_614 = arith.constant 0 : i32
      %dma_wait3A_615 = arith.constant 0 : i32
      %dma_wait3A_616 = arith.constant 0 : i32
      %dma_wait3A_617 = tpu.memref_slice %arg4[%add3A, %run_scoped3A_239, %dma_wait3A_614, %dma_wait3A_615, %dma_wait3A_616] : memref<32x5x5x64x128xf32, #tpu.memory_space<hbm>> -> memref<1x1x5x64x128xf32, #tpu.memory_space<hbm>>
      %dma_wait3A_618 = tpu.memref_squeeze %dma_wait3A_617 : memref<1x1x5x64x128xf32, #tpu.memory_space<hbm>> -> memref<5x64x128xf32, #tpu.memory_space<hbm>>
      %dma_wait3A_619 = arith.constant 0 : i32
      %dma_wait3A_620 = arith.constant 0 : i32
      %dma_wait3A_621 = arith.constant 0 : i32
      %dma_wait3A_622 = tpu.memref_slice %arg4[%add3A, %run_scoped3A_239, %dma_wait3A_619, %dma_wait3A_620, %dma_wait3A_621] : memref<32x5x5x64x128xf32, #tpu.memory_space<hbm>> -> memref<1x1x5x64x128xf32, #tpu.memory_space<hbm>>
      %dma_wait3A_623 = tpu.memref_squeeze %dma_wait3A_622 : memref<1x1x5x64x128xf32, #tpu.memory_space<hbm>> -> memref<5x64x128xf32, #tpu.memory_space<hbm>>
      tpu.wait_dma2 semaphore(%run_scoped3A_603 : memref<!tpu.dma_semaphore, #tpu.memory_space<semaphore_mem>>) src(%arg6 : memref<5x64x128xf32, #tpu.memory_space<vmem>>) dst(%dma_wait3A_623 : memref<5x64x128xf32, #tpu.memory_space<hbm>>)
      tpu.yield
    }) : () -> ()
    %dma_start3A_240 = arith.constant 10 : i32
    %dma_start3A_241 = arith.constant 0 : i32
    %dma_start3A_242 = arith.constant 0 : i32
    %dma_start3A_243 = arith.constant 0 : i32
    %dma_start3A_244 = tpu.memref_slice %arg6[%dma_start3A_241, %dma_start3A_242, %dma_start3A_243] : memref<5x64x128xf32, #tpu.memory_space<vmem>> -> memref<1x64x128xf32, #tpu.memory_space<vmem>>
    %dma_start3A_245 = tpu.memref_squeeze %dma_start3A_244 : memref<1x64x128xf32, #tpu.memory_space<vmem>> -> memref<64x128xf32, #tpu.memory_space<vmem>>
    %dma_start3A_246 = arith.constant 0 : i32
    %dma_start3A_247 = tpu.memref_slice %arg5[%dma_start3A_240, %dma_start3A_246] : memref<25x64xi32, #tpu.memory_space<vmem>> -> memref<1x64xi32, #tpu.memory_space<vmem>>
    %dma_start3A_248 = tpu.memref_squeeze %dma_start3A_247 : memref<1x64xi32, #tpu.memory_space<vmem>> -> memref<64xi32, #tpu.memory_space<vmem>>
    %dma_start3A_249 = arith.constant 0 : i32
    %dma_start3A_250 = arith.constant 0 : i32
    %dma_start3A_251 = tpu.memref_slice %arg3[%dma_start3A_249, %dma_start3A_250] : memref<1024x128xf32, #tpu.memory_space<hbm>> -> memref<1024x128xf32, #tpu.memory_space<hbm>>
    tpu.enqueue_indirect_dma source(%dma_start3A_251 : memref<1024x128xf32, #tpu.memory_space<hbm>>) target(%dma_start3A_245 : memref<64x128xf32, #tpu.memory_space<vmem>>) offsets(%dma_start3A_248 : memref<64xi32, #tpu.memory_space<vmem>>) semaphore(%arg7 : memref<!tpu.dma_semaphore, #tpu.memory_space<semaphore_mem>>)
    %dma_start3A_252 = arith.constant 11 : i32
    %dma_start3A_253 = arith.constant 1 : i32
    %dma_start3A_254 = arith.constant 0 : i32
    %dma_start3A_255 = arith.constant 0 : i32
    %dma_start3A_256 = tpu.memref_slice %arg6[%dma_start3A_253, %dma_start3A_254, %dma_start3A_255] : memref<5x64x128xf32, #tpu.memory_space<vmem>> -> memref<1x64x128xf32, #tpu.memory_space<vmem>>
    %dma_start3A_257 = tpu.memref_squeeze %dma_start3A_256 : memref<1x64x128xf32, #tpu.memory_space<vmem>> -> memref<64x128xf32, #tpu.memory_space<vmem>>
    %dma_start3A_258 = arith.constant 0 : i32
    %dma_start3A_259 = tpu.memref_slice %arg5[%dma_start3A_252, %dma_start3A_258] : memref<25x64xi32, #tpu.memory_space<vmem>> -> memref<1x64xi32, #tpu.memory_space<vmem>>
    %dma_start3A_260 = tpu.memref_squeeze %dma_start3A_259 : memref<1x64xi32, #tpu.memory_space<vmem>> -> memref<64xi32, #tpu.memory_space<vmem>>
    %dma_start3A_261 = arith.constant 0 : i32
    %dma_start3A_262 = arith.constant 0 : i32
    %dma_start3A_263 = tpu.memref_slice %arg3[%dma_start3A_261, %dma_start3A_262] : memref<1024x128xf32, #tpu.memory_space<hbm>> -> memref<1024x128xf32, #tpu.memory_space<hbm>>
    tpu.enqueue_indirect_dma source(%dma_start3A_263 : memref<1024x128xf32, #tpu.memory_space<hbm>>) target(%dma_start3A_257 : memref<64x128xf32, #tpu.memory_space<vmem>>) offsets(%dma_start3A_260 : memref<64xi32, #tpu.memory_space<vmem>>) semaphore(%arg7 : memref<!tpu.dma_semaphore, #tpu.memory_space<semaphore_mem>>)
    %dma_start3A_264 = arith.constant 12 : i32
    %dma_start3A_265 = arith.constant 2 : i32
    %dma_start3A_266 = arith.constant 0 : i32
    %dma_start3A_267 = arith.constant 0 : i32
    %dma_start3A_268 = tpu.memref_slice %arg6[%dma_start3A_265, %dma_start3A_266, %dma_start3A_267] : memref<5x64x128xf32, #tpu.memory_space<vmem>> -> memref<1x64x128xf32, #tpu.memory_space<vmem>>
    %dma_start3A_269 = tpu.memref_squeeze %dma_start3A_268 : memref<1x64x128xf32, #tpu.memory_space<vmem>> -> memref<64x128xf32, #tpu.memory_space<vmem>>
    %dma_start3A_270 = arith.constant 0 : i32
    %dma_start3A_271 = tpu.memref_slice %arg5[%dma_start3A_264, %dma_start3A_270] : memref<25x64xi32, #tpu.memory_space<vmem>> -> memref<1x64xi32, #tpu.memory_space<vmem>>
    %dma_start3A_272 = tpu.memref_squeeze %dma_start3A_271 : memref<1x64xi32, #tpu.memory_space<vmem>> -> memref<64xi32, #tpu.memory_space<vmem>>
    %dma_start3A_273 = arith.constant 0 : i32
    %dma_start3A_274 = arith.constant 0 : i32
    %dma_start3A_275 = tpu.memref_slice %arg3[%dma_start3A_273, %dma_start3A_274] : memref<1024x128xf32, #tpu.memory_space<hbm>> -> memref<1024x128xf32, #tpu.memory_space<hbm>>
    tpu.enqueue_indirect_dma source(%dma_start3A_275 : memref<1024x128xf32, #tpu.memory_space<hbm>>) target(%dma_start3A_269 : memref<64x128xf32, #tpu.memory_space<vmem>>) offsets(%dma_start3A_272 : memref<64xi32, #tpu.memory_space<vmem>>) semaphore(%arg7 : memref<!tpu.dma_semaphore, #tpu.memory_space<semaphore_mem>>)
    %dma_start3A_276 = arith.constant 13 : i32
    %dma_start3A_277 = arith.constant 3 : i32
    %dma_start3A_278 = arith.constant 0 : i32
    %dma_start3A_279 = arith.constant 0 : i32
    %dma_start3A_280 = tpu.memref_slice %arg6[%dma_start3A_277, %dma_start3A_278, %dma_start3A_279] : memref<5x64x128xf32, #tpu.memory_space<vmem>> -> memref<1x64x128xf32, #tpu.memory_space<vmem>>
    %dma_start3A_281 = tpu.memref_squeeze %dma_start3A_280 : memref<1x64x128xf32, #tpu.memory_space<vmem>> -> memref<64x128xf32, #tpu.memory_space<vmem>>
    %dma_start3A_282 = arith.constant 0 : i32
    %dma_start3A_283 = tpu.memref_slice %arg5[%dma_start3A_276, %dma_start3A_282] : memref<25x64xi32, #tpu.memory_space<vmem>> -> memref<1x64xi32, #tpu.memory_space<vmem>>
    %dma_start3A_284 = tpu.memref_squeeze %dma_start3A_283 : memref<1x64xi32, #tpu.memory_space<vmem>> -> memref<64xi32, #tpu.memory_space<vmem>>
    %dma_start3A_285 = arith.constant 0 : i32
    %dma_start3A_286 = arith.constant 0 : i32
    %dma_start3A_287 = tpu.memref_slice %arg3[%dma_start3A_285, %dma_start3A_286] : memref<1024x128xf32, #tpu.memory_space<hbm>> -> memref<1024x128xf32, #tpu.memory_space<hbm>>
    tpu.enqueue_indirect_dma source(%dma_start3A_287 : memref<1024x128xf32, #tpu.memory_space<hbm>>) target(%dma_start3A_281 : memref<64x128xf32, #tpu.memory_space<vmem>>) offsets(%dma_start3A_284 : memref<64xi32, #tpu.memory_space<vmem>>) semaphore(%arg7 : memref<!tpu.dma_semaphore, #tpu.memory_space<semaphore_mem>>)
    %dma_start3A_288 = arith.constant 14 : i32
    %dma_start3A_289 = arith.constant 4 : i32
    %dma_start3A_290 = arith.constant 0 : i32
    %dma_start3A_291 = arith.constant 0 : i32
    %dma_start3A_292 = tpu.memref_slice %arg6[%dma_start3A_289, %dma_start3A_290, %dma_start3A_291] : memref<5x64x128xf32, #tpu.memory_space<vmem>> -> memref<1x64x128xf32, #tpu.memory_space<vmem>>
    %dma_start3A_293 = tpu.memref_squeeze %dma_start3A_292 : memref<1x64x128xf32, #tpu.memory_space<vmem>> -> memref<64x128xf32, #tpu.memory_space<vmem>>
    %dma_start3A_294 = arith.constant 0 : i32
    %dma_start3A_295 = tpu.memref_slice %arg5[%dma_start3A_288, %dma_start3A_294] : memref<25x64xi32, #tpu.memory_space<vmem>> -> memref<1x64xi32, #tpu.memory_space<vmem>>
    %dma_start3A_296 = tpu.memref_squeeze %dma_start3A_295 : memref<1x64xi32, #tpu.memory_space<vmem>> -> memref<64xi32, #tpu.memory_space<vmem>>
    %dma_start3A_297 = arith.constant 0 : i32
    %dma_start3A_298 = arith.constant 0 : i32
    %dma_start3A_299 = tpu.memref_slice %arg3[%dma_start3A_297, %dma_start3A_298] : memref<1024x128xf32, #tpu.memory_space<hbm>> -> memref<1024x128xf32, #tpu.memory_space<hbm>>
    tpu.enqueue_indirect_dma source(%dma_start3A_299 : memref<1024x128xf32, #tpu.memory_space<hbm>>) target(%dma_start3A_293 : memref<64x128xf32, #tpu.memory_space<vmem>>) offsets(%dma_start3A_296 : memref<64xi32, #tpu.memory_space<vmem>>) semaphore(%arg7 : memref<!tpu.dma_semaphore, #tpu.memory_space<semaphore_mem>>)
    %dma_wait3A_300 = arith.constant 10 : i32
    %dma_wait3A_301 = arith.constant 0 : i32
    %dma_wait3A_302 = arith.constant 0 : i32
    %dma_wait3A_303 = arith.constant 0 : i32
    %dma_wait3A_304 = tpu.memref_slice %arg6[%dma_wait3A_301, %dma_wait3A_302, %dma_wait3A_303] : memref<5x64x128xf32, #tpu.memory_space<vmem>> -> memref<1x64x128xf32, #tpu.memory_space<vmem>>
    %dma_wait3A_305 = tpu.memref_squeeze %dma_wait3A_304 : memref<1x64x128xf32, #tpu.memory_space<vmem>> -> memref<64x128xf32, #tpu.memory_space<vmem>>
    %dma_wait3A_306 = arith.constant 0 : i32
    %dma_wait3A_307 = tpu.memref_slice %arg5[%dma_wait3A_300, %dma_wait3A_306] : memref<25x64xi32, #tpu.memory_space<vmem>> -> memref<1x64xi32, #tpu.memory_space<vmem>>
    %dma_wait3A_308 = tpu.memref_squeeze %dma_wait3A_307 : memref<1x64xi32, #tpu.memory_space<vmem>> -> memref<64xi32, #tpu.memory_space<vmem>>
    %dma_wait3A_309 = arith.constant 0 : i32
    %dma_wait3A_310 = arith.constant 0 : i32
    %dma_wait3A_311 = tpu.memref_slice %arg3[%dma_wait3A_309, %dma_wait3A_310] : memref<1024x128xf32, #tpu.memory_space<hbm>> -> memref<1024x128xf32, #tpu.memory_space<hbm>>
    tpu.wait_indirect_dma semaphore(%arg7 : memref<!tpu.dma_semaphore, #tpu.memory_space<semaphore_mem>>) src(%dma_wait3A_311 : memref<1024x128xf32, #tpu.memory_space<hbm>>) dst(%dma_wait3A_305 : memref<64x128xf32, #tpu.memory_space<vmem>>)
    %dma_wait3A_312 = arith.constant 11 : i32
    %dma_wait3A_313 = arith.constant 1 : i32
    %dma_wait3A_314 = arith.constant 0 : i32
    %dma_wait3A_315 = arith.constant 0 : i32
    %dma_wait3A_316 = tpu.memref_slice %arg6[%dma_wait3A_313, %dma_wait3A_314, %dma_wait3A_315] : memref<5x64x128xf32, #tpu.memory_space<vmem>> -> memref<1x64x128xf32, #tpu.memory_space<vmem>>
    %dma_wait3A_317 = tpu.memref_squeeze %dma_wait3A_316 : memref<1x64x128xf32, #tpu.memory_space<vmem>> -> memref<64x128xf32, #tpu.memory_space<vmem>>
    %dma_wait3A_318 = arith.constant 0 : i32
    %dma_wait3A_319 = tpu.memref_slice %arg5[%dma_wait3A_312, %dma_wait3A_318] : memref<25x64xi32, #tpu.memory_space<vmem>> -> memref<1x64xi32, #tpu.memory_space<vmem>>
    %dma_wait3A_320 = tpu.memref_squeeze %dma_wait3A_319 : memref<1x64xi32, #tpu.memory_space<vmem>> -> memref<64xi32, #tpu.memory_space<vmem>>
    %dma_wait3A_321 = arith.constant 0 : i32
    %dma_wait3A_322 = arith.constant 0 : i32
    %dma_wait3A_323 = tpu.memref_slice %arg3[%dma_wait3A_321, %dma_wait3A_322] : memref<1024x128xf32, #tpu.memory_space<hbm>> -> memref<1024x128xf32, #tpu.memory_space<hbm>>
    tpu.wait_indirect_dma semaphore(%arg7 : memref<!tpu.dma_semaphore, #tpu.memory_space<semaphore_mem>>) src(%dma_wait3A_323 : memref<1024x128xf32, #tpu.memory_space<hbm>>) dst(%dma_wait3A_317 : memref<64x128xf32, #tpu.memory_space<vmem>>)
    %dma_wait3A_324 = arith.constant 12 : i32
    %dma_wait3A_325 = arith.constant 2 : i32
    %dma_wait3A_326 = arith.constant 0 : i32
    %dma_wait3A_327 = arith.constant 0 : i32
    %dma_wait3A_328 = tpu.memref_slice %arg6[%dma_wait3A_325, %dma_wait3A_326, %dma_wait3A_327] : memref<5x64x128xf32, #tpu.memory_space<vmem>> -> memref<1x64x128xf32, #tpu.memory_space<vmem>>
    %dma_wait3A_329 = tpu.memref_squeeze %dma_wait3A_328 : memref<1x64x128xf32, #tpu.memory_space<vmem>> -> memref<64x128xf32, #tpu.memory_space<vmem>>
    %dma_wait3A_330 = arith.constant 0 : i32
    %dma_wait3A_331 = tpu.memref_slice %arg5[%dma_wait3A_324, %dma_wait3A_330] : memref<25x64xi32, #tpu.memory_space<vmem>> -> memref<1x64xi32, #tpu.memory_space<vmem>>
    %dma_wait3A_332 = tpu.memref_squeeze %dma_wait3A_331 : memref<1x64xi32, #tpu.memory_space<vmem>> -> memref<64xi32, #tpu.memory_space<vmem>>
    %dma_wait3A_333 = arith.constant 0 : i32
    %dma_wait3A_334 = arith.constant 0 : i32
    %dma_wait3A_335 = tpu.memref_slice %arg3[%dma_wait3A_333, %dma_wait3A_334] : memref<1024x128xf32, #tpu.memory_space<hbm>> -> memref<1024x128xf32, #tpu.memory_space<hbm>>
    tpu.wait_indirect_dma semaphore(%arg7 : memref<!tpu.dma_semaphore, #tpu.memory_space<semaphore_mem>>) src(%dma_wait3A_335 : memref<1024x128xf32, #tpu.memory_space<hbm>>) dst(%dma_wait3A_329 : memref<64x128xf32, #tpu.memory_space<vmem>>)
    %dma_wait3A_336 = arith.constant 13 : i32
    %dma_wait3A_337 = arith.constant 3 : i32
    %dma_wait3A_338 = arith.constant 0 : i32
    %dma_wait3A_339 = arith.constant 0 : i32
    %dma_wait3A_340 = tpu.memref_slice %arg6[%dma_wait3A_337, %dma_wait3A_338, %dma_wait3A_339] : memref<5x64x128xf32, #tpu.memory_space<vmem>> -> memref<1x64x128xf32, #tpu.memory_space<vmem>>
    %dma_wait3A_341 = tpu.memref_squeeze %dma_wait3A_340 : memref<1x64x128xf32, #tpu.memory_space<vmem>> -> memref<64x128xf32, #tpu.memory_space<vmem>>
    %dma_wait3A_342 = arith.constant 0 : i32
    %dma_wait3A_343 = tpu.memref_slice %arg5[%dma_wait3A_336, %dma_wait3A_342] : memref<25x64xi32, #tpu.memory_space<vmem>> -> memref<1x64xi32, #tpu.memory_space<vmem>>
    %dma_wait3A_344 = tpu.memref_squeeze %dma_wait3A_343 : memref<1x64xi32, #tpu.memory_space<vmem>> -> memref<64xi32, #tpu.memory_space<vmem>>
    %dma_wait3A_345 = arith.constant 0 : i32
    %dma_wait3A_346 = arith.constant 0 : i32
    %dma_wait3A_347 = tpu.memref_slice %arg3[%dma_wait3A_345, %dma_wait3A_346] : memref<1024x128xf32, #tpu.memory_space<hbm>> -> memref<1024x128xf32, #tpu.memory_space<hbm>>
    tpu.wait_indirect_dma semaphore(%arg7 : memref<!tpu.dma_semaphore, #tpu.memory_space<semaphore_mem>>) src(%dma_wait3A_347 : memref<1024x128xf32, #tpu.memory_space<hbm>>) dst(%dma_wait3A_341 : memref<64x128xf32, #tpu.memory_space<vmem>>)
    %dma_wait3A_348 = arith.constant 14 : i32
    %dma_wait3A_349 = arith.constant 4 : i32
    %dma_wait3A_350 = arith.constant 0 : i32
    %dma_wait3A_351 = arith.constant 0 : i32
    %dma_wait3A_352 = tpu.memref_slice %arg6[%dma_wait3A_349, %dma_wait3A_350, %dma_wait3A_351] : memref<5x64x128xf32, #tpu.memory_space<vmem>> -> memref<1x64x128xf32, #tpu.memory_space<vmem>>
    %dma_wait3A_353 = tpu.memref_squeeze %dma_wait3A_352 : memref<1x64x128xf32, #tpu.memory_space<vmem>> -> memref<64x128xf32, #tpu.memory_space<vmem>>
    %dma_wait3A_354 = arith.constant 0 : i32
    %dma_wait3A_355 = tpu.memref_slice %arg5[%dma_wait3A_348, %dma_wait3A_354] : memref<25x64xi32, #tpu.memory_space<vmem>> -> memref<1x64xi32, #tpu.memory_space<vmem>>
    %dma_wait3A_356 = tpu.memref_squeeze %dma_wait3A_355 : memref<1x64xi32, #tpu.memory_space<vmem>> -> memref<64xi32, #tpu.memory_space<vmem>>
    %dma_wait3A_357 = arith.constant 0 : i32
    %dma_wait3A_358 = arith.constant 0 : i32
    %dma_wait3A_359 = tpu.memref_slice %arg3[%dma_wait3A_357, %dma_wait3A_358] : memref<1024x128xf32, #tpu.memory_space<hbm>> -> memref<1024x128xf32, #tpu.memory_space<hbm>>
    tpu.wait_indirect_dma semaphore(%arg7 : memref<!tpu.dma_semaphore, #tpu.memory_space<semaphore_mem>>) src(%dma_wait3A_359 : memref<1024x128xf32, #tpu.memory_space<hbm>>) dst(%dma_wait3A_353 : memref<64x128xf32, #tpu.memory_space<vmem>>)
    %run_scoped3A_360 = arith.constant 2 : i32
    "tpu.region"() ({
      %run_scoped3A_603 = tpu.sem_alloc : memref<!tpu.dma_semaphore, #tpu.memory_space<semaphore_mem>>
      %dma_start3A_604 = arith.constant 0 : i32
      %dma_start3A_605 = arith.constant 0 : i32
      %dma_start3A_606 = arith.constant 0 : i32
      %dma_start3A_607 = tpu.memref_slice %arg4[%add3A, %run_scoped3A_360, %dma_start3A_604, %dma_start3A_605, %dma_start3A_606] : memref<32x5x5x64x128xf32, #tpu.memory_space<hbm>> -> memref<1x1x5x64x128xf32, #tpu.memory_space<hbm>>
      %dma_start3A_608 = tpu.memref_squeeze %dma_start3A_607 : memref<1x1x5x64x128xf32, #tpu.memory_space<hbm>> -> memref<5x64x128xf32, #tpu.memory_space<hbm>>
      %dma_start3A_609 = arith.constant 0 : i32
      %dma_start3A_610 = arith.constant 0 : i32
      %dma_start3A_611 = arith.constant 0 : i32
      %dma_start3A_612 = tpu.memref_slice %arg4[%add3A, %run_scoped3A_360, %dma_start3A_609, %dma_start3A_610, %dma_start3A_611] : memref<32x5x5x64x128xf32, #tpu.memory_space<hbm>> -> memref<1x1x5x64x128xf32, #tpu.memory_space<hbm>>
      %dma_start3A_613 = tpu.memref_squeeze %dma_start3A_612 : memref<1x1x5x64x128xf32, #tpu.memory_space<hbm>> -> memref<5x64x128xf32, #tpu.memory_space<hbm>>
      tpu.enqueue_dma source(%arg6 : memref<5x64x128xf32, #tpu.memory_space<vmem>>) target(%dma_start3A_613 : memref<5x64x128xf32, #tpu.memory_space<hbm>>) target_semaphore(%run_scoped3A_603 : memref<!tpu.dma_semaphore, #tpu.memory_space<semaphore_mem>>)
      %dma_wait3A_614 = arith.constant 0 : i32
      %dma_wait3A_615 = arith.constant 0 : i32
      %dma_wait3A_616 = arith.constant 0 : i32
      %dma_wait3A_617 = tpu.memref_slice %arg4[%add3A, %run_scoped3A_360, %dma_wait3A_614, %dma_wait3A_615, %dma_wait3A_616] : memref<32x5x5x64x128xf32, #tpu.memory_space<hbm>> -> memref<1x1x5x64x128xf32, #tpu.memory_space<hbm>>
      %dma_wait3A_618 = tpu.memref_squeeze %dma_wait3A_617 : memref<1x1x5x64x128xf32, #tpu.memory_space<hbm>> -> memref<5x64x128xf32, #tpu.memory_space<hbm>>
      %dma_wait3A_619 = arith.constant 0 : i32
      %dma_wait3A_620 = arith.constant 0 : i32
      %dma_wait3A_621 = arith.constant 0 : i32
      %dma_wait3A_622 = tpu.memref_slice %arg4[%add3A, %run_scoped3A_360, %dma_wait3A_619, %dma_wait3A_620, %dma_wait3A_621] : memref<32x5x5x64x128xf32, #tpu.memory_space<hbm>> -> memref<1x1x5x64x128xf32, #tpu.memory_space<hbm>>
      %dma_wait3A_623 = tpu.memref_squeeze %dma_wait3A_622 : memref<1x1x5x64x128xf32, #tpu.memory_space<hbm>> -> memref<5x64x128xf32, #tpu.memory_space<hbm>>
      tpu.wait_dma2 semaphore(%run_scoped3A_603 : memref<!tpu.dma_semaphore, #tpu.memory_space<semaphore_mem>>) src(%arg6 : memref<5x64x128xf32, #tpu.memory_space<vmem>>) dst(%dma_wait3A_623 : memref<5x64x128xf32, #tpu.memory_space<hbm>>)
      tpu.yield
    }) : () -> ()
    %dma_start3A_361 = arith.constant 15 : i32
    %dma_start3A_362 = arith.constant 0 : i32
    %dma_start3A_363 = arith.constant 0 : i32
    %dma_start3A_364 = arith.constant 0 : i32
    %dma_start3A_365 = tpu.memref_slice %arg6[%dma_start3A_362, %dma_start3A_363, %dma_start3A_364] : memref<5x64x128xf32, #tpu.memory_space<vmem>> -> memref<1x64x128xf32, #tpu.memory_space<vmem>>
    %dma_start3A_366 = tpu.memref_squeeze %dma_start3A_365 : memref<1x64x128xf32, #tpu.memory_space<vmem>> -> memref<64x128xf32, #tpu.memory_space<vmem>>
    %dma_start3A_367 = arith.constant 0 : i32
    %dma_start3A_368 = tpu.memref_slice %arg5[%dma_start3A_361, %dma_start3A_367] : memref<25x64xi32, #tpu.memory_space<vmem>> -> memref<1x64xi32, #tpu.memory_space<vmem>>
    %dma_start3A_369 = tpu.memref_squeeze %dma_start3A_368 : memref<1x64xi32, #tpu.memory_space<vmem>> -> memref<64xi32, #tpu.memory_space<vmem>>
    %dma_start3A_370 = arith.constant 0 : i32
    %dma_start3A_371 = arith.constant 0 : i32
    %dma_start3A_372 = tpu.memref_slice %arg3[%dma_start3A_370, %dma_start3A_371] : memref<1024x128xf32, #tpu.memory_space<hbm>> -> memref<1024x128xf32, #tpu.memory_space<hbm>>
    tpu.enqueue_indirect_dma source(%dma_start3A_372 : memref<1024x128xf32, #tpu.memory_space<hbm>>) target(%dma_start3A_366 : memref<64x128xf32, #tpu.memory_space<vmem>>) offsets(%dma_start3A_369 : memref<64xi32, #tpu.memory_space<vmem>>) semaphore(%arg7 : memref<!tpu.dma_semaphore, #tpu.memory_space<semaphore_mem>>)
    %dma_start3A_373 = arith.constant 16 : i32
    %dma_start3A_374 = arith.constant 1 : i32
    %dma_start3A_375 = arith.constant 0 : i32
    %dma_start3A_376 = arith.constant 0 : i32
    %dma_start3A_377 = tpu.memref_slice %arg6[%dma_start3A_374, %dma_start3A_375, %dma_start3A_376] : memref<5x64x128xf32, #tpu.memory_space<vmem>> -> memref<1x64x128xf32, #tpu.memory_space<vmem>>
    %dma_start3A_378 = tpu.memref_squeeze %dma_start3A_377 : memref<1x64x128xf32, #tpu.memory_space<vmem>> -> memref<64x128xf32, #tpu.memory_space<vmem>>
    %dma_start3A_379 = arith.constant 0 : i32
    %dma_start3A_380 = tpu.memref_slice %arg5[%dma_start3A_373, %dma_start3A_379] : memref<25x64xi32, #tpu.memory_space<vmem>> -> memref<1x64xi32, #tpu.memory_space<vmem>>
    %dma_start3A_381 = tpu.memref_squeeze %dma_start3A_380 : memref<1x64xi32, #tpu.memory_space<vmem>> -> memref<64xi32, #tpu.memory_space<vmem>>
    %dma_start3A_382 = arith.constant 0 : i32
    %dma_start3A_383 = arith.constant 0 : i32
    %dma_start3A_384 = tpu.memref_slice %arg3[%dma_start3A_382, %dma_start3A_383] : memref<1024x128xf32, #tpu.memory_space<hbm>> -> memref<1024x128xf32, #tpu.memory_space<hbm>>
    tpu.enqueue_indirect_dma source(%dma_start3A_384 : memref<1024x128xf32, #tpu.memory_space<hbm>>) target(%dma_start3A_378 : memref<64x128xf32, #tpu.memory_space<vmem>>) offsets(%dma_start3A_381 : memref<64xi32, #tpu.memory_space<vmem>>) semaphore(%arg7 : memref<!tpu.dma_semaphore, #tpu.memory_space<semaphore_mem>>)
    %dma_start3A_385 = arith.constant 17 : i32
    %dma_start3A_386 = arith.constant 2 : i32
    %dma_start3A_387 = arith.constant 0 : i32
    %dma_start3A_388 = arith.constant 0 : i32
    %dma_start3A_389 = tpu.memref_slice %arg6[%dma_start3A_386, %dma_start3A_387, %dma_start3A_388] : memref<5x64x128xf32, #tpu.memory_space<vmem>> -> memref<1x64x128xf32, #tpu.memory_space<vmem>>
    %dma_start3A_390 = tpu.memref_squeeze %dma_start3A_389 : memref<1x64x128xf32, #tpu.memory_space<vmem>> -> memref<64x128xf32, #tpu.memory_space<vmem>>
    %dma_start3A_391 = arith.constant 0 : i32
    %dma_start3A_392 = tpu.memref_slice %arg5[%dma_start3A_385, %dma_start3A_391] : memref<25x64xi32, #tpu.memory_space<vmem>> -> memref<1x64xi32, #tpu.memory_space<vmem>>
    %dma_start3A_393 = tpu.memref_squeeze %dma_start3A_392 : memref<1x64xi32, #tpu.memory_space<vmem>> -> memref<64xi32, #tpu.memory_space<vmem>>
    %dma_start3A_394 = arith.constant 0 : i32
    %dma_start3A_395 = arith.constant 0 : i32
    %dma_start3A_396 = tpu.memref_slice %arg3[%dma_start3A_394, %dma_start3A_395] : memref<1024x128xf32, #tpu.memory_space<hbm>> -> memref<1024x128xf32, #tpu.memory_space<hbm>>
    tpu.enqueue_indirect_dma source(%dma_start3A_396 : memref<1024x128xf32, #tpu.memory_space<hbm>>) target(%dma_start3A_390 : memref<64x128xf32, #tpu.memory_space<vmem>>) offsets(%dma_start3A_393 : memref<64xi32, #tpu.memory_space<vmem>>) semaphore(%arg7 : memref<!tpu.dma_semaphore, #tpu.memory_space<semaphore_mem>>)
    %dma_start3A_397 = arith.constant 18 : i32
    %dma_start3A_398 = arith.constant 3 : i32
    %dma_start3A_399 = arith.constant 0 : i32
    %dma_start3A_400 = arith.constant 0 : i32
    %dma_start3A_401 = tpu.memref_slice %arg6[%dma_start3A_398, %dma_start3A_399, %dma_start3A_400] : memref<5x64x128xf32, #tpu.memory_space<vmem>> -> memref<1x64x128xf32, #tpu.memory_space<vmem>>
    %dma_start3A_402 = tpu.memref_squeeze %dma_start3A_401 : memref<1x64x128xf32, #tpu.memory_space<vmem>> -> memref<64x128xf32, #tpu.memory_space<vmem>>
    %dma_start3A_403 = arith.constant 0 : i32
    %dma_start3A_404 = tpu.memref_slice %arg5[%dma_start3A_397, %dma_start3A_403] : memref<25x64xi32, #tpu.memory_space<vmem>> -> memref<1x64xi32, #tpu.memory_space<vmem>>
    %dma_start3A_405 = tpu.memref_squeeze %dma_start3A_404 : memref<1x64xi32, #tpu.memory_space<vmem>> -> memref<64xi32, #tpu.memory_space<vmem>>
    %dma_start3A_406 = arith.constant 0 : i32
    %dma_start3A_407 = arith.constant 0 : i32
    %dma_start3A_408 = tpu.memref_slice %arg3[%dma_start3A_406, %dma_start3A_407] : memref<1024x128xf32, #tpu.memory_space<hbm>> -> memref<1024x128xf32, #tpu.memory_space<hbm>>
    tpu.enqueue_indirect_dma source(%dma_start3A_408 : memref<1024x128xf32, #tpu.memory_space<hbm>>) target(%dma_start3A_402 : memref<64x128xf32, #tpu.memory_space<vmem>>) offsets(%dma_start3A_405 : memref<64xi32, #tpu.memory_space<vmem>>) semaphore(%arg7 : memref<!tpu.dma_semaphore, #tpu.memory_space<semaphore_mem>>)
    %dma_start3A_409 = arith.constant 19 : i32
    %dma_start3A_410 = arith.constant 4 : i32
    %dma_start3A_411 = arith.constant 0 : i32
    %dma_start3A_412 = arith.constant 0 : i32
    %dma_start3A_413 = tpu.memref_slice %arg6[%dma_start3A_410, %dma_start3A_411, %dma_start3A_412] : memref<5x64x128xf32, #tpu.memory_space<vmem>> -> memref<1x64x128xf32, #tpu.memory_space<vmem>>
    %dma_start3A_414 = tpu.memref_squeeze %dma_start3A_413 : memref<1x64x128xf32, #tpu.memory_space<vmem>> -> memref<64x128xf32, #tpu.memory_space<vmem>>
    %dma_start3A_415 = arith.constant 0 : i32
    %dma_start3A_416 = tpu.memref_slice %arg5[%dma_start3A_409, %dma_start3A_415] : memref<25x64xi32, #tpu.memory_space<vmem>> -> memref<1x64xi32, #tpu.memory_space<vmem>>
    %dma_start3A_417 = tpu.memref_squeeze %dma_start3A_416 : memref<1x64xi32, #tpu.memory_space<vmem>> -> memref<64xi32, #tpu.memory_space<vmem>>
    %dma_start3A_418 = arith.constant 0 : i32
    %dma_start3A_419 = arith.constant 0 : i32
    %dma_start3A_420 = tpu.memref_slice %arg3[%dma_start3A_418, %dma_start3A_419] : memref<1024x128xf32, #tpu.memory_space<hbm>> -> memref<1024x128xf32, #tpu.memory_space<hbm>>
    tpu.enqueue_indirect_dma source(%dma_start3A_420 : memref<1024x128xf32, #tpu.memory_space<hbm>>) target(%dma_start3A_414 : memref<64x128xf32, #tpu.memory_space<vmem>>) offsets(%dma_start3A_417 : memref<64xi32, #tpu.memory_space<vmem>>) semaphore(%arg7 : memref<!tpu.dma_semaphore, #tpu.memory_space<semaphore_mem>>)
    %dma_wait3A_421 = arith.constant 15 : i32
    %dma_wait3A_422 = arith.constant 0 : i32
    %dma_wait3A_423 = arith.constant 0 : i32
    %dma_wait3A_424 = arith.constant 0 : i32
    %dma_wait3A_425 = tpu.memref_slice %arg6[%dma_wait3A_422, %dma_wait3A_423, %dma_wait3A_424] : memref<5x64x128xf32, #tpu.memory_space<vmem>> -> memref<1x64x128xf32, #tpu.memory_space<vmem>>
    %dma_wait3A_426 = tpu.memref_squeeze %dma_wait3A_425 : memref<1x64x128xf32, #tpu.memory_space<vmem>> -> memref<64x128xf32, #tpu.memory_space<vmem>>
    %dma_wait3A_427 = arith.constant 0 : i32
    %dma_wait3A_428 = tpu.memref_slice %arg5[%dma_wait3A_421, %dma_wait3A_427] : memref<25x64xi32, #tpu.memory_space<vmem>> -> memref<1x64xi32, #tpu.memory_space<vmem>>
    %dma_wait3A_429 = tpu.memref_squeeze %dma_wait3A_428 : memref<1x64xi32, #tpu.memory_space<vmem>> -> memref<64xi32, #tpu.memory_space<vmem>>
    %dma_wait3A_430 = arith.constant 0 : i32
    %dma_wait3A_431 = arith.constant 0 : i32
    %dma_wait3A_432 = tpu.memref_slice %arg3[%dma_wait3A_430, %dma_wait3A_431] : memref<1024x128xf32, #tpu.memory_space<hbm>> -> memref<1024x128xf32, #tpu.memory_space<hbm>>
    tpu.wait_indirect_dma semaphore(%arg7 : memref<!tpu.dma_semaphore, #tpu.memory_space<semaphore_mem>>) src(%dma_wait3A_432 : memref<1024x128xf32, #tpu.memory_space<hbm>>) dst(%dma_wait3A_426 : memref<64x128xf32, #tpu.memory_space<vmem>>)
    %dma_wait3A_433 = arith.constant 16 : i32
    %dma_wait3A_434 = arith.constant 1 : i32
    %dma_wait3A_435 = arith.constant 0 : i32
    %dma_wait3A_436 = arith.constant 0 : i32
    %dma_wait3A_437 = tpu.memref_slice %arg6[%dma_wait3A_434, %dma_wait3A_435, %dma_wait3A_436] : memref<5x64x128xf32, #tpu.memory_space<vmem>> -> memref<1x64x128xf32, #tpu.memory_space<vmem>>
    %dma_wait3A_438 = tpu.memref_squeeze %dma_wait3A_437 : memref<1x64x128xf32, #tpu.memory_space<vmem>> -> memref<64x128xf32, #tpu.memory_space<vmem>>
    %dma_wait3A_439 = arith.constant 0 : i32
    %dma_wait3A_440 = tpu.memref_slice %arg5[%dma_wait3A_433, %dma_wait3A_439] : memref<25x64xi32, #tpu.memory_space<vmem>> -> memref<1x64xi32, #tpu.memory_space<vmem>>
    %dma_wait3A_441 = tpu.memref_squeeze %dma_wait3A_440 : memref<1x64xi32, #tpu.memory_space<vmem>> -> memref<64xi32, #tpu.memory_space<vmem>>
    %dma_wait3A_442 = arith.constant 0 : i32
    %dma_wait3A_443 = arith.constant 0 : i32
    %dma_wait3A_444 = tpu.memref_slice %arg3[%dma_wait3A_442, %dma_wait3A_443] : memref<1024x128xf32, #tpu.memory_space<hbm>> -> memref<1024x128xf32, #tpu.memory_space<hbm>>
    tpu.wait_indirect_dma semaphore(%arg7 : memref<!tpu.dma_semaphore, #tpu.memory_space<semaphore_mem>>) src(%dma_wait3A_444 : memref<1024x128xf32, #tpu.memory_space<hbm>>) dst(%dma_wait3A_438 : memref<64x128xf32, #tpu.memory_space<vmem>>)
    %dma_wait3A_445 = arith.constant 17 : i32
    %dma_wait3A_446 = arith.constant 2 : i32
    %dma_wait3A_447 = arith.constant 0 : i32
    %dma_wait3A_448 = arith.constant 0 : i32
    %dma_wait3A_449 = tpu.memref_slice %arg6[%dma_wait3A_446, %dma_wait3A_447, %dma_wait3A_448] : memref<5x64x128xf32, #tpu.memory_space<vmem>> -> memref<1x64x128xf32, #tpu.memory_space<vmem>>
    %dma_wait3A_450 = tpu.memref_squeeze %dma_wait3A_449 : memref<1x64x128xf32, #tpu.memory_space<vmem>> -> memref<64x128xf32, #tpu.memory_space<vmem>>
    %dma_wait3A_451 = arith.constant 0 : i32
    %dma_wait3A_452 = tpu.memref_slice %arg5[%dma_wait3A_445, %dma_wait3A_451] : memref<25x64xi32, #tpu.memory_space<vmem>> -> memref<1x64xi32, #tpu.memory_space<vmem>>
    %dma_wait3A_453 = tpu.memref_squeeze %dma_wait3A_452 : memref<1x64xi32, #tpu.memory_space<vmem>> -> memref<64xi32, #tpu.memory_space<vmem>>
    %dma_wait3A_454 = arith.constant 0 : i32
    %dma_wait3A_455 = arith.constant 0 : i32
    %dma_wait3A_456 = tpu.memref_slice %arg3[%dma_wait3A_454, %dma_wait3A_455] : memref<1024x128xf32, #tpu.memory_space<hbm>> -> memref<1024x128xf32, #tpu.memory_space<hbm>>
    tpu.wait_indirect_dma semaphore(%arg7 : memref<!tpu.dma_semaphore, #tpu.memory_space<semaphore_mem>>) src(%dma_wait3A_456 : memref<1024x128xf32, #tpu.memory_space<hbm>>) dst(%dma_wait3A_450 : memref<64x128xf32, #tpu.memory_space<vmem>>)
    %dma_wait3A_457 = arith.constant 18 : i32
    %dma_wait3A_458 = arith.constant 3 : i32
    %dma_wait3A_459 = arith.constant 0 : i32
    %dma_wait3A_460 = arith.constant 0 : i32
    %dma_wait3A_461 = tpu.memref_slice %arg6[%dma_wait3A_458, %dma_wait3A_459, %dma_wait3A_460] : memref<5x64x128xf32, #tpu.memory_space<vmem>> -> memref<1x64x128xf32, #tpu.memory_space<vmem>>
    %dma_wait3A_462 = tpu.memref_squeeze %dma_wait3A_461 : memref<1x64x128xf32, #tpu.memory_space<vmem>> -> memref<64x128xf32, #tpu.memory_space<vmem>>
    %dma_wait3A_463 = arith.constant 0 : i32
    %dma_wait3A_464 = tpu.memref_slice %arg5[%dma_wait3A_457, %dma_wait3A_463] : memref<25x64xi32, #tpu.memory_space<vmem>> -> memref<1x64xi32, #tpu.memory_space<vmem>>
    %dma_wait3A_465 = tpu.memref_squeeze %dma_wait3A_464 : memref<1x64xi32, #tpu.memory_space<vmem>> -> memref<64xi32, #tpu.memory_space<vmem>>
    %dma_wait3A_466 = arith.constant 0 : i32
    %dma_wait3A_467 = arith.constant 0 : i32
    %dma_wait3A_468 = tpu.memref_slice %arg3[%dma_wait3A_466, %dma_wait3A_467] : memref<1024x128xf32, #tpu.memory_space<hbm>> -> memref<1024x128xf32, #tpu.memory_space<hbm>>
    tpu.wait_indirect_dma semaphore(%arg7 : memref<!tpu.dma_semaphore, #tpu.memory_space<semaphore_mem>>) src(%dma_wait3A_468 : memref<1024x128xf32, #tpu.memory_space<hbm>>) dst(%dma_wait3A_462 : memref<64x128xf32, #tpu.memory_space<vmem>>)
    %dma_wait3A_469 = arith.constant 19 : i32
    %dma_wait3A_470 = arith.constant 4 : i32
    %dma_wait3A_471 = arith.constant 0 : i32
    %dma_wait3A_472 = arith.constant 0 : i32
    %dma_wait3A_473 = tpu.memref_slice %arg6[%dma_wait3A_470, %dma_wait3A_471, %dma_wait3A_472] : memref<5x64x128xf32, #tpu.memory_space<vmem>> -> memref<1x64x128xf32, #tpu.memory_space<vmem>>
    %dma_wait3A_474 = tpu.memref_squeeze %dma_wait3A_473 : memref<1x64x128xf32, #tpu.memory_space<vmem>> -> memref<64x128xf32, #tpu.memory_space<vmem>>
    %dma_wait3A_475 = arith.constant 0 : i32
    %dma_wait3A_476 = tpu.memref_slice %arg5[%dma_wait3A_469, %dma_wait3A_475] : memref<25x64xi32, #tpu.memory_space<vmem>> -> memref<1x64xi32, #tpu.memory_space<vmem>>
    %dma_wait3A_477 = tpu.memref_squeeze %dma_wait3A_476 : memref<1x64xi32, #tpu.memory_space<vmem>> -> memref<64xi32, #tpu.memory_space<vmem>>
    %dma_wait3A_478 = arith.constant 0 : i32
    %dma_wait3A_479 = arith.constant 0 : i32
    %dma_wait3A_480 = tpu.memref_slice %arg3[%dma_wait3A_478, %dma_wait3A_479] : memref<1024x128xf32, #tpu.memory_space<hbm>> -> memref<1024x128xf32, #tpu.memory_space<hbm>>
    tpu.wait_indirect_dma semaphore(%arg7 : memref<!tpu.dma_semaphore, #tpu.memory_space<semaphore_mem>>) src(%dma_wait3A_480 : memref<1024x128xf32, #tpu.memory_space<hbm>>) dst(%dma_wait3A_474 : memref<64x128xf32, #tpu.memory_space<vmem>>)
    %run_scoped3A_481 = arith.constant 3 : i32
    "tpu.region"() ({
      %run_scoped3A_603 = tpu.sem_alloc : memref<!tpu.dma_semaphore, #tpu.memory_space<semaphore_mem>>
      %dma_start3A_604 = arith.constant 0 : i32
      %dma_start3A_605 = arith.constant 0 : i32
      %dma_start3A_606 = arith.constant 0 : i32
      %dma_start3A_607 = tpu.memref_slice %arg4[%add3A, %run_scoped3A_481, %dma_start3A_604, %dma_start3A_605, %dma_start3A_606] : memref<32x5x5x64x128xf32, #tpu.memory_space<hbm>> -> memref<1x1x5x64x128xf32, #tpu.memory_space<hbm>>
      %dma_start3A_608 = tpu.memref_squeeze %dma_start3A_607 : memref<1x1x5x64x128xf32, #tpu.memory_space<hbm>> -> memref<5x64x128xf32, #tpu.memory_space<hbm>>
      %dma_start3A_609 = arith.constant 0 : i32
      %dma_start3A_610 = arith.constant 0 : i32
      %dma_start3A_611 = arith.constant 0 : i32
      %dma_start3A_612 = tpu.memref_slice %arg4[%add3A, %run_scoped3A_481, %dma_start3A_609, %dma_start3A_610, %dma_start3A_611] : memref<32x5x5x64x128xf32, #tpu.memory_space<hbm>> -> memref<1x1x5x64x128xf32, #tpu.memory_space<hbm>>
      %dma_start3A_613 = tpu.memref_squeeze %dma_start3A_612 : memref<1x1x5x64x128xf32, #tpu.memory_space<hbm>> -> memref<5x64x128xf32, #tpu.memory_space<hbm>>
      tpu.enqueue_dma source(%arg6 : memref<5x64x128xf32, #tpu.memory_space<vmem>>) target(%dma_start3A_613 : memref<5x64x128xf32, #tpu.memory_space<hbm>>) target_semaphore(%run_scoped3A_603 : memref<!tpu.dma_semaphore, #tpu.memory_space<semaphore_mem>>)
      %dma_wait3A_614 = arith.constant 0 : i32
      %dma_wait3A_615 = arith.constant 0 : i32
      %dma_wait3A_616 = arith.constant 0 : i32
      %dma_wait3A_617 = tpu.memref_slice %arg4[%add3A, %run_scoped3A_481, %dma_wait3A_614, %dma_wait3A_615, %dma_wait3A_616] : memref<32x5x5x64x128xf32, #tpu.memory_space<hbm>> -> memref<1x1x5x64x128xf32, #tpu.memory_space<hbm>>
      %dma_wait3A_618 = tpu.memref_squeeze %dma_wait3A_617 : memref<1x1x5x64x128xf32, #tpu.memory_space<hbm>> -> memref<5x64x128xf32, #tpu.memory_space<hbm>>
      %dma_wait3A_619 = arith.constant 0 : i32
      %dma_wait3A_620 = arith.constant 0 : i32
      %dma_wait3A_621 = arith.constant 0 : i32
      %dma_wait3A_622 = tpu.memref_slice %arg4[%add3A, %run_scoped3A_481, %dma_wait3A_619, %dma_wait3A_620, %dma_wait3A_621] : memref<32x5x5x64x128xf32, #tpu.memory_space<hbm>> -> memref<1x1x5x64x128xf32, #tpu.memory_space<hbm>>
      %dma_wait3A_623 = tpu.memref_squeeze %dma_wait3A_622 : memref<1x1x5x64x128xf32, #tpu.memory_space<hbm>> -> memref<5x64x128xf32, #tpu.memory_space<hbm>>
      tpu.wait_dma2 semaphore(%run_scoped3A_603 : memref<!tpu.dma_semaphore, #tpu.memory_space<semaphore_mem>>) src(%arg6 : memref<5x64x128xf32, #tpu.memory_space<vmem>>) dst(%dma_wait3A_623 : memref<5x64x128xf32, #tpu.memory_space<hbm>>)
      tpu.yield
    }) : () -> ()
    %dma_start3A_482 = arith.constant 20 : i32
    %dma_start3A_483 = arith.constant 0 : i32
    %dma_start3A_484 = arith.constant 0 : i32
    %dma_start3A_485 = arith.constant 0 : i32
    %dma_start3A_486 = tpu.memref_slice %arg6[%dma_start3A_483, %dma_start3A_484, %dma_start3A_485] : memref<5x64x128xf32, #tpu.memory_space<vmem>> -> memref<1x64x128xf32, #tpu.memory_space<vmem>>
    %dma_start3A_487 = tpu.memref_squeeze %dma_start3A_486 : memref<1x64x128xf32, #tpu.memory_space<vmem>> -> memref<64x128xf32, #tpu.memory_space<vmem>>
    %dma_start3A_488 = arith.constant 0 : i32
    %dma_start3A_489 = tpu.memref_slice %arg5[%dma_start3A_482, %dma_start3A_488] : memref<25x64xi32, #tpu.memory_space<vmem>> -> memref<1x64xi32, #tpu.memory_space<vmem>>
    %dma_start3A_490 = tpu.memref_squeeze %dma_start3A_489 : memref<1x64xi32, #tpu.memory_space<vmem>> -> memref<64xi32, #tpu.memory_space<vmem>>
    %dma_start3A_491 = arith.constant 0 : i32
    %dma_start3A_492 = arith.constant 0 : i32
    %dma_start3A_493 = tpu.memref_slice %arg3[%dma_start3A_491, %dma_start3A_492] : memref<1024x128xf32, #tpu.memory_space<hbm>> -> memref<1024x128xf32, #tpu.memory_space<hbm>>
    tpu.enqueue_indirect_dma source(%dma_start3A_493 : memref<1024x128xf32, #tpu.memory_space<hbm>>) target(%dma_start3A_487 : memref<64x128xf32, #tpu.memory_space<vmem>>) offsets(%dma_start3A_490 : memref<64xi32, #tpu.memory_space<vmem>>) semaphore(%arg7 : memref<!tpu.dma_semaphore, #tpu.memory_space<semaphore_mem>>)
    %dma_start3A_494 = arith.constant 21 : i32
    %dma_start3A_495 = arith.constant 1 : i32
    %dma_start3A_496 = arith.constant 0 : i32
    %dma_start3A_497 = arith.constant 0 : i32
    %dma_start3A_498 = tpu.memref_slice %arg6[%dma_start3A_495, %dma_start3A_496, %dma_start3A_497] : memref<5x64x128xf32, #tpu.memory_space<vmem>> -> memref<1x64x128xf32, #tpu.memory_space<vmem>>
    %dma_start3A_499 = tpu.memref_squeeze %dma_start3A_498 : memref<1x64x128xf32, #tpu.memory_space<vmem>> -> memref<64x128xf32, #tpu.memory_space<vmem>>
    %dma_start3A_500 = arith.constant 0 : i32
    %dma_start3A_501 = tpu.memref_slice %arg5[%dma_start3A_494, %dma_start3A_500] : memref<25x64xi32, #tpu.memory_space<vmem>> -> memref<1x64xi32, #tpu.memory_space<vmem>>
    %dma_start3A_502 = tpu.memref_squeeze %dma_start3A_501 : memref<1x64xi32, #tpu.memory_space<vmem>> -> memref<64xi32, #tpu.memory_space<vmem>>
    %dma_start3A_503 = arith.constant 0 : i32
    %dma_start3A_504 = arith.constant 0 : i32
    %dma_start3A_505 = tpu.memref_slice %arg3[%dma_start3A_503, %dma_start3A_504] : memref<1024x128xf32, #tpu.memory_space<hbm>> -> memref<1024x128xf32, #tpu.memory_space<hbm>>
    tpu.enqueue_indirect_dma source(%dma_start3A_505 : memref<1024x128xf32, #tpu.memory_space<hbm>>) target(%dma_start3A_499 : memref<64x128xf32, #tpu.memory_space<vmem>>) offsets(%dma_start3A_502 : memref<64xi32, #tpu.memory_space<vmem>>) semaphore(%arg7 : memref<!tpu.dma_semaphore, #tpu.memory_space<semaphore_mem>>)
    %dma_start3A_506 = arith.constant 22 : i32
    %dma_start3A_507 = arith.constant 2 : i32
    %dma_start3A_508 = arith.constant 0 : i32
    %dma_start3A_509 = arith.constant 0 : i32
    %dma_start3A_510 = tpu.memref_slice %arg6[%dma_start3A_507, %dma_start3A_508, %dma_start3A_509] : memref<5x64x128xf32, #tpu.memory_space<vmem>> -> memref<1x64x128xf32, #tpu.memory_space<vmem>>
    %dma_start3A_511 = tpu.memref_squeeze %dma_start3A_510 : memref<1x64x128xf32, #tpu.memory_space<vmem>> -> memref<64x128xf32, #tpu.memory_space<vmem>>
    %dma_start3A_512 = arith.constant 0 : i32
    %dma_start3A_513 = tpu.memref_slice %arg5[%dma_start3A_506, %dma_start3A_512] : memref<25x64xi32, #tpu.memory_space<vmem>> -> memref<1x64xi32, #tpu.memory_space<vmem>>
    %dma_start3A_514 = tpu.memref_squeeze %dma_start3A_513 : memref<1x64xi32, #tpu.memory_space<vmem>> -> memref<64xi32, #tpu.memory_space<vmem>>
    %dma_start3A_515 = arith.constant 0 : i32
    %dma_start3A_516 = arith.constant 0 : i32
    %dma_start3A_517 = tpu.memref_slice %arg3[%dma_start3A_515, %dma_start3A_516] : memref<1024x128xf32, #tpu.memory_space<hbm>> -> memref<1024x128xf32, #tpu.memory_space<hbm>>
    tpu.enqueue_indirect_dma source(%dma_start3A_517 : memref<1024x128xf32, #tpu.memory_space<hbm>>) target(%dma_start3A_511 : memref<64x128xf32, #tpu.memory_space<vmem>>) offsets(%dma_start3A_514 : memref<64xi32, #tpu.memory_space<vmem>>) semaphore(%arg7 : memref<!tpu.dma_semaphore, #tpu.memory_space<semaphore_mem>>)
    %dma_start3A_518 = arith.constant 23 : i32
    %dma_start3A_519 = arith.constant 3 : i32
    %dma_start3A_520 = arith.constant 0 : i32
    %dma_start3A_521 = arith.constant 0 : i32
    %dma_start3A_522 = tpu.memref_slice %arg6[%dma_start3A_519, %dma_start3A_520, %dma_start3A_521] : memref<5x64x128xf32, #tpu.memory_space<vmem>> -> memref<1x64x128xf32, #tpu.memory_space<vmem>>
    %dma_start3A_523 = tpu.memref_squeeze %dma_start3A_522 : memref<1x64x128xf32, #tpu.memory_space<vmem>> -> memref<64x128xf32, #tpu.memory_space<vmem>>
    %dma_start3A_524 = arith.constant 0 : i32
    %dma_start3A_525 = tpu.memref_slice %arg5[%dma_start3A_518, %dma_start3A_524] : memref<25x64xi32, #tpu.memory_space<vmem>> -> memref<1x64xi32, #tpu.memory_space<vmem>>
    %dma_start3A_526 = tpu.memref_squeeze %dma_start3A_525 : memref<1x64xi32, #tpu.memory_space<vmem>> -> memref<64xi32, #tpu.memory_space<vmem>>
    %dma_start3A_527 = arith.constant 0 : i32
    %dma_start3A_528 = arith.constant 0 : i32
    %dma_start3A_529 = tpu.memref_slice %arg3[%dma_start3A_527, %dma_start3A_528] : memref<1024x128xf32, #tpu.memory_space<hbm>> -> memref<1024x128xf32, #tpu.memory_space<hbm>>
    tpu.enqueue_indirect_dma source(%dma_start3A_529 : memref<1024x128xf32, #tpu.memory_space<hbm>>) target(%dma_start3A_523 : memref<64x128xf32, #tpu.memory_space<vmem>>) offsets(%dma_start3A_526 : memref<64xi32, #tpu.memory_space<vmem>>) semaphore(%arg7 : memref<!tpu.dma_semaphore, #tpu.memory_space<semaphore_mem>>)
    %dma_start3A_530 = arith.constant 24 : i32
    %dma_start3A_531 = arith.constant 4 : i32
    %dma_start3A_532 = arith.constant 0 : i32
    %dma_start3A_533 = arith.constant 0 : i32
    %dma_start3A_534 = tpu.memref_slice %arg6[%dma_start3A_531, %dma_start3A_532, %dma_start3A_533] : memref<5x64x128xf32, #tpu.memory_space<vmem>> -> memref<1x64x128xf32, #tpu.memory_space<vmem>>
    %dma_start3A_535 = tpu.memref_squeeze %dma_start3A_534 : memref<1x64x128xf32, #tpu.memory_space<vmem>> -> memref<64x128xf32, #tpu.memory_space<vmem>>
    %dma_start3A_536 = arith.constant 0 : i32
    %dma_start3A_537 = tpu.memref_slice %arg5[%dma_start3A_530, %dma_start3A_536] : memref<25x64xi32, #tpu.memory_space<vmem>> -> memref<1x64xi32, #tpu.memory_space<vmem>>
    %dma_start3A_538 = tpu.memref_squeeze %dma_start3A_537 : memref<1x64xi32, #tpu.memory_space<vmem>> -> memref<64xi32, #tpu.memory_space<vmem>>
    %dma_start3A_539 = arith.constant 0 : i32
    %dma_start3A_540 = arith.constant 0 : i32
    %dma_start3A_541 = tpu.memref_slice %arg3[%dma_start3A_539, %dma_start3A_540] : memref<1024x128xf32, #tpu.memory_space<hbm>> -> memref<1024x128xf32, #tpu.memory_space<hbm>>
    tpu.enqueue_indirect_dma source(%dma_start3A_541 : memref<1024x128xf32, #tpu.memory_space<hbm>>) target(%dma_start3A_535 : memref<64x128xf32, #tpu.memory_space<vmem>>) offsets(%dma_start3A_538 : memref<64xi32, #tpu.memory_space<vmem>>) semaphore(%arg7 : memref<!tpu.dma_semaphore, #tpu.memory_space<semaphore_mem>>)
    %dma_wait3A_542 = arith.constant 20 : i32
    %dma_wait3A_543 = arith.constant 0 : i32
    %dma_wait3A_544 = arith.constant 0 : i32
    %dma_wait3A_545 = arith.constant 0 : i32
    %dma_wait3A_546 = tpu.memref_slice %arg6[%dma_wait3A_543, %dma_wait3A_544, %dma_wait3A_545] : memref<5x64x128xf32, #tpu.memory_space<vmem>> -> memref<1x64x128xf32, #tpu.memory_space<vmem>>
    %dma_wait3A_547 = tpu.memref_squeeze %dma_wait3A_546 : memref<1x64x128xf32, #tpu.memory_space<vmem>> -> memref<64x128xf32, #tpu.memory_space<vmem>>
    %dma_wait3A_548 = arith.constant 0 : i32
    %dma_wait3A_549 = tpu.memref_slice %arg5[%dma_wait3A_542, %dma_wait3A_548] : memref<25x64xi32, #tpu.memory_space<vmem>> -> memref<1x64xi32, #tpu.memory_space<vmem>>
    %dma_wait3A_550 = tpu.memref_squeeze %dma_wait3A_549 : memref<1x64xi32, #tpu.memory_space<vmem>> -> memref<64xi32, #tpu.memory_space<vmem>>
    %dma_wait3A_551 = arith.constant 0 : i32
    %dma_wait3A_552 = arith.constant 0 : i32
    %dma_wait3A_553 = tpu.memref_slice %arg3[%dma_wait3A_551, %dma_wait3A_552] : memref<1024x128xf32, #tpu.memory_space<hbm>> -> memref<1024x128xf32, #tpu.memory_space<hbm>>
    tpu.wait_indirect_dma semaphore(%arg7 : memref<!tpu.dma_semaphore, #tpu.memory_space<semaphore_mem>>) src(%dma_wait3A_553 : memref<1024x128xf32, #tpu.memory_space<hbm>>) dst(%dma_wait3A_547 : memref<64x128xf32, #tpu.memory_space<vmem>>)
    %dma_wait3A_554 = arith.constant 21 : i32
    %dma_wait3A_555 = arith.constant 1 : i32
    %dma_wait3A_556 = arith.constant 0 : i32
    %dma_wait3A_557 = arith.constant 0 : i32
    %dma_wait3A_558 = tpu.memref_slice %arg6[%dma_wait3A_555, %dma_wait3A_556, %dma_wait3A_557] : memref<5x64x128xf32, #tpu.memory_space<vmem>> -> memref<1x64x128xf32, #tpu.memory_space<vmem>>
    %dma_wait3A_559 = tpu.memref_squeeze %dma_wait3A_558 : memref<1x64x128xf32, #tpu.memory_space<vmem>> -> memref<64x128xf32, #tpu.memory_space<vmem>>
    %dma_wait3A_560 = arith.constant 0 : i32
    %dma_wait3A_561 = tpu.memref_slice %arg5[%dma_wait3A_554, %dma_wait3A_560] : memref<25x64xi32, #tpu.memory_space<vmem>> -> memref<1x64xi32, #tpu.memory_space<vmem>>
    %dma_wait3A_562 = tpu.memref_squeeze %dma_wait3A_561 : memref<1x64xi32, #tpu.memory_space<vmem>> -> memref<64xi32, #tpu.memory_space<vmem>>
    %dma_wait3A_563 = arith.constant 0 : i32
    %dma_wait3A_564 = arith.constant 0 : i32
    %dma_wait3A_565 = tpu.memref_slice %arg3[%dma_wait3A_563, %dma_wait3A_564] : memref<1024x128xf32, #tpu.memory_space<hbm>> -> memref<1024x128xf32, #tpu.memory_space<hbm>>
    tpu.wait_indirect_dma semaphore(%arg7 : memref<!tpu.dma_semaphore, #tpu.memory_space<semaphore_mem>>) src(%dma_wait3A_565 : memref<1024x128xf32, #tpu.memory_space<hbm>>) dst(%dma_wait3A_559 : memref<64x128xf32, #tpu.memory_space<vmem>>)
    %dma_wait3A_566 = arith.constant 22 : i32
    %dma_wait3A_567 = arith.constant 2 : i32
    %dma_wait3A_568 = arith.constant 0 : i32
    %dma_wait3A_569 = arith.constant 0 : i32
    %dma_wait3A_570 = tpu.memref_slice %arg6[%dma_wait3A_567, %dma_wait3A_568, %dma_wait3A_569] : memref<5x64x128xf32, #tpu.memory_space<vmem>> -> memref<1x64x128xf32, #tpu.memory_space<vmem>>
    %dma_wait3A_571 = tpu.memref_squeeze %dma_wait3A_570 : memref<1x64x128xf32, #tpu.memory_space<vmem>> -> memref<64x128xf32, #tpu.memory_space<vmem>>
    %dma_wait3A_572 = arith.constant 0 : i32
    %dma_wait3A_573 = tpu.memref_slice %arg5[%dma_wait3A_566, %dma_wait3A_572] : memref<25x64xi32, #tpu.memory_space<vmem>> -> memref<1x64xi32, #tpu.memory_space<vmem>>
    %dma_wait3A_574 = tpu.memref_squeeze %dma_wait3A_573 : memref<1x64xi32, #tpu.memory_space<vmem>> -> memref<64xi32, #tpu.memory_space<vmem>>
    %dma_wait3A_575 = arith.constant 0 : i32
    %dma_wait3A_576 = arith.constant 0 : i32
    %dma_wait3A_577 = tpu.memref_slice %arg3[%dma_wait3A_575, %dma_wait3A_576] : memref<1024x128xf32, #tpu.memory_space<hbm>> -> memref<1024x128xf32, #tpu.memory_space<hbm>>
    tpu.wait_indirect_dma semaphore(%arg7 : memref<!tpu.dma_semaphore, #tpu.memory_space<semaphore_mem>>) src(%dma_wait3A_577 : memref<1024x128xf32, #tpu.memory_space<hbm>>) dst(%dma_wait3A_571 : memref<64x128xf32, #tpu.memory_space<vmem>>)
    %dma_wait3A_578 = arith.constant 23 : i32
    %dma_wait3A_579 = arith.constant 3 : i32
    %dma_wait3A_580 = arith.constant 0 : i32
    %dma_wait3A_581 = arith.constant 0 : i32
    %dma_wait3A_582 = tpu.memref_slice %arg6[%dma_wait3A_579, %dma_wait3A_580, %dma_wait3A_581] : memref<5x64x128xf32, #tpu.memory_space<vmem>> -> memref<1x64x128xf32, #tpu.memory_space<vmem>>
    %dma_wait3A_583 = tpu.memref_squeeze %dma_wait3A_582 : memref<1x64x128xf32, #tpu.memory_space<vmem>> -> memref<64x128xf32, #tpu.memory_space<vmem>>
    %dma_wait3A_584 = arith.constant 0 : i32
    %dma_wait3A_585 = tpu.memref_slice %arg5[%dma_wait3A_578, %dma_wait3A_584] : memref<25x64xi32, #tpu.memory_space<vmem>> -> memref<1x64xi32, #tpu.memory_space<vmem>>
    %dma_wait3A_586 = tpu.memref_squeeze %dma_wait3A_585 : memref<1x64xi32, #tpu.memory_space<vmem>> -> memref<64xi32, #tpu.memory_space<vmem>>
    %dma_wait3A_587 = arith.constant 0 : i32
    %dma_wait3A_588 = arith.constant 0 : i32
    %dma_wait3A_589 = tpu.memref_slice %arg3[%dma_wait3A_587, %dma_wait3A_588] : memref<1024x128xf32, #tpu.memory_space<hbm>> -> memref<1024x128xf32, #tpu.memory_space<hbm>>
    tpu.wait_indirect_dma semaphore(%arg7 : memref<!tpu.dma_semaphore, #tpu.memory_space<semaphore_mem>>) src(%dma_wait3A_589 : memref<1024x128xf32, #tpu.memory_space<hbm>>) dst(%dma_wait3A_583 : memref<64x128xf32, #tpu.memory_space<vmem>>)
    %dma_wait3A_590 = arith.constant 24 : i32
    %dma_wait3A_591 = arith.constant 4 : i32
    %dma_wait3A_592 = arith.constant 0 : i32
    %dma_wait3A_593 = arith.constant 0 : i32
    %dma_wait3A_594 = tpu.memref_slice %arg6[%dma_wait3A_591, %dma_wait3A_592, %dma_wait3A_593] : memref<5x64x128xf32, #tpu.memory_space<vmem>> -> memref<1x64x128xf32, #tpu.memory_space<vmem>>
    %dma_wait3A_595 = tpu.memref_squeeze %dma_wait3A_594 : memref<1x64x128xf32, #tpu.memory_space<vmem>> -> memref<64x128xf32, #tpu.memory_space<vmem>>
    %dma_wait3A_596 = arith.constant 0 : i32
    %dma_wait3A_597 = tpu.memref_slice %arg5[%dma_wait3A_590, %dma_wait3A_596] : memref<25x64xi32, #tpu.memory_space<vmem>> -> memref<1x64xi32, #tpu.memory_space<vmem>>
    %dma_wait3A_598 = tpu.memref_squeeze %dma_wait3A_597 : memref<1x64xi32, #tpu.memory_space<vmem>> -> memref<64xi32, #tpu.memory_space<vmem>>
    %dma_wait3A_599 = arith.constant 0 : i32
    %dma_wait3A_600 = arith.constant 0 : i32
    %dma_wait3A_601 = tpu.memref_slice %arg3[%dma_wait3A_599, %dma_wait3A_600] : memref<1024x128xf32, #tpu.memory_space<hbm>> -> memref<1024x128xf32, #tpu.memory_space<hbm>>
    tpu.wait_indirect_dma semaphore(%arg7 : memref<!tpu.dma_semaphore, #tpu.memory_space<semaphore_mem>>) src(%dma_wait3A_601 : memref<1024x128xf32, #tpu.memory_space<hbm>>) dst(%dma_wait3A_595 : memref<64x128xf32, #tpu.memory_space<vmem>>)
    %run_scoped3A_602 = arith.constant 4 : i32
    "tpu.region"() ({
      %run_scoped3A_603 = tpu.sem_alloc : memref<!tpu.dma_semaphore, #tpu.memory_space<semaphore_mem>>
      %dma_start3A_604 = arith.constant 0 : i32
      %dma_start3A_605 = arith.constant 0 : i32
      %dma_start3A_606 = arith.constant 0 : i32
      %dma_start3A_607 = tpu.memref_slice %arg4[%add3A, %run_scoped3A_602, %dma_start3A_604, %dma_start3A_605, %dma_start3A_606] : memref<32x5x5x64x128xf32, #tpu.memory_space<hbm>> -> memref<1x1x5x64x128xf32, #tpu.memory_space<hbm>>
      %dma_start3A_608 = tpu.memref_squeeze %dma_start3A_607 : memref<1x1x5x64x128xf32, #tpu.memory_space<hbm>> -> memref<5x64x128xf32, #tpu.memory_space<hbm>>
      %dma_start3A_609 = arith.constant 0 : i32
      %dma_start3A_610 = arith.constant 0 : i32
      %dma_start3A_611 = arith.constant 0 : i32
      %dma_start3A_612 = tpu.memref_slice %arg4[%add3A, %run_scoped3A_602, %dma_start3A_609, %dma_start3A_610, %dma_start3A_611] : memref<32x5x5x64x128xf32, #tpu.memory_space<hbm>> -> memref<1x1x5x64x128xf32, #tpu.memory_space<hbm>>
      %dma_start3A_613 = tpu.memref_squeeze %dma_start3A_612 : memref<1x1x5x64x128xf32, #tpu.memory_space<hbm>> -> memref<5x64x128xf32, #tpu.memory_space<hbm>>
      tpu.enqueue_dma source(%arg6 : memref<5x64x128xf32, #tpu.memory_space<vmem>>) target(%dma_start3A_613 : memref<5x64x128xf32, #tpu.memory_space<hbm>>) target_semaphore(%run_scoped3A_603 : memref<!tpu.dma_semaphore, #tpu.memory_space<semaphore_mem>>)
      %dma_wait3A_614 = arith.constant 0 : i32
      %dma_wait3A_615 = arith.constant 0 : i32
      %dma_wait3A_616 = arith.constant 0 : i32
      %dma_wait3A_617 = tpu.memref_slice %arg4[%add3A, %run_scoped3A_602, %dma_wait3A_614, %dma_wait3A_615, %dma_wait3A_616] : memref<32x5x5x64x128xf32, #tpu.memory_space<hbm>> -> memref<1x1x5x64x128xf32, #tpu.memory_space<hbm>>
      %dma_wait3A_618 = tpu.memref_squeeze %dma_wait3A_617 : memref<1x1x5x64x128xf32, #tpu.memory_space<hbm>> -> memref<5x64x128xf32, #tpu.memory_space<hbm>>
      %dma_wait3A_619 = arith.constant 0 : i32
      %dma_wait3A_620 = arith.constant 0 : i32
      %dma_wait3A_621 = arith.constant 0 : i32
      %dma_wait3A_622 = tpu.memref_slice %arg4[%add3A, %run_scoped3A_602, %dma_wait3A_619, %dma_wait3A_620, %dma_wait3A_621] : memref<32x5x5x64x128xf32, #tpu.memory_space<hbm>> -> memref<1x1x5x64x128xf32, #tpu.memory_space<hbm>>
      %dma_wait3A_623 = tpu.memref_squeeze %dma_wait3A_622 : memref<1x1x5x64x128xf32, #tpu.memory_space<hbm>> -> memref<5x64x128xf32, #tpu.memory_space<hbm>>
      tpu.wait_dma2 semaphore(%run_scoped3A_603 : memref<!tpu.dma_semaphore, #tpu.memory_space<semaphore_mem>>) src(%arg6 : memref<5x64x128xf32, #tpu.memory_space<vmem>>) dst(%dma_wait3A_623 : memref<5x64x128xf32, #tpu.memory_space<hbm>>)
      tpu.yield
    }) : () -> ()
    return
  }
}

#map = affine_map<(d0, d1) -> (0, 0, 0)>
#map1 = affine_map<(d0, d1) -> (0, 0)>
#map2 = affine_map<(d0, d1) -> (0, 0, 0, 0, 0)>
module attributes {stable_mosaic.version = 14 : i64} {
  func.func @_gather_body(%arg0: i32, %arg1: i32, %arg2: memref<32x25x64xi32, #tpu.memory_space<hbm>>, %arg3: memref<1024x128xf32, #tpu.memory_space<hbm>>, %arg4: memref<32x5x5x64x128xf32, #tpu.memory_space<hbm>>, %arg5: memref<25x64xi32, #tpu.memory_space<vmem>>, %arg6: memref<5x64x128xf32, #tpu.memory_space<vmem>>, %arg7: memref<!tpu.dma_semaphore, #tpu.memory_space<semaphore_mem>>) attributes {dimension_semantics = [#tpu.dimension_semantics<core_parallel>, #tpu.dimension_semantics<subcore_parallel>], iteration_bounds = array<i64: 2, 16>, scalar_prefetch = 0 : i64, scratch_operands = 3 : i64, tpu.core_type = #tpu.core_type<sc_vector_subcore>, window_params = [{transform_indices = #map}, {transform_indices = #map1}, {transform_indices = #map2}]} {
    %mul3A = arith.constant 2 : i32
    %mul3A_0 = arith.muli %arg1, %mul3A : i32
    %add3A = arith.addi %mul3A_0, %arg0 : i32
    "tpu.region"() ({
      %run_scoped3A_603 = tpu.sem_alloc : memref<!tpu.dma_semaphore, #tpu.memory_space<semaphore_mem>>
      %dma_start3A_604 = arith.constant 0 : i32
      %dma_start3A_605 = arith.constant 0 : i32
      %dma_start3A_606 = tpu.memref_slice %arg2[%add3A, %dma_start3A_604, %dma_start3A_605] : memref<32x25x64xi32, #tpu.memory_space<hbm>> -> memref<1x25x64xi32, #tpu.memory_space<hbm>>
      %dma_start3A_607 = tpu.memref_squeeze %dma_start3A_606 : memref<1x25x64xi32, #tpu.memory_space<hbm>> -> memref<25x64xi32, #tpu.memory_space<hbm>>
      %dma_start3A_608 = arith.constant 0 : i32
      %dma_start3A_609 = arith.constant 0 : i32
      %dma_start3A_610 = tpu.memref_slice %arg2[%add3A, %dma_start3A_608, %dma_start3A_609] : memref<32x25x64xi32, #tpu.memory_space<hbm>> -> memref<1x25x64xi32, #tpu.memory_space<hbm>>
      %dma_start3A_611 = tpu.memref_squeeze %dma_start3A_610 : memref<1x25x64xi32, #tpu.memory_space<hbm>> -> memref<25x64xi32, #tpu.memory_space<hbm>>
      tpu.enqueue_dma source(%dma_start3A_611 : memref<25x64xi32, #tpu.memory_space<hbm>>) target(%arg5 : memref<25x64xi32, #tpu.memory_space<vmem>>) target_semaphore(%run_scoped3A_603 : memref<!tpu.dma_semaphore, #tpu.memory_space<semaphore_mem>>)
      %dma_wait3A_612 = arith.constant 0 : i32
      %dma_wait3A_613 = arith.constant 0 : i32
      %dma_wait3A_614 = tpu.memref_slice %arg2[%add3A, %dma_wait3A_612, %dma_wait3A_613] : memref<32x25x64xi32, #tpu.memory_space<hbm>> -> memref<1x25x64xi32, #tpu.memory_space<hbm>>
      %dma_wait3A_615 = tpu.memref_squeeze %dma_wait3A_614 : memref<1x25x64xi32, #tpu.memory_space<hbm>> -> memref<25x64xi32, #tpu.memory_space<hbm>>
      %dma_wait3A_616 = arith.constant 0 : i32
      %dma_wait3A_617 = arith.constant 0 : i32
      %dma_wait3A_618 = tpu.memref_slice %arg2[%add3A, %dma_wait3A_616, %dma_wait3A_617] : memref<32x25x64xi32, #tpu.memory_space<hbm>> -> memref<1x25x64xi32, #tpu.memory_space<hbm>>
      %dma_wait3A_619 = tpu.memref_squeeze %dma_wait3A_618 : memref<1x25x64xi32, #tpu.memory_space<hbm>> -> memref<25x64xi32, #tpu.memory_space<hbm>>
      tpu.wait_dma2 semaphore(%run_scoped3A_603 : memref<!tpu.dma_semaphore, #tpu.memory_space<semaphore_mem>>) src(%dma_wait3A_619 : memref<25x64xi32, #tpu.memory_space<hbm>>) dst(%arg5 : memref<25x64xi32, #tpu.memory_space<vmem>>)
      tpu.yield
    }) : () -> ()
    %dma_start3A = arith.constant 0 : i32
    %dma_start3A_1 = arith.constant 0 : i32
    %dma_start3A_2 = arith.constant 0 : i32
    %dma_start3A_3 = arith.constant 0 : i32
    %dma_start3A_4 = tpu.memref_slice %arg6[%dma_start3A_1, %dma_start3A_2, %dma_start3A_3] : memref<5x64x128xf32, #tpu.memory_space<vmem>> -> memref<1x64x128xf32, #tpu.memory_space<vmem>>
    %dma_start3A_5 = tpu.memref_squeeze %dma_start3A_4 : memref<1x64x128xf32, #tpu.memory_space<vmem>> -> memref<64x128xf32, #tpu.memory_space<vmem>>
    %dma_start3A_6 = arith.constant 0 : i32
    %dma_start3A_7 = tpu.memref_slice %arg5[%dma_start3A, %dma_start3A_6] : memref<25x64xi32, #tpu.memory_space<vmem>> -> memref<1x64xi32, #tpu.memory_space<vmem>>
    %dma_start3A_8 = tpu.memref_squeeze %dma_start3A_7 : memref<1x64xi32, #tpu.memory_space<vmem>> -> memref<64xi32, #tpu.memory_space<vmem>>
    %dma_start3A_9 = arith.constant 0 : i32
    %dma_start3A_10 = arith.constant 0 : i32
    %dma_start3A_11 = tpu.memref_slice %arg3[%dma_start3A_9, %dma_start3A_10] : memref<1024x128xf32, #tpu.memory_space<hbm>> -> memref<1024x128xf32, #tpu.memory_space<hbm>>
    tpu.enqueue_indirect_dma source(%dma_start3A_11 : memref<1024x128xf32, #tpu.memory_space<hbm>>) target(%dma_start3A_5 : memref<64x128xf32, #tpu.memory_space<vmem>>) offsets(%dma_start3A_8 : memref<64xi32, #tpu.memory_space<vmem>>) semaphore(%arg7 : memref<!tpu.dma_semaphore, #tpu.memory_space<semaphore_mem>>)
    %dma_start3A_12 = arith.constant 1 : i32
    %dma_start3A_13 = arith.constant 1 : i32
    %dma_start3A_14 = arith.constant 0 : i32
    %dma_start3A_15 = arith.constant 0 : i32
    %dma_start3A_16 = tpu.memref_slice %arg6[%dma_start3A_13, %dma_start3A_14, %dma_start3A_15] : memref<5x64x128xf32, #tpu.memory_space<vmem>> -> memref<1x64x128xf32, #tpu.memory_space<vmem>>
    %dma_start3A_17 = tpu.memref_squeeze %dma_start3A_16 : memref<1x64x128xf32, #tpu.memory_space<vmem>> -> memref<64x128xf32, #tpu.memory_space<vmem>>
    %dma_start3A_18 = arith.constant 0 : i32
    %dma_start3A_19 = tpu.memref_slice %arg5[%dma_start3A_12, %dma_start3A_18] : memref<25x64xi32, #tpu.memory_space<vmem>> -> memref<1x64xi32, #tpu.memory_space<vmem>>
    %dma_start3A_20 = tpu.memref_squeeze %dma_start3A_19 : memref<1x64xi32, #tpu.memory_space<vmem>> -> memref<64xi32, #tpu.memory_space<vmem>>
    %dma_start3A_21 = arith.constant 0 : i32
    %dma_start3A_22 = arith.constant 0 : i32
    %dma_start3A_23 = tpu.memref_slice %arg3[%dma_start3A_21, %dma_start3A_22] : memref<1024x128xf32, #tpu.memory_space<hbm>> -> memref<1024x128xf32, #tpu.memory_space<hbm>>
    tpu.enqueue_indirect_dma source(%dma_start3A_23 : memref<1024x128xf32, #tpu.memory_space<hbm>>) target(%dma_start3A_17 : memref<64x128xf32, #tpu.memory_space<vmem>>) offsets(%dma_start3A_20 : memref<64xi32, #tpu.memory_space<vmem>>) semaphore(%arg7 : memref<!tpu.dma_semaphore, #tpu.memory_space<semaphore_mem>>)
    %dma_start3A_24 = arith.constant 2 : i32
    %dma_start3A_25 = arith.constant 2 : i32
    %dma_start3A_26 = arith.constant 0 : i32
    %dma_start3A_27 = arith.constant 0 : i32
    %dma_start3A_28 = tpu.memref_slice %arg6[%dma_start3A_25, %dma_start3A_26, %dma_start3A_27] : memref<5x64x128xf32, #tpu.memory_space<vmem>> -> memref<1x64x128xf32, #tpu.memory_space<vmem>>
    %dma_start3A_29 = tpu.memref_squeeze %dma_start3A_28 : memref<1x64x128xf32, #tpu.memory_space<vmem>> -> memref<64x128xf32, #tpu.memory_space<vmem>>
    %dma_start3A_30 = arith.constant 0 : i32
    %dma_start3A_31 = tpu.memref_slice %arg5[%dma_start3A_24, %dma_start3A_30] : memref<25x64xi32, #tpu.memory_space<vmem>> -> memref<1x64xi32, #tpu.memory_space<vmem>>
    %dma_start3A_32 = tpu.memref_squeeze %dma_start3A_31 : memref<1x64xi32, #tpu.memory_space<vmem>> -> memref<64xi32, #tpu.memory_space<vmem>>
    %dma_start3A_33 = arith.constant 0 : i32
    %dma_start3A_34 = arith.constant 0 : i32
    %dma_start3A_35 = tpu.memref_slice %arg3[%dma_start3A_33, %dma_start3A_34] : memref<1024x128xf32, #tpu.memory_space<hbm>> -> memref<1024x128xf32, #tpu.memory_space<hbm>>
    tpu.enqueue_indirect_dma source(%dma_start3A_35 : memref<1024x128xf32, #tpu.memory_space<hbm>>) target(%dma_start3A_29 : memref<64x128xf32, #tpu.memory_space<vmem>>) offsets(%dma_start3A_32 : memref<64xi32, #tpu.memory_space<vmem>>) semaphore(%arg7 : memref<!tpu.dma_semaphore, #tpu.memory_space<semaphore_mem>>)
    %dma_start3A_36 = arith.constant 3 : i32
    %dma_start3A_37 = arith.constant 3 : i32
    %dma_start3A_38 = arith.constant 0 : i32
    %dma_start3A_39 = arith.constant 0 : i32
    %dma_start3A_40 = tpu.memref_slice %arg6[%dma_start3A_37, %dma_start3A_38, %dma_start3A_39] : memref<5x64x128xf32, #tpu.memory_space<vmem>> -> memref<1x64x128xf32, #tpu.memory_space<vmem>>
    %dma_start3A_41 = tpu.memref_squeeze %dma_start3A_40 : memref<1x64x128xf32, #tpu.memory_space<vmem>> -> memref<64x128xf32, #tpu.memory_space<vmem>>
    %dma_start3A_42 = arith.constant 0 : i32
    %dma_start3A_43 = tpu.memref_slice %arg5[%dma_start3A_36, %dma_start3A_42] : memref<25x64xi32, #tpu.memory_space<vmem>> -> memref<1x64xi32, #tpu.memory_space<vmem>>
    %dma_start3A_44 = tpu.memref_squeeze %dma_start3A_43 : memref<1x64xi32, #tpu.memory_space<vmem>> -> memref<64xi32, #tpu.memory_space<vmem>>
    %dma_start3A_45 = arith.constant 0 : i32
    %dma_start3A_46 = arith.constant 0 : i32
    %dma_start3A_47 = tpu.memref_slice %arg3[%dma_start3A_45, %dma_start3A_46] : memref<1024x128xf32, #tpu.memory_space<hbm>> -> memref<1024x128xf32, #tpu.memory_space<hbm>>
    tpu.enqueue_indirect_dma source(%dma_start3A_47 : memref<1024x128xf32, #tpu.memory_space<hbm>>) target(%dma_start3A_41 : memref<64x128xf32, #tpu.memory_space<vmem>>) offsets(%dma_start3A_44 : memref<64xi32, #tpu.memory_space<vmem>>) semaphore(%arg7 : memref<!tpu.dma_semaphore, #tpu.memory_space<semaphore_mem>>)
    %dma_start3A_48 = arith.constant 4 : i32
    %dma_start3A_49 = arith.constant 4 : i32
    %dma_start3A_50 = arith.constant 0 : i32
    %dma_start3A_51 = arith.constant 0 : i32
    %dma_start3A_52 = tpu.memref_slice %arg6[%dma_start3A_49, %dma_start3A_50, %dma_start3A_51] : memref<5x64x128xf32, #tpu.memory_space<vmem>> -> memref<1x64x128xf32, #tpu.memory_space<vmem>>
    %dma_start3A_53 = tpu.memref_squeeze %dma_start3A_52 : memref<1x64x128xf32, #tpu.memory_space<vmem>> -> memref<64x128xf32, #tpu.memory_space<vmem>>
    %dma_start3A_54 = arith.constant 0 : i32
    %dma_start3A_55 = tpu.memref_slice %arg5[%dma_start3A_48, %dma_start3A_54] : memref<25x64xi32, #tpu.memory_space<vmem>> -> memref<1x64xi32, #tpu.memory_space<vmem>>
    %dma_start3A_56 = tpu.memref_squeeze %dma_start3A_55 : memref<1x64xi32, #tpu.memory_space<vmem>> -> memref<64xi32, #tpu.memory_space<vmem>>
    %dma_start3A_57 = arith.constant 0 : i32
    %dma_start3A_58 = arith.constant 0 : i32
    %dma_start3A_59 = tpu.memref_slice %arg3[%dma_start3A_57, %dma_start3A_58] : memref<1024x128xf32, #tpu.memory_space<hbm>> -> memref<1024x128xf32, #tpu.memory_space<hbm>>
    tpu.enqueue_indirect_dma source(%dma_start3A_59 : memref<1024x128xf32, #tpu.memory_space<hbm>>) target(%dma_start3A_53 : memref<64x128xf32, #tpu.memory_space<vmem>>) offsets(%dma_start3A_56 : memref<64xi32, #tpu.memory_space<vmem>>) semaphore(%arg7 : memref<!tpu.dma_semaphore, #tpu.memory_space<semaphore_mem>>)
    %dma_wait3A = arith.constant 0 : i32
    %dma_wait3A_60 = arith.constant 0 : i32
    %dma_wait3A_61 = arith.constant 0 : i32
    %dma_wait3A_62 = arith.constant 0 : i32
    %dma_wait3A_63 = tpu.memref_slice %arg6[%dma_wait3A_60, %dma_wait3A_61, %dma_wait3A_62] : memref<5x64x128xf32, #tpu.memory_space<vmem>> -> memref<1x64x128xf32, #tpu.memory_space<vmem>>
    %dma_wait3A_64 = tpu.memref_squeeze %dma_wait3A_63 : memref<1x64x128xf32, #tpu.memory_space<vmem>> -> memref<64x128xf32, #tpu.memory_space<vmem>>
    %dma_wait3A_65 = arith.constant 0 : i32
    %dma_wait3A_66 = tpu.memref_slice %arg5[%dma_wait3A, %dma_wait3A_65] : memref<25x64xi32, #tpu.memory_space<vmem>> -> memref<1x64xi32, #tpu.memory_space<vmem>>
    %dma_wait3A_67 = tpu.memref_squeeze %dma_wait3A_66 : memref<1x64xi32, #tpu.memory_space<vmem>> -> memref<64xi32, #tpu.memory_space<vmem>>
    %dma_wait3A_68 = arith.constant 0 : i32
    %dma_wait3A_69 = arith.constant 0 : i32
    %dma_wait3A_70 = tpu.memref_slice %arg3[%dma_wait3A_68, %dma_wait3A_69] : memref<1024x128xf32, #tpu.memory_space<hbm>> -> memref<1024x128xf32, #tpu.memory_space<hbm>>
    tpu.wait_indirect_dma semaphore(%arg7 : memref<!tpu.dma_semaphore, #tpu.memory_space<semaphore_mem>>) src(%dma_wait3A_70 : memref<1024x128xf32, #tpu.memory_space<hbm>>) dst(%dma_wait3A_64 : memref<64x128xf32, #tpu.memory_space<vmem>>)
    %dma_wait3A_71 = arith.constant 1 : i32
    %dma_wait3A_72 = arith.constant 1 : i32
    %dma_wait3A_73 = arith.constant 0 : i32
    %dma_wait3A_74 = arith.constant 0 : i32
    %dma_wait3A_75 = tpu.memref_slice %arg6[%dma_wait3A_72, %dma_wait3A_73, %dma_wait3A_74] : memref<5x64x128xf32, #tpu.memory_space<vmem>> -> memref<1x64x128xf32, #tpu.memory_space<vmem>>
    %dma_wait3A_76 = tpu.memref_squeeze %dma_wait3A_75 : memref<1x64x128xf32, #tpu.memory_space<vmem>> -> memref<64x128xf32, #tpu.memory_space<vmem>>
    %dma_wait3A_77 = arith.constant 0 : i32
    %dma_wait3A_78 = tpu.memref_slice %arg5[%dma_wait3A_71, %dma_wait3A_77] : memref<25x64xi32, #tpu.memory_space<vmem>> -> memref<1x64xi32, #tpu.memory_space<vmem>>
    %dma_wait3A_79 = tpu.memref_squeeze %dma_wait3A_78 : memref<1x64xi32, #tpu.memory_space<vmem>> -> memref<64xi32, #tpu.memory_space<vmem>>
    %dma_wait3A_80 = arith.constant 0 : i32
    %dma_wait3A_81 = arith.constant 0 : i32
    %dma_wait3A_82 = tpu.memref_slice %arg3[%dma_wait3A_80, %dma_wait3A_81] : memref<1024x128xf32, #tpu.memory_space<hbm>> -> memref<1024x128xf32, #tpu.memory_space<hbm>>
    tpu.wait_indirect_dma semaphore(%arg7 : memref<!tpu.dma_semaphore, #tpu.memory_space<semaphore_mem>>) src(%dma_wait3A_82 : memref<1024x128xf32, #tpu.memory_space<hbm>>) dst(%dma_wait3A_76 : memref<64x128xf32, #tpu.memory_space<vmem>>)
    %dma_wait3A_83 = arith.constant 2 : i32
    %dma_wait3A_84 = arith.constant 2 : i32
    %dma_wait3A_85 = arith.constant 0 : i32
    %dma_wait3A_86 = arith.constant 0 : i32
    %dma_wait3A_87 = tpu.memref_slice %arg6[%dma_wait3A_84, %dma_wait3A_85, %dma_wait3A_86] : memref<5x64x128xf32, #tpu.memory_space<vmem>> -> memref<1x64x128xf32, #tpu.memory_space<vmem>>
    %dma_wait3A_88 = tpu.memref_squeeze %dma_wait3A_87 : memref<1x64x128xf32, #tpu.memory_space<vmem>> -> memref<64x128xf32, #tpu.memory_space<vmem>>
    %dma_wait3A_89 = arith.constant 0 : i32
    %dma_wait3A_90 = tpu.memref_slice %arg5[%dma_wait3A_83, %dma_wait3A_89] : memref<25x64xi32, #tpu.memory_space<vmem>> -> memref<1x64xi32, #tpu.memory_space<vmem>>
    %dma_wait3A_91 = tpu.memref_squeeze %dma_wait3A_90 : memref<1x64xi32, #tpu.memory_space<vmem>> -> memref<64xi32, #tpu.memory_space<vmem>>
    %dma_wait3A_92 = arith.constant 0 : i32
    %dma_wait3A_93 = arith.constant 0 : i32
    %dma_wait3A_94 = tpu.memref_slice %arg3[%dma_wait3A_92, %dma_wait3A_93] : memref<1024x128xf32, #tpu.memory_space<hbm>> -> memref<1024x128xf32, #tpu.memory_space<hbm>>
    tpu.wait_indirect_dma semaphore(%arg7 : memref<!tpu.dma_semaphore, #tpu.memory_space<semaphore_mem>>) src(%dma_wait3A_94 : memref<1024x128xf32, #tpu.memory_space<hbm>>) dst(%dma_wait3A_88 : memref<64x128xf32, #tpu.memory_space<vmem>>)
    %dma_wait3A_95 = arith.constant 3 : i32
    %dma_wait3A_96 = arith.constant 3 : i32
    %dma_wait3A_97 = arith.constant 0 : i32
    %dma_wait3A_98 = arith.constant 0 : i32
    %dma_wait3A_99 = tpu.memref_slice %arg6[%dma_wait3A_96, %dma_wait3A_97, %dma_wait3A_98] : memref<5x64x128xf32, #tpu.memory_space<vmem>> -> memref<1x64x128xf32, #tpu.memory_space<vmem>>
    %dma_wait3A_100 = tpu.memref_squeeze %dma_wait3A_99 : memref<1x64x128xf32, #tpu.memory_space<vmem>> -> memref<64x128xf32, #tpu.memory_space<vmem>>
    %dma_wait3A_101 = arith.constant 0 : i32
    %dma_wait3A_102 = tpu.memref_slice %arg5[%dma_wait3A_95, %dma_wait3A_101] : memref<25x64xi32, #tpu.memory_space<vmem>> -> memref<1x64xi32, #tpu.memory_space<vmem>>
    %dma_wait3A_103 = tpu.memref_squeeze %dma_wait3A_102 : memref<1x64xi32, #tpu.memory_space<vmem>> -> memref<64xi32, #tpu.memory_space<vmem>>
    %dma_wait3A_104 = arith.constant 0 : i32
    %dma_wait3A_105 = arith.constant 0 : i32
    %dma_wait3A_106 = tpu.memref_slice %arg3[%dma_wait3A_104, %dma_wait3A_105] : memref<1024x128xf32, #tpu.memory_space<hbm>> -> memref<1024x128xf32, #tpu.memory_space<hbm>>
    tpu.wait_indirect_dma semaphore(%arg7 : memref<!tpu.dma_semaphore, #tpu.memory_space<semaphore_mem>>) src(%dma_wait3A_106 : memref<1024x128xf32, #tpu.memory_space<hbm>>) dst(%dma_wait3A_100 : memref<64x128xf32, #tpu.memory_space<vmem>>)
    %dma_wait3A_107 = arith.constant 4 : i32
    %dma_wait3A_108 = arith.constant 4 : i32
    %dma_wait3A_109 = arith.constant 0 : i32
    %dma_wait3A_110 = arith.constant 0 : i32
    %dma_wait3A_111 = tpu.memref_slice %arg6[%dma_wait3A_108, %dma_wait3A_109, %dma_wait3A_110] : memref<5x64x128xf32, #tpu.memory_space<vmem>> -> memref<1x64x128xf32, #tpu.memory_space<vmem>>
    %dma_wait3A_112 = tpu.memref_squeeze %dma_wait3A_111 : memref<1x64x128xf32, #tpu.memory_space<vmem>> -> memref<64x128xf32, #tpu.memory_space<vmem>>
    %dma_wait3A_113 = arith.constant 0 : i32
    %dma_wait3A_114 = tpu.memref_slice %arg5[%dma_wait3A_107, %dma_wait3A_113] : memref<25x64xi32, #tpu.memory_space<vmem>> -> memref<1x64xi32, #tpu.memory_space<vmem>>
    %dma_wait3A_115 = tpu.memref_squeeze %dma_wait3A_114 : memref<1x64xi32, #tpu.memory_space<vmem>> -> memref<64xi32, #tpu.memory_space<vmem>>
    %dma_wait3A_116 = arith.constant 0 : i32
    %dma_wait3A_117 = arith.constant 0 : i32
    %dma_wait3A_118 = tpu.memref_slice %arg3[%dma_wait3A_116, %dma_wait3A_117] : memref<1024x128xf32, #tpu.memory_space<hbm>> -> memref<1024x128xf32, #tpu.memory_space<hbm>>
    tpu.wait_indirect_dma semaphore(%arg7 : memref<!tpu.dma_semaphore, #tpu.memory_space<semaphore_mem>>) src(%dma_wait3A_118 : memref<1024x128xf32, #tpu.memory_space<hbm>>) dst(%dma_wait3A_112 : memref<64x128xf32, #tpu.memory_space<vmem>>)
    %run_scoped3A = arith.constant 0 : i32
    "tpu.region"() ({
      %run_scoped3A_603 = tpu.sem_alloc : memref<!tpu.dma_semaphore, #tpu.memory_space<semaphore_mem>>
      %dma_start3A_604 = arith.constant 0 : i32
      %dma_start3A_605 = arith.constant 0 : i32
      %dma_start3A_606 = arith.constant 0 : i32
      %dma_start3A_607 = tpu.memref_slice %arg4[%add3A, %run_scoped3A, %dma_start3A_604, %dma_start3A_605, %dma_start3A_606] : memref<32x5x5x64x128xf32, #tpu.memory_space<hbm>> -> memref<1x1x5x64x128xf32, #tpu.memory_space<hbm>>
      %dma_start3A_608 = tpu.memref_squeeze %dma_start3A_607 : memref<1x1x5x64x128xf32, #tpu.memory_space<hbm>> -> memref<5x64x128xf32, #tpu.memory_space<hbm>>
      %dma_start3A_609 = arith.constant 0 : i32
      %dma_start3A_610 = arith.constant 0 : i32
      %dma_start3A_611 = arith.constant 0 : i32
      %dma_start3A_612 = tpu.memref_slice %arg4[%add3A, %run_scoped3A, %dma_start3A_609, %dma_start3A_610, %dma_start3A_611] : memref<32x5x5x64x128xf32, #tpu.memory_space<hbm>> -> memref<1x1x5x64x128xf32, #tpu.memory_space<hbm>>
      %dma_start3A_613 = tpu.memref_squeeze %dma_start3A_612 : memref<1x1x5x64x128xf32, #tpu.memory_space<hbm>> -> memref<5x64x128xf32, #tpu.memory_space<hbm>>
      tpu.enqueue_dma source(%arg6 : memref<5x64x128xf32, #tpu.memory_space<vmem>>) target(%dma_start3A_613 : memref<5x64x128xf32, #tpu.memory_space<hbm>>) target_semaphore(%run_scoped3A_603 : memref<!tpu.dma_semaphore, #tpu.memory_space<semaphore_mem>>)
      %dma_wait3A_614 = arith.constant 0 : i32
      %dma_wait3A_615 = arith.constant 0 : i32
      %dma_wait3A_616 = arith.constant 0 : i32
      %dma_wait3A_617 = tpu.memref_slice %arg4[%add3A, %run_scoped3A, %dma_wait3A_614, %dma_wait3A_615, %dma_wait3A_616] : memref<32x5x5x64x128xf32, #tpu.memory_space<hbm>> -> memref<1x1x5x64x128xf32, #tpu.memory_space<hbm>>
      %dma_wait3A_618 = tpu.memref_squeeze %dma_wait3A_617 : memref<1x1x5x64x128xf32, #tpu.memory_space<hbm>> -> memref<5x64x128xf32, #tpu.memory_space<hbm>>
      %dma_wait3A_619 = arith.constant 0 : i32
      %dma_wait3A_620 = arith.constant 0 : i32
      %dma_wait3A_621 = arith.constant 0 : i32
      %dma_wait3A_622 = tpu.memref_slice %arg4[%add3A, %run_scoped3A, %dma_wait3A_619, %dma_wait3A_620, %dma_wait3A_621] : memref<32x5x5x64x128xf32, #tpu.memory_space<hbm>> -> memref<1x1x5x64x128xf32, #tpu.memory_space<hbm>>
      %dma_wait3A_623 = tpu.memref_squeeze %dma_wait3A_622 : memref<1x1x5x64x128xf32, #tpu.memory_space<hbm>> -> memref<5x64x128xf32, #tpu.memory_space<hbm>>
      tpu.wait_dma2 semaphore(%run_scoped3A_603 : memref<!tpu.dma_semaphore, #tpu.memory_space<semaphore_mem>>) src(%arg6 : memref<5x64x128xf32, #tpu.memory_space<vmem>>) dst(%dma_wait3A_623 : memref<5x64x128xf32, #tpu.memory_space<hbm>>)
      tpu.yield
    }) : () -> ()
    %dma_start3A_119 = arith.constant 5 : i32
    %dma_start3A_120 = arith.constant 0 : i32
    %dma_start3A_121 = arith.constant 0 : i32
    %dma_start3A_122 = arith.constant 0 : i32
    %dma_start3A_123 = tpu.memref_slice %arg6[%dma_start3A_120, %dma_start3A_121, %dma_start3A_122] : memref<5x64x128xf32, #tpu.memory_space<vmem>> -> memref<1x64x128xf32, #tpu.memory_space<vmem>>
    %dma_start3A_124 = tpu.memref_squeeze %dma_start3A_123 : memref<1x64x128xf32, #tpu.memory_space<vmem>> -> memref<64x128xf32, #tpu.memory_space<vmem>>
    %dma_start3A_125 = arith.constant 0 : i32
    %dma_start3A_126 = tpu.memref_slice %arg5[%dma_start3A_119, %dma_start3A_125] : memref<25x64xi32, #tpu.memory_space<vmem>> -> memref<1x64xi32, #tpu.memory_space<vmem>>
    %dma_start3A_127 = tpu.memref_squeeze %dma_start3A_126 : memref<1x64xi32, #tpu.memory_space<vmem>> -> memref<64xi32, #tpu.memory_space<vmem>>
    %dma_start3A_128 = arith.constant 0 : i32
    %dma_start3A_129 = arith.constant 0 : i32
    %dma_start3A_130 = tpu.memref_slice %arg3[%dma_start3A_128, %dma_start3A_129] : memref<1024x128xf32, #tpu.memory_space<hbm>> -> memref<1024x128xf32, #tpu.memory_space<hbm>>
    tpu.enqueue_indirect_dma source(%dma_start3A_130 : memref<1024x128xf32, #tpu.memory_space<hbm>>) target(%dma_start3A_124 : memref<64x128xf32, #tpu.memory_space<vmem>>) offsets(%dma_start3A_127 : memref<64xi32, #tpu.memory_space<vmem>>) semaphore(%arg7 : memref<!tpu.dma_semaphore, #tpu.memory_space<semaphore_mem>>)
    %dma_start3A_131 = arith.constant 6 : i32
    %dma_start3A_132 = arith.constant 1 : i32
    %dma_start3A_133 = arith.constant 0 : i32
    %dma_start3A_134 = arith.constant 0 : i32
    %dma_start3A_135 = tpu.memref_slice %arg6[%dma_start3A_132, %dma_start3A_133, %dma_start3A_134] : memref<5x64x128xf32, #tpu.memory_space<vmem>> -> memref<1x64x128xf32, #tpu.memory_space<vmem>>
    %dma_start3A_136 = tpu.memref_squeeze %dma_start3A_135 : memref<1x64x128xf32, #tpu.memory_space<vmem>> -> memref<64x128xf32, #tpu.memory_space<vmem>>
    %dma_start3A_137 = arith.constant 0 : i32
    %dma_start3A_138 = tpu.memref_slice %arg5[%dma_start3A_131, %dma_start3A_137] : memref<25x64xi32, #tpu.memory_space<vmem>> -> memref<1x64xi32, #tpu.memory_space<vmem>>
    %dma_start3A_139 = tpu.memref_squeeze %dma_start3A_138 : memref<1x64xi32, #tpu.memory_space<vmem>> -> memref<64xi32, #tpu.memory_space<vmem>>
    %dma_start3A_140 = arith.constant 0 : i32
    %dma_start3A_141 = arith.constant 0 : i32
    %dma_start3A_142 = tpu.memref_slice %arg3[%dma_start3A_140, %dma_start3A_141] : memref<1024x128xf32, #tpu.memory_space<hbm>> -> memref<1024x128xf32, #tpu.memory_space<hbm>>
    tpu.enqueue_indirect_dma source(%dma_start3A_142 : memref<1024x128xf32, #tpu.memory_space<hbm>>) target(%dma_start3A_136 : memref<64x128xf32, #tpu.memory_space<vmem>>) offsets(%dma_start3A_139 : memref<64xi32, #tpu.memory_space<vmem>>) semaphore(%arg7 : memref<!tpu.dma_semaphore, #tpu.memory_space<semaphore_mem>>)
    %dma_start3A_143 = arith.constant 7 : i32
    %dma_start3A_144 = arith.constant 2 : i32
    %dma_start3A_145 = arith.constant 0 : i32
    %dma_start3A_146 = arith.constant 0 : i32
    %dma_start3A_147 = tpu.memref_slice %arg6[%dma_start3A_144, %dma_start3A_145, %dma_start3A_146] : memref<5x64x128xf32, #tpu.memory_space<vmem>> -> memref<1x64x128xf32, #tpu.memory_space<vmem>>
    %dma_start3A_148 = tpu.memref_squeeze %dma_start3A_147 : memref<1x64x128xf32, #tpu.memory_space<vmem>> -> memref<64x128xf32, #tpu.memory_space<vmem>>
    %dma_start3A_149 = arith.constant 0 : i32
    %dma_start3A_150 = tpu.memref_slice %arg5[%dma_start3A_143, %dma_start3A_149] : memref<25x64xi32, #tpu.memory_space<vmem>> -> memref<1x64xi32, #tpu.memory_space<vmem>>
    %dma_start3A_151 = tpu.memref_squeeze %dma_start3A_150 : memref<1x64xi32, #tpu.memory_space<vmem>> -> memref<64xi32, #tpu.memory_space<vmem>>
    %dma_start3A_152 = arith.constant 0 : i32
    %dma_start3A_153 = arith.constant 0 : i32
    %dma_start3A_154 = tpu.memref_slice %arg3[%dma_start3A_152, %dma_start3A_153] : memref<1024x128xf32, #tpu.memory_space<hbm>> -> memref<1024x128xf32, #tpu.memory_space<hbm>>
    tpu.enqueue_indirect_dma source(%dma_start3A_154 : memref<1024x128xf32, #tpu.memory_space<hbm>>) target(%dma_start3A_148 : memref<64x128xf32, #tpu.memory_space<vmem>>) offsets(%dma_start3A_151 : memref<64xi32, #tpu.memory_space<vmem>>) semaphore(%arg7 : memref<!tpu.dma_semaphore, #tpu.memory_space<semaphore_mem>>)
    %dma_start3A_155 = arith.constant 8 : i32
    %dma_start3A_156 = arith.constant 3 : i32
    %dma_start3A_157 = arith.constant 0 : i32
    %dma_start3A_158 = arith.constant 0 : i32
    %dma_start3A_159 = tpu.memref_slice %arg6[%dma_start3A_156, %dma_start3A_157, %dma_start3A_158] : memref<5x64x128xf32, #tpu.memory_space<vmem>> -> memref<1x64x128xf32, #tpu.memory_space<vmem>>
    %dma_start3A_160 = tpu.memref_squeeze %dma_start3A_159 : memref<1x64x128xf32, #tpu.memory_space<vmem>> -> memref<64x128xf32, #tpu.memory_space<vmem>>
    %dma_start3A_161 = arith.constant 0 : i32
    %dma_start3A_162 = tpu.memref_slice %arg5[%dma_start3A_155, %dma_start3A_161] : memref<25x64xi32, #tpu.memory_space<vmem>> -> memref<1x64xi32, #tpu.memory_space<vmem>>
    %dma_start3A_163 = tpu.memref_squeeze %dma_start3A_162 : memref<1x64xi32, #tpu.memory_space<vmem>> -> memref<64xi32, #tpu.memory_space<vmem>>
    %dma_start3A_164 = arith.constant 0 : i32
    %dma_start3A_165 = arith.constant 0 : i32
    %dma_start3A_166 = tpu.memref_slice %arg3[%dma_start3A_164, %dma_start3A_165] : memref<1024x128xf32, #tpu.memory_space<hbm>> -> memref<1024x128xf32, #tpu.memory_space<hbm>>
    tpu.enqueue_indirect_dma source(%dma_start3A_166 : memref<1024x128xf32, #tpu.memory_space<hbm>>) target(%dma_start3A_160 : memref<64x128xf32, #tpu.memory_space<vmem>>) offsets(%dma_start3A_163 : memref<64xi32, #tpu.memory_space<vmem>>) semaphore(%arg7 : memref<!tpu.dma_semaphore, #tpu.memory_space<semaphore_mem>>)
    %dma_start3A_167 = arith.constant 9 : i32
    %dma_start3A_168 = arith.constant 4 : i32
    %dma_start3A_169 = arith.constant 0 : i32
    %dma_start3A_170 = arith.constant 0 : i32
    %dma_start3A_171 = tpu.memref_slice %arg6[%dma_start3A_168, %dma_start3A_169, %dma_start3A_170] : memref<5x64x128xf32, #tpu.memory_space<vmem>> -> memref<1x64x128xf32, #tpu.memory_space<vmem>>
    %dma_start3A_172 = tpu.memref_squeeze %dma_start3A_171 : memref<1x64x128xf32, #tpu.memory_space<vmem>> -> memref<64x128xf32, #tpu.memory_space<vmem>>
    %dma_start3A_173 = arith.constant 0 : i32
    %dma_start3A_174 = tpu.memref_slice %arg5[%dma_start3A_167, %dma_start3A_173] : memref<25x64xi32, #tpu.memory_space<vmem>> -> memref<1x64xi32, #tpu.memory_space<vmem>>
    %dma_start3A_175 = tpu.memref_squeeze %dma_start3A_174 : memref<1x64xi32, #tpu.memory_space<vmem>> -> memref<64xi32, #tpu.memory_space<vmem>>
    %dma_start3A_176 = arith.constant 0 : i32
    %dma_start3A_177 = arith.constant 0 : i32
    %dma_start3A_178 = tpu.memref_slice %arg3[%dma_start3A_176, %dma_start3A_177] : memref<1024x128xf32, #tpu.memory_space<hbm>> -> memref<1024x128xf32, #tpu.memory_space<hbm>>
    tpu.enqueue_indirect_dma source(%dma_start3A_178 : memref<1024x128xf32, #tpu.memory_space<hbm>>) target(%dma_start3A_172 : memref<64x128xf32, #tpu.memory_space<vmem>>) offsets(%dma_start3A_175 : memref<64xi32, #tpu.memory_space<vmem>>) semaphore(%arg7 : memref<!tpu.dma_semaphore, #tpu.memory_space<semaphore_mem>>)
    %dma_wait3A_179 = arith.constant 5 : i32
    %dma_wait3A_180 = arith.constant 0 : i32
    %dma_wait3A_181 = arith.constant 0 : i32
    %dma_wait3A_182 = arith.constant 0 : i32
    %dma_wait3A_183 = tpu.memref_slice %arg6[%dma_wait3A_180, %dma_wait3A_181, %dma_wait3A_182] : memref<5x64x128xf32, #tpu.memory_space<vmem>> -> memref<1x64x128xf32, #tpu.memory_space<vmem>>
    %dma_wait3A_184 = tpu.memref_squeeze %dma_wait3A_183 : memref<1x64x128xf32, #tpu.memory_space<vmem>> -> memref<64x128xf32, #tpu.memory_space<vmem>>
    %dma_wait3A_185 = arith.constant 0 : i32
    %dma_wait3A_186 = tpu.memref_slice %arg5[%dma_wait3A_179, %dma_wait3A_185] : memref<25x64xi32, #tpu.memory_space<vmem>> -> memref<1x64xi32, #tpu.memory_space<vmem>>
    %dma_wait3A_187 = tpu.memref_squeeze %dma_wait3A_186 : memref<1x64xi32, #tpu.memory_space<vmem>> -> memref<64xi32, #tpu.memory_space<vmem>>
    %dma_wait3A_188 = arith.constant 0 : i32
    %dma_wait3A_189 = arith.constant 0 : i32
    %dma_wait3A_190 = tpu.memref_slice %arg3[%dma_wait3A_188, %dma_wait3A_189] : memref<1024x128xf32, #tpu.memory_space<hbm>> -> memref<1024x128xf32, #tpu.memory_space<hbm>>
    tpu.wait_indirect_dma semaphore(%arg7 : memref<!tpu.dma_semaphore, #tpu.memory_space<semaphore_mem>>) src(%dma_wait3A_190 : memref<1024x128xf32, #tpu.memory_space<hbm>>) dst(%dma_wait3A_184 : memref<64x128xf32, #tpu.memory_space<vmem>>)
    %dma_wait3A_191 = arith.constant 6 : i32
    %dma_wait3A_192 = arith.constant 1 : i32
    %dma_wait3A_193 = arith.constant 0 : i32
    %dma_wait3A_194 = arith.constant 0 : i32
    %dma_wait3A_195 = tpu.memref_slice %arg6[%dma_wait3A_192, %dma_wait3A_193, %dma_wait3A_194] : memref<5x64x128xf32, #tpu.memory_space<vmem>> -> memref<1x64x128xf32, #tpu.memory_space<vmem>>
    %dma_wait3A_196 = tpu.memref_squeeze %dma_wait3A_195 : memref<1x64x128xf32, #tpu.memory_space<vmem>> -> memref<64x128xf32, #tpu.memory_space<vmem>>
    %dma_wait3A_197 = arith.constant 0 : i32
    %dma_wait3A_198 = tpu.memref_slice %arg5[%dma_wait3A_191, %dma_wait3A_197] : memref<25x64xi32, #tpu.memory_space<vmem>> -> memref<1x64xi32, #tpu.memory_space<vmem>>
    %dma_wait3A_199 = tpu.memref_squeeze %dma_wait3A_198 : memref<1x64xi32, #tpu.memory_space<vmem>> -> memref<64xi32, #tpu.memory_space<vmem>>
    %dma_wait3A_200 = arith.constant 0 : i32
    %dma_wait3A_201 = arith.constant 0 : i32
    %dma_wait3A_202 = tpu.memref_slice %arg3[%dma_wait3A_200, %dma_wait3A_201] : memref<1024x128xf32, #tpu.memory_space<hbm>> -> memref<1024x128xf32, #tpu.memory_space<hbm>>
    tpu.wait_indirect_dma semaphore(%arg7 : memref<!tpu.dma_semaphore, #tpu.memory_space<semaphore_mem>>) src(%dma_wait3A_202 : memref<1024x128xf32, #tpu.memory_space<hbm>>) dst(%dma_wait3A_196 : memref<64x128xf32, #tpu.memory_space<vmem>>)
    %dma_wait3A_203 = arith.constant 7 : i32
    %dma_wait3A_204 = arith.constant 2 : i32
    %dma_wait3A_205 = arith.constant 0 : i32
    %dma_wait3A_206 = arith.constant 0 : i32
    %dma_wait3A_207 = tpu.memref_slice %arg6[%dma_wait3A_204, %dma_wait3A_205, %dma_wait3A_206] : memref<5x64x128xf32, #tpu.memory_space<vmem>> -> memref<1x64x128xf32, #tpu.memory_space<vmem>>
    %dma_wait3A_208 = tpu.memref_squeeze %dma_wait3A_207 : memref<1x64x128xf32, #tpu.memory_space<vmem>> -> memref<64x128xf32, #tpu.memory_space<vmem>>
    %dma_wait3A_209 = arith.constant 0 : i32
    %dma_wait3A_210 = tpu.memref_slice %arg5[%dma_wait3A_203, %dma_wait3A_209] : memref<25x64xi32, #tpu.memory_space<vmem>> -> memref<1x64xi32, #tpu.memory_space<vmem>>
    %dma_wait3A_211 = tpu.memref_squeeze %dma_wait3A_210 : memref<1x64xi32, #tpu.memory_space<vmem>> -> memref<64xi32, #tpu.memory_space<vmem>>
    %dma_wait3A_212 = arith.constant 0 : i32
    %dma_wait3A_213 = arith.constant 0 : i32
    %dma_wait3A_214 = tpu.memref_slice %arg3[%dma_wait3A_212, %dma_wait3A_213] : memref<1024x128xf32, #tpu.memory_space<hbm>> -> memref<1024x128xf32, #tpu.memory_space<hbm>>
    tpu.wait_indirect_dma semaphore(%arg7 : memref<!tpu.dma_semaphore, #tpu.memory_space<semaphore_mem>>) src(%dma_wait3A_214 : memref<1024x128xf32, #tpu.memory_space<hbm>>) dst(%dma_wait3A_208 : memref<64x128xf32, #tpu.memory_space<vmem>>)
    %dma_wait3A_215 = arith.constant 8 : i32
    %dma_wait3A_216 = arith.constant 3 : i32
    %dma_wait3A_217 = arith.constant 0 : i32
    %dma_wait3A_218 = arith.constant 0 : i32
    %dma_wait3A_219 = tpu.memref_slice %arg6[%dma_wait3A_216, %dma_wait3A_217, %dma_wait3A_218] : memref<5x64x128xf32, #tpu.memory_space<vmem>> -> memref<1x64x128xf32, #tpu.memory_space<vmem>>
    %dma_wait3A_220 = tpu.memref_squeeze %dma_wait3A_219 : memref<1x64x128xf32, #tpu.memory_space<vmem>> -> memref<64x128xf32, #tpu.memory_space<vmem>>
    %dma_wait3A_221 = arith.constant 0 : i32
    %dma_wait3A_222 = tpu.memref_slice %arg5[%dma_wait3A_215, %dma_wait3A_221] : memref<25x64xi32, #tpu.memory_space<vmem>> -> memref<1x64xi32, #tpu.memory_space<vmem>>
    %dma_wait3A_223 = tpu.memref_squeeze %dma_wait3A_222 : memref<1x64xi32, #tpu.memory_space<vmem>> -> memref<64xi32, #tpu.memory_space<vmem>>
    %dma_wait3A_224 = arith.constant 0 : i32
    %dma_wait3A_225 = arith.constant 0 : i32
    %dma_wait3A_226 = tpu.memref_slice %arg3[%dma_wait3A_224, %dma_wait3A_225] : memref<1024x128xf32, #tpu.memory_space<hbm>> -> memref<1024x128xf32, #tpu.memory_space<hbm>>
    tpu.wait_indirect_dma semaphore(%arg7 : memref<!tpu.dma_semaphore, #tpu.memory_space<semaphore_mem>>) src(%dma_wait3A_226 : memref<1024x128xf32, #tpu.memory_space<hbm>>) dst(%dma_wait3A_220 : memref<64x128xf32, #tpu.memory_space<vmem>>)
    %dma_wait3A_227 = arith.constant 9 : i32
    %dma_wait3A_228 = arith.constant 4 : i32
    %dma_wait3A_229 = arith.constant 0 : i32
    %dma_wait3A_230 = arith.constant 0 : i32
    %dma_wait3A_231 = tpu.memref_slice %arg6[%dma_wait3A_228, %dma_wait3A_229, %dma_wait3A_230] : memref<5x64x128xf32, #tpu.memory_space<vmem>> -> memref<1x64x128xf32, #tpu.memory_space<vmem>>
    %dma_wait3A_232 = tpu.memref_squeeze %dma_wait3A_231 : memref<1x64x128xf32, #tpu.memory_space<vmem>> -> memref<64x128xf32, #tpu.memory_space<vmem>>
    %dma_wait3A_233 = arith.constant 0 : i32
    %dma_wait3A_234 = tpu.memref_slice %arg5[%dma_wait3A_227, %dma_wait3A_233] : memref<25x64xi32, #tpu.memory_space<vmem>> -> memref<1x64xi32, #tpu.memory_space<vmem>>
    %dma_wait3A_235 = tpu.memref_squeeze %dma_wait3A_234 : memref<1x64xi32, #tpu.memory_space<vmem>> -> memref<64xi32, #tpu.memory_space<vmem>>
    %dma_wait3A_236 = arith.constant 0 : i32
    %dma_wait3A_237 = arith.constant 0 : i32
    %dma_wait3A_238 = tpu.memref_slice %arg3[%dma_wait3A_236, %dma_wait3A_237] : memref<1024x128xf32, #tpu.memory_space<hbm>> -> memref<1024x128xf32, #tpu.memory_space<hbm>>
    tpu.wait_indirect_dma semaphore(%arg7 : memref<!tpu.dma_semaphore, #tpu.memory_space<semaphore_mem>>) src(%dma_wait3A_238 : memref<1024x128xf32, #tpu.memory_space<hbm>>) dst(%dma_wait3A_232 : memref<64x128xf32, #tpu.memory_space<vmem>>)
    %run_scoped3A_239 = arith.constant 1 : i32
    "tpu.region"() ({
      %run_scoped3A_603 = tpu.sem_alloc : memref<!tpu.dma_semaphore, #tpu.memory_space<semaphore_mem>>
      %dma_start3A_604 = arith.constant 0 : i32
      %dma_start3A_605 = arith.constant 0 : i32
      %dma_start3A_606 = arith.constant 0 : i32
      %dma_start3A_607 = tpu.memref_slice %arg4[%add3A, %run_scoped3A_239, %dma_start3A_604, %dma_start3A_605, %dma_start3A_606] : memref<32x5x5x64x128xf32, #tpu.memory_space<hbm>> -> memref<1x1x5x64x128xf32, #tpu.memory_space<hbm>>
      %dma_start3A_608 = tpu.memref_squeeze %dma_start3A_607 : memref<1x1x5x64x128xf32, #tpu.memory_space<hbm>> -> memref<5x64x128xf32, #tpu.memory_space<hbm>>
      %dma_start3A_609 = arith.constant 0 : i32
      %dma_start3A_610 = arith.constant 0 : i32
      %dma_start3A_611 = arith.constant 0 : i32
      %dma_start3A_612 = tpu.memref_slice %arg4[%add3A, %run_scoped3A_239, %dma_start3A_609, %dma_start3A_610, %dma_start3A_611] : memref<32x5x5x64x128xf32, #tpu.memory_space<hbm>> -> memref<1x1x5x64x128xf32, #tpu.memory_space<hbm>>
      %dma_start3A_613 = tpu.memref_squeeze %dma_start3A_612 : memref<1x1x5x64x128xf32, #tpu.memory_space<hbm>> -> memref<5x64x128xf32, #tpu.memory_space<hbm>>
      tpu.enqueue_dma source(%arg6 : memref<5x64x128xf32, #tpu.memory_space<vmem>>) target(%dma_start3A_613 : memref<5x64x128xf32, #tpu.memory_space<hbm>>) target_semaphore(%run_scoped3A_603 : memref<!tpu.dma_semaphore, #tpu.memory_space<semaphore_mem>>)
      %dma_wait3A_614 = arith.constant 0 : i32
      %dma_wait3A_615 = arith.constant 0 : i32
      %dma_wait3A_616 = arith.constant 0 : i32
      %dma_wait3A_617 = tpu.memref_slice %arg4[%add3A, %run_scoped3A_239, %dma_wait3A_614, %dma_wait3A_615, %dma_wait3A_616] : memref<32x5x5x64x128xf32, #tpu.memory_space<hbm>> -> memref<1x1x5x64x128xf32, #tpu.memory_space<hbm>>
      %dma_wait3A_618 = tpu.memref_squeeze %dma_wait3A_617 : memref<1x1x5x64x128xf32, #tpu.memory_space<hbm>> -> memref<5x64x128xf32, #tpu.memory_space<hbm>>
      %dma_wait3A_619 = arith.constant 0 : i32
      %dma_wait3A_620 = arith.constant 0 : i32
      %dma_wait3A_621 = arith.constant 0 : i32
      %dma_wait3A_622 = tpu.memref_slice %arg4[%add3A, %run_scoped3A_239, %dma_wait3A_619, %dma_wait3A_620, %dma_wait3A_621] : memref<32x5x5x64x128xf32, #tpu.memory_space<hbm>> -> memref<1x1x5x64x128xf32, #tpu.memory_space<hbm>>
      %dma_wait3A_623 = tpu.memref_squeeze %dma_wait3A_622 : memref<1x1x5x64x128xf32, #tpu.memory_space<hbm>> -> memref<5x64x128xf32, #tpu.memory_space<hbm>>
      tpu.wait_dma2 semaphore(%run_scoped3A_603 : memref<!tpu.dma_semaphore, #tpu.memory_space<semaphore_mem>>) src(%arg6 : memref<5x64x128xf32, #tpu.memory_space<vmem>>) dst(%dma_wait3A_623 : memref<5x64x128xf32, #tpu.memory_space<hbm>>)
      tpu.yield
    }) : () -> ()
    %dma_start3A_240 = arith.constant 10 : i32
    %dma_start3A_241 = arith.constant 0 : i32
    %dma_start3A_242 = arith.constant 0 : i32
    %dma_start3A_243 = arith.constant 0 : i32
    %dma_start3A_244 = tpu.memref_slice %arg6[%dma_start3A_241, %dma_start3A_242, %dma_start3A_243] : memref<5x64x128xf32, #tpu.memory_space<vmem>> -> memref<1x64x128xf32, #tpu.memory_space<vmem>>
    %dma_start3A_245 = tpu.memref_squeeze %dma_start3A_244 : memref<1x64x128xf32, #tpu.memory_space<vmem>> -> memref<64x128xf32, #tpu.memory_space<vmem>>
    %dma_start3A_246 = arith.constant 0 : i32
    %dma_start3A_247 = tpu.memref_slice %arg5[%dma_start3A_240, %dma_start3A_246] : memref<25x64xi32, #tpu.memory_space<vmem>> -> memref<1x64xi32, #tpu.memory_space<vmem>>
    %dma_start3A_248 = tpu.memref_squeeze %dma_start3A_247 : memref<1x64xi32, #tpu.memory_space<vmem>> -> memref<64xi32, #tpu.memory_space<vmem>>
    %dma_start3A_249 = arith.constant 0 : i32
    %dma_start3A_250 = arith.constant 0 : i32
    %dma_start3A_251 = tpu.memref_slice %arg3[%dma_start3A_249, %dma_start3A_250] : memref<1024x128xf32, #tpu.memory_space<hbm>> -> memref<1024x128xf32, #tpu.memory_space<hbm>>
    tpu.enqueue_indirect_dma source(%dma_start3A_251 : memref<1024x128xf32, #tpu.memory_space<hbm>>) target(%dma_start3A_245 : memref<64x128xf32, #tpu.memory_space<vmem>>) offsets(%dma_start3A_248 : memref<64xi32, #tpu.memory_space<vmem>>) semaphore(%arg7 : memref<!tpu.dma_semaphore, #tpu.memory_space<semaphore_mem>>)
    %dma_start3A_252 = arith.constant 11 : i32
    %dma_start3A_253 = arith.constant 1 : i32
    %dma_start3A_254 = arith.constant 0 : i32
    %dma_start3A_255 = arith.constant 0 : i32
    %dma_start3A_256 = tpu.memref_slice %arg6[%dma_start3A_253, %dma_start3A_254, %dma_start3A_255] : memref<5x64x128xf32, #tpu.memory_space<vmem>> -> memref<1x64x128xf32, #tpu.memory_space<vmem>>
    %dma_start3A_257 = tpu.memref_squeeze %dma_start3A_256 : memref<1x64x128xf32, #tpu.memory_space<vmem>> -> memref<64x128xf32, #tpu.memory_space<vmem>>
    %dma_start3A_258 = arith.constant 0 : i32
    %dma_start3A_259 = tpu.memref_slice %arg5[%dma_start3A_252, %dma_start3A_258] : memref<25x64xi32, #tpu.memory_space<vmem>> -> memref<1x64xi32, #tpu.memory_space<vmem>>
    %dma_start3A_260 = tpu.memref_squeeze %dma_start3A_259 : memref<1x64xi32, #tpu.memory_space<vmem>> -> memref<64xi32, #tpu.memory_space<vmem>>
    %dma_start3A_261 = arith.constant 0 : i32
    %dma_start3A_262 = arith.constant 0 : i32
    %dma_start3A_263 = tpu.memref_slice %arg3[%dma_start3A_261, %dma_start3A_262] : memref<1024x128xf32, #tpu.memory_space<hbm>> -> memref<1024x128xf32, #tpu.memory_space<hbm>>
    tpu.enqueue_indirect_dma source(%dma_start3A_263 : memref<1024x128xf32, #tpu.memory_space<hbm>>) target(%dma_start3A_257 : memref<64x128xf32, #tpu.memory_space<vmem>>) offsets(%dma_start3A_260 : memref<64xi32, #tpu.memory_space<vmem>>) semaphore(%arg7 : memref<!tpu.dma_semaphore, #tpu.memory_space<semaphore_mem>>)
    %dma_start3A_264 = arith.constant 12 : i32
    %dma_start3A_265 = arith.constant 2 : i32
    %dma_start3A_266 = arith.constant 0 : i32
    %dma_start3A_267 = arith.constant 0 : i32
    %dma_start3A_268 = tpu.memref_slice %arg6[%dma_start3A_265, %dma_start3A_266, %dma_start3A_267] : memref<5x64x128xf32, #tpu.memory_space<vmem>> -> memref<1x64x128xf32, #tpu.memory_space<vmem>>
    %dma_start3A_269 = tpu.memref_squeeze %dma_start3A_268 : memref<1x64x128xf32, #tpu.memory_space<vmem>> -> memref<64x128xf32, #tpu.memory_space<vmem>>
    %dma_start3A_270 = arith.constant 0 : i32
    %dma_start3A_271 = tpu.memref_slice %arg5[%dma_start3A_264, %dma_start3A_270] : memref<25x64xi32, #tpu.memory_space<vmem>> -> memref<1x64xi32, #tpu.memory_space<vmem>>
    %dma_start3A_272 = tpu.memref_squeeze %dma_start3A_271 : memref<1x64xi32, #tpu.memory_space<vmem>> -> memref<64xi32, #tpu.memory_space<vmem>>
    %dma_start3A_273 = arith.constant 0 : i32
    %dma_start3A_274 = arith.constant 0 : i32
    %dma_start3A_275 = tpu.memref_slice %arg3[%dma_start3A_273, %dma_start3A_274] : memref<1024x128xf32, #tpu.memory_space<hbm>> -> memref<1024x128xf32, #tpu.memory_space<hbm>>
    tpu.enqueue_indirect_dma source(%dma_start3A_275 : memref<1024x128xf32, #tpu.memory_space<hbm>>) target(%dma_start3A_269 : memref<64x128xf32, #tpu.memory_space<vmem>>) offsets(%dma_start3A_272 : memref<64xi32, #tpu.memory_space<vmem>>) semaphore(%arg7 : memref<!tpu.dma_semaphore, #tpu.memory_space<semaphore_mem>>)
    %dma_start3A_276 = arith.constant 13 : i32
    %dma_start3A_277 = arith.constant 3 : i32
    %dma_start3A_278 = arith.constant 0 : i32
    %dma_start3A_279 = arith.constant 0 : i32
    %dma_start3A_280 = tpu.memref_slice %arg6[%dma_start3A_277, %dma_start3A_278, %dma_start3A_279] : memref<5x64x128xf32, #tpu.memory_space<vmem>> -> memref<1x64x128xf32, #tpu.memory_space<vmem>>
    %dma_start3A_281 = tpu.memref_squeeze %dma_start3A_280 : memref<1x64x128xf32, #tpu.memory_space<vmem>> -> memref<64x128xf32, #tpu.memory_space<vmem>>
    %dma_start3A_282 = arith.constant 0 : i32
    %dma_start3A_283 = tpu.memref_slice %arg5[%dma_start3A_276, %dma_start3A_282] : memref<25x64xi32, #tpu.memory_space<vmem>> -> memref<1x64xi32, #tpu.memory_space<vmem>>
    %dma_start3A_284 = tpu.memref_squeeze %dma_start3A_283 : memref<1x64xi32, #tpu.memory_space<vmem>> -> memref<64xi32, #tpu.memory_space<vmem>>
    %dma_start3A_285 = arith.constant 0 : i32
    %dma_start3A_286 = arith.constant 0 : i32
    %dma_start3A_287 = tpu.memref_slice %arg3[%dma_start3A_285, %dma_start3A_286] : memref<1024x128xf32, #tpu.memory_space<hbm>> -> memref<1024x128xf32, #tpu.memory_space<hbm>>
    tpu.enqueue_indirect_dma source(%dma_start3A_287 : memref<1024x128xf32, #tpu.memory_space<hbm>>) target(%dma_start3A_281 : memref<64x128xf32, #tpu.memory_space<vmem>>) offsets(%dma_start3A_284 : memref<64xi32, #tpu.memory_space<vmem>>) semaphore(%arg7 : memref<!tpu.dma_semaphore, #tpu.memory_space<semaphore_mem>>)
    %dma_start3A_288 = arith.constant 14 : i32
    %dma_start3A_289 = arith.constant 4 : i32
    %dma_start3A_290 = arith.constant 0 : i32
    %dma_start3A_291 = arith.constant 0 : i32
    %dma_start3A_292 = tpu.memref_slice %arg6[%dma_start3A_289, %dma_start3A_290, %dma_start3A_291] : memref<5x64x128xf32, #tpu.memory_space<vmem>> -> memref<1x64x128xf32, #tpu.memory_space<vmem>>
    %dma_start3A_293 = tpu.memref_squeeze %dma_start3A_292 : memref<1x64x128xf32, #tpu.memory_space<vmem>> -> memref<64x128xf32, #tpu.memory_space<vmem>>
    %dma_start3A_294 = arith.constant 0 : i32
    %dma_start3A_295 = tpu.memref_slice %arg5[%dma_start3A_288, %dma_start3A_294] : memref<25x64xi32, #tpu.memory_space<vmem>> -> memref<1x64xi32, #tpu.memory_space<vmem>>
    %dma_start3A_296 = tpu.memref_squeeze %dma_start3A_295 : memref<1x64xi32, #tpu.memory_space<vmem>> -> memref<64xi32, #tpu.memory_space<vmem>>
    %dma_start3A_297 = arith.constant 0 : i32
    %dma_start3A_298 = arith.constant 0 : i32
    %dma_start3A_299 = tpu.memref_slice %arg3[%dma_start3A_297, %dma_start3A_298] : memref<1024x128xf32, #tpu.memory_space<hbm>> -> memref<1024x128xf32, #tpu.memory_space<hbm>>
    tpu.enqueue_indirect_dma source(%dma_start3A_299 : memref<1024x128xf32, #tpu.memory_space<hbm>>) target(%dma_start3A_293 : memref<64x128xf32, #tpu.memory_space<vmem>>) offsets(%dma_start3A_296 : memref<64xi32, #tpu.memory_space<vmem>>) semaphore(%arg7 : memref<!tpu.dma_semaphore, #tpu.memory_space<semaphore_mem>>)
    %dma_wait3A_300 = arith.constant 10 : i32
    %dma_wait3A_301 = arith.constant 0 : i32
    %dma_wait3A_302 = arith.constant 0 : i32
    %dma_wait3A_303 = arith.constant 0 : i32
    %dma_wait3A_304 = tpu.memref_slice %arg6[%dma_wait3A_301, %dma_wait3A_302, %dma_wait3A_303] : memref<5x64x128xf32, #tpu.memory_space<vmem>> -> memref<1x64x128xf32, #tpu.memory_space<vmem>>
    %dma_wait3A_305 = tpu.memref_squeeze %dma_wait3A_304 : memref<1x64x128xf32, #tpu.memory_space<vmem>> -> memref<64x128xf32, #tpu.memory_space<vmem>>
    %dma_wait3A_306 = arith.constant 0 : i32
    %dma_wait3A_307 = tpu.memref_slice %arg5[%dma_wait3A_300, %dma_wait3A_306] : memref<25x64xi32, #tpu.memory_space<vmem>> -> memref<1x64xi32, #tpu.memory_space<vmem>>
    %dma_wait3A_308 = tpu.memref_squeeze %dma_wait3A_307 : memref<1x64xi32, #tpu.memory_space<vmem>> -> memref<64xi32, #tpu.memory_space<vmem>>
    %dma_wait3A_309 = arith.constant 0 : i32
    %dma_wait3A_310 = arith.constant 0 : i32
    %dma_wait3A_311 = tpu.memref_slice %arg3[%dma_wait3A_309, %dma_wait3A_310] : memref<1024x128xf32, #tpu.memory_space<hbm>> -> memref<1024x128xf32, #tpu.memory_space<hbm>>
    tpu.wait_indirect_dma semaphore(%arg7 : memref<!tpu.dma_semaphore, #tpu.memory_space<semaphore_mem>>) src(%dma_wait3A_311 : memref<1024x128xf32, #tpu.memory_space<hbm>>) dst(%dma_wait3A_305 : memref<64x128xf32, #tpu.memory_space<vmem>>)
    %dma_wait3A_312 = arith.constant 11 : i32
    %dma_wait3A_313 = arith.constant 1 : i32
    %dma_wait3A_314 = arith.constant 0 : i32
    %dma_wait3A_315 = arith.constant 0 : i32
    %dma_wait3A_316 = tpu.memref_slice %arg6[%dma_wait3A_313, %dma_wait3A_314, %dma_wait3A_315] : memref<5x64x128xf32, #tpu.memory_space<vmem>> -> memref<1x64x128xf32, #tpu.memory_space<vmem>>
    %dma_wait3A_317 = tpu.memref_squeeze %dma_wait3A_316 : memref<1x64x128xf32, #tpu.memory_space<vmem>> -> memref<64x128xf32, #tpu.memory_space<vmem>>
    %dma_wait3A_318 = arith.constant 0 : i32
    %dma_wait3A_319 = tpu.memref_slice %arg5[%dma_wait3A_312, %dma_wait3A_318] : memref<25x64xi32, #tpu.memory_space<vmem>> -> memref<1x64xi32, #tpu.memory_space<vmem>>
    %dma_wait3A_320 = tpu.memref_squeeze %dma_wait3A_319 : memref<1x64xi32, #tpu.memory_space<vmem>> -> memref<64xi32, #tpu.memory_space<vmem>>
    %dma_wait3A_321 = arith.constant 0 : i32
    %dma_wait3A_322 = arith.constant 0 : i32
    %dma_wait3A_323 = tpu.memref_slice %arg3[%dma_wait3A_321, %dma_wait3A_322] : memref<1024x128xf32, #tpu.memory_space<hbm>> -> memref<1024x128xf32, #tpu.memory_space<hbm>>
    tpu.wait_indirect_dma semaphore(%arg7 : memref<!tpu.dma_semaphore, #tpu.memory_space<semaphore_mem>>) src(%dma_wait3A_323 : memref<1024x128xf32, #tpu.memory_space<hbm>>) dst(%dma_wait3A_317 : memref<64x128xf32, #tpu.memory_space<vmem>>)
    %dma_wait3A_324 = arith.constant 12 : i32
    %dma_wait3A_325 = arith.constant 2 : i32
    %dma_wait3A_326 = arith.constant 0 : i32
    %dma_wait3A_327 = arith.constant 0 : i32
    %dma_wait3A_328 = tpu.memref_slice %arg6[%dma_wait3A_325, %dma_wait3A_326, %dma_wait3A_327] : memref<5x64x128xf32, #tpu.memory_space<vmem>> -> memref<1x64x128xf32, #tpu.memory_space<vmem>>
    %dma_wait3A_329 = tpu.memref_squeeze %dma_wait3A_328 : memref<1x64x128xf32, #tpu.memory_space<vmem>> -> memref<64x128xf32, #tpu.memory_space<vmem>>
    %dma_wait3A_330 = arith.constant 0 : i32
    %dma_wait3A_331 = tpu.memref_slice %arg5[%dma_wait3A_324, %dma_wait3A_330] : memref<25x64xi32, #tpu.memory_space<vmem>> -> memref<1x64xi32, #tpu.memory_space<vmem>>
    %dma_wait3A_332 = tpu.memref_squeeze %dma_wait3A_331 : memref<1x64xi32, #tpu.memory_space<vmem>> -> memref<64xi32, #tpu.memory_space<vmem>>
    %dma_wait3A_333 = arith.constant 0 : i32
    %dma_wait3A_334 = arith.constant 0 : i32
    %dma_wait3A_335 = tpu.memref_slice %arg3[%dma_wait3A_333, %dma_wait3A_334] : memref<1024x128xf32, #tpu.memory_space<hbm>> -> memref<1024x128xf32, #tpu.memory_space<hbm>>
    tpu.wait_indirect_dma semaphore(%arg7 : memref<!tpu.dma_semaphore, #tpu.memory_space<semaphore_mem>>) src(%dma_wait3A_335 : memref<1024x128xf32, #tpu.memory_space<hbm>>) dst(%dma_wait3A_329 : memref<64x128xf32, #tpu.memory_space<vmem>>)
    %dma_wait3A_336 = arith.constant 13 : i32
    %dma_wait3A_337 = arith.constant 3 : i32
    %dma_wait3A_338 = arith.constant 0 : i32
    %dma_wait3A_339 = arith.constant 0 : i32
    %dma_wait3A_340 = tpu.memref_slice %arg6[%dma_wait3A_337, %dma_wait3A_338, %dma_wait3A_339] : memref<5x64x128xf32, #tpu.memory_space<vmem>> -> memref<1x64x128xf32, #tpu.memory_space<vmem>>
    %dma_wait3A_341 = tpu.memref_squeeze %dma_wait3A_340 : memref<1x64x128xf32, #tpu.memory_space<vmem>> -> memref<64x128xf32, #tpu.memory_space<vmem>>
    %dma_wait3A_342 = arith.constant 0 : i32
    %dma_wait3A_343 = tpu.memref_slice %arg5[%dma_wait3A_336, %dma_wait3A_342] : memref<25x64xi32, #tpu.memory_space<vmem>> -> memref<1x64xi32, #tpu.memory_space<vmem>>
    %dma_wait3A_344 = tpu.memref_squeeze %dma_wait3A_343 : memref<1x64xi32, #tpu.memory_space<vmem>> -> memref<64xi32, #tpu.memory_space<vmem>>
    %dma_wait3A_345 = arith.constant 0 : i32
    %dma_wait3A_346 = arith.constant 0 : i32
    %dma_wait3A_347 = tpu.memref_slice %arg3[%dma_wait3A_345, %dma_wait3A_346] : memref<1024x128xf32, #tpu.memory_space<hbm>> -> memref<1024x128xf32, #tpu.memory_space<hbm>>
    tpu.wait_indirect_dma semaphore(%arg7 : memref<!tpu.dma_semaphore, #tpu.memory_space<semaphore_mem>>) src(%dma_wait3A_347 : memref<1024x128xf32, #tpu.memory_space<hbm>>) dst(%dma_wait3A_341 : memref<64x128xf32, #tpu.memory_space<vmem>>)
    %dma_wait3A_348 = arith.constant 14 : i32
    %dma_wait3A_349 = arith.constant 4 : i32
    %dma_wait3A_350 = arith.constant 0 : i32
    %dma_wait3A_351 = arith.constant 0 : i32
    %dma_wait3A_352 = tpu.memref_slice %arg6[%dma_wait3A_349, %dma_wait3A_350, %dma_wait3A_351] : memref<5x64x128xf32, #tpu.memory_space<vmem>> -> memref<1x64x128xf32, #tpu.memory_space<vmem>>
    %dma_wait3A_353 = tpu.memref_squeeze %dma_wait3A_352 : memref<1x64x128xf32, #tpu.memory_space<vmem>> -> memref<64x128xf32, #tpu.memory_space<vmem>>
    %dma_wait3A_354 = arith.constant 0 : i32
    %dma_wait3A_355 = tpu.memref_slice %arg5[%dma_wait3A_348, %dma_wait3A_354] : memref<25x64xi32, #tpu.memory_space<vmem>> -> memref<1x64xi32, #tpu.memory_space<vmem>>
    %dma_wait3A_356 = tpu.memref_squeeze %dma_wait3A_355 : memref<1x64xi32, #tpu.memory_space<vmem>> -> memref<64xi32, #tpu.memory_space<vmem>>
    %dma_wait3A_357 = arith.constant 0 : i32
    %dma_wait3A_358 = arith.constant 0 : i32
    %dma_wait3A_359 = tpu.memref_slice %arg3[%dma_wait3A_357, %dma_wait3A_358] : memref<1024x128xf32, #tpu.memory_space<hbm>> -> memref<1024x128xf32, #tpu.memory_space<hbm>>
    tpu.wait_indirect_dma semaphore(%arg7 : memref<!tpu.dma_semaphore, #tpu.memory_space<semaphore_mem>>) src(%dma_wait3A_359 : memref<1024x128xf32, #tpu.memory_space<hbm>>) dst(%dma_wait3A_353 : memref<64x128xf32, #tpu.memory_space<vmem>>)
    %run_scoped3A_360 = arith.constant 2 : i32
    "tpu.region"() ({
      %run_scoped3A_603 = tpu.sem_alloc : memref<!tpu.dma_semaphore, #tpu.memory_space<semaphore_mem>>
      %dma_start3A_604 = arith.constant 0 : i32
      %dma_start3A_605 = arith.constant 0 : i32
      %dma_start3A_606 = arith.constant 0 : i32
      %dma_start3A_607 = tpu.memref_slice %arg4[%add3A, %run_scoped3A_360, %dma_start3A_604, %dma_start3A_605, %dma_start3A_606] : memref<32x5x5x64x128xf32, #tpu.memory_space<hbm>> -> memref<1x1x5x64x128xf32, #tpu.memory_space<hbm>>
      %dma_start3A_608 = tpu.memref_squeeze %dma_start3A_607 : memref<1x1x5x64x128xf32, #tpu.memory_space<hbm>> -> memref<5x64x128xf32, #tpu.memory_space<hbm>>
      %dma_start3A_609 = arith.constant 0 : i32
      %dma_start3A_610 = arith.constant 0 : i32
      %dma_start3A_611 = arith.constant 0 : i32
      %dma_start3A_612 = tpu.memref_slice %arg4[%add3A, %run_scoped3A_360, %dma_start3A_609, %dma_start3A_610, %dma_start3A_611] : memref<32x5x5x64x128xf32, #tpu.memory_space<hbm>> -> memref<1x1x5x64x128xf32, #tpu.memory_space<hbm>>
      %dma_start3A_613 = tpu.memref_squeeze %dma_start3A_612 : memref<1x1x5x64x128xf32, #tpu.memory_space<hbm>> -> memref<5x64x128xf32, #tpu.memory_space<hbm>>
      tpu.enqueue_dma source(%arg6 : memref<5x64x128xf32, #tpu.memory_space<vmem>>) target(%dma_start3A_613 : memref<5x64x128xf32, #tpu.memory_space<hbm>>) target_semaphore(%run_scoped3A_603 : memref<!tpu.dma_semaphore, #tpu.memory_space<semaphore_mem>>)
      %dma_wait3A_614 = arith.constant 0 : i32
      %dma_wait3A_615 = arith.constant 0 : i32
      %dma_wait3A_616 = arith.constant 0 : i32
      %dma_wait3A_617 = tpu.memref_slice %arg4[%add3A, %run_scoped3A_360, %dma_wait3A_614, %dma_wait3A_615, %dma_wait3A_616] : memref<32x5x5x64x128xf32, #tpu.memory_space<hbm>> -> memref<1x1x5x64x128xf32, #tpu.memory_space<hbm>>
      %dma_wait3A_618 = tpu.memref_squeeze %dma_wait3A_617 : memref<1x1x5x64x128xf32, #tpu.memory_space<hbm>> -> memref<5x64x128xf32, #tpu.memory_space<hbm>>
      %dma_wait3A_619 = arith.constant 0 : i32
      %dma_wait3A_620 = arith.constant 0 : i32
      %dma_wait3A_621 = arith.constant 0 : i32
      %dma_wait3A_622 = tpu.memref_slice %arg4[%add3A, %run_scoped3A_360, %dma_wait3A_619, %dma_wait3A_620, %dma_wait3A_621] : memref<32x5x5x64x128xf32, #tpu.memory_space<hbm>> -> memref<1x1x5x64x128xf32, #tpu.memory_space<hbm>>
      %dma_wait3A_623 = tpu.memref_squeeze %dma_wait3A_622 : memref<1x1x5x64x128xf32, #tpu.memory_space<hbm>> -> memref<5x64x128xf32, #tpu.memory_space<hbm>>
      tpu.wait_dma2 semaphore(%run_scoped3A_603 : memref<!tpu.dma_semaphore, #tpu.memory_space<semaphore_mem>>) src(%arg6 : memref<5x64x128xf32, #tpu.memory_space<vmem>>) dst(%dma_wait3A_623 : memref<5x64x128xf32, #tpu.memory_space<hbm>>)
      tpu.yield
    }) : () -> ()
    %dma_start3A_361 = arith.constant 15 : i32
    %dma_start3A_362 = arith.constant 0 : i32
    %dma_start3A_363 = arith.constant 0 : i32
    %dma_start3A_364 = arith.constant 0 : i32
    %dma_start3A_365 = tpu.memref_slice %arg6[%dma_start3A_362, %dma_start3A_363, %dma_start3A_364] : memref<5x64x128xf32, #tpu.memory_space<vmem>> -> memref<1x64x128xf32, #tpu.memory_space<vmem>>
    %dma_start3A_366 = tpu.memref_squeeze %dma_start3A_365 : memref<1x64x128xf32, #tpu.memory_space<vmem>> -> memref<64x128xf32, #tpu.memory_space<vmem>>
    %dma_start3A_367 = arith.constant 0 : i32
    %dma_start3A_368 = tpu.memref_slice %arg5[%dma_start3A_361, %dma_start3A_367] : memref<25x64xi32, #tpu.memory_space<vmem>> -> memref<1x64xi32, #tpu.memory_space<vmem>>
    %dma_start3A_369 = tpu.memref_squeeze %dma_start3A_368 : memref<1x64xi32, #tpu.memory_space<vmem>> -> memref<64xi32, #tpu.memory_space<vmem>>
    %dma_start3A_370 = arith.constant 0 : i32
    %dma_start3A_371 = arith.constant 0 : i32
    %dma_start3A_372 = tpu.memref_slice %arg3[%dma_start3A_370, %dma_start3A_371] : memref<1024x128xf32, #tpu.memory_space<hbm>> -> memref<1024x128xf32, #tpu.memory_space<hbm>>
    tpu.enqueue_indirect_dma source(%dma_start3A_372 : memref<1024x128xf32, #tpu.memory_space<hbm>>) target(%dma_start3A_366 : memref<64x128xf32, #tpu.memory_space<vmem>>) offsets(%dma_start3A_369 : memref<64xi32, #tpu.memory_space<vmem>>) semaphore(%arg7 : memref<!tpu.dma_semaphore, #tpu.memory_space<semaphore_mem>>)
    %dma_start3A_373 = arith.constant 16 : i32
    %dma_start3A_374 = arith.constant 1 : i32
    %dma_start3A_375 = arith.constant 0 : i32
    %dma_start3A_376 = arith.constant 0 : i32
    %dma_start3A_377 = tpu.memref_slice %arg6[%dma_start3A_374, %dma_start3A_375, %dma_start3A_376] : memref<5x64x128xf32, #tpu.memory_space<vmem>> -> memref<1x64x128xf32, #tpu.memory_space<vmem>>
    %dma_start3A_378 = tpu.memref_squeeze %dma_start3A_377 : memref<1x64x128xf32, #tpu.memory_space<vmem>> -> memref<64x128xf32, #tpu.memory_space<vmem>>
    %dma_start3A_379 = arith.constant 0 : i32
    %dma_start3A_380 = tpu.memref_slice %arg5[%dma_start3A_373, %dma_start3A_379] : memref<25x64xi32, #tpu.memory_space<vmem>> -> memref<1x64xi32, #tpu.memory_space<vmem>>
    %dma_start3A_381 = tpu.memref_squeeze %dma_start3A_380 : memref<1x64xi32, #tpu.memory_space<vmem>> -> memref<64xi32, #tpu.memory_space<vmem>>
    %dma_start3A_382 = arith.constant 0 : i32
    %dma_start3A_383 = arith.constant 0 : i32
    %dma_start3A_384 = tpu.memref_slice %arg3[%dma_start3A_382, %dma_start3A_383] : memref<1024x128xf32, #tpu.memory_space<hbm>> -> memref<1024x128xf32, #tpu.memory_space<hbm>>
    tpu.enqueue_indirect_dma source(%dma_start3A_384 : memref<1024x128xf32, #tpu.memory_space<hbm>>) target(%dma_start3A_378 : memref<64x128xf32, #tpu.memory_space<vmem>>) offsets(%dma_start3A_381 : memref<64xi32, #tpu.memory_space<vmem>>) semaphore(%arg7 : memref<!tpu.dma_semaphore, #tpu.memory_space<semaphore_mem>>)
    %dma_start3A_385 = arith.constant 17 : i32
    %dma_start3A_386 = arith.constant 2 : i32
    %dma_start3A_387 = arith.constant 0 : i32
    %dma_start3A_388 = arith.constant 0 : i32
    %dma_start3A_389 = tpu.memref_slice %arg6[%dma_start3A_386, %dma_start3A_387, %dma_start3A_388] : memref<5x64x128xf32, #tpu.memory_space<vmem>> -> memref<1x64x128xf32, #tpu.memory_space<vmem>>
    %dma_start3A_390 = tpu.memref_squeeze %dma_start3A_389 : memref<1x64x128xf32, #tpu.memory_space<vmem>> -> memref<64x128xf32, #tpu.memory_space<vmem>>
    %dma_start3A_391 = arith.constant 0 : i32
    %dma_start3A_392 = tpu.memref_slice %arg5[%dma_start3A_385, %dma_start3A_391] : memref<25x64xi32, #tpu.memory_space<vmem>> -> memref<1x64xi32, #tpu.memory_space<vmem>>
    %dma_start3A_393 = tpu.memref_squeeze %dma_start3A_392 : memref<1x64xi32, #tpu.memory_space<vmem>> -> memref<64xi32, #tpu.memory_space<vmem>>
    %dma_start3A_394 = arith.constant 0 : i32
    %dma_start3A_395 = arith.constant 0 : i32
    %dma_start3A_396 = tpu.memref_slice %arg3[%dma_start3A_394, %dma_start3A_395] : memref<1024x128xf32, #tpu.memory_space<hbm>> -> memref<1024x128xf32, #tpu.memory_space<hbm>>
    tpu.enqueue_indirect_dma source(%dma_start3A_396 : memref<1024x128xf32, #tpu.memory_space<hbm>>) target(%dma_start3A_390 : memref<64x128xf32, #tpu.memory_space<vmem>>) offsets(%dma_start3A_393 : memref<64xi32, #tpu.memory_space<vmem>>) semaphore(%arg7 : memref<!tpu.dma_semaphore, #tpu.memory_space<semaphore_mem>>)
    %dma_start3A_397 = arith.constant 18 : i32
    %dma_start3A_398 = arith.constant 3 : i32
    %dma_start3A_399 = arith.constant 0 : i32
    %dma_start3A_400 = arith.constant 0 : i32
    %dma_start3A_401 = tpu.memref_slice %arg6[%dma_start3A_398, %dma_start3A_399, %dma_start3A_400] : memref<5x64x128xf32, #tpu.memory_space<vmem>> -> memref<1x64x128xf32, #tpu.memory_space<vmem>>
    %dma_start3A_402 = tpu.memref_squeeze %dma_start3A_401 : memref<1x64x128xf32, #tpu.memory_space<vmem>> -> memref<64x128xf32, #tpu.memory_space<vmem>>
    %dma_start3A_403 = arith.constant 0 : i32
    %dma_start3A_404 = tpu.memref_slice %arg5[%dma_start3A_397, %dma_start3A_403] : memref<25x64xi32, #tpu.memory_space<vmem>> -> memref<1x64xi32, #tpu.memory_space<vmem>>
    %dma_start3A_405 = tpu.memref_squeeze %dma_start3A_404 : memref<1x64xi32, #tpu.memory_space<vmem>> -> memref<64xi32, #tpu.memory_space<vmem>>
    %dma_start3A_406 = arith.constant 0 : i32
    %dma_start3A_407 = arith.constant 0 : i32
    %dma_start3A_408 = tpu.memref_slice %arg3[%dma_start3A_406, %dma_start3A_407] : memref<1024x128xf32, #tpu.memory_space<hbm>> -> memref<1024x128xf32, #tpu.memory_space<hbm>>
    tpu.enqueue_indirect_dma source(%dma_start3A_408 : memref<1024x128xf32, #tpu.memory_space<hbm>>) target(%dma_start3A_402 : memref<64x128xf32, #tpu.memory_space<vmem>>) offsets(%dma_start3A_405 : memref<64xi32, #tpu.memory_space<vmem>>) semaphore(%arg7 : memref<!tpu.dma_semaphore, #tpu.memory_space<semaphore_mem>>)
    %dma_start3A_409 = arith.constant 19 : i32
    %dma_start3A_410 = arith.constant 4 : i32
    %dma_start3A_411 = arith.constant 0 : i32
    %dma_start3A_412 = arith.constant 0 : i32
    %dma_start3A_413 = tpu.memref_slice %arg6[%dma_start3A_410, %dma_start3A_411, %dma_start3A_412] : memref<5x64x128xf32, #tpu.memory_space<vmem>> -> memref<1x64x128xf32, #tpu.memory_space<vmem>>
    %dma_start3A_414 = tpu.memref_squeeze %dma_start3A_413 : memref<1x64x128xf32, #tpu.memory_space<vmem>> -> memref<64x128xf32, #tpu.memory_space<vmem>>
    %dma_start3A_415 = arith.constant 0 : i32
    %dma_start3A_416 = tpu.memref_slice %arg5[%dma_start3A_409, %dma_start3A_415] : memref<25x64xi32, #tpu.memory_space<vmem>> -> memref<1x64xi32, #tpu.memory_space<vmem>>
    %dma_start3A_417 = tpu.memref_squeeze %dma_start3A_416 : memref<1x64xi32, #tpu.memory_space<vmem>> -> memref<64xi32, #tpu.memory_space<vmem>>
    %dma_start3A_418 = arith.constant 0 : i32
    %dma_start3A_419 = arith.constant 0 : i32
    %dma_start3A_420 = tpu.memref_slice %arg3[%dma_start3A_418, %dma_start3A_419] : memref<1024x128xf32, #tpu.memory_space<hbm>> -> memref<1024x128xf32, #tpu.memory_space<hbm>>
    tpu.enqueue_indirect_dma source(%dma_start3A_420 : memref<1024x128xf32, #tpu.memory_space<hbm>>) target(%dma_start3A_414 : memref<64x128xf32, #tpu.memory_space<vmem>>) offsets(%dma_start3A_417 : memref<64xi32, #tpu.memory_space<vmem>>) semaphore(%arg7 : memref<!tpu.dma_semaphore, #tpu.memory_space<semaphore_mem>>)
    %dma_wait3A_421 = arith.constant 15 : i32
    %dma_wait3A_422 = arith.constant 0 : i32
    %dma_wait3A_423 = arith.constant 0 : i32
    %dma_wait3A_424 = arith.constant 0 : i32
    %dma_wait3A_425 = tpu.memref_slice %arg6[%dma_wait3A_422, %dma_wait3A_423, %dma_wait3A_424] : memref<5x64x128xf32, #tpu.memory_space<vmem>> -> memref<1x64x128xf32, #tpu.memory_space<vmem>>
    %dma_wait3A_426 = tpu.memref_squeeze %dma_wait3A_425 : memref<1x64x128xf32, #tpu.memory_space<vmem>> -> memref<64x128xf32, #tpu.memory_space<vmem>>
    %dma_wait3A_427 = arith.constant 0 : i32
    %dma_wait3A_428 = tpu.memref_slice %arg5[%dma_wait3A_421, %dma_wait3A_427] : memref<25x64xi32, #tpu.memory_space<vmem>> -> memref<1x64xi32, #tpu.memory_space<vmem>>
    %dma_wait3A_429 = tpu.memref_squeeze %dma_wait3A_428 : memref<1x64xi32, #tpu.memory_space<vmem>> -> memref<64xi32, #tpu.memory_space<vmem>>
    %dma_wait3A_430 = arith.constant 0 : i32
    %dma_wait3A_431 = arith.constant 0 : i32
    %dma_wait3A_432 = tpu.memref_slice %arg3[%dma_wait3A_430, %dma_wait3A_431] : memref<1024x128xf32, #tpu.memory_space<hbm>> -> memref<1024x128xf32, #tpu.memory_space<hbm>>
    tpu.wait_indirect_dma semaphore(%arg7 : memref<!tpu.dma_semaphore, #tpu.memory_space<semaphore_mem>>) src(%dma_wait3A_432 : memref<1024x128xf32, #tpu.memory_space<hbm>>) dst(%dma_wait3A_426 : memref<64x128xf32, #tpu.memory_space<vmem>>)
    %dma_wait3A_433 = arith.constant 16 : i32
    %dma_wait3A_434 = arith.constant 1 : i32
    %dma_wait3A_435 = arith.constant 0 : i32
    %dma_wait3A_436 = arith.constant 0 : i32
    %dma_wait3A_437 = tpu.memref_slice %arg6[%dma_wait3A_434, %dma_wait3A_435, %dma_wait3A_436] : memref<5x64x128xf32, #tpu.memory_space<vmem>> -> memref<1x64x128xf32, #tpu.memory_space<vmem>>
    %dma_wait3A_438 = tpu.memref_squeeze %dma_wait3A_437 : memref<1x64x128xf32, #tpu.memory_space<vmem>> -> memref<64x128xf32, #tpu.memory_space<vmem>>
    %dma_wait3A_439 = arith.constant 0 : i32
    %dma_wait3A_440 = tpu.memref_slice %arg5[%dma_wait3A_433, %dma_wait3A_439] : memref<25x64xi32, #tpu.memory_space<vmem>> -> memref<1x64xi32, #tpu.memory_space<vmem>>
    %dma_wait3A_441 = tpu.memref_squeeze %dma_wait3A_440 : memref<1x64xi32, #tpu.memory_space<vmem>> -> memref<64xi32, #tpu.memory_space<vmem>>
    %dma_wait3A_442 = arith.constant 0 : i32
    %dma_wait3A_443 = arith.constant 0 : i32
    %dma_wait3A_444 = tpu.memref_slice %arg3[%dma_wait3A_442, %dma_wait3A_443] : memref<1024x128xf32, #tpu.memory_space<hbm>> -> memref<1024x128xf32, #tpu.memory_space<hbm>>
    tpu.wait_indirect_dma semaphore(%arg7 : memref<!tpu.dma_semaphore, #tpu.memory_space<semaphore_mem>>) src(%dma_wait3A_444 : memref<1024x128xf32, #tpu.memory_space<hbm>>) dst(%dma_wait3A_438 : memref<64x128xf32, #tpu.memory_space<vmem>>)
    %dma_wait3A_445 = arith.constant 17 : i32
    %dma_wait3A_446 = arith.constant 2 : i32
    %dma_wait3A_447 = arith.constant 0 : i32
    %dma_wait3A_448 = arith.constant 0 : i32
    %dma_wait3A_449 = tpu.memref_slice %arg6[%dma_wait3A_446, %dma_wait3A_447, %dma_wait3A_448] : memref<5x64x128xf32, #tpu.memory_space<vmem>> -> memref<1x64x128xf32, #tpu.memory_space<vmem>>
    %dma_wait3A_450 = tpu.memref_squeeze %dma_wait3A_449 : memref<1x64x128xf32, #tpu.memory_space<vmem>> -> memref<64x128xf32, #tpu.memory_space<vmem>>
    %dma_wait3A_451 = arith.constant 0 : i32
    %dma_wait3A_452 = tpu.memref_slice %arg5[%dma_wait3A_445, %dma_wait3A_451] : memref<25x64xi32, #tpu.memory_space<vmem>> -> memref<1x64xi32, #tpu.memory_space<vmem>>
    %dma_wait3A_453 = tpu.memref_squeeze %dma_wait3A_452 : memref<1x64xi32, #tpu.memory_space<vmem>> -> memref<64xi32, #tpu.memory_space<vmem>>
    %dma_wait3A_454 = arith.constant 0 : i32
    %dma_wait3A_455 = arith.constant 0 : i32
    %dma_wait3A_456 = tpu.memref_slice %arg3[%dma_wait3A_454, %dma_wait3A_455] : memref<1024x128xf32, #tpu.memory_space<hbm>> -> memref<1024x128xf32, #tpu.memory_space<hbm>>
    tpu.wait_indirect_dma semaphore(%arg7 : memref<!tpu.dma_semaphore, #tpu.memory_space<semaphore_mem>>) src(%dma_wait3A_456 : memref<1024x128xf32, #tpu.memory_space<hbm>>) dst(%dma_wait3A_450 : memref<64x128xf32, #tpu.memory_space<vmem>>)
    %dma_wait3A_457 = arith.constant 18 : i32
    %dma_wait3A_458 = arith.constant 3 : i32
    %dma_wait3A_459 = arith.constant 0 : i32
    %dma_wait3A_460 = arith.constant 0 : i32
    %dma_wait3A_461 = tpu.memref_slice %arg6[%dma_wait3A_458, %dma_wait3A_459, %dma_wait3A_460] : memref<5x64x128xf32, #tpu.memory_space<vmem>> -> memref<1x64x128xf32, #tpu.memory_space<vmem>>
    %dma_wait3A_462 = tpu.memref_squeeze %dma_wait3A_461 : memref<1x64x128xf32, #tpu.memory_space<vmem>> -> memref<64x128xf32, #tpu.memory_space<vmem>>
    %dma_wait3A_463 = arith.constant 0 : i32
    %dma_wait3A_464 = tpu.memref_slice %arg5[%dma_wait3A_457, %dma_wait3A_463] : memref<25x64xi32, #tpu.memory_space<vmem>> -> memref<1x64xi32, #tpu.memory_space<vmem>>
    %dma_wait3A_465 = tpu.memref_squeeze %dma_wait3A_464 : memref<1x64xi32, #tpu.memory_space<vmem>> -> memref<64xi32, #tpu.memory_space<vmem>>
    %dma_wait3A_466 = arith.constant 0 : i32
    %dma_wait3A_467 = arith.constant 0 : i32
    %dma_wait3A_468 = tpu.memref_slice %arg3[%dma_wait3A_466, %dma_wait3A_467] : memref<1024x128xf32, #tpu.memory_space<hbm>> -> memref<1024x128xf32, #tpu.memory_space<hbm>>
    tpu.wait_indirect_dma semaphore(%arg7 : memref<!tpu.dma_semaphore, #tpu.memory_space<semaphore_mem>>) src(%dma_wait3A_468 : memref<1024x128xf32, #tpu.memory_space<hbm>>) dst(%dma_wait3A_462 : memref<64x128xf32, #tpu.memory_space<vmem>>)
    %dma_wait3A_469 = arith.constant 19 : i32
    %dma_wait3A_470 = arith.constant 4 : i32
    %dma_wait3A_471 = arith.constant 0 : i32
    %dma_wait3A_472 = arith.constant 0 : i32
    %dma_wait3A_473 = tpu.memref_slice %arg6[%dma_wait3A_470, %dma_wait3A_471, %dma_wait3A_472] : memref<5x64x128xf32, #tpu.memory_space<vmem>> -> memref<1x64x128xf32, #tpu.memory_space<vmem>>
    %dma_wait3A_474 = tpu.memref_squeeze %dma_wait3A_473 : memref<1x64x128xf32, #tpu.memory_space<vmem>> -> memref<64x128xf32, #tpu.memory_space<vmem>>
    %dma_wait3A_475 = arith.constant 0 : i32
    %dma_wait3A_476 = tpu.memref_slice %arg5[%dma_wait3A_469, %dma_wait3A_475] : memref<25x64xi32, #tpu.memory_space<vmem>> -> memref<1x64xi32, #tpu.memory_space<vmem>>
    %dma_wait3A_477 = tpu.memref_squeeze %dma_wait3A_476 : memref<1x64xi32, #tpu.memory_space<vmem>> -> memref<64xi32, #tpu.memory_space<vmem>>
    %dma_wait3A_478 = arith.constant 0 : i32
    %dma_wait3A_479 = arith.constant 0 : i32
    %dma_wait3A_480 = tpu.memref_slice %arg3[%dma_wait3A_478, %dma_wait3A_479] : memref<1024x128xf32, #tpu.memory_space<hbm>> -> memref<1024x128xf32, #tpu.memory_space<hbm>>
    tpu.wait_indirect_dma semaphore(%arg7 : memref<!tpu.dma_semaphore, #tpu.memory_space<semaphore_mem>>) src(%dma_wait3A_480 : memref<1024x128xf32, #tpu.memory_space<hbm>>) dst(%dma_wait3A_474 : memref<64x128xf32, #tpu.memory_space<vmem>>)
    %run_scoped3A_481 = arith.constant 3 : i32
    "tpu.region"() ({
      %run_scoped3A_603 = tpu.sem_alloc : memref<!tpu.dma_semaphore, #tpu.memory_space<semaphore_mem>>
      %dma_start3A_604 = arith.constant 0 : i32
      %dma_start3A_605 = arith.constant 0 : i32
      %dma_start3A_606 = arith.constant 0 : i32
      %dma_start3A_607 = tpu.memref_slice %arg4[%add3A, %run_scoped3A_481, %dma_start3A_604, %dma_start3A_605, %dma_start3A_606] : memref<32x5x5x64x128xf32, #tpu.memory_space<hbm>> -> memref<1x1x5x64x128xf32, #tpu.memory_space<hbm>>
      %dma_start3A_608 = tpu.memref_squeeze %dma_start3A_607 : memref<1x1x5x64x128xf32, #tpu.memory_space<hbm>> -> memref<5x64x128xf32, #tpu.memory_space<hbm>>
      %dma_start3A_609 = arith.constant 0 : i32
      %dma_start3A_610 = arith.constant 0 : i32
      %dma_start3A_611 = arith.constant 0 : i32
      %dma_start3A_612 = tpu.memref_slice %arg4[%add3A, %run_scoped3A_481, %dma_start3A_609, %dma_start3A_610, %dma_start3A_611] : memref<32x5x5x64x128xf32, #tpu.memory_space<hbm>> -> memref<1x1x5x64x128xf32, #tpu.memory_space<hbm>>
      %dma_start3A_613 = tpu.memref_squeeze %dma_start3A_612 : memref<1x1x5x64x128xf32, #tpu.memory_space<hbm>> -> memref<5x64x128xf32, #tpu.memory_space<hbm>>
      tpu.enqueue_dma source(%arg6 : memref<5x64x128xf32, #tpu.memory_space<vmem>>) target(%dma_start3A_613 : memref<5x64x128xf32, #tpu.memory_space<hbm>>) target_semaphore(%run_scoped3A_603 : memref<!tpu.dma_semaphore, #tpu.memory_space<semaphore_mem>>)
      %dma_wait3A_614 = arith.constant 0 : i32
      %dma_wait3A_615 = arith.constant 0 : i32
      %dma_wait3A_616 = arith.constant 0 : i32
      %dma_wait3A_617 = tpu.memref_slice %arg4[%add3A, %run_scoped3A_481, %dma_wait3A_614, %dma_wait3A_615, %dma_wait3A_616] : memref<32x5x5x64x128xf32, #tpu.memory_space<hbm>> -> memref<1x1x5x64x128xf32, #tpu.memory_space<hbm>>
      %dma_wait3A_618 = tpu.memref_squeeze %dma_wait3A_617 : memref<1x1x5x64x128xf32, #tpu.memory_space<hbm>> -> memref<5x64x128xf32, #tpu.memory_space<hbm>>
      %dma_wait3A_619 = arith.constant 0 : i32
      %dma_wait3A_620 = arith.constant 0 : i32
      %dma_wait3A_621 = arith.constant 0 : i32
      %dma_wait3A_622 = tpu.memref_slice %arg4[%add3A, %run_scoped3A_481, %dma_wait3A_619, %dma_wait3A_620, %dma_wait3A_621] : memref<32x5x5x64x128xf32, #tpu.memory_space<hbm>> -> memref<1x1x5x64x128xf32, #tpu.memory_space<hbm>>
      %dma_wait3A_623 = tpu.memref_squeeze %dma_wait3A_622 : memref<1x1x5x64x128xf32, #tpu.memory_space<hbm>> -> memref<5x64x128xf32, #tpu.memory_space<hbm>>
      tpu.wait_dma2 semaphore(%run_scoped3A_603 : memref<!tpu.dma_semaphore, #tpu.memory_space<semaphore_mem>>) src(%arg6 : memref<5x64x128xf32, #tpu.memory_space<vmem>>) dst(%dma_wait3A_623 : memref<5x64x128xf32, #tpu.memory_space<hbm>>)
      tpu.yield
    }) : () -> ()
    %dma_start3A_482 = arith.constant 20 : i32
    %dma_start3A_483 = arith.constant 0 : i32
    %dma_start3A_484 = arith.constant 0 : i32
    %dma_start3A_485 = arith.constant 0 : i32
    %dma_start3A_486 = tpu.memref_slice %arg6[%dma_start3A_483, %dma_start3A_484, %dma_start3A_485] : memref<5x64x128xf32, #tpu.memory_space<vmem>> -> memref<1x64x128xf32, #tpu.memory_space<vmem>>
    %dma_start3A_487 = tpu.memref_squeeze %dma_start3A_486 : memref<1x64x128xf32, #tpu.memory_space<vmem>> -> memref<64x128xf32, #tpu.memory_space<vmem>>
    %dma_start3A_488 = arith.constant 0 : i32
    %dma_start3A_489 = tpu.memref_slice %arg5[%dma_start3A_482, %dma_start3A_488] : memref<25x64xi32, #tpu.memory_space<vmem>> -> memref<1x64xi32, #tpu.memory_space<vmem>>
    %dma_start3A_490 = tpu.memref_squeeze %dma_start3A_489 : memref<1x64xi32, #tpu.memory_space<vmem>> -> memref<64xi32, #tpu.memory_space<vmem>>
    %dma_start3A_491 = arith.constant 0 : i32
    %dma_start3A_492 = arith.constant 0 : i32
    %dma_start3A_493 = tpu.memref_slice %arg3[%dma_start3A_491, %dma_start3A_492] : memref<1024x128xf32, #tpu.memory_space<hbm>> -> memref<1024x128xf32, #tpu.memory_space<hbm>>
    tpu.enqueue_indirect_dma source(%dma_start3A_493 : memref<1024x128xf32, #tpu.memory_space<hbm>>) target(%dma_start3A_487 : memref<64x128xf32, #tpu.memory_space<vmem>>) offsets(%dma_start3A_490 : memref<64xi32, #tpu.memory_space<vmem>>) semaphore(%arg7 : memref<!tpu.dma_semaphore, #tpu.memory_space<semaphore_mem>>)
    %dma_start3A_494 = arith.constant 21 : i32
    %dma_start3A_495 = arith.constant 1 : i32
    %dma_start3A_496 = arith.constant 0 : i32
    %dma_start3A_497 = arith.constant 0 : i32
    %dma_start3A_498 = tpu.memref_slice %arg6[%dma_start3A_495, %dma_start3A_496, %dma_start3A_497] : memref<5x64x128xf32, #tpu.memory_space<vmem>> -> memref<1x64x128xf32, #tpu.memory_space<vmem>>
    %dma_start3A_499 = tpu.memref_squeeze %dma_start3A_498 : memref<1x64x128xf32, #tpu.memory_space<vmem>> -> memref<64x128xf32, #tpu.memory_space<vmem>>
    %dma_start3A_500 = arith.constant 0 : i32
    %dma_start3A_501 = tpu.memref_slice %arg5[%dma_start3A_494, %dma_start3A_500] : memref<25x64xi32, #tpu.memory_space<vmem>> -> memref<1x64xi32, #tpu.memory_space<vmem>>
    %dma_start3A_502 = tpu.memref_squeeze %dma_start3A_501 : memref<1x64xi32, #tpu.memory_space<vmem>> -> memref<64xi32, #tpu.memory_space<vmem>>
    %dma_start3A_503 = arith.constant 0 : i32
    %dma_start3A_504 = arith.constant 0 : i32
    %dma_start3A_505 = tpu.memref_slice %arg3[%dma_start3A_503, %dma_start3A_504] : memref<1024x128xf32, #tpu.memory_space<hbm>> -> memref<1024x128xf32, #tpu.memory_space<hbm>>
    tpu.enqueue_indirect_dma source(%dma_start3A_505 : memref<1024x128xf32, #tpu.memory_space<hbm>>) target(%dma_start3A_499 : memref<64x128xf32, #tpu.memory_space<vmem>>) offsets(%dma_start3A_502 : memref<64xi32, #tpu.memory_space<vmem>>) semaphore(%arg7 : memref<!tpu.dma_semaphore, #tpu.memory_space<semaphore_mem>>)
    %dma_start3A_506 = arith.constant 22 : i32
    %dma_start3A_507 = arith.constant 2 : i32
    %dma_start3A_508 = arith.constant 0 : i32
    %dma_start3A_509 = arith.constant 0 : i32
    %dma_start3A_510 = tpu.memref_slice %arg6[%dma_start3A_507, %dma_start3A_508, %dma_start3A_509] : memref<5x64x128xf32, #tpu.memory_space<vmem>> -> memref<1x64x128xf32, #tpu.memory_space<vmem>>
    %dma_start3A_511 = tpu.memref_squeeze %dma_start3A_510 : memref<1x64x128xf32, #tpu.memory_space<vmem>> -> memref<64x128xf32, #tpu.memory_space<vmem>>
    %dma_start3A_512 = arith.constant 0 : i32
    %dma_start3A_513 = tpu.memref_slice %arg5[%dma_start3A_506, %dma_start3A_512] : memref<25x64xi32, #tpu.memory_space<vmem>> -> memref<1x64xi32, #tpu.memory_space<vmem>>
    %dma_start3A_514 = tpu.memref_squeeze %dma_start3A_513 : memref<1x64xi32, #tpu.memory_space<vmem>> -> memref<64xi32, #tpu.memory_space<vmem>>
    %dma_start3A_515 = arith.constant 0 : i32
    %dma_start3A_516 = arith.constant 0 : i32
    %dma_start3A_517 = tpu.memref_slice %arg3[%dma_start3A_515, %dma_start3A_516] : memref<1024x128xf32, #tpu.memory_space<hbm>> -> memref<1024x128xf32, #tpu.memory_space<hbm>>
    tpu.enqueue_indirect_dma source(%dma_start3A_517 : memref<1024x128xf32, #tpu.memory_space<hbm>>) target(%dma_start3A_511 : memref<64x128xf32, #tpu.memory_space<vmem>>) offsets(%dma_start3A_514 : memref<64xi32, #tpu.memory_space<vmem>>) semaphore(%arg7 : memref<!tpu.dma_semaphore, #tpu.memory_space<semaphore_mem>>)
    %dma_start3A_518 = arith.constant 23 : i32
    %dma_start3A_519 = arith.constant 3 : i32
    %dma_start3A_520 = arith.constant 0 : i32
    %dma_start3A_521 = arith.constant 0 : i32
    %dma_start3A_522 = tpu.memref_slice %arg6[%dma_start3A_519, %dma_start3A_520, %dma_start3A_521] : memref<5x64x128xf32, #tpu.memory_space<vmem>> -> memref<1x64x128xf32, #tpu.memory_space<vmem>>
    %dma_start3A_523 = tpu.memref_squeeze %dma_start3A_522 : memref<1x64x128xf32, #tpu.memory_space<vmem>> -> memref<64x128xf32, #tpu.memory_space<vmem>>
    %dma_start3A_524 = arith.constant 0 : i32
    %dma_start3A_525 = tpu.memref_slice %arg5[%dma_start3A_518, %dma_start3A_524] : memref<25x64xi32, #tpu.memory_space<vmem>> -> memref<1x64xi32, #tpu.memory_space<vmem>>
    %dma_start3A_526 = tpu.memref_squeeze %dma_start3A_525 : memref<1x64xi32, #tpu.memory_space<vmem>> -> memref<64xi32, #tpu.memory_space<vmem>>
    %dma_start3A_527 = arith.constant 0 : i32
    %dma_start3A_528 = arith.constant 0 : i32
    %dma_start3A_529 = tpu.memref_slice %arg3[%dma_start3A_527, %dma_start3A_528] : memref<1024x128xf32, #tpu.memory_space<hbm>> -> memref<1024x128xf32, #tpu.memory_space<hbm>>
    tpu.enqueue_indirect_dma source(%dma_start3A_529 : memref<1024x128xf32, #tpu.memory_space<hbm>>) target(%dma_start3A_523 : memref<64x128xf32, #tpu.memory_space<vmem>>) offsets(%dma_start3A_526 : memref<64xi32, #tpu.memory_space<vmem>>) semaphore(%arg7 : memref<!tpu.dma_semaphore, #tpu.memory_space<semaphore_mem>>)
    %dma_start3A_530 = arith.constant 24 : i32
    %dma_start3A_531 = arith.constant 4 : i32
    %dma_start3A_532 = arith.constant 0 : i32
    %dma_start3A_533 = arith.constant 0 : i32
    %dma_start3A_534 = tpu.memref_slice %arg6[%dma_start3A_531, %dma_start3A_532, %dma_start3A_533] : memref<5x64x128xf32, #tpu.memory_space<vmem>> -> memref<1x64x128xf32, #tpu.memory_space<vmem>>
    %dma_start3A_535 = tpu.memref_squeeze %dma_start3A_534 : memref<1x64x128xf32, #tpu.memory_space<vmem>> -> memref<64x128xf32, #tpu.memory_space<vmem>>
    %dma_start3A_536 = arith.constant 0 : i32
    %dma_start3A_537 = tpu.memref_slice %arg5[%dma_start3A_530, %dma_start3A_536] : memref<25x64xi32, #tpu.memory_space<vmem>> -> memref<1x64xi32, #tpu.memory_space<vmem>>
    %dma_start3A_538 = tpu.memref_squeeze %dma_start3A_537 : memref<1x64xi32, #tpu.memory_space<vmem>> -> memref<64xi32, #tpu.memory_space<vmem>>
    %dma_start3A_539 = arith.constant 0 : i32
    %dma_start3A_540 = arith.constant 0 : i32
    %dma_start3A_541 = tpu.memref_slice %arg3[%dma_start3A_539, %dma_start3A_540] : memref<1024x128xf32, #tpu.memory_space<hbm>> -> memref<1024x128xf32, #tpu.memory_space<hbm>>
    tpu.enqueue_indirect_dma source(%dma_start3A_541 : memref<1024x128xf32, #tpu.memory_space<hbm>>) target(%dma_start3A_535 : memref<64x128xf32, #tpu.memory_space<vmem>>) offsets(%dma_start3A_538 : memref<64xi32, #tpu.memory_space<vmem>>) semaphore(%arg7 : memref<!tpu.dma_semaphore, #tpu.memory_space<semaphore_mem>>)
    %dma_wait3A_542 = arith.constant 20 : i32
    %dma_wait3A_543 = arith.constant 0 : i32
    %dma_wait3A_544 = arith.constant 0 : i32
    %dma_wait3A_545 = arith.constant 0 : i32
    %dma_wait3A_546 = tpu.memref_slice %arg6[%dma_wait3A_543, %dma_wait3A_544, %dma_wait3A_545] : memref<5x64x128xf32, #tpu.memory_space<vmem>> -> memref<1x64x128xf32, #tpu.memory_space<vmem>>
    %dma_wait3A_547 = tpu.memref_squeeze %dma_wait3A_546 : memref<1x64x128xf32, #tpu.memory_space<vmem>> -> memref<64x128xf32, #tpu.memory_space<vmem>>
    %dma_wait3A_548 = arith.constant 0 : i32
    %dma_wait3A_549 = tpu.memref_slice %arg5[%dma_wait3A_542, %dma_wait3A_548] : memref<25x64xi32, #tpu.memory_space<vmem>> -> memref<1x64xi32, #tpu.memory_space<vmem>>
    %dma_wait3A_550 = tpu.memref_squeeze %dma_wait3A_549 : memref<1x64xi32, #tpu.memory_space<vmem>> -> memref<64xi32, #tpu.memory_space<vmem>>
    %dma_wait3A_551 = arith.constant 0 : i32
    %dma_wait3A_552 = arith.constant 0 : i32
    %dma_wait3A_553 = tpu.memref_slice %arg3[%dma_wait3A_551, %dma_wait3A_552] : memref<1024x128xf32, #tpu.memory_space<hbm>> -> memref<1024x128xf32, #tpu.memory_space<hbm>>
    tpu.wait_indirect_dma semaphore(%arg7 : memref<!tpu.dma_semaphore, #tpu.memory_space<semaphore_mem>>) src(%dma_wait3A_553 : memref<1024x128xf32, #tpu.memory_space<hbm>>) dst(%dma_wait3A_547 : memref<64x128xf32, #tpu.memory_space<vmem>>)
    %dma_wait3A_554 = arith.constant 21 : i32
    %dma_wait3A_555 = arith.constant 1 : i32
    %dma_wait3A_556 = arith.constant 0 : i32
    %dma_wait3A_557 = arith.constant 0 : i32
    %dma_wait3A_558 = tpu.memref_slice %arg6[%dma_wait3A_555, %dma_wait3A_556, %dma_wait3A_557] : memref<5x64x128xf32, #tpu.memory_space<vmem>> -> memref<1x64x128xf32, #tpu.memory_space<vmem>>
    %dma_wait3A_559 = tpu.memref_squeeze %dma_wait3A_558 : memref<1x64x128xf32, #tpu.memory_space<vmem>> -> memref<64x128xf32, #tpu.memory_space<vmem>>
    %dma_wait3A_560 = arith.constant 0 : i32
    %dma_wait3A_561 = tpu.memref_slice %arg5[%dma_wait3A_554, %dma_wait3A_560] : memref<25x64xi32, #tpu.memory_space<vmem>> -> memref<1x64xi32, #tpu.memory_space<vmem>>
    %dma_wait3A_562 = tpu.memref_squeeze %dma_wait3A_561 : memref<1x64xi32, #tpu.memory_space<vmem>> -> memref<64xi32, #tpu.memory_space<vmem>>
    %dma_wait3A_563 = arith.constant 0 : i32
    %dma_wait3A_564 = arith.constant 0 : i32
    %dma_wait3A_565 = tpu.memref_slice %arg3[%dma_wait3A_563, %dma_wait3A_564] : memref<1024x128xf32, #tpu.memory_space<hbm>> -> memref<1024x128xf32, #tpu.memory_space<hbm>>
    tpu.wait_indirect_dma semaphore(%arg7 : memref<!tpu.dma_semaphore, #tpu.memory_space<semaphore_mem>>) src(%dma_wait3A_565 : memref<1024x128xf32, #tpu.memory_space<hbm>>) dst(%dma_wait3A_559 : memref<64x128xf32, #tpu.memory_space<vmem>>)
    %dma_wait3A_566 = arith.constant 22 : i32
    %dma_wait3A_567 = arith.constant 2 : i32
    %dma_wait3A_568 = arith.constant 0 : i32
    %dma_wait3A_569 = arith.constant 0 : i32
    %dma_wait3A_570 = tpu.memref_slice %arg6[%dma_wait3A_567, %dma_wait3A_568, %dma_wait3A_569] : memref<5x64x128xf32, #tpu.memory_space<vmem>> -> memref<1x64x128xf32, #tpu.memory_space<vmem>>
    %dma_wait3A_571 = tpu.memref_squeeze %dma_wait3A_570 : memref<1x64x128xf32, #tpu.memory_space<vmem>> -> memref<64x128xf32, #tpu.memory_space<vmem>>
    %dma_wait3A_572 = arith.constant 0 : i32
    %dma_wait3A_573 = tpu.memref_slice %arg5[%dma_wait3A_566, %dma_wait3A_572] : memref<25x64xi32, #tpu.memory_space<vmem>> -> memref<1x64xi32, #tpu.memory_space<vmem>>
    %dma_wait3A_574 = tpu.memref_squeeze %dma_wait3A_573 : memref<1x64xi32, #tpu.memory_space<vmem>> -> memref<64xi32, #tpu.memory_space<vmem>>
    %dma_wait3A_575 = arith.constant 0 : i32
    %dma_wait3A_576 = arith.constant 0 : i32
    %dma_wait3A_577 = tpu.memref_slice %arg3[%dma_wait3A_575, %dma_wait3A_576] : memref<1024x128xf32, #tpu.memory_space<hbm>> -> memref<1024x128xf32, #tpu.memory_space<hbm>>
    tpu.wait_indirect_dma semaphore(%arg7 : memref<!tpu.dma_semaphore, #tpu.memory_space<semaphore_mem>>) src(%dma_wait3A_577 : memref<1024x128xf32, #tpu.memory_space<hbm>>) dst(%dma_wait3A_571 : memref<64x128xf32, #tpu.memory_space<vmem>>)
    %dma_wait3A_578 = arith.constant 23 : i32
    %dma_wait3A_579 = arith.constant 3 : i32
    %dma_wait3A_580 = arith.constant 0 : i32
    %dma_wait3A_581 = arith.constant 0 : i32
    %dma_wait3A_582 = tpu.memref_slice %arg6[%dma_wait3A_579, %dma_wait3A_580, %dma_wait3A_581] : memref<5x64x128xf32, #tpu.memory_space<vmem>> -> memref<1x64x128xf32, #tpu.memory_space<vmem>>
    %dma_wait3A_583 = tpu.memref_squeeze %dma_wait3A_582 : memref<1x64x128xf32, #tpu.memory_space<vmem>> -> memref<64x128xf32, #tpu.memory_space<vmem>>
    %dma_wait3A_584 = arith.constant 0 : i32
    %dma_wait3A_585 = tpu.memref_slice %arg5[%dma_wait3A_578, %dma_wait3A_584] : memref<25x64xi32, #tpu.memory_space<vmem>> -> memref<1x64xi32, #tpu.memory_space<vmem>>
    %dma_wait3A_586 = tpu.memref_squeeze %dma_wait3A_585 : memref<1x64xi32, #tpu.memory_space<vmem>> -> memref<64xi32, #tpu.memory_space<vmem>>
    %dma_wait3A_587 = arith.constant 0 : i32
    %dma_wait3A_588 = arith.constant 0 : i32
    %dma_wait3A_589 = tpu.memref_slice %arg3[%dma_wait3A_587, %dma_wait3A_588] : memref<1024x128xf32, #tpu.memory_space<hbm>> -> memref<1024x128xf32, #tpu.memory_space<hbm>>
    tpu.wait_indirect_dma semaphore(%arg7 : memref<!tpu.dma_semaphore, #tpu.memory_space<semaphore_mem>>) src(%dma_wait3A_589 : memref<1024x128xf32, #tpu.memory_space<hbm>>) dst(%dma_wait3A_583 : memref<64x128xf32, #tpu.memory_space<vmem>>)
    %dma_wait3A_590 = arith.constant 24 : i32
    %dma_wait3A_591 = arith.constant 4 : i32
    %dma_wait3A_592 = arith.constant 0 : i32
    %dma_wait3A_593 = arith.constant 0 : i32
    %dma_wait3A_594 = tpu.memref_slice %arg6[%dma_wait3A_591, %dma_wait3A_592, %dma_wait3A_593] : memref<5x64x128xf32, #tpu.memory_space<vmem>> -> memref<1x64x128xf32, #tpu.memory_space<vmem>>
    %dma_wait3A_595 = tpu.memref_squeeze %dma_wait3A_594 : memref<1x64x128xf32, #tpu.memory_space<vmem>> -> memref<64x128xf32, #tpu.memory_space<vmem>>
    %dma_wait3A_596 = arith.constant 0 : i32
    %dma_wait3A_597 = tpu.memref_slice %arg5[%dma_wait3A_590, %dma_wait3A_596] : memref<25x64xi32, #tpu.memory_space<vmem>> -> memref<1x64xi32, #tpu.memory_space<vmem>>
    %dma_wait3A_598 = tpu.memref_squeeze %dma_wait3A_597 : memref<1x64xi32, #tpu.memory_space<vmem>> -> memref<64xi32, #tpu.memory_space<vmem>>
    %dma_wait3A_599 = arith.constant 0 : i32
    %dma_wait3A_600 = arith.constant 0 : i32
    %dma_wait3A_601 = tpu.memref_slice %arg3[%dma_wait3A_599, %dma_wait3A_600] : memref<1024x128xf32, #tpu.memory_space<hbm>> -> memref<1024x128xf32, #tpu.memory_space<hbm>>
    tpu.wait_indirect_dma semaphore(%arg7 : memref<!tpu.dma_semaphore, #tpu.memory_space<semaphore_mem>>) src(%dma_wait3A_601 : memref<1024x128xf32, #tpu.memory_space<hbm>>) dst(%dma_wait3A_595 : memref<64x128xf32, #tpu.memory_space<vmem>>)
    %run_scoped3A_602 = arith.constant 4 : i32
    "tpu.region"() ({
      %run_scoped3A_603 = tpu.sem_alloc : memref<!tpu.dma_semaphore, #tpu.memory_space<semaphore_mem>>
      %dma_start3A_604 = arith.constant 0 : i32
      %dma_start3A_605 = arith.constant 0 : i32
      %dma_start3A_606 = arith.constant 0 : i32
      %dma_start3A_607 = tpu.memref_slice %arg4[%add3A, %run_scoped3A_602, %dma_start3A_604, %dma_start3A_605, %dma_start3A_606] : memref<32x5x5x64x128xf32, #tpu.memory_space<hbm>> -> memref<1x1x5x64x128xf32, #tpu.memory_space<hbm>>
      %dma_start3A_608 = tpu.memref_squeeze %dma_start3A_607 : memref<1x1x5x64x128xf32, #tpu.memory_space<hbm>> -> memref<5x64x128xf32, #tpu.memory_space<hbm>>
      %dma_start3A_609 = arith.constant 0 : i32
      %dma_start3A_610 = arith.constant 0 : i32
      %dma_start3A_611 = arith.constant 0 : i32
      %dma_start3A_612 = tpu.memref_slice %arg4[%add3A, %run_scoped3A_602, %dma_start3A_609, %dma_start3A_610, %dma_start3A_611] : memref<32x5x5x64x128xf32, #tpu.memory_space<hbm>> -> memref<1x1x5x64x128xf32, #tpu.memory_space<hbm>>
      %dma_start3A_613 = tpu.memref_squeeze %dma_start3A_612 : memref<1x1x5x64x128xf32, #tpu.memory_space<hbm>> -> memref<5x64x128xf32, #tpu.memory_space<hbm>>
      tpu.enqueue_dma source(%arg6 : memref<5x64x128xf32, #tpu.memory_space<vmem>>) target(%dma_start3A_613 : memref<5x64x128xf32, #tpu.memory_space<hbm>>) target_semaphore(%run_scoped3A_603 : memref<!tpu.dma_semaphore, #tpu.memory_space<semaphore_mem>>)
      %dma_wait3A_614 = arith.constant 0 : i32
      %dma_wait3A_615 = arith.constant 0 : i32
      %dma_wait3A_616 = arith.constant 0 : i32
      %dma_wait3A_617 = tpu.memref_slice %arg4[%add3A, %run_scoped3A_602, %dma_wait3A_614, %dma_wait3A_615, %dma_wait3A_616] : memref<32x5x5x64x128xf32, #tpu.memory_space<hbm>> -> memref<1x1x5x64x128xf32, #tpu.memory_space<hbm>>
      %dma_wait3A_618 = tpu.memref_squeeze %dma_wait3A_617 : memref<1x1x5x64x128xf32, #tpu.memory_space<hbm>> -> memref<5x64x128xf32, #tpu.memory_space<hbm>>
      %dma_wait3A_619 = arith.constant 0 : i32
      %dma_wait3A_620 = arith.constant 0 : i32
      %dma_wait3A_621 = arith.constant 0 : i32
      %dma_wait3A_622 = tpu.memref_slice %arg4[%add3A, %run_scoped3A_602, %dma_wait3A_619, %dma_wait3A_620, %dma_wait3A_621] : memref<32x5x5x64x128xf32, #tpu.memory_space<hbm>> -> memref<1x1x5x64x128xf32, #tpu.memory_space<hbm>>
      %dma_wait3A_623 = tpu.memref_squeeze %dma_wait3A_622 : memref<1x1x5x64x128xf32, #tpu.memory_space<hbm>> -> memref<5x64x128xf32, #tpu.memory_space<hbm>>
      tpu.wait_dma2 semaphore(%run_scoped3A_603 : memref<!tpu.dma_semaphore, #tpu.memory_space<semaphore_mem>>) src(%arg6 : memref<5x64x128xf32, #tpu.memory_space<vmem>>) dst(%dma_wait3A_623 : memref<5x64x128xf32, #tpu.memory_space<hbm>>)
      tpu.yield
    }) : () -> ()
    return
  }
}

module attributes {stable_mosaic.version = 14 : i64} {
  func.func @_chunk_topk_body(%arg0: i32, %arg1: memref<128x1xf32, #tpu.memory_space<vmem>>, %arg2: memref<128x1xf32, #tpu.memory_space<vmem>>, %arg3: memref<32x1024xf32, #tpu.memory_space<vmem>>, %arg4: memref<32x1024xf32, #tpu.memory_space<vmem>>, %arg5: memref<128x25xi32, #tpu.memory_space<vmem>>, %arg6: memref<128x1024xf32, #tpu.memory_space<vmem>>) attributes {dimension_semantics = [#tpu.dimension_semantics<arbitrary>], iteration_bounds = array<i64: 16>, scalar_prefetch = 0 : i64, scratch_operands = 1 : i64, tpu.core_type = #tpu.core_type<tc>, window_params = [{transform_indices = @transform_0, window_bounds = array<i64: 128, 1>}, {transform_indices = @transform_1, window_bounds = array<i64: 128, 1>}, {pipeline_mode = #tpu.pipeline_mode<synchronous>, transform_indices = @transform_2, window_bounds = array<i64: 32, 1024>}, {pipeline_mode = #tpu.pipeline_mode<synchronous>, transform_indices = @transform_3, window_bounds = array<i64: 32, 1024>}, {transform_indices = @transform_4, window_bounds = array<i64: 128, 25>}]} {
    %get3A = arith.constant 0 : index
    %get3A_0 = arith.constant 0 : index
    %get3A_1 = vector.load %arg1[%get3A, %get3A_0] : memref<128x1xf32, #tpu.memory_space<vmem>>, vector<128x1xf32>
    %get3A_2 = arith.constant 0 : index
    %get3A_3 = arith.constant 0 : index
    %get3A_4 = vector.load %arg2[%get3A_2, %get3A_3] : memref<128x1xf32, #tpu.memory_space<vmem>>, vector<128x1xf32>
    %mul3A = arith.mulf %get3A_1, %get3A_1 : vector<128x1xf32>
    %mul3A_5 = arith.mulf %get3A_4, %get3A_4 : vector<128x1xf32>
    %add3A = arith.addf %mul3A, %mul3A_5 : vector<128x1xf32>
    %convert_element_type3A = arith.truncf %get3A_1 : vector<128x1xf32> to vector<128x1xbf16>
    %convert_element_type3A_6 = arith.extf %convert_element_type3A : vector<128x1xbf16> to vector<128x1xf32>
    %convert_element_type3A_7 = arith.truncf %get3A_4 : vector<128x1xf32> to vector<128x1xbf16>
    %convert_element_type3A_8 = arith.extf %convert_element_type3A_7 : vector<128x1xbf16> to vector<128x1xf32>
    %get3A_9 = arith.constant 0 : index
    %get3A_10 = arith.constant 0 : index
    %get3A_11 = vector.load %arg3[%get3A_9, %get3A_10] : memref<32x1024xf32, #tpu.memory_space<vmem>>, vector<1x1024xf32>
    %get3A_12 = arith.constant 0 : index
    %get3A_13 = arith.constant 0 : index
    %get3A_14 = vector.load %arg4[%get3A_12, %get3A_13] : memref<32x1024xf32, #tpu.memory_space<vmem>>, vector<1x1024xf32>
    %convert_element_type3A_15 = arith.truncf %get3A_11 : vector<1x1024xf32> to vector<1x1024xbf16>
    %convert_element_type3A_16 = arith.extf %convert_element_type3A_15 : vector<1x1024xbf16> to vector<1x1024xf32>
    %mul3A_17 = vector.broadcast %convert_element_type3A_6 : vector<128x1xf32> to vector<128x1024xf32>
    %mul3A_18 = vector.broadcast %convert_element_type3A_16 : vector<1x1024xf32> to vector<128x1024xf32>
    %mul3A_19 = arith.mulf %mul3A_17, %mul3A_18 : vector<128x1024xf32>
    %convert_element_type3A_20 = arith.truncf %get3A_14 : vector<1x1024xf32> to vector<1x1024xbf16>
    %convert_element_type3A_21 = arith.extf %convert_element_type3A_20 : vector<1x1024xbf16> to vector<1x1024xf32>
    %mul3A_22 = vector.broadcast %convert_element_type3A_8 : vector<128x1xf32> to vector<128x1024xf32>
    %mul3A_23 = vector.broadcast %convert_element_type3A_21 : vector<1x1024xf32> to vector<128x1024xf32>
    %mul3A_24 = arith.mulf %mul3A_22, %mul3A_23 : vector<128x1024xf32>
    %add3A_25 = arith.addf %mul3A_19, %mul3A_24 : vector<128x1024xf32>
    %mul3A_26 = arith.constant 2.000000e+00 : f32
    %mul3A_27 = vector.broadcast %mul3A_26 : f32 to vector<128x1024xf32>
    %mul3A_28 = arith.mulf %mul3A_27, %add3A_25 : vector<128x1024xf32>
    %sub3A = vector.broadcast %add3A : vector<128x1xf32> to vector<128x1024xf32>
    %sub3A_29 = arith.subf %sub3A, %mul3A_28 : vector<128x1024xf32>
    %mul3A_30 = arith.mulf %get3A_11, %get3A_11 : vector<1x1024xf32>
    %mul3A_31 = arith.mulf %get3A_14, %get3A_14 : vector<1x1024xf32>
    %add3A_32 = arith.addf %mul3A_30, %mul3A_31 : vector<1x1024xf32>
    %add3A_33 = vector.broadcast %add3A_32 : vector<1x1024xf32> to vector<128x1024xf32>
    %add3A_34 = arith.addf %sub3A_29, %add3A_33 : vector<128x1024xf32>
    %get3A_35 = arith.constant 1 : index
    %get3A_36 = arith.constant 0 : index
    %get3A_37 = vector.load %arg3[%get3A_35, %get3A_36] : memref<32x1024xf32, #tpu.memory_space<vmem>>, vector<1x1024xf32>
    %get3A_38 = arith.constant 1 : index
    %get3A_39 = arith.constant 0 : index
    %get3A_40 = vector.load %arg4[%get3A_38, %get3A_39] : memref<32x1024xf32, #tpu.memory_space<vmem>>, vector<1x1024xf32>
    %convert_element_type3A_41 = arith.truncf %get3A_37 : vector<1x1024xf32> to vector<1x1024xbf16>
    %convert_element_type3A_42 = arith.extf %convert_element_type3A_41 : vector<1x1024xbf16> to vector<1x1024xf32>
    %mul3A_43 = vector.broadcast %convert_element_type3A_6 : vector<128x1xf32> to vector<128x1024xf32>
    %mul3A_44 = vector.broadcast %convert_element_type3A_42 : vector<1x1024xf32> to vector<128x1024xf32>
    %mul3A_45 = arith.mulf %mul3A_43, %mul3A_44 : vector<128x1024xf32>
    %convert_element_type3A_46 = arith.truncf %get3A_40 : vector<1x1024xf32> to vector<1x1024xbf16>
    %convert_element_type3A_47 = arith.extf %convert_element_type3A_46 : vector<1x1024xbf16> to vector<1x1024xf32>
    %mul3A_48 = vector.broadcast %convert_element_type3A_8 : vector<128x1xf32> to vector<128x1024xf32>
    %mul3A_49 = vector.broadcast %convert_element_type3A_47 : vector<1x1024xf32> to vector<128x1024xf32>
    %mul3A_50 = arith.mulf %mul3A_48, %mul3A_49 : vector<128x1024xf32>
    %add3A_51 = arith.addf %mul3A_45, %mul3A_50 : vector<128x1024xf32>
    %mul3A_52 = arith.constant 2.000000e+00 : f32
    %mul3A_53 = vector.broadcast %mul3A_52 : f32 to vector<128x1024xf32>
    %mul3A_54 = arith.mulf %mul3A_53, %add3A_51 : vector<128x1024xf32>
    %sub3A_55 = vector.broadcast %add3A : vector<128x1xf32> to vector<128x1024xf32>
    %sub3A_56 = arith.subf %sub3A_55, %mul3A_54 : vector<128x1024xf32>
    %mul3A_57 = arith.mulf %get3A_37, %get3A_37 : vector<1x1024xf32>
    %mul3A_58 = arith.mulf %get3A_40, %get3A_40 : vector<1x1024xf32>
    %add3A_59 = arith.addf %mul3A_57, %mul3A_58 : vector<1x1024xf32>
    %add3A_60 = vector.broadcast %add3A_59 : vector<1x1024xf32> to vector<128x1024xf32>
    %add3A_61 = arith.addf %sub3A_56, %add3A_60 : vector<128x1024xf32>
    %min3A = arith.minimumf %add3A_34, %add3A_61 : vector<128x1024xf32>
    %get3A_62 = arith.constant 2 : index
    %get3A_63 = arith.constant 0 : index
    %get3A_64 = vector.load %arg3[%get3A_62, %get3A_63] : memref<32x1024xf32, #tpu.memory_space<vmem>>, vector<1x1024xf32>
    %get3A_65 = arith.constant 2 : index
    %get3A_66 = arith.constant 0 : index
    %get3A_67 = vector.load %arg4[%get3A_65, %get3A_66] : memref<32x1024xf32, #tpu.memory_space<vmem>>, vector<1x1024xf32>
    %convert_element_type3A_68 = arith.truncf %get3A_64 : vector<1x1024xf32> to vector<1x1024xbf16>
    %convert_element_type3A_69 = arith.extf %convert_element_type3A_68 : vector<1x1024xbf16> to vector<1x1024xf32>
    %mul3A_70 = vector.broadcast %convert_element_type3A_6 : vector<128x1xf32> to vector<128x1024xf32>
    %mul3A_71 = vector.broadcast %convert_element_type3A_69 : vector<1x1024xf32> to vector<128x1024xf32>
    %mul3A_72 = arith.mulf %mul3A_70, %mul3A_71 : vector<128x1024xf32>
    %convert_element_type3A_73 = arith.truncf %get3A_67 : vector<1x1024xf32> to vector<1x1024xbf16>
    %convert_element_type3A_74 = arith.extf %convert_element_type3A_73 : vector<1x1024xbf16> to vector<1x1024xf32>
    %mul3A_75 = vector.broadcast %convert_element_type3A_8 : vector<128x1xf32> to vector<128x1024xf32>
    %mul3A_76 = vector.broadcast %convert_element_type3A_74 : vector<1x1024xf32> to vector<128x1024xf32>
    %mul3A_77 = arith.mulf %mul3A_75, %mul3A_76 : vector<128x1024xf32>
    %add3A_78 = arith.addf %mul3A_72, %mul3A_77 : vector<128x1024xf32>
    %mul3A_79 = arith.constant 2.000000e+00 : f32
    %mul3A_80 = vector.broadcast %mul3A_79 : f32 to vector<128x1024xf32>
    %mul3A_81 = arith.mulf %mul3A_80, %add3A_78 : vector<128x1024xf32>
    %sub3A_82 = vector.broadcast %add3A : vector<128x1xf32> to vector<128x1024xf32>
    %sub3A_83 = arith.subf %sub3A_82, %mul3A_81 : vector<128x1024xf32>
    %mul3A_84 = arith.mulf %get3A_64, %get3A_64 : vector<1x1024xf32>
    %mul3A_85 = arith.mulf %get3A_67, %get3A_67 : vector<1x1024xf32>
    %add3A_86 = arith.addf %mul3A_84, %mul3A_85 : vector<1x1024xf32>
    %add3A_87 = vector.broadcast %add3A_86 : vector<1x1024xf32> to vector<128x1024xf32>
    %add3A_88 = arith.addf %sub3A_83, %add3A_87 : vector<128x1024xf32>
    %min3A_89 = arith.minimumf %min3A, %add3A_88 : vector<128x1024xf32>
    %get3A_90 = arith.constant 3 : index
    %get3A_91 = arith.constant 0 : index
    %get3A_92 = vector.load %arg3[%get3A_90, %get3A_91] : memref<32x1024xf32, #tpu.memory_space<vmem>>, vector<1x1024xf32>
    %get3A_93 = arith.constant 3 : index
    %get3A_94 = arith.constant 0 : index
    %get3A_95 = vector.load %arg4[%get3A_93, %get3A_94] : memref<32x1024xf32, #tpu.memory_space<vmem>>, vector<1x1024xf32>
    %convert_element_type3A_96 = arith.truncf %get3A_92 : vector<1x1024xf32> to vector<1x1024xbf16>
    %convert_element_type3A_97 = arith.extf %convert_element_type3A_96 : vector<1x1024xbf16> to vector<1x1024xf32>
    %mul3A_98 = vector.broadcast %convert_element_type3A_6 : vector<128x1xf32> to vector<128x1024xf32>
    %mul3A_99 = vector.broadcast %convert_element_type3A_97 : vector<1x1024xf32> to vector<128x1024xf32>
    %mul3A_100 = arith.mulf %mul3A_98, %mul3A_99 : vector<128x1024xf32>
    %convert_element_type3A_101 = arith.truncf %get3A_95 : vector<1x1024xf32> to vector<1x1024xbf16>
    %convert_element_type3A_102 = arith.extf %convert_element_type3A_101 : vector<1x1024xbf16> to vector<1x1024xf32>
    %mul3A_103 = vector.broadcast %convert_element_type3A_8 : vector<128x1xf32> to vector<128x1024xf32>
    %mul3A_104 = vector.broadcast %convert_element_type3A_102 : vector<1x1024xf32> to vector<128x1024xf32>
    %mul3A_105 = arith.mulf %mul3A_103, %mul3A_104 : vector<128x1024xf32>
    %add3A_106 = arith.addf %mul3A_100, %mul3A_105 : vector<128x1024xf32>
    %mul3A_107 = arith.constant 2.000000e+00 : f32
    %mul3A_108 = vector.broadcast %mul3A_107 : f32 to vector<128x1024xf32>
    %mul3A_109 = arith.mulf %mul3A_108, %add3A_106 : vector<128x1024xf32>
    %sub3A_110 = vector.broadcast %add3A : vector<128x1xf32> to vector<128x1024xf32>
    %sub3A_111 = arith.subf %sub3A_110, %mul3A_109 : vector<128x1024xf32>
    %mul3A_112 = arith.mulf %get3A_92, %get3A_92 : vector<1x1024xf32>
    %mul3A_113 = arith.mulf %get3A_95, %get3A_95 : vector<1x1024xf32>
    %add3A_114 = arith.addf %mul3A_112, %mul3A_113 : vector<1x1024xf32>
    %add3A_115 = vector.broadcast %add3A_114 : vector<1x1024xf32> to vector<128x1024xf32>
    %add3A_116 = arith.addf %sub3A_111, %add3A_115 : vector<128x1024xf32>
    %min3A_117 = arith.minimumf %min3A_89, %add3A_116 : vector<128x1024xf32>
    %get3A_118 = arith.constant 4 : index
    %get3A_119 = arith.constant 0 : index
    %get3A_120 = vector.load %arg3[%get3A_118, %get3A_119] : memref<32x1024xf32, #tpu.memory_space<vmem>>, vector<1x1024xf32>
    %get3A_121 = arith.constant 4 : index
    %get3A_122 = arith.constant 0 : index
    %get3A_123 = vector.load %arg4[%get3A_121, %get3A_122] : memref<32x1024xf32, #tpu.memory_space<vmem>>, vector<1x1024xf32>
    %convert_element_type3A_124 = arith.truncf %get3A_120 : vector<1x1024xf32> to vector<1x1024xbf16>
    %convert_element_type3A_125 = arith.extf %convert_element_type3A_124 : vector<1x1024xbf16> to vector<1x1024xf32>
    %mul3A_126 = vector.broadcast %convert_element_type3A_6 : vector<128x1xf32> to vector<128x1024xf32>
    %mul3A_127 = vector.broadcast %convert_element_type3A_125 : vector<1x1024xf32> to vector<128x1024xf32>
    %mul3A_128 = arith.mulf %mul3A_126, %mul3A_127 : vector<128x1024xf32>
    %convert_element_type3A_129 = arith.truncf %get3A_123 : vector<1x1024xf32> to vector<1x1024xbf16>
    %convert_element_type3A_130 = arith.extf %convert_element_type3A_129 : vector<1x1024xbf16> to vector<1x1024xf32>
    %mul3A_131 = vector.broadcast %convert_element_type3A_8 : vector<128x1xf32> to vector<128x1024xf32>
    %mul3A_132 = vector.broadcast %convert_element_type3A_130 : vector<1x1024xf32> to vector<128x1024xf32>
    %mul3A_133 = arith.mulf %mul3A_131, %mul3A_132 : vector<128x1024xf32>
    %add3A_134 = arith.addf %mul3A_128, %mul3A_133 : vector<128x1024xf32>
    %mul3A_135 = arith.constant 2.000000e+00 : f32
    %mul3A_136 = vector.broadcast %mul3A_135 : f32 to vector<128x1024xf32>
    %mul3A_137 = arith.mulf %mul3A_136, %add3A_134 : vector<128x1024xf32>
    %sub3A_138 = vector.broadcast %add3A : vector<128x1xf32> to vector<128x1024xf32>
    %sub3A_139 = arith.subf %sub3A_138, %mul3A_137 : vector<128x1024xf32>
    %mul3A_140 = arith.mulf %get3A_120, %get3A_120 : vector<1x1024xf32>
    %mul3A_141 = arith.mulf %get3A_123, %get3A_123 : vector<1x1024xf32>
    %add3A_142 = arith.addf %mul3A_140, %mul3A_141 : vector<1x1024xf32>
    %add3A_143 = vector.broadcast %add3A_142 : vector<1x1024xf32> to vector<128x1024xf32>
    %add3A_144 = arith.addf %sub3A_139, %add3A_143 : vector<128x1024xf32>
    %min3A_145 = arith.minimumf %min3A_117, %add3A_144 : vector<128x1024xf32>
    %get3A_146 = arith.constant 5 : index
    %get3A_147 = arith.constant 0 : index
    %get3A_148 = vector.load %arg3[%get3A_146, %get3A_147] : memref<32x1024xf32, #tpu.memory_space<vmem>>, vector<1x1024xf32>
    %get3A_149 = arith.constant 5 : index
    %get3A_150 = arith.constant 0 : index
    %get3A_151 = vector.load %arg4[%get3A_149, %get3A_150] : memref<32x1024xf32, #tpu.memory_space<vmem>>, vector<1x1024xf32>
    %convert_element_type3A_152 = arith.truncf %get3A_148 : vector<1x1024xf32> to vector<1x1024xbf16>
    %convert_element_type3A_153 = arith.extf %convert_element_type3A_152 : vector<1x1024xbf16> to vector<1x1024xf32>
    %mul3A_154 = vector.broadcast %convert_element_type3A_6 : vector<128x1xf32> to vector<128x1024xf32>
    %mul3A_155 = vector.broadcast %convert_element_type3A_153 : vector<1x1024xf32> to vector<128x1024xf32>
    %mul3A_156 = arith.mulf %mul3A_154, %mul3A_155 : vector<128x1024xf32>
    %convert_element_type3A_157 = arith.truncf %get3A_151 : vector<1x1024xf32> to vector<1x1024xbf16>
    %convert_element_type3A_158 = arith.extf %convert_element_type3A_157 : vector<1x1024xbf16> to vector<1x1024xf32>
    %mul3A_159 = vector.broadcast %convert_element_type3A_8 : vector<128x1xf32> to vector<128x1024xf32>
    %mul3A_160 = vector.broadcast %convert_element_type3A_158 : vector<1x1024xf32> to vector<128x1024xf32>
    %mul3A_161 = arith.mulf %mul3A_159, %mul3A_160 : vector<128x1024xf32>
    %add3A_162 = arith.addf %mul3A_156, %mul3A_161 : vector<128x1024xf32>
    %mul3A_163 = arith.constant 2.000000e+00 : f32
    %mul3A_164 = vector.broadcast %mul3A_163 : f32 to vector<128x1024xf32>
    %mul3A_165 = arith.mulf %mul3A_164, %add3A_162 : vector<128x1024xf32>
    %sub3A_166 = vector.broadcast %add3A : vector<128x1xf32> to vector<128x1024xf32>
    %sub3A_167 = arith.subf %sub3A_166, %mul3A_165 : vector<128x1024xf32>
    %mul3A_168 = arith.mulf %get3A_148, %get3A_148 : vector<1x1024xf32>
    %mul3A_169 = arith.mulf %get3A_151, %get3A_151 : vector<1x1024xf32>
    %add3A_170 = arith.addf %mul3A_168, %mul3A_169 : vector<1x1024xf32>
    %add3A_171 = vector.broadcast %add3A_170 : vector<1x1024xf32> to vector<128x1024xf32>
    %add3A_172 = arith.addf %sub3A_167, %add3A_171 : vector<128x1024xf32>
    %min3A_173 = arith.minimumf %min3A_145, %add3A_172 : vector<128x1024xf32>
    %get3A_174 = arith.constant 6 : index
    %get3A_175 = arith.constant 0 : index
    %get3A_176 = vector.load %arg3[%get3A_174, %get3A_175] : memref<32x1024xf32, #tpu.memory_space<vmem>>, vector<1x1024xf32>
    %get3A_177 = arith.constant 6 : index
    %get3A_178 = arith.constant 0 : index
    %get3A_179 = vector.load %arg4[%get3A_177, %get3A_178] : memref<32x1024xf32, #tpu.memory_space<vmem>>, vector<1x1024xf32>
    %convert_element_type3A_180 = arith.truncf %get3A_176 : vector<1x1024xf32> to vector<1x1024xbf16>
    %convert_element_type3A_181 = arith.extf %convert_element_type3A_180 : vector<1x1024xbf16> to vector<1x1024xf32>
    %mul3A_182 = vector.broadcast %convert_element_type3A_6 : vector<128x1xf32> to vector<128x1024xf32>
    %mul3A_183 = vector.broadcast %convert_element_type3A_181 : vector<1x1024xf32> to vector<128x1024xf32>
    %mul3A_184 = arith.mulf %mul3A_182, %mul3A_183 : vector<128x1024xf32>
    %convert_element_type3A_185 = arith.truncf %get3A_179 : vector<1x1024xf32> to vector<1x1024xbf16>
    %convert_element_type3A_186 = arith.extf %convert_element_type3A_185 : vector<1x1024xbf16> to vector<1x1024xf32>
    %mul3A_187 = vector.broadcast %convert_element_type3A_8 : vector<128x1xf32> to vector<128x1024xf32>
    %mul3A_188 = vector.broadcast %convert_element_type3A_186 : vector<1x1024xf32> to vector<128x1024xf32>
    %mul3A_189 = arith.mulf %mul3A_187, %mul3A_188 : vector<128x1024xf32>
    %add3A_190 = arith.addf %mul3A_184, %mul3A_189 : vector<128x1024xf32>
    %mul3A_191 = arith.constant 2.000000e+00 : f32
    %mul3A_192 = vector.broadcast %mul3A_191 : f32 to vector<128x1024xf32>
    %mul3A_193 = arith.mulf %mul3A_192, %add3A_190 : vector<128x1024xf32>
    %sub3A_194 = vector.broadcast %add3A : vector<128x1xf32> to vector<128x1024xf32>
    %sub3A_195 = arith.subf %sub3A_194, %mul3A_193 : vector<128x1024xf32>
    %mul3A_196 = arith.mulf %get3A_176, %get3A_176 : vector<1x1024xf32>
    %mul3A_197 = arith.mulf %get3A_179, %get3A_179 : vector<1x1024xf32>
    %add3A_198 = arith.addf %mul3A_196, %mul3A_197 : vector<1x1024xf32>
    %add3A_199 = vector.broadcast %add3A_198 : vector<1x1024xf32> to vector<128x1024xf32>
    %add3A_200 = arith.addf %sub3A_195, %add3A_199 : vector<128x1024xf32>
    %min3A_201 = arith.minimumf %min3A_173, %add3A_200 : vector<128x1024xf32>
    %get3A_202 = arith.constant 7 : index
    %get3A_203 = arith.constant 0 : index
    %get3A_204 = vector.load %arg3[%get3A_202, %get3A_203] : memref<32x1024xf32, #tpu.memory_space<vmem>>, vector<1x1024xf32>
    %get3A_205 = arith.constant 7 : index
    %get3A_206 = arith.constant 0 : index
    %get3A_207 = vector.load %arg4[%get3A_205, %get3A_206] : memref<32x1024xf32, #tpu.memory_space<vmem>>, vector<1x1024xf32>
    %convert_element_type3A_208 = arith.truncf %get3A_204 : vector<1x1024xf32> to vector<1x1024xbf16>
    %convert_element_type3A_209 = arith.extf %convert_element_type3A_208 : vector<1x1024xbf16> to vector<1x1024xf32>
    %mul3A_210 = vector.broadcast %convert_element_type3A_6 : vector<128x1xf32> to vector<128x1024xf32>
    %mul3A_211 = vector.broadcast %convert_element_type3A_209 : vector<1x1024xf32> to vector<128x1024xf32>
    %mul3A_212 = arith.mulf %mul3A_210, %mul3A_211 : vector<128x1024xf32>
    %convert_element_type3A_213 = arith.truncf %get3A_207 : vector<1x1024xf32> to vector<1x1024xbf16>
    %convert_element_type3A_214 = arith.extf %convert_element_type3A_213 : vector<1x1024xbf16> to vector<1x1024xf32>
    %mul3A_215 = vector.broadcast %convert_element_type3A_8 : vector<128x1xf32> to vector<128x1024xf32>
    %mul3A_216 = vector.broadcast %convert_element_type3A_214 : vector<1x1024xf32> to vector<128x1024xf32>
    %mul3A_217 = arith.mulf %mul3A_215, %mul3A_216 : vector<128x1024xf32>
    %add3A_218 = arith.addf %mul3A_212, %mul3A_217 : vector<128x1024xf32>
    %mul3A_219 = arith.constant 2.000000e+00 : f32
    %mul3A_220 = vector.broadcast %mul3A_219 : f32 to vector<128x1024xf32>
    %mul3A_221 = arith.mulf %mul3A_220, %add3A_218 : vector<128x1024xf32>
    %sub3A_222 = vector.broadcast %add3A : vector<128x1xf32> to vector<128x1024xf32>
    %sub3A_223 = arith.subf %sub3A_222, %mul3A_221 : vector<128x1024xf32>
    %mul3A_224 = arith.mulf %get3A_204, %get3A_204 : vector<1x1024xf32>
    %mul3A_225 = arith.mulf %get3A_207, %get3A_207 : vector<1x1024xf32>
    %add3A_226 = arith.addf %mul3A_224, %mul3A_225 : vector<1x1024xf32>
    %add3A_227 = vector.broadcast %add3A_226 : vector<1x1024xf32> to vector<128x1024xf32>
    %add3A_228 = arith.addf %sub3A_223, %add3A_227 : vector<128x1024xf32>
    %min3A_229 = arith.minimumf %min3A_201, %add3A_228 : vector<128x1024xf32>
    %get3A_230 = arith.constant 8 : index
    %get3A_231 = arith.constant 0 : index
    %get3A_232 = vector.load %arg3[%get3A_230, %get3A_231] : memref<32x1024xf32, #tpu.memory_space<vmem>>, vector<1x1024xf32>
    %get3A_233 = arith.constant 8 : index
    %get3A_234 = arith.constant 0 : index
    %get3A_235 = vector.load %arg4[%get3A_233, %get3A_234] : memref<32x1024xf32, #tpu.memory_space<vmem>>, vector<1x1024xf32>
    %convert_element_type3A_236 = arith.truncf %get3A_232 : vector<1x1024xf32> to vector<1x1024xbf16>
    %convert_element_type3A_237 = arith.extf %convert_element_type3A_236 : vector<1x1024xbf16> to vector<1x1024xf32>
    %mul3A_238 = vector.broadcast %convert_element_type3A_6 : vector<128x1xf32> to vector<128x1024xf32>
    %mul3A_239 = vector.broadcast %convert_element_type3A_237 : vector<1x1024xf32> to vector<128x1024xf32>
    %mul3A_240 = arith.mulf %mul3A_238, %mul3A_239 : vector<128x1024xf32>
    %convert_element_type3A_241 = arith.truncf %get3A_235 : vector<1x1024xf32> to vector<1x1024xbf16>
    %convert_element_type3A_242 = arith.extf %convert_element_type3A_241 : vector<1x1024xbf16> to vector<1x1024xf32>
    %mul3A_243 = vector.broadcast %convert_element_type3A_8 : vector<128x1xf32> to vector<128x1024xf32>
    %mul3A_244 = vector.broadcast %convert_element_type3A_242 : vector<1x1024xf32> to vector<128x1024xf32>
    %mul3A_245 = arith.mulf %mul3A_243, %mul3A_244 : vector<128x1024xf32>
    %add3A_246 = arith.addf %mul3A_240, %mul3A_245 : vector<128x1024xf32>
    %mul3A_247 = arith.constant 2.000000e+00 : f32
    %mul3A_248 = vector.broadcast %mul3A_247 : f32 to vector<128x1024xf32>
    %mul3A_249 = arith.mulf %mul3A_248, %add3A_246 : vector<128x1024xf32>
    %sub3A_250 = vector.broadcast %add3A : vector<128x1xf32> to vector<128x1024xf32>
    %sub3A_251 = arith.subf %sub3A_250, %mul3A_249 : vector<128x1024xf32>
    %mul3A_252 = arith.mulf %get3A_232, %get3A_232 : vector<1x1024xf32>
    %mul3A_253 = arith.mulf %get3A_235, %get3A_235 : vector<1x1024xf32>
    %add3A_254 = arith.addf %mul3A_252, %mul3A_253 : vector<1x1024xf32>
    %add3A_255 = vector.broadcast %add3A_254 : vector<1x1024xf32> to vector<128x1024xf32>
    %add3A_256 = arith.addf %sub3A_251, %add3A_255 : vector<128x1024xf32>
    %min3A_257 = arith.minimumf %min3A_229, %add3A_256 : vector<128x1024xf32>
    %get3A_258 = arith.constant 9 : index
    %get3A_259 = arith.constant 0 : index
    %get3A_260 = vector.load %arg3[%get3A_258, %get3A_259] : memref<32x1024xf32, #tpu.memory_space<vmem>>, vector<1x1024xf32>
    %get3A_261 = arith.constant 9 : index
    %get3A_262 = arith.constant 0 : index
    %get3A_263 = vector.load %arg4[%get3A_261, %get3A_262] : memref<32x1024xf32, #tpu.memory_space<vmem>>, vector<1x1024xf32>
    %convert_element_type3A_264 = arith.truncf %get3A_260 : vector<1x1024xf32> to vector<1x1024xbf16>
    %convert_element_type3A_265 = arith.extf %convert_element_type3A_264 : vector<1x1024xbf16> to vector<1x1024xf32>
    %mul3A_266 = vector.broadcast %convert_element_type3A_6 : vector<128x1xf32> to vector<128x1024xf32>
    %mul3A_267 = vector.broadcast %convert_element_type3A_265 : vector<1x1024xf32> to vector<128x1024xf32>
    %mul3A_268 = arith.mulf %mul3A_266, %mul3A_267 : vector<128x1024xf32>
    %convert_element_type3A_269 = arith.truncf %get3A_263 : vector<1x1024xf32> to vector<1x1024xbf16>
    %convert_element_type3A_270 = arith.extf %convert_element_type3A_269 : vector<1x1024xbf16> to vector<1x1024xf32>
    %mul3A_271 = vector.broadcast %convert_element_type3A_8 : vector<128x1xf32> to vector<128x1024xf32>
    %mul3A_272 = vector.broadcast %convert_element_type3A_270 : vector<1x1024xf32> to vector<128x1024xf32>
    %mul3A_273 = arith.mulf %mul3A_271, %mul3A_272 : vector<128x1024xf32>
    %add3A_274 = arith.addf %mul3A_268, %mul3A_273 : vector<128x1024xf32>
    %mul3A_275 = arith.constant 2.000000e+00 : f32
    %mul3A_276 = vector.broadcast %mul3A_275 : f32 to vector<128x1024xf32>
    %mul3A_277 = arith.mulf %mul3A_276, %add3A_274 : vector<128x1024xf32>
    %sub3A_278 = vector.broadcast %add3A : vector<128x1xf32> to vector<128x1024xf32>
    %sub3A_279 = arith.subf %sub3A_278, %mul3A_277 : vector<128x1024xf32>
    %mul3A_280 = arith.mulf %get3A_260, %get3A_260 : vector<1x1024xf32>
    %mul3A_281 = arith.mulf %get3A_263, %get3A_263 : vector<1x1024xf32>
    %add3A_282 = arith.addf %mul3A_280, %mul3A_281 : vector<1x1024xf32>
    %add3A_283 = vector.broadcast %add3A_282 : vector<1x1024xf32> to vector<128x1024xf32>
    %add3A_284 = arith.addf %sub3A_279, %add3A_283 : vector<128x1024xf32>
    %min3A_285 = arith.minimumf %min3A_257, %add3A_284 : vector<128x1024xf32>
    %get3A_286 = arith.constant 10 : index
    %get3A_287 = arith.constant 0 : index
    %get3A_288 = vector.load %arg3[%get3A_286, %get3A_287] : memref<32x1024xf32, #tpu.memory_space<vmem>>, vector<1x1024xf32>
    %get3A_289 = arith.constant 10 : index
    %get3A_290 = arith.constant 0 : index
    %get3A_291 = vector.load %arg4[%get3A_289, %get3A_290] : memref<32x1024xf32, #tpu.memory_space<vmem>>, vector<1x1024xf32>
    %convert_element_type3A_292 = arith.truncf %get3A_288 : vector<1x1024xf32> to vector<1x1024xbf16>
    %convert_element_type3A_293 = arith.extf %convert_element_type3A_292 : vector<1x1024xbf16> to vector<1x1024xf32>
    %mul3A_294 = vector.broadcast %convert_element_type3A_6 : vector<128x1xf32> to vector<128x1024xf32>
    %mul3A_295 = vector.broadcast %convert_element_type3A_293 : vector<1x1024xf32> to vector<128x1024xf32>
    %mul3A_296 = arith.mulf %mul3A_294, %mul3A_295 : vector<128x1024xf32>
    %convert_element_type3A_297 = arith.truncf %get3A_291 : vector<1x1024xf32> to vector<1x1024xbf16>
    %convert_element_type3A_298 = arith.extf %convert_element_type3A_297 : vector<1x1024xbf16> to vector<1x1024xf32>
    %mul3A_299 = vector.broadcast %convert_element_type3A_8 : vector<128x1xf32> to vector<128x1024xf32>
    %mul3A_300 = vector.broadcast %convert_element_type3A_298 : vector<1x1024xf32> to vector<128x1024xf32>
    %mul3A_301 = arith.mulf %mul3A_299, %mul3A_300 : vector<128x1024xf32>
    %add3A_302 = arith.addf %mul3A_296, %mul3A_301 : vector<128x1024xf32>
    %mul3A_303 = arith.constant 2.000000e+00 : f32
    %mul3A_304 = vector.broadcast %mul3A_303 : f32 to vector<128x1024xf32>
    %mul3A_305 = arith.mulf %mul3A_304, %add3A_302 : vector<128x1024xf32>
    %sub3A_306 = vector.broadcast %add3A : vector<128x1xf32> to vector<128x1024xf32>
    %sub3A_307 = arith.subf %sub3A_306, %mul3A_305 : vector<128x1024xf32>
    %mul3A_308 = arith.mulf %get3A_288, %get3A_288 : vector<1x1024xf32>
    %mul3A_309 = arith.mulf %get3A_291, %get3A_291 : vector<1x1024xf32>
    %add3A_310 = arith.addf %mul3A_308, %mul3A_309 : vector<1x1024xf32>
    %add3A_311 = vector.broadcast %add3A_310 : vector<1x1024xf32> to vector<128x1024xf32>
    %add3A_312 = arith.addf %sub3A_307, %add3A_311 : vector<128x1024xf32>
    %min3A_313 = arith.minimumf %min3A_285, %add3A_312 : vector<128x1024xf32>
    %get3A_314 = arith.constant 11 : index
    %get3A_315 = arith.constant 0 : index
    %get3A_316 = vector.load %arg3[%get3A_314, %get3A_315] : memref<32x1024xf32, #tpu.memory_space<vmem>>, vector<1x1024xf32>
    %get3A_317 = arith.constant 11 : index
    %get3A_318 = arith.constant 0 : index
    %get3A_319 = vector.load %arg4[%get3A_317, %get3A_318] : memref<32x1024xf32, #tpu.memory_space<vmem>>, vector<1x1024xf32>
    %convert_element_type3A_320 = arith.truncf %get3A_316 : vector<1x1024xf32> to vector<1x1024xbf16>
    %convert_element_type3A_321 = arith.extf %convert_element_type3A_320 : vector<1x1024xbf16> to vector<1x1024xf32>
    %mul3A_322 = vector.broadcast %convert_element_type3A_6 : vector<128x1xf32> to vector<128x1024xf32>
    %mul3A_323 = vector.broadcast %convert_element_type3A_321 : vector<1x1024xf32> to vector<128x1024xf32>
    %mul3A_324 = arith.mulf %mul3A_322, %mul3A_323 : vector<128x1024xf32>
    %convert_element_type3A_325 = arith.truncf %get3A_319 : vector<1x1024xf32> to vector<1x1024xbf16>
    %convert_element_type3A_326 = arith.extf %convert_element_type3A_325 : vector<1x1024xbf16> to vector<1x1024xf32>
    %mul3A_327 = vector.broadcast %convert_element_type3A_8 : vector<128x1xf32> to vector<128x1024xf32>
    %mul3A_328 = vector.broadcast %convert_element_type3A_326 : vector<1x1024xf32> to vector<128x1024xf32>
    %mul3A_329 = arith.mulf %mul3A_327, %mul3A_328 : vector<128x1024xf32>
    %add3A_330 = arith.addf %mul3A_324, %mul3A_329 : vector<128x1024xf32>
    %mul3A_331 = arith.constant 2.000000e+00 : f32
    %mul3A_332 = vector.broadcast %mul3A_331 : f32 to vector<128x1024xf32>
    %mul3A_333 = arith.mulf %mul3A_332, %add3A_330 : vector<128x1024xf32>
    %sub3A_334 = vector.broadcast %add3A : vector<128x1xf32> to vector<128x1024xf32>
    %sub3A_335 = arith.subf %sub3A_334, %mul3A_333 : vector<128x1024xf32>
    %mul3A_336 = arith.mulf %get3A_316, %get3A_316 : vector<1x1024xf32>
    %mul3A_337 = arith.mulf %get3A_319, %get3A_319 : vector<1x1024xf32>
    %add3A_338 = arith.addf %mul3A_336, %mul3A_337 : vector<1x1024xf32>
    %add3A_339 = vector.broadcast %add3A_338 : vector<1x1024xf32> to vector<128x1024xf32>
    %add3A_340 = arith.addf %sub3A_335, %add3A_339 : vector<128x1024xf32>
    %min3A_341 = arith.minimumf %min3A_313, %add3A_340 : vector<128x1024xf32>
    %get3A_342 = arith.constant 12 : index
    %get3A_343 = arith.constant 0 : index
    %get3A_344 = vector.load %arg3[%get3A_342, %get3A_343] : memref<32x1024xf32, #tpu.memory_space<vmem>>, vector<1x1024xf32>
    %get3A_345 = arith.constant 12 : index
    %get3A_346 = arith.constant 0 : index
    %get3A_347 = vector.load %arg4[%get3A_345, %get3A_346] : memref<32x1024xf32, #tpu.memory_space<vmem>>, vector<1x1024xf32>
    %convert_element_type3A_348 = arith.truncf %get3A_344 : vector<1x1024xf32> to vector<1x1024xbf16>
    %convert_element_type3A_349 = arith.extf %convert_element_type3A_348 : vector<1x1024xbf16> to vector<1x1024xf32>
    %mul3A_350 = vector.broadcast %convert_element_type3A_6 : vector<128x1xf32> to vector<128x1024xf32>
    %mul3A_351 = vector.broadcast %convert_element_type3A_349 : vector<1x1024xf32> to vector<128x1024xf32>
    %mul3A_352 = arith.mulf %mul3A_350, %mul3A_351 : vector<128x1024xf32>
    %convert_element_type3A_353 = arith.truncf %get3A_347 : vector<1x1024xf32> to vector<1x1024xbf16>
    %convert_element_type3A_354 = arith.extf %convert_element_type3A_353 : vector<1x1024xbf16> to vector<1x1024xf32>
    %mul3A_355 = vector.broadcast %convert_element_type3A_8 : vector<128x1xf32> to vector<128x1024xf32>
    %mul3A_356 = vector.broadcast %convert_element_type3A_354 : vector<1x1024xf32> to vector<128x1024xf32>
    %mul3A_357 = arith.mulf %mul3A_355, %mul3A_356 : vector<128x1024xf32>
    %add3A_358 = arith.addf %mul3A_352, %mul3A_357 : vector<128x1024xf32>
    %mul3A_359 = arith.constant 2.000000e+00 : f32
    %mul3A_360 = vector.broadcast %mul3A_359 : f32 to vector<128x1024xf32>
    %mul3A_361 = arith.mulf %mul3A_360, %add3A_358 : vector<128x1024xf32>
    %sub3A_362 = vector.broadcast %add3A : vector<128x1xf32> to vector<128x1024xf32>
    %sub3A_363 = arith.subf %sub3A_362, %mul3A_361 : vector<128x1024xf32>
    %mul3A_364 = arith.mulf %get3A_344, %get3A_344 : vector<1x1024xf32>
    %mul3A_365 = arith.mulf %get3A_347, %get3A_347 : vector<1x1024xf32>
    %add3A_366 = arith.addf %mul3A_364, %mul3A_365 : vector<1x1024xf32>
    %add3A_367 = vector.broadcast %add3A_366 : vector<1x1024xf32> to vector<128x1024xf32>
    %add3A_368 = arith.addf %sub3A_363, %add3A_367 : vector<128x1024xf32>
    %min3A_369 = arith.minimumf %min3A_341, %add3A_368 : vector<128x1024xf32>
    %get3A_370 = arith.constant 13 : index
    %get3A_371 = arith.constant 0 : index
    %get3A_372 = vector.load %arg3[%get3A_370, %get3A_371] : memref<32x1024xf32, #tpu.memory_space<vmem>>, vector<1x1024xf32>
    %get3A_373 = arith.constant 13 : index
    %get3A_374 = arith.constant 0 : index
    %get3A_375 = vector.load %arg4[%get3A_373, %get3A_374] : memref<32x1024xf32, #tpu.memory_space<vmem>>, vector<1x1024xf32>
    %convert_element_type3A_376 = arith.truncf %get3A_372 : vector<1x1024xf32> to vector<1x1024xbf16>
    %convert_element_type3A_377 = arith.extf %convert_element_type3A_376 : vector<1x1024xbf16> to vector<1x1024xf32>
    %mul3A_378 = vector.broadcast %convert_element_type3A_6 : vector<128x1xf32> to vector<128x1024xf32>
    %mul3A_379 = vector.broadcast %convert_element_type3A_377 : vector<1x1024xf32> to vector<128x1024xf32>
    %mul3A_380 = arith.mulf %mul3A_378, %mul3A_379 : vector<128x1024xf32>
    %convert_element_type3A_381 = arith.truncf %get3A_375 : vector<1x1024xf32> to vector<1x1024xbf16>
    %convert_element_type3A_382 = arith.extf %convert_element_type3A_381 : vector<1x1024xbf16> to vector<1x1024xf32>
    %mul3A_383 = vector.broadcast %convert_element_type3A_8 : vector<128x1xf32> to vector<128x1024xf32>
    %mul3A_384 = vector.broadcast %convert_element_type3A_382 : vector<1x1024xf32> to vector<128x1024xf32>
    %mul3A_385 = arith.mulf %mul3A_383, %mul3A_384 : vector<128x1024xf32>
    %add3A_386 = arith.addf %mul3A_380, %mul3A_385 : vector<128x1024xf32>
    %mul3A_387 = arith.constant 2.000000e+00 : f32
    %mul3A_388 = vector.broadcast %mul3A_387 : f32 to vector<128x1024xf32>
    %mul3A_389 = arith.mulf %mul3A_388, %add3A_386 : vector<128x1024xf32>
    %sub3A_390 = vector.broadcast %add3A : vector<128x1xf32> to vector<128x1024xf32>
    %sub3A_391 = arith.subf %sub3A_390, %mul3A_389 : vector<128x1024xf32>
    %mul3A_392 = arith.mulf %get3A_372, %get3A_372 : vector<1x1024xf32>
    %mul3A_393 = arith.mulf %get3A_375, %get3A_375 : vector<1x1024xf32>
    %add3A_394 = arith.addf %mul3A_392, %mul3A_393 : vector<1x1024xf32>
    %add3A_395 = vector.broadcast %add3A_394 : vector<1x1024xf32> to vector<128x1024xf32>
    %add3A_396 = arith.addf %sub3A_391, %add3A_395 : vector<128x1024xf32>
    %min3A_397 = arith.minimumf %min3A_369, %add3A_396 : vector<128x1024xf32>
    %get3A_398 = arith.constant 14 : index
    %get3A_399 = arith.constant 0 : index
    %get3A_400 = vector.load %arg3[%get3A_398, %get3A_399] : memref<32x1024xf32, #tpu.memory_space<vmem>>, vector<1x1024xf32>
    %get3A_401 = arith.constant 14 : index
    %get3A_402 = arith.constant 0 : index
    %get3A_403 = vector.load %arg4[%get3A_401, %get3A_402] : memref<32x1024xf32, #tpu.memory_space<vmem>>, vector<1x1024xf32>
    %convert_element_type3A_404 = arith.truncf %get3A_400 : vector<1x1024xf32> to vector<1x1024xbf16>
    %convert_element_type3A_405 = arith.extf %convert_element_type3A_404 : vector<1x1024xbf16> to vector<1x1024xf32>
    %mul3A_406 = vector.broadcast %convert_element_type3A_6 : vector<128x1xf32> to vector<128x1024xf32>
    %mul3A_407 = vector.broadcast %convert_element_type3A_405 : vector<1x1024xf32> to vector<128x1024xf32>
    %mul3A_408 = arith.mulf %mul3A_406, %mul3A_407 : vector<128x1024xf32>
    %convert_element_type3A_409 = arith.truncf %get3A_403 : vector<1x1024xf32> to vector<1x1024xbf16>
    %convert_element_type3A_410 = arith.extf %convert_element_type3A_409 : vector<1x1024xbf16> to vector<1x1024xf32>
    %mul3A_411 = vector.broadcast %convert_element_type3A_8 : vector<128x1xf32> to vector<128x1024xf32>
    %mul3A_412 = vector.broadcast %convert_element_type3A_410 : vector<1x1024xf32> to vector<128x1024xf32>
    %mul3A_413 = arith.mulf %mul3A_411, %mul3A_412 : vector<128x1024xf32>
    %add3A_414 = arith.addf %mul3A_408, %mul3A_413 : vector<128x1024xf32>
    %mul3A_415 = arith.constant 2.000000e+00 : f32
    %mul3A_416 = vector.broadcast %mul3A_415 : f32 to vector<128x1024xf32>
    %mul3A_417 = arith.mulf %mul3A_416, %add3A_414 : vector<128x1024xf32>
    %sub3A_418 = vector.broadcast %add3A : vector<128x1xf32> to vector<128x1024xf32>
    %sub3A_419 = arith.subf %sub3A_418, %mul3A_417 : vector<128x1024xf32>
    %mul3A_420 = arith.mulf %get3A_400, %get3A_400 : vector<1x1024xf32>
    %mul3A_421 = arith.mulf %get3A_403, %get3A_403 : vector<1x1024xf32>
    %add3A_422 = arith.addf %mul3A_420, %mul3A_421 : vector<1x1024xf32>
    %add3A_423 = vector.broadcast %add3A_422 : vector<1x1024xf32> to vector<128x1024xf32>
    %add3A_424 = arith.addf %sub3A_419, %add3A_423 : vector<128x1024xf32>
    %min3A_425 = arith.minimumf %min3A_397, %add3A_424 : vector<128x1024xf32>
    %get3A_426 = arith.constant 15 : index
    %get3A_427 = arith.constant 0 : index
    %get3A_428 = vector.load %arg3[%get3A_426, %get3A_427] : memref<32x1024xf32, #tpu.memory_space<vmem>>, vector<1x1024xf32>
    %get3A_429 = arith.constant 15 : index
    %get3A_430 = arith.constant 0 : index
    %get3A_431 = vector.load %arg4[%get3A_429, %get3A_430] : memref<32x1024xf32, #tpu.memory_space<vmem>>, vector<1x1024xf32>
    %convert_element_type3A_432 = arith.truncf %get3A_428 : vector<1x1024xf32> to vector<1x1024xbf16>
    %convert_element_type3A_433 = arith.extf %convert_element_type3A_432 : vector<1x1024xbf16> to vector<1x1024xf32>
    %mul3A_434 = vector.broadcast %convert_element_type3A_6 : vector<128x1xf32> to vector<128x1024xf32>
    %mul3A_435 = vector.broadcast %convert_element_type3A_433 : vector<1x1024xf32> to vector<128x1024xf32>
    %mul3A_436 = arith.mulf %mul3A_434, %mul3A_435 : vector<128x1024xf32>
    %convert_element_type3A_437 = arith.truncf %get3A_431 : vector<1x1024xf32> to vector<1x1024xbf16>
    %convert_element_type3A_438 = arith.extf %convert_element_type3A_437 : vector<1x1024xbf16> to vector<1x1024xf32>
    %mul3A_439 = vector.broadcast %convert_element_type3A_8 : vector<128x1xf32> to vector<128x1024xf32>
    %mul3A_440 = vector.broadcast %convert_element_type3A_438 : vector<1x1024xf32> to vector<128x1024xf32>
    %mul3A_441 = arith.mulf %mul3A_439, %mul3A_440 : vector<128x1024xf32>
    %add3A_442 = arith.addf %mul3A_436, %mul3A_441 : vector<128x1024xf32>
    %mul3A_443 = arith.constant 2.000000e+00 : f32
    %mul3A_444 = vector.broadcast %mul3A_443 : f32 to vector<128x1024xf32>
    %mul3A_445 = arith.mulf %mul3A_444, %add3A_442 : vector<128x1024xf32>
    %sub3A_446 = vector.broadcast %add3A : vector<128x1xf32> to vector<128x1024xf32>
    %sub3A_447 = arith.subf %sub3A_446, %mul3A_445 : vector<128x1024xf32>
    %mul3A_448 = arith.mulf %get3A_428, %get3A_428 : vector<1x1024xf32>
    %mul3A_449 = arith.mulf %get3A_431, %get3A_431 : vector<1x1024xf32>
    %add3A_450 = arith.addf %mul3A_448, %mul3A_449 : vector<1x1024xf32>
    %add3A_451 = vector.broadcast %add3A_450 : vector<1x1024xf32> to vector<128x1024xf32>
    %add3A_452 = arith.addf %sub3A_447, %add3A_451 : vector<128x1024xf32>
    %min3A_453 = arith.minimumf %min3A_425, %add3A_452 : vector<128x1024xf32>
    %get3A_454 = arith.constant 16 : index
    %get3A_455 = arith.constant 0 : index
    %get3A_456 = vector.load %arg3[%get3A_454, %get3A_455] : memref<32x1024xf32, #tpu.memory_space<vmem>>, vector<1x1024xf32>
    %get3A_457 = arith.constant 16 : index
    %get3A_458 = arith.constant 0 : index
    %get3A_459 = vector.load %arg4[%get3A_457, %get3A_458] : memref<32x1024xf32, #tpu.memory_space<vmem>>, vector<1x1024xf32>
    %convert_element_type3A_460 = arith.truncf %get3A_456 : vector<1x1024xf32> to vector<1x1024xbf16>
    %convert_element_type3A_461 = arith.extf %convert_element_type3A_460 : vector<1x1024xbf16> to vector<1x1024xf32>
    %mul3A_462 = vector.broadcast %convert_element_type3A_6 : vector<128x1xf32> to vector<128x1024xf32>
    %mul3A_463 = vector.broadcast %convert_element_type3A_461 : vector<1x1024xf32> to vector<128x1024xf32>
    %mul3A_464 = arith.mulf %mul3A_462, %mul3A_463 : vector<128x1024xf32>
    %convert_element_type3A_465 = arith.truncf %get3A_459 : vector<1x1024xf32> to vector<1x1024xbf16>
    %convert_element_type3A_466 = arith.extf %convert_element_type3A_465 : vector<1x1024xbf16> to vector<1x1024xf32>
    %mul3A_467 = vector.broadcast %convert_element_type3A_8 : vector<128x1xf32> to vector<128x1024xf32>
    %mul3A_468 = vector.broadcast %convert_element_type3A_466 : vector<1x1024xf32> to vector<128x1024xf32>
    %mul3A_469 = arith.mulf %mul3A_467, %mul3A_468 : vector<128x1024xf32>
    %add3A_470 = arith.addf %mul3A_464, %mul3A_469 : vector<128x1024xf32>
    %mul3A_471 = arith.constant 2.000000e+00 : f32
    %mul3A_472 = vector.broadcast %mul3A_471 : f32 to vector<128x1024xf32>
    %mul3A_473 = arith.mulf %mul3A_472, %add3A_470 : vector<128x1024xf32>
    %sub3A_474 = vector.broadcast %add3A : vector<128x1xf32> to vector<128x1024xf32>
    %sub3A_475 = arith.subf %sub3A_474, %mul3A_473 : vector<128x1024xf32>
    %mul3A_476 = arith.mulf %get3A_456, %get3A_456 : vector<1x1024xf32>
    %mul3A_477 = arith.mulf %get3A_459, %get3A_459 : vector<1x1024xf32>
    %add3A_478 = arith.addf %mul3A_476, %mul3A_477 : vector<1x1024xf32>
    %add3A_479 = vector.broadcast %add3A_478 : vector<1x1024xf32> to vector<128x1024xf32>
    %add3A_480 = arith.addf %sub3A_475, %add3A_479 : vector<128x1024xf32>
    %min3A_481 = arith.minimumf %min3A_453, %add3A_480 : vector<128x1024xf32>
    %get3A_482 = arith.constant 17 : index
    %get3A_483 = arith.constant 0 : index
    %get3A_484 = vector.load %arg3[%get3A_482, %get3A_483] : memref<32x1024xf32, #tpu.memory_space<vmem>>, vector<1x1024xf32>
    %get3A_485 = arith.constant 17 : index
    %get3A_486 = arith.constant 0 : index
    %get3A_487 = vector.load %arg4[%get3A_485, %get3A_486] : memref<32x1024xf32, #tpu.memory_space<vmem>>, vector<1x1024xf32>
    %convert_element_type3A_488 = arith.truncf %get3A_484 : vector<1x1024xf32> to vector<1x1024xbf16>
    %convert_element_type3A_489 = arith.extf %convert_element_type3A_488 : vector<1x1024xbf16> to vector<1x1024xf32>
    %mul3A_490 = vector.broadcast %convert_element_type3A_6 : vector<128x1xf32> to vector<128x1024xf32>
    %mul3A_491 = vector.broadcast %convert_element_type3A_489 : vector<1x1024xf32> to vector<128x1024xf32>
    %mul3A_492 = arith.mulf %mul3A_490, %mul3A_491 : vector<128x1024xf32>
    %convert_element_type3A_493 = arith.truncf %get3A_487 : vector<1x1024xf32> to vector<1x1024xbf16>
    %convert_element_type3A_494 = arith.extf %convert_element_type3A_493 : vector<1x1024xbf16> to vector<1x1024xf32>
    %mul3A_495 = vector.broadcast %convert_element_type3A_8 : vector<128x1xf32> to vector<128x1024xf32>
    %mul3A_496 = vector.broadcast %convert_element_type3A_494 : vector<1x1024xf32> to vector<128x1024xf32>
    %mul3A_497 = arith.mulf %mul3A_495, %mul3A_496 : vector<128x1024xf32>
    %add3A_498 = arith.addf %mul3A_492, %mul3A_497 : vector<128x1024xf32>
    %mul3A_499 = arith.constant 2.000000e+00 : f32
    %mul3A_500 = vector.broadcast %mul3A_499 : f32 to vector<128x1024xf32>
    %mul3A_501 = arith.mulf %mul3A_500, %add3A_498 : vector<128x1024xf32>
    %sub3A_502 = vector.broadcast %add3A : vector<128x1xf32> to vector<128x1024xf32>
    %sub3A_503 = arith.subf %sub3A_502, %mul3A_501 : vector<128x1024xf32>
    %mul3A_504 = arith.mulf %get3A_484, %get3A_484 : vector<1x1024xf32>
    %mul3A_505 = arith.mulf %get3A_487, %get3A_487 : vector<1x1024xf32>
    %add3A_506 = arith.addf %mul3A_504, %mul3A_505 : vector<1x1024xf32>
    %add3A_507 = vector.broadcast %add3A_506 : vector<1x1024xf32> to vector<128x1024xf32>
    %add3A_508 = arith.addf %sub3A_503, %add3A_507 : vector<128x1024xf32>
    %min3A_509 = arith.minimumf %min3A_481, %add3A_508 : vector<128x1024xf32>
    %get3A_510 = arith.constant 18 : index
    %get3A_511 = arith.constant 0 : index
    %get3A_512 = vector.load %arg3[%get3A_510, %get3A_511] : memref<32x1024xf32, #tpu.memory_space<vmem>>, vector<1x1024xf32>
    %get3A_513 = arith.constant 18 : index
    %get3A_514 = arith.constant 0 : index
    %get3A_515 = vector.load %arg4[%get3A_513, %get3A_514] : memref<32x1024xf32, #tpu.memory_space<vmem>>, vector<1x1024xf32>
    %convert_element_type3A_516 = arith.truncf %get3A_512 : vector<1x1024xf32> to vector<1x1024xbf16>
    %convert_element_type3A_517 = arith.extf %convert_element_type3A_516 : vector<1x1024xbf16> to vector<1x1024xf32>
    %mul3A_518 = vector.broadcast %convert_element_type3A_6 : vector<128x1xf32> to vector<128x1024xf32>
    %mul3A_519 = vector.broadcast %convert_element_type3A_517 : vector<1x1024xf32> to vector<128x1024xf32>
    %mul3A_520 = arith.mulf %mul3A_518, %mul3A_519 : vector<128x1024xf32>
    %convert_element_type3A_521 = arith.truncf %get3A_515 : vector<1x1024xf32> to vector<1x1024xbf16>
    %convert_element_type3A_522 = arith.extf %convert_element_type3A_521 : vector<1x1024xbf16> to vector<1x1024xf32>
    %mul3A_523 = vector.broadcast %convert_element_type3A_8 : vector<128x1xf32> to vector<128x1024xf32>
    %mul3A_524 = vector.broadcast %convert_element_type3A_522 : vector<1x1024xf32> to vector<128x1024xf32>
    %mul3A_525 = arith.mulf %mul3A_523, %mul3A_524 : vector<128x1024xf32>
    %add3A_526 = arith.addf %mul3A_520, %mul3A_525 : vector<128x1024xf32>
    %mul3A_527 = arith.constant 2.000000e+00 : f32
    %mul3A_528 = vector.broadcast %mul3A_527 : f32 to vector<128x1024xf32>
    %mul3A_529 = arith.mulf %mul3A_528, %add3A_526 : vector<128x1024xf32>
    %sub3A_530 = vector.broadcast %add3A : vector<128x1xf32> to vector<128x1024xf32>
    %sub3A_531 = arith.subf %sub3A_530, %mul3A_529 : vector<128x1024xf32>
    %mul3A_532 = arith.mulf %get3A_512, %get3A_512 : vector<1x1024xf32>
    %mul3A_533 = arith.mulf %get3A_515, %get3A_515 : vector<1x1024xf32>
    %add3A_534 = arith.addf %mul3A_532, %mul3A_533 : vector<1x1024xf32>
    %add3A_535 = vector.broadcast %add3A_534 : vector<1x1024xf32> to vector<128x1024xf32>
    %add3A_536 = arith.addf %sub3A_531, %add3A_535 : vector<128x1024xf32>
    %min3A_537 = arith.minimumf %min3A_509, %add3A_536 : vector<128x1024xf32>
    %get3A_538 = arith.constant 19 : index
    %get3A_539 = arith.constant 0 : index
    %get3A_540 = vector.load %arg3[%get3A_538, %get3A_539] : memref<32x1024xf32, #tpu.memory_space<vmem>>, vector<1x1024xf32>
    %get3A_541 = arith.constant 19 : index
    %get3A_542 = arith.constant 0 : index
    %get3A_543 = vector.load %arg4[%get3A_541, %get3A_542] : memref<32x1024xf32, #tpu.memory_space<vmem>>, vector<1x1024xf32>
    %convert_element_type3A_544 = arith.truncf %get3A_540 : vector<1x1024xf32> to vector<1x1024xbf16>
    %convert_element_type3A_545 = arith.extf %convert_element_type3A_544 : vector<1x1024xbf16> to vector<1x1024xf32>
    %mul3A_546 = vector.broadcast %convert_element_type3A_6 : vector<128x1xf32> to vector<128x1024xf32>
    %mul3A_547 = vector.broadcast %convert_element_type3A_545 : vector<1x1024xf32> to vector<128x1024xf32>
    %mul3A_548 = arith.mulf %mul3A_546, %mul3A_547 : vector<128x1024xf32>
    %convert_element_type3A_549 = arith.truncf %get3A_543 : vector<1x1024xf32> to vector<1x1024xbf16>
    %convert_element_type3A_550 = arith.extf %convert_element_type3A_549 : vector<1x1024xbf16> to vector<1x1024xf32>
    %mul3A_551 = vector.broadcast %convert_element_type3A_8 : vector<128x1xf32> to vector<128x1024xf32>
    %mul3A_552 = vector.broadcast %convert_element_type3A_550 : vector<1x1024xf32> to vector<128x1024xf32>
    %mul3A_553 = arith.mulf %mul3A_551, %mul3A_552 : vector<128x1024xf32>
    %add3A_554 = arith.addf %mul3A_548, %mul3A_553 : vector<128x1024xf32>
    %mul3A_555 = arith.constant 2.000000e+00 : f32
    %mul3A_556 = vector.broadcast %mul3A_555 : f32 to vector<128x1024xf32>
    %mul3A_557 = arith.mulf %mul3A_556, %add3A_554 : vector<128x1024xf32>
    %sub3A_558 = vector.broadcast %add3A : vector<128x1xf32> to vector<128x1024xf32>
    %sub3A_559 = arith.subf %sub3A_558, %mul3A_557 : vector<128x1024xf32>
    %mul3A_560 = arith.mulf %get3A_540, %get3A_540 : vector<1x1024xf32>
    %mul3A_561 = arith.mulf %get3A_543, %get3A_543 : vector<1x1024xf32>
    %add3A_562 = arith.addf %mul3A_560, %mul3A_561 : vector<1x1024xf32>
    %add3A_563 = vector.broadcast %add3A_562 : vector<1x1024xf32> to vector<128x1024xf32>
    %add3A_564 = arith.addf %sub3A_559, %add3A_563 : vector<128x1024xf32>
    %min3A_565 = arith.minimumf %min3A_537, %add3A_564 : vector<128x1024xf32>
    %get3A_566 = arith.constant 20 : index
    %get3A_567 = arith.constant 0 : index
    %get3A_568 = vector.load %arg3[%get3A_566, %get3A_567] : memref<32x1024xf32, #tpu.memory_space<vmem>>, vector<1x1024xf32>
    %get3A_569 = arith.constant 20 : index
    %get3A_570 = arith.constant 0 : index
    %get3A_571 = vector.load %arg4[%get3A_569, %get3A_570] : memref<32x1024xf32, #tpu.memory_space<vmem>>, vector<1x1024xf32>
    %convert_element_type3A_572 = arith.truncf %get3A_568 : vector<1x1024xf32> to vector<1x1024xbf16>
    %convert_element_type3A_573 = arith.extf %convert_element_type3A_572 : vector<1x1024xbf16> to vector<1x1024xf32>
    %mul3A_574 = vector.broadcast %convert_element_type3A_6 : vector<128x1xf32> to vector<128x1024xf32>
    %mul3A_575 = vector.broadcast %convert_element_type3A_573 : vector<1x1024xf32> to vector<128x1024xf32>
    %mul3A_576 = arith.mulf %mul3A_574, %mul3A_575 : vector<128x1024xf32>
    %convert_element_type3A_577 = arith.truncf %get3A_571 : vector<1x1024xf32> to vector<1x1024xbf16>
    %convert_element_type3A_578 = arith.extf %convert_element_type3A_577 : vector<1x1024xbf16> to vector<1x1024xf32>
    %mul3A_579 = vector.broadcast %convert_element_type3A_8 : vector<128x1xf32> to vector<128x1024xf32>
    %mul3A_580 = vector.broadcast %convert_element_type3A_578 : vector<1x1024xf32> to vector<128x1024xf32>
    %mul3A_581 = arith.mulf %mul3A_579, %mul3A_580 : vector<128x1024xf32>
    %add3A_582 = arith.addf %mul3A_576, %mul3A_581 : vector<128x1024xf32>
    %mul3A_583 = arith.constant 2.000000e+00 : f32
    %mul3A_584 = vector.broadcast %mul3A_583 : f32 to vector<128x1024xf32>
    %mul3A_585 = arith.mulf %mul3A_584, %add3A_582 : vector<128x1024xf32>
    %sub3A_586 = vector.broadcast %add3A : vector<128x1xf32> to vector<128x1024xf32>
    %sub3A_587 = arith.subf %sub3A_586, %mul3A_585 : vector<128x1024xf32>
    %mul3A_588 = arith.mulf %get3A_568, %get3A_568 : vector<1x1024xf32>
    %mul3A_589 = arith.mulf %get3A_571, %get3A_571 : vector<1x1024xf32>
    %add3A_590 = arith.addf %mul3A_588, %mul3A_589 : vector<1x1024xf32>
    %add3A_591 = vector.broadcast %add3A_590 : vector<1x1024xf32> to vector<128x1024xf32>
    %add3A_592 = arith.addf %sub3A_587, %add3A_591 : vector<128x1024xf32>
    %min3A_593 = arith.minimumf %min3A_565, %add3A_592 : vector<128x1024xf32>
    %get3A_594 = arith.constant 21 : index
    %get3A_595 = arith.constant 0 : index
    %get3A_596 = vector.load %arg3[%get3A_594, %get3A_595] : memref<32x1024xf32, #tpu.memory_space<vmem>>, vector<1x1024xf32>
    %get3A_597 = arith.constant 21 : index
    %get3A_598 = arith.constant 0 : index
    %get3A_599 = vector.load %arg4[%get3A_597, %get3A_598] : memref<32x1024xf32, #tpu.memory_space<vmem>>, vector<1x1024xf32>
    %convert_element_type3A_600 = arith.truncf %get3A_596 : vector<1x1024xf32> to vector<1x1024xbf16>
    %convert_element_type3A_601 = arith.extf %convert_element_type3A_600 : vector<1x1024xbf16> to vector<1x1024xf32>
    %mul3A_602 = vector.broadcast %convert_element_type3A_6 : vector<128x1xf32> to vector<128x1024xf32>
    %mul3A_603 = vector.broadcast %convert_element_type3A_601 : vector<1x1024xf32> to vector<128x1024xf32>
    %mul3A_604 = arith.mulf %mul3A_602, %mul3A_603 : vector<128x1024xf32>
    %convert_element_type3A_605 = arith.truncf %get3A_599 : vector<1x1024xf32> to vector<1x1024xbf16>
    %convert_element_type3A_606 = arith.extf %convert_element_type3A_605 : vector<1x1024xbf16> to vector<1x1024xf32>
    %mul3A_607 = vector.broadcast %convert_element_type3A_8 : vector<128x1xf32> to vector<128x1024xf32>
    %mul3A_608 = vector.broadcast %convert_element_type3A_606 : vector<1x1024xf32> to vector<128x1024xf32>
    %mul3A_609 = arith.mulf %mul3A_607, %mul3A_608 : vector<128x1024xf32>
    %add3A_610 = arith.addf %mul3A_604, %mul3A_609 : vector<128x1024xf32>
    %mul3A_611 = arith.constant 2.000000e+00 : f32
    %mul3A_612 = vector.broadcast %mul3A_611 : f32 to vector<128x1024xf32>
    %mul3A_613 = arith.mulf %mul3A_612, %add3A_610 : vector<128x1024xf32>
    %sub3A_614 = vector.broadcast %add3A : vector<128x1xf32> to vector<128x1024xf32>
    %sub3A_615 = arith.subf %sub3A_614, %mul3A_613 : vector<128x1024xf32>
    %mul3A_616 = arith.mulf %get3A_596, %get3A_596 : vector<1x1024xf32>
    %mul3A_617 = arith.mulf %get3A_599, %get3A_599 : vector<1x1024xf32>
    %add3A_618 = arith.addf %mul3A_616, %mul3A_617 : vector<1x1024xf32>
    %add3A_619 = vector.broadcast %add3A_618 : vector<1x1024xf32> to vector<128x1024xf32>
    %add3A_620 = arith.addf %sub3A_615, %add3A_619 : vector<128x1024xf32>
    %min3A_621 = arith.minimumf %min3A_593, %add3A_620 : vector<128x1024xf32>
    %get3A_622 = arith.constant 22 : index
    %get3A_623 = arith.constant 0 : index
    %get3A_624 = vector.load %arg3[%get3A_622, %get3A_623] : memref<32x1024xf32, #tpu.memory_space<vmem>>, vector<1x1024xf32>
    %get3A_625 = arith.constant 22 : index
    %get3A_626 = arith.constant 0 : index
    %get3A_627 = vector.load %arg4[%get3A_625, %get3A_626] : memref<32x1024xf32, #tpu.memory_space<vmem>>, vector<1x1024xf32>
    %convert_element_type3A_628 = arith.truncf %get3A_624 : vector<1x1024xf32> to vector<1x1024xbf16>
    %convert_element_type3A_629 = arith.extf %convert_element_type3A_628 : vector<1x1024xbf16> to vector<1x1024xf32>
    %mul3A_630 = vector.broadcast %convert_element_type3A_6 : vector<128x1xf32> to vector<128x1024xf32>
    %mul3A_631 = vector.broadcast %convert_element_type3A_629 : vector<1x1024xf32> to vector<128x1024xf32>
    %mul3A_632 = arith.mulf %mul3A_630, %mul3A_631 : vector<128x1024xf32>
    %convert_element_type3A_633 = arith.truncf %get3A_627 : vector<1x1024xf32> to vector<1x1024xbf16>
    %convert_element_type3A_634 = arith.extf %convert_element_type3A_633 : vector<1x1024xbf16> to vector<1x1024xf32>
    %mul3A_635 = vector.broadcast %convert_element_type3A_8 : vector<128x1xf32> to vector<128x1024xf32>
    %mul3A_636 = vector.broadcast %convert_element_type3A_634 : vector<1x1024xf32> to vector<128x1024xf32>
    %mul3A_637 = arith.mulf %mul3A_635, %mul3A_636 : vector<128x1024xf32>
    %add3A_638 = arith.addf %mul3A_632, %mul3A_637 : vector<128x1024xf32>
    %mul3A_639 = arith.constant 2.000000e+00 : f32
    %mul3A_640 = vector.broadcast %mul3A_639 : f32 to vector<128x1024xf32>
    %mul3A_641 = arith.mulf %mul3A_640, %add3A_638 : vector<128x1024xf32>
    %sub3A_642 = vector.broadcast %add3A : vector<128x1xf32> to vector<128x1024xf32>
    %sub3A_643 = arith.subf %sub3A_642, %mul3A_641 : vector<128x1024xf32>
    %mul3A_644 = arith.mulf %get3A_624, %get3A_624 : vector<1x1024xf32>
    %mul3A_645 = arith.mulf %get3A_627, %get3A_627 : vector<1x1024xf32>
    %add3A_646 = arith.addf %mul3A_644, %mul3A_645 : vector<1x1024xf32>
    %add3A_647 = vector.broadcast %add3A_646 : vector<1x1024xf32> to vector<128x1024xf32>
    %add3A_648 = arith.addf %sub3A_643, %add3A_647 : vector<128x1024xf32>
    %min3A_649 = arith.minimumf %min3A_621, %add3A_648 : vector<128x1024xf32>
    %get3A_650 = arith.constant 23 : index
    %get3A_651 = arith.constant 0 : index
    %get3A_652 = vector.load %arg3[%get3A_650, %get3A_651] : memref<32x1024xf32, #tpu.memory_space<vmem>>, vector<1x1024xf32>
    %get3A_653 = arith.constant 23 : index
    %get3A_654 = arith.constant 0 : index
    %get3A_655 = vector.load %arg4[%get3A_653, %get3A_654] : memref<32x1024xf32, #tpu.memory_space<vmem>>, vector<1x1024xf32>
    %convert_element_type3A_656 = arith.truncf %get3A_652 : vector<1x1024xf32> to vector<1x1024xbf16>
    %convert_element_type3A_657 = arith.extf %convert_element_type3A_656 : vector<1x1024xbf16> to vector<1x1024xf32>
    %mul3A_658 = vector.broadcast %convert_element_type3A_6 : vector<128x1xf32> to vector<128x1024xf32>
    %mul3A_659 = vector.broadcast %convert_element_type3A_657 : vector<1x1024xf32> to vector<128x1024xf32>
    %mul3A_660 = arith.mulf %mul3A_658, %mul3A_659 : vector<128x1024xf32>
    %convert_element_type3A_661 = arith.truncf %get3A_655 : vector<1x1024xf32> to vector<1x1024xbf16>
    %convert_element_type3A_662 = arith.extf %convert_element_type3A_661 : vector<1x1024xbf16> to vector<1x1024xf32>
    %mul3A_663 = vector.broadcast %convert_element_type3A_8 : vector<128x1xf32> to vector<128x1024xf32>
    %mul3A_664 = vector.broadcast %convert_element_type3A_662 : vector<1x1024xf32> to vector<128x1024xf32>
    %mul3A_665 = arith.mulf %mul3A_663, %mul3A_664 : vector<128x1024xf32>
    %add3A_666 = arith.addf %mul3A_660, %mul3A_665 : vector<128x1024xf32>
    %mul3A_667 = arith.constant 2.000000e+00 : f32
    %mul3A_668 = vector.broadcast %mul3A_667 : f32 to vector<128x1024xf32>
    %mul3A_669 = arith.mulf %mul3A_668, %add3A_666 : vector<128x1024xf32>
    %sub3A_670 = vector.broadcast %add3A : vector<128x1xf32> to vector<128x1024xf32>
    %sub3A_671 = arith.subf %sub3A_670, %mul3A_669 : vector<128x1024xf32>
    %mul3A_672 = arith.mulf %get3A_652, %get3A_652 : vector<1x1024xf32>
    %mul3A_673 = arith.mulf %get3A_655, %get3A_655 : vector<1x1024xf32>
    %add3A_674 = arith.addf %mul3A_672, %mul3A_673 : vector<1x1024xf32>
    %add3A_675 = vector.broadcast %add3A_674 : vector<1x1024xf32> to vector<128x1024xf32>
    %add3A_676 = arith.addf %sub3A_671, %add3A_675 : vector<128x1024xf32>
    %min3A_677 = arith.minimumf %min3A_649, %add3A_676 : vector<128x1024xf32>
    %get3A_678 = arith.constant 24 : index
    %get3A_679 = arith.constant 0 : index
    %get3A_680 = vector.load %arg3[%get3A_678, %get3A_679] : memref<32x1024xf32, #tpu.memory_space<vmem>>, vector<1x1024xf32>
    %get3A_681 = arith.constant 24 : index
    %get3A_682 = arith.constant 0 : index
    %get3A_683 = vector.load %arg4[%get3A_681, %get3A_682] : memref<32x1024xf32, #tpu.memory_space<vmem>>, vector<1x1024xf32>
    %convert_element_type3A_684 = arith.truncf %get3A_680 : vector<1x1024xf32> to vector<1x1024xbf16>
    %convert_element_type3A_685 = arith.extf %convert_element_type3A_684 : vector<1x1024xbf16> to vector<1x1024xf32>
    %mul3A_686 = vector.broadcast %convert_element_type3A_6 : vector<128x1xf32> to vector<128x1024xf32>
    %mul3A_687 = vector.broadcast %convert_element_type3A_685 : vector<1x1024xf32> to vector<128x1024xf32>
    %mul3A_688 = arith.mulf %mul3A_686, %mul3A_687 : vector<128x1024xf32>
    %convert_element_type3A_689 = arith.truncf %get3A_683 : vector<1x1024xf32> to vector<1x1024xbf16>
    %convert_element_type3A_690 = arith.extf %convert_element_type3A_689 : vector<1x1024xbf16> to vector<1x1024xf32>
    %mul3A_691 = vector.broadcast %convert_element_type3A_8 : vector<128x1xf32> to vector<128x1024xf32>
    %mul3A_692 = vector.broadcast %convert_element_type3A_690 : vector<1x1024xf32> to vector<128x1024xf32>
    %mul3A_693 = arith.mulf %mul3A_691, %mul3A_692 : vector<128x1024xf32>
    %add3A_694 = arith.addf %mul3A_688, %mul3A_693 : vector<128x1024xf32>
    %mul3A_695 = arith.constant 2.000000e+00 : f32
    %mul3A_696 = vector.broadcast %mul3A_695 : f32 to vector<128x1024xf32>
    %mul3A_697 = arith.mulf %mul3A_696, %add3A_694 : vector<128x1024xf32>
    %sub3A_698 = vector.broadcast %add3A : vector<128x1xf32> to vector<128x1024xf32>
    %sub3A_699 = arith.subf %sub3A_698, %mul3A_697 : vector<128x1024xf32>
    %mul3A_700 = arith.mulf %get3A_680, %get3A_680 : vector<1x1024xf32>
    %mul3A_701 = arith.mulf %get3A_683, %get3A_683 : vector<1x1024xf32>
    %add3A_702 = arith.addf %mul3A_700, %mul3A_701 : vector<1x1024xf32>
    %add3A_703 = vector.broadcast %add3A_702 : vector<1x1024xf32> to vector<128x1024xf32>
    %add3A_704 = arith.addf %sub3A_699, %add3A_703 : vector<128x1024xf32>
    %min3A_705 = arith.minimumf %min3A_677, %add3A_704 : vector<128x1024xf32>
    %get3A_706 = arith.constant 25 : index
    %get3A_707 = arith.constant 0 : index
    %get3A_708 = vector.load %arg3[%get3A_706, %get3A_707] : memref<32x1024xf32, #tpu.memory_space<vmem>>, vector<1x1024xf32>
    %get3A_709 = arith.constant 25 : index
    %get3A_710 = arith.constant 0 : index
    %get3A_711 = vector.load %arg4[%get3A_709, %get3A_710] : memref<32x1024xf32, #tpu.memory_space<vmem>>, vector<1x1024xf32>
    %convert_element_type3A_712 = arith.truncf %get3A_708 : vector<1x1024xf32> to vector<1x1024xbf16>
    %convert_element_type3A_713 = arith.extf %convert_element_type3A_712 : vector<1x1024xbf16> to vector<1x1024xf32>
    %mul3A_714 = vector.broadcast %convert_element_type3A_6 : vector<128x1xf32> to vector<128x1024xf32>
    %mul3A_715 = vector.broadcast %convert_element_type3A_713 : vector<1x1024xf32> to vector<128x1024xf32>
    %mul3A_716 = arith.mulf %mul3A_714, %mul3A_715 : vector<128x1024xf32>
    %convert_element_type3A_717 = arith.truncf %get3A_711 : vector<1x1024xf32> to vector<1x1024xbf16>
    %convert_element_type3A_718 = arith.extf %convert_element_type3A_717 : vector<1x1024xbf16> to vector<1x1024xf32>
    %mul3A_719 = vector.broadcast %convert_element_type3A_8 : vector<128x1xf32> to vector<128x1024xf32>
    %mul3A_720 = vector.broadcast %convert_element_type3A_718 : vector<1x1024xf32> to vector<128x1024xf32>
    %mul3A_721 = arith.mulf %mul3A_719, %mul3A_720 : vector<128x1024xf32>
    %add3A_722 = arith.addf %mul3A_716, %mul3A_721 : vector<128x1024xf32>
    %mul3A_723 = arith.constant 2.000000e+00 : f32
    %mul3A_724 = vector.broadcast %mul3A_723 : f32 to vector<128x1024xf32>
    %mul3A_725 = arith.mulf %mul3A_724, %add3A_722 : vector<128x1024xf32>
    %sub3A_726 = vector.broadcast %add3A : vector<128x1xf32> to vector<128x1024xf32>
    %sub3A_727 = arith.subf %sub3A_726, %mul3A_725 : vector<128x1024xf32>
    %mul3A_728 = arith.mulf %get3A_708, %get3A_708 : vector<1x1024xf32>
    %mul3A_729 = arith.mulf %get3A_711, %get3A_711 : vector<1x1024xf32>
    %add3A_730 = arith.addf %mul3A_728, %mul3A_729 : vector<1x1024xf32>
    %add3A_731 = vector.broadcast %add3A_730 : vector<1x1024xf32> to vector<128x1024xf32>
    %add3A_732 = arith.addf %sub3A_727, %add3A_731 : vector<128x1024xf32>
    %min3A_733 = arith.minimumf %min3A_705, %add3A_732 : vector<128x1024xf32>
    %get3A_734 = arith.constant 26 : index
    %get3A_735 = arith.constant 0 : index
    %get3A_736 = vector.load %arg3[%get3A_734, %get3A_735] : memref<32x1024xf32, #tpu.memory_space<vmem>>, vector<1x1024xf32>
    %get3A_737 = arith.constant 26 : index
    %get3A_738 = arith.constant 0 : index
    %get3A_739 = vector.load %arg4[%get3A_737, %get3A_738] : memref<32x1024xf32, #tpu.memory_space<vmem>>, vector<1x1024xf32>
    %convert_element_type3A_740 = arith.truncf %get3A_736 : vector<1x1024xf32> to vector<1x1024xbf16>
    %convert_element_type3A_741 = arith.extf %convert_element_type3A_740 : vector<1x1024xbf16> to vector<1x1024xf32>
    %mul3A_742 = vector.broadcast %convert_element_type3A_6 : vector<128x1xf32> to vector<128x1024xf32>
    %mul3A_743 = vector.broadcast %convert_element_type3A_741 : vector<1x1024xf32> to vector<128x1024xf32>
    %mul3A_744 = arith.mulf %mul3A_742, %mul3A_743 : vector<128x1024xf32>
    %convert_element_type3A_745 = arith.truncf %get3A_739 : vector<1x1024xf32> to vector<1x1024xbf16>
    %convert_element_type3A_746 = arith.extf %convert_element_type3A_745 : vector<1x1024xbf16> to vector<1x1024xf32>
    %mul3A_747 = vector.broadcast %convert_element_type3A_8 : vector<128x1xf32> to vector<128x1024xf32>
    %mul3A_748 = vector.broadcast %convert_element_type3A_746 : vector<1x1024xf32> to vector<128x1024xf32>
    %mul3A_749 = arith.mulf %mul3A_747, %mul3A_748 : vector<128x1024xf32>
    %add3A_750 = arith.addf %mul3A_744, %mul3A_749 : vector<128x1024xf32>
    %mul3A_751 = arith.constant 2.000000e+00 : f32
    %mul3A_752 = vector.broadcast %mul3A_751 : f32 to vector<128x1024xf32>
    %mul3A_753 = arith.mulf %mul3A_752, %add3A_750 : vector<128x1024xf32>
    %sub3A_754 = vector.broadcast %add3A : vector<128x1xf32> to vector<128x1024xf32>
    %sub3A_755 = arith.subf %sub3A_754, %mul3A_753 : vector<128x1024xf32>
    %mul3A_756 = arith.mulf %get3A_736, %get3A_736 : vector<1x1024xf32>
    %mul3A_757 = arith.mulf %get3A_739, %get3A_739 : vector<1x1024xf32>
    %add3A_758 = arith.addf %mul3A_756, %mul3A_757 : vector<1x1024xf32>
    %add3A_759 = vector.broadcast %add3A_758 : vector<1x1024xf32> to vector<128x1024xf32>
    %add3A_760 = arith.addf %sub3A_755, %add3A_759 : vector<128x1024xf32>
    %min3A_761 = arith.minimumf %min3A_733, %add3A_760 : vector<128x1024xf32>
    %get3A_762 = arith.constant 27 : index
    %get3A_763 = arith.constant 0 : index
    %get3A_764 = vector.load %arg3[%get3A_762, %get3A_763] : memref<32x1024xf32, #tpu.memory_space<vmem>>, vector<1x1024xf32>
    %get3A_765 = arith.constant 27 : index
    %get3A_766 = arith.constant 0 : index
    %get3A_767 = vector.load %arg4[%get3A_765, %get3A_766] : memref<32x1024xf32, #tpu.memory_space<vmem>>, vector<1x1024xf32>
    %convert_element_type3A_768 = arith.truncf %get3A_764 : vector<1x1024xf32> to vector<1x1024xbf16>
    %convert_element_type3A_769 = arith.extf %convert_element_type3A_768 : vector<1x1024xbf16> to vector<1x1024xf32>
    %mul3A_770 = vector.broadcast %convert_element_type3A_6 : vector<128x1xf32> to vector<128x1024xf32>
    %mul3A_771 = vector.broadcast %convert_element_type3A_769 : vector<1x1024xf32> to vector<128x1024xf32>
    %mul3A_772 = arith.mulf %mul3A_770, %mul3A_771 : vector<128x1024xf32>
    %convert_element_type3A_773 = arith.truncf %get3A_767 : vector<1x1024xf32> to vector<1x1024xbf16>
    %convert_element_type3A_774 = arith.extf %convert_element_type3A_773 : vector<1x1024xbf16> to vector<1x1024xf32>
    %mul3A_775 = vector.broadcast %convert_element_type3A_8 : vector<128x1xf32> to vector<128x1024xf32>
    %mul3A_776 = vector.broadcast %convert_element_type3A_774 : vector<1x1024xf32> to vector<128x1024xf32>
    %mul3A_777 = arith.mulf %mul3A_775, %mul3A_776 : vector<128x1024xf32>
    %add3A_778 = arith.addf %mul3A_772, %mul3A_777 : vector<128x1024xf32>
    %mul3A_779 = arith.constant 2.000000e+00 : f32
    %mul3A_780 = vector.broadcast %mul3A_779 : f32 to vector<128x1024xf32>
    %mul3A_781 = arith.mulf %mul3A_780, %add3A_778 : vector<128x1024xf32>
    %sub3A_782 = vector.broadcast %add3A : vector<128x1xf32> to vector<128x1024xf32>
    %sub3A_783 = arith.subf %sub3A_782, %mul3A_781 : vector<128x1024xf32>
    %mul3A_784 = arith.mulf %get3A_764, %get3A_764 : vector<1x1024xf32>
    %mul3A_785 = arith.mulf %get3A_767, %get3A_767 : vector<1x1024xf32>
    %add3A_786 = arith.addf %mul3A_784, %mul3A_785 : vector<1x1024xf32>
    %add3A_787 = vector.broadcast %add3A_786 : vector<1x1024xf32> to vector<128x1024xf32>
    %add3A_788 = arith.addf %sub3A_783, %add3A_787 : vector<128x1024xf32>
    %min3A_789 = arith.minimumf %min3A_761, %add3A_788 : vector<128x1024xf32>
    %get3A_790 = arith.constant 28 : index
    %get3A_791 = arith.constant 0 : index
    %get3A_792 = vector.load %arg3[%get3A_790, %get3A_791] : memref<32x1024xf32, #tpu.memory_space<vmem>>, vector<1x1024xf32>
    %get3A_793 = arith.constant 28 : index
    %get3A_794 = arith.constant 0 : index
    %get3A_795 = vector.load %arg4[%get3A_793, %get3A_794] : memref<32x1024xf32, #tpu.memory_space<vmem>>, vector<1x1024xf32>
    %convert_element_type3A_796 = arith.truncf %get3A_792 : vector<1x1024xf32> to vector<1x1024xbf16>
    %convert_element_type3A_797 = arith.extf %convert_element_type3A_796 : vector<1x1024xbf16> to vector<1x1024xf32>
    %mul3A_798 = vector.broadcast %convert_element_type3A_6 : vector<128x1xf32> to vector<128x1024xf32>
    %mul3A_799 = vector.broadcast %convert_element_type3A_797 : vector<1x1024xf32> to vector<128x1024xf32>
    %mul3A_800 = arith.mulf %mul3A_798, %mul3A_799 : vector<128x1024xf32>
    %convert_element_type3A_801 = arith.truncf %get3A_795 : vector<1x1024xf32> to vector<1x1024xbf16>
    %convert_element_type3A_802 = arith.extf %convert_element_type3A_801 : vector<1x1024xbf16> to vector<1x1024xf32>
    %mul3A_803 = vector.broadcast %convert_element_type3A_8 : vector<128x1xf32> to vector<128x1024xf32>
    %mul3A_804 = vector.broadcast %convert_element_type3A_802 : vector<1x1024xf32> to vector<128x1024xf32>
    %mul3A_805 = arith.mulf %mul3A_803, %mul3A_804 : vector<128x1024xf32>
    %add3A_806 = arith.addf %mul3A_800, %mul3A_805 : vector<128x1024xf32>
    %mul3A_807 = arith.constant 2.000000e+00 : f32
    %mul3A_808 = vector.broadcast %mul3A_807 : f32 to vector<128x1024xf32>
    %mul3A_809 = arith.mulf %mul3A_808, %add3A_806 : vector<128x1024xf32>
    %sub3A_810 = vector.broadcast %add3A : vector<128x1xf32> to vector<128x1024xf32>
    %sub3A_811 = arith.subf %sub3A_810, %mul3A_809 : vector<128x1024xf32>
    %mul3A_812 = arith.mulf %get3A_792, %get3A_792 : vector<1x1024xf32>
    %mul3A_813 = arith.mulf %get3A_795, %get3A_795 : vector<1x1024xf32>
    %add3A_814 = arith.addf %mul3A_812, %mul3A_813 : vector<1x1024xf32>
    %add3A_815 = vector.broadcast %add3A_814 : vector<1x1024xf32> to vector<128x1024xf32>
    %add3A_816 = arith.addf %sub3A_811, %add3A_815 : vector<128x1024xf32>
    %min3A_817 = arith.minimumf %min3A_789, %add3A_816 : vector<128x1024xf32>
    %get3A_818 = arith.constant 29 : index
    %get3A_819 = arith.constant 0 : index
    %get3A_820 = vector.load %arg3[%get3A_818, %get3A_819] : memref<32x1024xf32, #tpu.memory_space<vmem>>, vector<1x1024xf32>
    %get3A_821 = arith.constant 29 : index
    %get3A_822 = arith.constant 0 : index
    %get3A_823 = vector.load %arg4[%get3A_821, %get3A_822] : memref<32x1024xf32, #tpu.memory_space<vmem>>, vector<1x1024xf32>
    %convert_element_type3A_824 = arith.truncf %get3A_820 : vector<1x1024xf32> to vector<1x1024xbf16>
    %convert_element_type3A_825 = arith.extf %convert_element_type3A_824 : vector<1x1024xbf16> to vector<1x1024xf32>
    %mul3A_826 = vector.broadcast %convert_element_type3A_6 : vector<128x1xf32> to vector<128x1024xf32>
    %mul3A_827 = vector.broadcast %convert_element_type3A_825 : vector<1x1024xf32> to vector<128x1024xf32>
    %mul3A_828 = arith.mulf %mul3A_826, %mul3A_827 : vector<128x1024xf32>
    %convert_element_type3A_829 = arith.truncf %get3A_823 : vector<1x1024xf32> to vector<1x1024xbf16>
    %convert_element_type3A_830 = arith.extf %convert_element_type3A_829 : vector<1x1024xbf16> to vector<1x1024xf32>
    %mul3A_831 = vector.broadcast %convert_element_type3A_8 : vector<128x1xf32> to vector<128x1024xf32>
    %mul3A_832 = vector.broadcast %convert_element_type3A_830 : vector<1x1024xf32> to vector<128x1024xf32>
    %mul3A_833 = arith.mulf %mul3A_831, %mul3A_832 : vector<128x1024xf32>
    %add3A_834 = arith.addf %mul3A_828, %mul3A_833 : vector<128x1024xf32>
    %mul3A_835 = arith.constant 2.000000e+00 : f32
    %mul3A_836 = vector.broadcast %mul3A_835 : f32 to vector<128x1024xf32>
    %mul3A_837 = arith.mulf %mul3A_836, %add3A_834 : vector<128x1024xf32>
    %sub3A_838 = vector.broadcast %add3A : vector<128x1xf32> to vector<128x1024xf32>
    %sub3A_839 = arith.subf %sub3A_838, %mul3A_837 : vector<128x1024xf32>
    %mul3A_840 = arith.mulf %get3A_820, %get3A_820 : vector<1x1024xf32>
    %mul3A_841 = arith.mulf %get3A_823, %get3A_823 : vector<1x1024xf32>
    %add3A_842 = arith.addf %mul3A_840, %mul3A_841 : vector<1x1024xf32>
    %add3A_843 = vector.broadcast %add3A_842 : vector<1x1024xf32> to vector<128x1024xf32>
    %add3A_844 = arith.addf %sub3A_839, %add3A_843 : vector<128x1024xf32>
    %min3A_845 = arith.minimumf %min3A_817, %add3A_844 : vector<128x1024xf32>
    %get3A_846 = arith.constant 30 : index
    %get3A_847 = arith.constant 0 : index
    %get3A_848 = vector.load %arg3[%get3A_846, %get3A_847] : memref<32x1024xf32, #tpu.memory_space<vmem>>, vector<1x1024xf32>
    %get3A_849 = arith.constant 30 : index
    %get3A_850 = arith.constant 0 : index
    %get3A_851 = vector.load %arg4[%get3A_849, %get3A_850] : memref<32x1024xf32, #tpu.memory_space<vmem>>, vector<1x1024xf32>
    %convert_element_type3A_852 = arith.truncf %get3A_848 : vector<1x1024xf32> to vector<1x1024xbf16>
    %convert_element_type3A_853 = arith.extf %convert_element_type3A_852 : vector<1x1024xbf16> to vector<1x1024xf32>
    %mul3A_854 = vector.broadcast %convert_element_type3A_6 : vector<128x1xf32> to vector<128x1024xf32>
    %mul3A_855 = vector.broadcast %convert_element_type3A_853 : vector<1x1024xf32> to vector<128x1024xf32>
    %mul3A_856 = arith.mulf %mul3A_854, %mul3A_855 : vector<128x1024xf32>
    %convert_element_type3A_857 = arith.truncf %get3A_851 : vector<1x1024xf32> to vector<1x1024xbf16>
    %convert_element_type3A_858 = arith.extf %convert_element_type3A_857 : vector<1x1024xbf16> to vector<1x1024xf32>
    %mul3A_859 = vector.broadcast %convert_element_type3A_8 : vector<128x1xf32> to vector<128x1024xf32>
    %mul3A_860 = vector.broadcast %convert_element_type3A_858 : vector<1x1024xf32> to vector<128x1024xf32>
    %mul3A_861 = arith.mulf %mul3A_859, %mul3A_860 : vector<128x1024xf32>
    %add3A_862 = arith.addf %mul3A_856, %mul3A_861 : vector<128x1024xf32>
    %mul3A_863 = arith.constant 2.000000e+00 : f32
    %mul3A_864 = vector.broadcast %mul3A_863 : f32 to vector<128x1024xf32>
    %mul3A_865 = arith.mulf %mul3A_864, %add3A_862 : vector<128x1024xf32>
    %sub3A_866 = vector.broadcast %add3A : vector<128x1xf32> to vector<128x1024xf32>
    %sub3A_867 = arith.subf %sub3A_866, %mul3A_865 : vector<128x1024xf32>
    %mul3A_868 = arith.mulf %get3A_848, %get3A_848 : vector<1x1024xf32>
    %mul3A_869 = arith.mulf %get3A_851, %get3A_851 : vector<1x1024xf32>
    %add3A_870 = arith.addf %mul3A_868, %mul3A_869 : vector<1x1024xf32>
    %add3A_871 = vector.broadcast %add3A_870 : vector<1x1024xf32> to vector<128x1024xf32>
    %add3A_872 = arith.addf %sub3A_867, %add3A_871 : vector<128x1024xf32>
    %min3A_873 = arith.minimumf %min3A_845, %add3A_872 : vector<128x1024xf32>
    %get3A_874 = arith.constant 31 : index
    %get3A_875 = arith.constant 0 : index
    %get3A_876 = vector.load %arg3[%get3A_874, %get3A_875] : memref<32x1024xf32, #tpu.memory_space<vmem>>, vector<1x1024xf32>
    %get3A_877 = arith.constant 31 : index
    %get3A_878 = arith.constant 0 : index
    %get3A_879 = vector.load %arg4[%get3A_877, %get3A_878] : memref<32x1024xf32, #tpu.memory_space<vmem>>, vector<1x1024xf32>
    %convert_element_type3A_880 = arith.truncf %get3A_876 : vector<1x1024xf32> to vector<1x1024xbf16>
    %convert_element_type3A_881 = arith.extf %convert_element_type3A_880 : vector<1x1024xbf16> to vector<1x1024xf32>
    %mul3A_882 = vector.broadcast %convert_element_type3A_6 : vector<128x1xf32> to vector<128x1024xf32>
    %mul3A_883 = vector.broadcast %convert_element_type3A_881 : vector<1x1024xf32> to vector<128x1024xf32>
    %mul3A_884 = arith.mulf %mul3A_882, %mul3A_883 : vector<128x1024xf32>
    %convert_element_type3A_885 = arith.truncf %get3A_879 : vector<1x1024xf32> to vector<1x1024xbf16>
    %convert_element_type3A_886 = arith.extf %convert_element_type3A_885 : vector<1x1024xbf16> to vector<1x1024xf32>
    %mul3A_887 = vector.broadcast %convert_element_type3A_8 : vector<128x1xf32> to vector<128x1024xf32>
    %mul3A_888 = vector.broadcast %convert_element_type3A_886 : vector<1x1024xf32> to vector<128x1024xf32>
    %mul3A_889 = arith.mulf %mul3A_887, %mul3A_888 : vector<128x1024xf32>
    %add3A_890 = arith.addf %mul3A_884, %mul3A_889 : vector<128x1024xf32>
    %mul3A_891 = arith.constant 2.000000e+00 : f32
    %mul3A_892 = vector.broadcast %mul3A_891 : f32 to vector<128x1024xf32>
    %mul3A_893 = arith.mulf %mul3A_892, %add3A_890 : vector<128x1024xf32>
    %sub3A_894 = vector.broadcast %add3A : vector<128x1xf32> to vector<128x1024xf32>
    %sub3A_895 = arith.subf %sub3A_894, %mul3A_893 : vector<128x1024xf32>
    %mul3A_896 = arith.mulf %get3A_876, %get3A_876 : vector<1x1024xf32>
    %mul3A_897 = arith.mulf %get3A_879, %get3A_879 : vector<1x1024xf32>
    %add3A_898 = arith.addf %mul3A_896, %mul3A_897 : vector<1x1024xf32>
    %add3A_899 = vector.broadcast %add3A_898 : vector<1x1024xf32> to vector<128x1024xf32>
    %add3A_900 = arith.addf %sub3A_895, %add3A_899 : vector<128x1024xf32>
    %min3A_901 = arith.minimumf %min3A_873, %add3A_900 : vector<128x1024xf32>
    %swap3A = arith.constant 0 : index
    %swap3A_902 = arith.constant 0 : index
    %swap3A_903 = vector.load %arg6[%swap3A, %swap3A_902] : memref<128x1024xf32, #tpu.memory_space<vmem>>, vector<128x1024xf32>
    tpu.vector_store %arg6[%swap3A, %swap3A_902], %min3A_901 {strides = array<i32>} : memref<128x1024xf32, #tpu.memory_space<vmem>>, vector<128x1024xf32>,
    %iota3A = tpu.iota {dimensions = array<i32: 1>} : vector<128x1024xi32>
    %convert_element_type3A_904 = arith.sitofp %iota3A : vector<128x1024xi32> to vector<128x1024xf32>
    %get3A_905 = arith.constant 0 : index
    %get3A_906 = arith.constant 0 : index
    %get3A_907 = vector.load %arg6[%get3A_905, %get3A_906] : memref<128x1024xf32, #tpu.memory_space<vmem>>, vector<128x1024xf32>
    %reduce_min3A = arith.constant dense<0x7F800000> : vector<128xf32>
    %reduce_min3A_908 = vector.multi_reduction <minimumf>, %get3A_907, %reduce_min3A [1] : vector<128x1024xf32> to vector<128xf32>
    %broadcast_in_dim3A = vector.shape_cast %reduce_min3A_908 : vector<128xf32> to vector<128x1xf32>
    %eq3A = vector.broadcast %broadcast_in_dim3A : vector<128x1xf32> to vector<128x1024xf32>
    %eq3A_909 = arith.cmpf oeq, %get3A_907, %eq3A : vector<128x1024xf32>
    %jit3A = arith.constant 1.000000e+09 : f32
    %broadcast_in_dim3A_910 = vector.broadcast %jit3A : f32 to vector<128x1024xf32>
    %select_n3A = arith.select %eq3A_909, %convert_element_type3A_904, %broadcast_in_dim3A_910 : vector<128x1024xi1>, vector<128x1024xf32>
    %reduce_min3A_911 = arith.constant dense<0x7F800000> : vector<128xf32>
    %reduce_min3A_912 = vector.multi_reduction <minimumf>, %select_n3A, %reduce_min3A_911 [1] : vector<128x1024xf32> to vector<128xf32>
    %broadcast_in_dim3A_913 = vector.shape_cast %reduce_min3A_912 : vector<128xf32> to vector<128x1xf32>
    %convert_element_type3A_914 = arith.fptosi %broadcast_in_dim3A_913 : vector<128x1xf32> to vector<128x1xi32>
    %swap3A_915 = arith.constant 0 : index
    %swap3A_916 = arith.constant 0 : index
    %swap3A_917 = vector.load %arg5[%swap3A_915, %swap3A_916] : memref<128x25xi32, #tpu.memory_space<vmem>>, vector<128x1xi32>
    tpu.vector_store %arg5[%swap3A_915, %swap3A_916], %convert_element_type3A_914 {strides = array<i32>} : memref<128x25xi32, #tpu.memory_space<vmem>>, vector<128x1xi32>,
    %eq3A_918 = vector.broadcast %broadcast_in_dim3A_913 : vector<128x1xf32> to vector<128x1024xf32>
    %eq3A_919 = arith.cmpf oeq, %convert_element_type3A_904, %eq3A_918 : vector<128x1024xf32>
    %jit3A_920 = arith.constant 1.000000e+30 : f32
    %broadcast_in_dim3A_921 = vector.broadcast %jit3A_920 : f32 to vector<128x1024xf32>
    %select_n3A_922 = arith.select %eq3A_919, %broadcast_in_dim3A_921, %get3A_907 : vector<128x1024xi1>, vector<128x1024xf32>
    %swap3A_923 = arith.constant 0 : index
    %swap3A_924 = arith.constant 0 : index
    %swap3A_925 = vector.load %arg6[%swap3A_923, %swap3A_924] : memref<128x1024xf32, #tpu.memory_space<vmem>>, vector<128x1024xf32>
    tpu.vector_store %arg6[%swap3A_923, %swap3A_924], %select_n3A_922 {strides = array<i32>} : memref<128x1024xf32, #tpu.memory_space<vmem>>, vector<128x1024xf32>,
    %get3A_926 = arith.constant 0 : index
    %get3A_927 = arith.constant 0 : index
    %get3A_928 = vector.load %arg6[%get3A_926, %get3A_927] : memref<128x1024xf32, #tpu.memory_space<vmem>>, vector<128x1024xf32>
    %reduce_min3A_929 = arith.constant dense<0x7F800000> : vector<128xf32>
    %reduce_min3A_930 = vector.multi_reduction <minimumf>, %get3A_928, %reduce_min3A_929 [1] : vector<128x1024xf32> to vector<128xf32>
    %broadcast_in_dim3A_931 = vector.shape_cast %reduce_min3A_930 : vector<128xf32> to vector<128x1xf32>
    %eq3A_932 = vector.broadcast %broadcast_in_dim3A_931 : vector<128x1xf32> to vector<128x1024xf32>
    %eq3A_933 = arith.cmpf oeq, %get3A_928, %eq3A_932 : vector<128x1024xf32>
    %jit3A_934 = arith.constant 1.000000e+09 : f32
    %broadcast_in_dim3A_935 = vector.broadcast %jit3A_934 : f32 to vector<128x1024xf32>
    %select_n3A_936 = arith.select %eq3A_933, %convert_element_type3A_904, %broadcast_in_dim3A_935 : vector<128x1024xi1>, vector<128x1024xf32>
    %reduce_min3A_937 = arith.constant dense<0x7F800000> : vector<128xf32>
    %reduce_min3A_938 = vector.multi_reduction <minimumf>, %select_n3A_936, %reduce_min3A_937 [1] : vector<128x1024xf32> to vector<128xf32>
    %broadcast_in_dim3A_939 = vector.shape_cast %reduce_min3A_938 : vector<128xf32> to vector<128x1xf32>
    %convert_element_type3A_940 = arith.fptosi %broadcast_in_dim3A_939 : vector<128x1xf32> to vector<128x1xi32>
    %swap3A_941 = arith.constant 0 : index
    %swap3A_942 = arith.constant 1 : index
    %swap3A_943 = vector.load %arg5[%swap3A_941, %swap3A_942] : memref<128x25xi32, #tpu.memory_space<vmem>>, vector<128x1xi32>
    tpu.vector_store %arg5[%swap3A_941, %swap3A_942], %convert_element_type3A_940 {strides = array<i32>} : memref<128x25xi32, #tpu.memory_space<vmem>>, vector<128x1xi32>,
    %eq3A_944 = vector.broadcast %broadcast_in_dim3A_939 : vector<128x1xf32> to vector<128x1024xf32>
    %eq3A_945 = arith.cmpf oeq, %convert_element_type3A_904, %eq3A_944 : vector<128x1024xf32>
    %jit3A_946 = arith.constant 1.000000e+30 : f32
    %broadcast_in_dim3A_947 = vector.broadcast %jit3A_946 : f32 to vector<128x1024xf32>
    %select_n3A_948 = arith.select %eq3A_945, %broadcast_in_dim3A_947, %get3A_928 : vector<128x1024xi1>, vector<128x1024xf32>
    %swap3A_949 = arith.constant 0 : index
    %swap3A_950 = arith.constant 0 : index
    %swap3A_951 = vector.load %arg6[%swap3A_949, %swap3A_950] : memref<128x1024xf32, #tpu.memory_space<vmem>>, vector<128x1024xf32>
    tpu.vector_store %arg6[%swap3A_949, %swap3A_950], %select_n3A_948 {strides = array<i32>} : memref<128x1024xf32, #tpu.memory_space<vmem>>, vector<128x1024xf32>,
    %get3A_952 = arith.constant 0 : index
    %get3A_953 = arith.constant 0 : index
    %get3A_954 = vector.load %arg6[%get3A_952, %get3A_953] : memref<128x1024xf32, #tpu.memory_space<vmem>>, vector<128x1024xf32>
    %reduce_min3A_955 = arith.constant dense<0x7F800000> : vector<128xf32>
    %reduce_min3A_956 = vector.multi_reduction <minimumf>, %get3A_954, %reduce_min3A_955 [1] : vector<128x1024xf32> to vector<128xf32>
    %broadcast_in_dim3A_957 = vector.shape_cast %reduce_min3A_956 : vector<128xf32> to vector<128x1xf32>
    %eq3A_958 = vector.broadcast %broadcast_in_dim3A_957 : vector<128x1xf32> to vector<128x1024xf32>
    %eq3A_959 = arith.cmpf oeq, %get3A_954, %eq3A_958 : vector<128x1024xf32>
    %jit3A_960 = arith.constant 1.000000e+09 : f32
    %broadcast_in_dim3A_961 = vector.broadcast %jit3A_960 : f32 to vector<128x1024xf32>
    %select_n3A_962 = arith.select %eq3A_959, %convert_element_type3A_904, %broadcast_in_dim3A_961 : vector<128x1024xi1>, vector<128x1024xf32>
    %reduce_min3A_963 = arith.constant dense<0x7F800000> : vector<128xf32>
    %reduce_min3A_964 = vector.multi_reduction <minimumf>, %select_n3A_962, %reduce_min3A_963 [1] : vector<128x1024xf32> to vector<128xf32>
    %broadcast_in_dim3A_965 = vector.shape_cast %reduce_min3A_964 : vector<128xf32> to vector<128x1xf32>
    %convert_element_type3A_966 = arith.fptosi %broadcast_in_dim3A_965 : vector<128x1xf32> to vector<128x1xi32>
    %swap3A_967 = arith.constant 0 : index
    %swap3A_968 = arith.constant 2 : index
    %swap3A_969 = vector.load %arg5[%swap3A_967, %swap3A_968] : memref<128x25xi32, #tpu.memory_space<vmem>>, vector<128x1xi32>
    tpu.vector_store %arg5[%swap3A_967, %swap3A_968], %convert_element_type3A_966 {strides = array<i32>} : memref<128x25xi32, #tpu.memory_space<vmem>>, vector<128x1xi32>,
    %eq3A_970 = vector.broadcast %broadcast_in_dim3A_965 : vector<128x1xf32> to vector<128x1024xf32>
    %eq3A_971 = arith.cmpf oeq, %convert_element_type3A_904, %eq3A_970 : vector<128x1024xf32>
    %jit3A_972 = arith.constant 1.000000e+30 : f32
    %broadcast_in_dim3A_973 = vector.broadcast %jit3A_972 : f32 to vector<128x1024xf32>
    %select_n3A_974 = arith.select %eq3A_971, %broadcast_in_dim3A_973, %get3A_954 : vector<128x1024xi1>, vector<128x1024xf32>
    %swap3A_975 = arith.constant 0 : index
    %swap3A_976 = arith.constant 0 : index
    %swap3A_977 = vector.load %arg6[%swap3A_975, %swap3A_976] : memref<128x1024xf32, #tpu.memory_space<vmem>>, vector<128x1024xf32>
    tpu.vector_store %arg6[%swap3A_975, %swap3A_976], %select_n3A_974 {strides = array<i32>} : memref<128x1024xf32, #tpu.memory_space<vmem>>, vector<128x1024xf32>,
    %get3A_978 = arith.constant 0 : index
    %get3A_979 = arith.constant 0 : index
    %get3A_980 = vector.load %arg6[%get3A_978, %get3A_979] : memref<128x1024xf32, #tpu.memory_space<vmem>>, vector<128x1024xf32>
    %reduce_min3A_981 = arith.constant dense<0x7F800000> : vector<128xf32>
    %reduce_min3A_982 = vector.multi_reduction <minimumf>, %get3A_980, %reduce_min3A_981 [1] : vector<128x1024xf32> to vector<128xf32>
    %broadcast_in_dim3A_983 = vector.shape_cast %reduce_min3A_982 : vector<128xf32> to vector<128x1xf32>
    %eq3A_984 = vector.broadcast %broadcast_in_dim3A_983 : vector<128x1xf32> to vector<128x1024xf32>
    %eq3A_985 = arith.cmpf oeq, %get3A_980, %eq3A_984 : vector<128x1024xf32>
    %jit3A_986 = arith.constant 1.000000e+09 : f32
    %broadcast_in_dim3A_987 = vector.broadcast %jit3A_986 : f32 to vector<128x1024xf32>
    %select_n3A_988 = arith.select %eq3A_985, %convert_element_type3A_904, %broadcast_in_dim3A_987 : vector<128x1024xi1>, vector<128x1024xf32>
    %reduce_min3A_989 = arith.constant dense<0x7F800000> : vector<128xf32>
    %reduce_min3A_990 = vector.multi_reduction <minimumf>, %select_n3A_988, %reduce_min3A_989 [1] : vector<128x1024xf32> to vector<128xf32>
    %broadcast_in_dim3A_991 = vector.shape_cast %reduce_min3A_990 : vector<128xf32> to vector<128x1xf32>
    %convert_element_type3A_992 = arith.fptosi %broadcast_in_dim3A_991 : vector<128x1xf32> to vector<128x1xi32>
    %swap3A_993 = arith.constant 0 : index
    %swap3A_994 = arith.constant 3 : index
    %swap3A_995 = vector.load %arg5[%swap3A_993, %swap3A_994] : memref<128x25xi32, #tpu.memory_space<vmem>>, vector<128x1xi32>
    tpu.vector_store %arg5[%swap3A_993, %swap3A_994], %convert_element_type3A_992 {strides = array<i32>} : memref<128x25xi32, #tpu.memory_space<vmem>>, vector<128x1xi32>,
    %eq3A_996 = vector.broadcast %broadcast_in_dim3A_991 : vector<128x1xf32> to vector<128x1024xf32>
    %eq3A_997 = arith.cmpf oeq, %convert_element_type3A_904, %eq3A_996 : vector<128x1024xf32>
    %jit3A_998 = arith.constant 1.000000e+30 : f32
    %broadcast_in_dim3A_999 = vector.broadcast %jit3A_998 : f32 to vector<128x1024xf32>
    %select_n3A_1000 = arith.select %eq3A_997, %broadcast_in_dim3A_999, %get3A_980 : vector<128x1024xi1>, vector<128x1024xf32>
    %swap3A_1001 = arith.constant 0 : index
    %swap3A_1002 = arith.constant 0 : index
    %swap3A_1003 = vector.load %arg6[%swap3A_1001, %swap3A_1002] : memref<128x1024xf32, #tpu.memory_space<vmem>>, vector<128x1024xf32>
    tpu.vector_store %arg6[%swap3A_1001, %swap3A_1002], %select_n3A_1000 {strides = array<i32>} : memref<128x1024xf32, #tpu.memory_space<vmem>>, vector<128x1024xf32>,
    %get3A_1004 = arith.constant 0 : index
    %get3A_1005 = arith.constant 0 : index
    %get3A_1006 = vector.load %arg6[%get3A_1004, %get3A_1005] : memref<128x1024xf32, #tpu.memory_space<vmem>>, vector<128x1024xf32>
    %reduce_min3A_1007 = arith.constant dense<0x7F800000> : vector<128xf32>
    %reduce_min3A_1008 = vector.multi_reduction <minimumf>, %get3A_1006, %reduce_min3A_1007 [1] : vector<128x1024xf32> to vector<128xf32>
    %broadcast_in_dim3A_1009 = vector.shape_cast %reduce_min3A_1008 : vector<128xf32> to vector<128x1xf32>
    %eq3A_1010 = vector.broadcast %broadcast_in_dim3A_1009 : vector<128x1xf32> to vector<128x1024xf32>
    %eq3A_1011 = arith.cmpf oeq, %get3A_1006, %eq3A_1010 : vector<128x1024xf32>
    %jit3A_1012 = arith.constant 1.000000e+09 : f32
    %broadcast_in_dim3A_1013 = vector.broadcast %jit3A_1012 : f32 to vector<128x1024xf32>
    %select_n3A_1014 = arith.select %eq3A_1011, %convert_element_type3A_904, %broadcast_in_dim3A_1013 : vector<128x1024xi1>, vector<128x1024xf32>
    %reduce_min3A_1015 = arith.constant dense<0x7F800000> : vector<128xf32>
    %reduce_min3A_1016 = vector.multi_reduction <minimumf>, %select_n3A_1014, %reduce_min3A_1015 [1] : vector<128x1024xf32> to vector<128xf32>
    %broadcast_in_dim3A_1017 = vector.shape_cast %reduce_min3A_1016 : vector<128xf32> to vector<128x1xf32>
    %convert_element_type3A_1018 = arith.fptosi %broadcast_in_dim3A_1017 : vector<128x1xf32> to vector<128x1xi32>
    %swap3A_1019 = arith.constant 0 : index
    %swap3A_1020 = arith.constant 4 : index
    %swap3A_1021 = vector.load %arg5[%swap3A_1019, %swap3A_1020] : memref<128x25xi32, #tpu.memory_space<vmem>>, vector<128x1xi32>
    tpu.vector_store %arg5[%swap3A_1019, %swap3A_1020], %convert_element_type3A_1018 {strides = array<i32>} : memref<128x25xi32, #tpu.memory_space<vmem>>, vector<128x1xi32>,
    %eq3A_1022 = vector.broadcast %broadcast_in_dim3A_1017 : vector<128x1xf32> to vector<128x1024xf32>
    %eq3A_1023 = arith.cmpf oeq, %convert_element_type3A_904, %eq3A_1022 : vector<128x1024xf32>
    %jit3A_1024 = arith.constant 1.000000e+30 : f32
    %broadcast_in_dim3A_1025 = vector.broadcast %jit3A_1024 : f32 to vector<128x1024xf32>
    %select_n3A_1026 = arith.select %eq3A_1023, %broadcast_in_dim3A_1025, %get3A_1006 : vector<128x1024xi1>, vector<128x1024xf32>
    %swap3A_1027 = arith.constant 0 : index
    %swap3A_1028 = arith.constant 0 : index
    %swap3A_1029 = vector.load %arg6[%swap3A_1027, %swap3A_1028] : memref<128x1024xf32, #tpu.memory_space<vmem>>, vector<128x1024xf32>
    tpu.vector_store %arg6[%swap3A_1027, %swap3A_1028], %select_n3A_1026 {strides = array<i32>} : memref<128x1024xf32, #tpu.memory_space<vmem>>, vector<128x1024xf32>,
    %get3A_1030 = arith.constant 0 : index
    %get3A_1031 = arith.constant 0 : index
    %get3A_1032 = vector.load %arg6[%get3A_1030, %get3A_1031] : memref<128x1024xf32, #tpu.memory_space<vmem>>, vector<128x1024xf32>
    %reduce_min3A_1033 = arith.constant dense<0x7F800000> : vector<128xf32>
    %reduce_min3A_1034 = vector.multi_reduction <minimumf>, %get3A_1032, %reduce_min3A_1033 [1] : vector<128x1024xf32> to vector<128xf32>
    %broadcast_in_dim3A_1035 = vector.shape_cast %reduce_min3A_1034 : vector<128xf32> to vector<128x1xf32>
    %eq3A_1036 = vector.broadcast %broadcast_in_dim3A_1035 : vector<128x1xf32> to vector<128x1024xf32>
    %eq3A_1037 = arith.cmpf oeq, %get3A_1032, %eq3A_1036 : vector<128x1024xf32>
    %jit3A_1038 = arith.constant 1.000000e+09 : f32
    %broadcast_in_dim3A_1039 = vector.broadcast %jit3A_1038 : f32 to vector<128x1024xf32>
    %select_n3A_1040 = arith.select %eq3A_1037, %convert_element_type3A_904, %broadcast_in_dim3A_1039 : vector<128x1024xi1>, vector<128x1024xf32>
    %reduce_min3A_1041 = arith.constant dense<0x7F800000> : vector<128xf32>
    %reduce_min3A_1042 = vector.multi_reduction <minimumf>, %select_n3A_1040, %reduce_min3A_1041 [1] : vector<128x1024xf32> to vector<128xf32>
    %broadcast_in_dim3A_1043 = vector.shape_cast %reduce_min3A_1042 : vector<128xf32> to vector<128x1xf32>
    %convert_element_type3A_1044 = arith.fptosi %broadcast_in_dim3A_1043 : vector<128x1xf32> to vector<128x1xi32>
    %swap3A_1045 = arith.constant 0 : index
    %swap3A_1046 = arith.constant 5 : index
    %swap3A_1047 = vector.load %arg5[%swap3A_1045, %swap3A_1046] : memref<128x25xi32, #tpu.memory_space<vmem>>, vector<128x1xi32>
    tpu.vector_store %arg5[%swap3A_1045, %swap3A_1046], %convert_element_type3A_1044 {strides = array<i32>} : memref<128x25xi32, #tpu.memory_space<vmem>>, vector<128x1xi32>,
    %eq3A_1048 = vector.broadcast %broadcast_in_dim3A_1043 : vector<128x1xf32> to vector<128x1024xf32>
    %eq3A_1049 = arith.cmpf oeq, %convert_element_type3A_904, %eq3A_1048 : vector<128x1024xf32>
    %jit3A_1050 = arith.constant 1.000000e+30 : f32
    %broadcast_in_dim3A_1051 = vector.broadcast %jit3A_1050 : f32 to vector<128x1024xf32>
    %select_n3A_1052 = arith.select %eq3A_1049, %broadcast_in_dim3A_1051, %get3A_1032 : vector<128x1024xi1>, vector<128x1024xf32>
    %swap3A_1053 = arith.constant 0 : index
    %swap3A_1054 = arith.constant 0 : index
    %swap3A_1055 = vector.load %arg6[%swap3A_1053, %swap3A_1054] : memref<128x1024xf32, #tpu.memory_space<vmem>>, vector<128x1024xf32>
    tpu.vector_store %arg6[%swap3A_1053, %swap3A_1054], %select_n3A_1052 {strides = array<i32>} : memref<128x1024xf32, #tpu.memory_space<vmem>>, vector<128x1024xf32>,
    %get3A_1056 = arith.constant 0 : index
    %get3A_1057 = arith.constant 0 : index
    %get3A_1058 = vector.load %arg6[%get3A_1056, %get3A_1057] : memref<128x1024xf32, #tpu.memory_space<vmem>>, vector<128x1024xf32>
    %reduce_min3A_1059 = arith.constant dense<0x7F800000> : vector<128xf32>
    %reduce_min3A_1060 = vector.multi_reduction <minimumf>, %get3A_1058, %reduce_min3A_1059 [1] : vector<128x1024xf32> to vector<128xf32>
    %broadcast_in_dim3A_1061 = vector.shape_cast %reduce_min3A_1060 : vector<128xf32> to vector<128x1xf32>
    %eq3A_1062 = vector.broadcast %broadcast_in_dim3A_1061 : vector<128x1xf32> to vector<128x1024xf32>
    %eq3A_1063 = arith.cmpf oeq, %get3A_1058, %eq3A_1062 : vector<128x1024xf32>
    %jit3A_1064 = arith.constant 1.000000e+09 : f32
    %broadcast_in_dim3A_1065 = vector.broadcast %jit3A_1064 : f32 to vector<128x1024xf32>
    %select_n3A_1066 = arith.select %eq3A_1063, %convert_element_type3A_904, %broadcast_in_dim3A_1065 : vector<128x1024xi1>, vector<128x1024xf32>
    %reduce_min3A_1067 = arith.constant dense<0x7F800000> : vector<128xf32>
    %reduce_min3A_1068 = vector.multi_reduction <minimumf>, %select_n3A_1066, %reduce_min3A_1067 [1] : vector<128x1024xf32> to vector<128xf32>
    %broadcast_in_dim3A_1069 = vector.shape_cast %reduce_min3A_1068 : vector<128xf32> to vector<128x1xf32>
    %convert_element_type3A_1070 = arith.fptosi %broadcast_in_dim3A_1069 : vector<128x1xf32> to vector<128x1xi32>
    %swap3A_1071 = arith.constant 0 : index
    %swap3A_1072 = arith.constant 6 : index
    %swap3A_1073 = vector.load %arg5[%swap3A_1071, %swap3A_1072] : memref<128x25xi32, #tpu.memory_space<vmem>>, vector<128x1xi32>
    tpu.vector_store %arg5[%swap3A_1071, %swap3A_1072], %convert_element_type3A_1070 {strides = array<i32>} : memref<128x25xi32, #tpu.memory_space<vmem>>, vector<128x1xi32>,
    %eq3A_1074 = vector.broadcast %broadcast_in_dim3A_1069 : vector<128x1xf32> to vector<128x1024xf32>
    %eq3A_1075 = arith.cmpf oeq, %convert_element_type3A_904, %eq3A_1074 : vector<128x1024xf32>
    %jit3A_1076 = arith.constant 1.000000e+30 : f32
    %broadcast_in_dim3A_1077 = vector.broadcast %jit3A_1076 : f32 to vector<128x1024xf32>
    %select_n3A_1078 = arith.select %eq3A_1075, %broadcast_in_dim3A_1077, %get3A_1058 : vector<128x1024xi1>, vector<128x1024xf32>
    %swap3A_1079 = arith.constant 0 : index
    %swap3A_1080 = arith.constant 0 : index
    %swap3A_1081 = vector.load %arg6[%swap3A_1079, %swap3A_1080] : memref<128x1024xf32, #tpu.memory_space<vmem>>, vector<128x1024xf32>
    tpu.vector_store %arg6[%swap3A_1079, %swap3A_1080], %select_n3A_1078 {strides = array<i32>} : memref<128x1024xf32, #tpu.memory_space<vmem>>, vector<128x1024xf32>,
    %get3A_1082 = arith.constant 0 : index
    %get3A_1083 = arith.constant 0 : index
    %get3A_1084 = vector.load %arg6[%get3A_1082, %get3A_1083] : memref<128x1024xf32, #tpu.memory_space<vmem>>, vector<128x1024xf32>
    %reduce_min3A_1085 = arith.constant dense<0x7F800000> : vector<128xf32>
    %reduce_min3A_1086 = vector.multi_reduction <minimumf>, %get3A_1084, %reduce_min3A_1085 [1] : vector<128x1024xf32> to vector<128xf32>
    %broadcast_in_dim3A_1087 = vector.shape_cast %reduce_min3A_1086 : vector<128xf32> to vector<128x1xf32>
    %eq3A_1088 = vector.broadcast %broadcast_in_dim3A_1087 : vector<128x1xf32> to vector<128x1024xf32>
    %eq3A_1089 = arith.cmpf oeq, %get3A_1084, %eq3A_1088 : vector<128x1024xf32>
    %jit3A_1090 = arith.constant 1.000000e+09 : f32
    %broadcast_in_dim3A_1091 = vector.broadcast %jit3A_1090 : f32 to vector<128x1024xf32>
    %select_n3A_1092 = arith.select %eq3A_1089, %convert_element_type3A_904, %broadcast_in_dim3A_1091 : vector<128x1024xi1>, vector<128x1024xf32>
    %reduce_min3A_1093 = arith.constant dense<0x7F800000> : vector<128xf32>
    %reduce_min3A_1094 = vector.multi_reduction <minimumf>, %select_n3A_1092, %reduce_min3A_1093 [1] : vector<128x1024xf32> to vector<128xf32>
    %broadcast_in_dim3A_1095 = vector.shape_cast %reduce_min3A_1094 : vector<128xf32> to vector<128x1xf32>
    %convert_element_type3A_1096 = arith.fptosi %broadcast_in_dim3A_1095 : vector<128x1xf32> to vector<128x1xi32>
    %swap3A_1097 = arith.constant 0 : index
    %swap3A_1098 = arith.constant 7 : index
    %swap3A_1099 = vector.load %arg5[%swap3A_1097, %swap3A_1098] : memref<128x25xi32, #tpu.memory_space<vmem>>, vector<128x1xi32>
    tpu.vector_store %arg5[%swap3A_1097, %swap3A_1098], %convert_element_type3A_1096 {strides = array<i32>} : memref<128x25xi32, #tpu.memory_space<vmem>>, vector<128x1xi32>,
    %eq3A_1100 = vector.broadcast %broadcast_in_dim3A_1095 : vector<128x1xf32> to vector<128x1024xf32>
    %eq3A_1101 = arith.cmpf oeq, %convert_element_type3A_904, %eq3A_1100 : vector<128x1024xf32>
    %jit3A_1102 = arith.constant 1.000000e+30 : f32
    %broadcast_in_dim3A_1103 = vector.broadcast %jit3A_1102 : f32 to vector<128x1024xf32>
    %select_n3A_1104 = arith.select %eq3A_1101, %broadcast_in_dim3A_1103, %get3A_1084 : vector<128x1024xi1>, vector<128x1024xf32>
    %swap3A_1105 = arith.constant 0 : index
    %swap3A_1106 = arith.constant 0 : index
    %swap3A_1107 = vector.load %arg6[%swap3A_1105, %swap3A_1106] : memref<128x1024xf32, #tpu.memory_space<vmem>>, vector<128x1024xf32>
    tpu.vector_store %arg6[%swap3A_1105, %swap3A_1106], %select_n3A_1104 {strides = array<i32>} : memref<128x1024xf32, #tpu.memory_space<vmem>>, vector<128x1024xf32>,
    %get3A_1108 = arith.constant 0 : index
    %get3A_1109 = arith.constant 0 : index
    %get3A_1110 = vector.load %arg6[%get3A_1108, %get3A_1109] : memref<128x1024xf32, #tpu.memory_space<vmem>>, vector<128x1024xf32>
    %reduce_min3A_1111 = arith.constant dense<0x7F800000> : vector<128xf32>
    %reduce_min3A_1112 = vector.multi_reduction <minimumf>, %get3A_1110, %reduce_min3A_1111 [1] : vector<128x1024xf32> to vector<128xf32>
    %broadcast_in_dim3A_1113 = vector.shape_cast %reduce_min3A_1112 : vector<128xf32> to vector<128x1xf32>
    %eq3A_1114 = vector.broadcast %broadcast_in_dim3A_1113 : vector<128x1xf32> to vector<128x1024xf32>
    %eq3A_1115 = arith.cmpf oeq, %get3A_1110, %eq3A_1114 : vector<128x1024xf32>
    %jit3A_1116 = arith.constant 1.000000e+09 : f32
    %broadcast_in_dim3A_1117 = vector.broadcast %jit3A_1116 : f32 to vector<128x1024xf32>
    %select_n3A_1118 = arith.select %eq3A_1115, %convert_element_type3A_904, %broadcast_in_dim3A_1117 : vector<128x1024xi1>, vector<128x1024xf32>
    %reduce_min3A_1119 = arith.constant dense<0x7F800000> : vector<128xf32>
    %reduce_min3A_1120 = vector.multi_reduction <minimumf>, %select_n3A_1118, %reduce_min3A_1119 [1] : vector<128x1024xf32> to vector<128xf32>
    %broadcast_in_dim3A_1121 = vector.shape_cast %reduce_min3A_1120 : vector<128xf32> to vector<128x1xf32>
    %convert_element_type3A_1122 = arith.fptosi %broadcast_in_dim3A_1121 : vector<128x1xf32> to vector<128x1xi32>
    %swap3A_1123 = arith.constant 0 : index
    %swap3A_1124 = arith.constant 8 : index
    %swap3A_1125 = vector.load %arg5[%swap3A_1123, %swap3A_1124] : memref<128x25xi32, #tpu.memory_space<vmem>>, vector<128x1xi32>
    tpu.vector_store %arg5[%swap3A_1123, %swap3A_1124], %convert_element_type3A_1122 {strides = array<i32>} : memref<128x25xi32, #tpu.memory_space<vmem>>, vector<128x1xi32>,
    %eq3A_1126 = vector.broadcast %broadcast_in_dim3A_1121 : vector<128x1xf32> to vector<128x1024xf32>
    %eq3A_1127 = arith.cmpf oeq, %convert_element_type3A_904, %eq3A_1126 : vector<128x1024xf32>
    %jit3A_1128 = arith.constant 1.000000e+30 : f32
    %broadcast_in_dim3A_1129 = vector.broadcast %jit3A_1128 : f32 to vector<128x1024xf32>
    %select_n3A_1130 = arith.select %eq3A_1127, %broadcast_in_dim3A_1129, %get3A_1110 : vector<128x1024xi1>, vector<128x1024xf32>
    %swap3A_1131 = arith.constant 0 : index
    %swap3A_1132 = arith.constant 0 : index
    %swap3A_1133 = vector.load %arg6[%swap3A_1131, %swap3A_1132] : memref<128x1024xf32, #tpu.memory_space<vmem>>, vector<128x1024xf32>
    tpu.vector_store %arg6[%swap3A_1131, %swap3A_1132], %select_n3A_1130 {strides = array<i32>} : memref<128x1024xf32, #tpu.memory_space<vmem>>, vector<128x1024xf32>,
    %get3A_1134 = arith.constant 0 : index
    %get3A_1135 = arith.constant 0 : index
    %get3A_1136 = vector.load %arg6[%get3A_1134, %get3A_1135] : memref<128x1024xf32, #tpu.memory_space<vmem>>, vector<128x1024xf32>
    %reduce_min3A_1137 = arith.constant dense<0x7F800000> : vector<128xf32>
    %reduce_min3A_1138 = vector.multi_reduction <minimumf>, %get3A_1136, %reduce_min3A_1137 [1] : vector<128x1024xf32> to vector<128xf32>
    %broadcast_in_dim3A_1139 = vector.shape_cast %reduce_min3A_1138 : vector<128xf32> to vector<128x1xf32>
    %eq3A_1140 = vector.broadcast %broadcast_in_dim3A_1139 : vector<128x1xf32> to vector<128x1024xf32>
    %eq3A_1141 = arith.cmpf oeq, %get3A_1136, %eq3A_1140 : vector<128x1024xf32>
    %jit3A_1142 = arith.constant 1.000000e+09 : f32
    %broadcast_in_dim3A_1143 = vector.broadcast %jit3A_1142 : f32 to vector<128x1024xf32>
    %select_n3A_1144 = arith.select %eq3A_1141, %convert_element_type3A_904, %broadcast_in_dim3A_1143 : vector<128x1024xi1>, vector<128x1024xf32>
    %reduce_min3A_1145 = arith.constant dense<0x7F800000> : vector<128xf32>
    %reduce_min3A_1146 = vector.multi_reduction <minimumf>, %select_n3A_1144, %reduce_min3A_1145 [1] : vector<128x1024xf32> to vector<128xf32>
    %broadcast_in_dim3A_1147 = vector.shape_cast %reduce_min3A_1146 : vector<128xf32> to vector<128x1xf32>
    %convert_element_type3A_1148 = arith.fptosi %broadcast_in_dim3A_1147 : vector<128x1xf32> to vector<128x1xi32>
    %swap3A_1149 = arith.constant 0 : index
    %swap3A_1150 = arith.constant 9 : index
    %swap3A_1151 = vector.load %arg5[%swap3A_1149, %swap3A_1150] : memref<128x25xi32, #tpu.memory_space<vmem>>, vector<128x1xi32>
    tpu.vector_store %arg5[%swap3A_1149, %swap3A_1150], %convert_element_type3A_1148 {strides = array<i32>} : memref<128x25xi32, #tpu.memory_space<vmem>>, vector<128x1xi32>,
    %eq3A_1152 = vector.broadcast %broadcast_in_dim3A_1147 : vector<128x1xf32> to vector<128x1024xf32>
    %eq3A_1153 = arith.cmpf oeq, %convert_element_type3A_904, %eq3A_1152 : vector<128x1024xf32>
    %jit3A_1154 = arith.constant 1.000000e+30 : f32
    %broadcast_in_dim3A_1155 = vector.broadcast %jit3A_1154 : f32 to vector<128x1024xf32>
    %select_n3A_1156 = arith.select %eq3A_1153, %broadcast_in_dim3A_1155, %get3A_1136 : vector<128x1024xi1>, vector<128x1024xf32>
    %swap3A_1157 = arith.constant 0 : index
    %swap3A_1158 = arith.constant 0 : index
    %swap3A_1159 = vector.load %arg6[%swap3A_1157, %swap3A_1158] : memref<128x1024xf32, #tpu.memory_space<vmem>>, vector<128x1024xf32>
    tpu.vector_store %arg6[%swap3A_1157, %swap3A_1158], %select_n3A_1156 {strides = array<i32>} : memref<128x1024xf32, #tpu.memory_space<vmem>>, vector<128x1024xf32>,
    %get3A_1160 = arith.constant 0 : index
    %get3A_1161 = arith.constant 0 : index
    %get3A_1162 = vector.load %arg6[%get3A_1160, %get3A_1161] : memref<128x1024xf32, #tpu.memory_space<vmem>>, vector<128x1024xf32>
    %reduce_min3A_1163 = arith.constant dense<0x7F800000> : vector<128xf32>
    %reduce_min3A_1164 = vector.multi_reduction <minimumf>, %get3A_1162, %reduce_min3A_1163 [1] : vector<128x1024xf32> to vector<128xf32>
    %broadcast_in_dim3A_1165 = vector.shape_cast %reduce_min3A_1164 : vector<128xf32> to vector<128x1xf32>
    %eq3A_1166 = vector.broadcast %broadcast_in_dim3A_1165 : vector<128x1xf32> to vector<128x1024xf32>
    %eq3A_1167 = arith.cmpf oeq, %get3A_1162, %eq3A_1166 : vector<128x1024xf32>
    %jit3A_1168 = arith.constant 1.000000e+09 : f32
    %broadcast_in_dim3A_1169 = vector.broadcast %jit3A_1168 : f32 to vector<128x1024xf32>
    %select_n3A_1170 = arith.select %eq3A_1167, %convert_element_type3A_904, %broadcast_in_dim3A_1169 : vector<128x1024xi1>, vector<128x1024xf32>
    %reduce_min3A_1171 = arith.constant dense<0x7F800000> : vector<128xf32>
    %reduce_min3A_1172 = vector.multi_reduction <minimumf>, %select_n3A_1170, %reduce_min3A_1171 [1] : vector<128x1024xf32> to vector<128xf32>
    %broadcast_in_dim3A_1173 = vector.shape_cast %reduce_min3A_1172 : vector<128xf32> to vector<128x1xf32>
    %convert_element_type3A_1174 = arith.fptosi %broadcast_in_dim3A_1173 : vector<128x1xf32> to vector<128x1xi32>
    %swap3A_1175 = arith.constant 0 : index
    %swap3A_1176 = arith.constant 10 : index
    %swap3A_1177 = vector.load %arg5[%swap3A_1175, %swap3A_1176] : memref<128x25xi32, #tpu.memory_space<vmem>>, vector<128x1xi32>
    tpu.vector_store %arg5[%swap3A_1175, %swap3A_1176], %convert_element_type3A_1174 {strides = array<i32>} : memref<128x25xi32, #tpu.memory_space<vmem>>, vector<128x1xi32>,
    %eq3A_1178 = vector.broadcast %broadcast_in_dim3A_1173 : vector<128x1xf32> to vector<128x1024xf32>
    %eq3A_1179 = arith.cmpf oeq, %convert_element_type3A_904, %eq3A_1178 : vector<128x1024xf32>
    %jit3A_1180 = arith.constant 1.000000e+30 : f32
    %broadcast_in_dim3A_1181 = vector.broadcast %jit3A_1180 : f32 to vector<128x1024xf32>
    %select_n3A_1182 = arith.select %eq3A_1179, %broadcast_in_dim3A_1181, %get3A_1162 : vector<128x1024xi1>, vector<128x1024xf32>
    %swap3A_1183 = arith.constant 0 : index
    %swap3A_1184 = arith.constant 0 : index
    %swap3A_1185 = vector.load %arg6[%swap3A_1183, %swap3A_1184] : memref<128x1024xf32, #tpu.memory_space<vmem>>, vector<128x1024xf32>
    tpu.vector_store %arg6[%swap3A_1183, %swap3A_1184], %select_n3A_1182 {strides = array<i32>} : memref<128x1024xf32, #tpu.memory_space<vmem>>, vector<128x1024xf32>,
    %get3A_1186 = arith.constant 0 : index
    %get3A_1187 = arith.constant 0 : index
    %get3A_1188 = vector.load %arg6[%get3A_1186, %get3A_1187] : memref<128x1024xf32, #tpu.memory_space<vmem>>, vector<128x1024xf32>
    %reduce_min3A_1189 = arith.constant dense<0x7F800000> : vector<128xf32>
    %reduce_min3A_1190 = vector.multi_reduction <minimumf>, %get3A_1188, %reduce_min3A_1189 [1] : vector<128x1024xf32> to vector<128xf32>
    %broadcast_in_dim3A_1191 = vector.shape_cast %reduce_min3A_1190 : vector<128xf32> to vector<128x1xf32>
    %eq3A_1192 = vector.broadcast %broadcast_in_dim3A_1191 : vector<128x1xf32> to vector<128x1024xf32>
    %eq3A_1193 = arith.cmpf oeq, %get3A_1188, %eq3A_1192 : vector<128x1024xf32>
    %jit3A_1194 = arith.constant 1.000000e+09 : f32
    %broadcast_in_dim3A_1195 = vector.broadcast %jit3A_1194 : f32 to vector<128x1024xf32>
    %select_n3A_1196 = arith.select %eq3A_1193, %convert_element_type3A_904, %broadcast_in_dim3A_1195 : vector<128x1024xi1>, vector<128x1024xf32>
    %reduce_min3A_1197 = arith.constant dense<0x7F800000> : vector<128xf32>
    %reduce_min3A_1198 = vector.multi_reduction <minimumf>, %select_n3A_1196, %reduce_min3A_1197 [1] : vector<128x1024xf32> to vector<128xf32>
    %broadcast_in_dim3A_1199 = vector.shape_cast %reduce_min3A_1198 : vector<128xf32> to vector<128x1xf32>
    %convert_element_type3A_1200 = arith.fptosi %broadcast_in_dim3A_1199 : vector<128x1xf32> to vector<128x1xi32>
    %swap3A_1201 = arith.constant 0 : index
    %swap3A_1202 = arith.constant 11 : index
    %swap3A_1203 = vector.load %arg5[%swap3A_1201, %swap3A_1202] : memref<128x25xi32, #tpu.memory_space<vmem>>, vector<128x1xi32>
    tpu.vector_store %arg5[%swap3A_1201, %swap3A_1202], %convert_element_type3A_1200 {strides = array<i32>} : memref<128x25xi32, #tpu.memory_space<vmem>>, vector<128x1xi32>,
    %eq3A_1204 = vector.broadcast %broadcast_in_dim3A_1199 : vector<128x1xf32> to vector<128x1024xf32>
    %eq3A_1205 = arith.cmpf oeq, %convert_element_type3A_904, %eq3A_1204 : vector<128x1024xf32>
    %jit3A_1206 = arith.constant 1.000000e+30 : f32
    %broadcast_in_dim3A_1207 = vector.broadcast %jit3A_1206 : f32 to vector<128x1024xf32>
    %select_n3A_1208 = arith.select %eq3A_1205, %broadcast_in_dim3A_1207, %get3A_1188 : vector<128x1024xi1>, vector<128x1024xf32>
    %swap3A_1209 = arith.constant 0 : index
    %swap3A_1210 = arith.constant 0 : index
    %swap3A_1211 = vector.load %arg6[%swap3A_1209, %swap3A_1210] : memref<128x1024xf32, #tpu.memory_space<vmem>>, vector<128x1024xf32>
    tpu.vector_store %arg6[%swap3A_1209, %swap3A_1210], %select_n3A_1208 {strides = array<i32>} : memref<128x1024xf32, #tpu.memory_space<vmem>>, vector<128x1024xf32>,
    %get3A_1212 = arith.constant 0 : index
    %get3A_1213 = arith.constant 0 : index
    %get3A_1214 = vector.load %arg6[%get3A_1212, %get3A_1213] : memref<128x1024xf32, #tpu.memory_space<vmem>>, vector<128x1024xf32>
    %reduce_min3A_1215 = arith.constant dense<0x7F800000> : vector<128xf32>
    %reduce_min3A_1216 = vector.multi_reduction <minimumf>, %get3A_1214, %reduce_min3A_1215 [1] : vector<128x1024xf32> to vector<128xf32>
    %broadcast_in_dim3A_1217 = vector.shape_cast %reduce_min3A_1216 : vector<128xf32> to vector<128x1xf32>
    %eq3A_1218 = vector.broadcast %broadcast_in_dim3A_1217 : vector<128x1xf32> to vector<128x1024xf32>
    %eq3A_1219 = arith.cmpf oeq, %get3A_1214, %eq3A_1218 : vector<128x1024xf32>
    %jit3A_1220 = arith.constant 1.000000e+09 : f32
    %broadcast_in_dim3A_1221 = vector.broadcast %jit3A_1220 : f32 to vector<128x1024xf32>
    %select_n3A_1222 = arith.select %eq3A_1219, %convert_element_type3A_904, %broadcast_in_dim3A_1221 : vector<128x1024xi1>, vector<128x1024xf32>
    %reduce_min3A_1223 = arith.constant dense<0x7F800000> : vector<128xf32>
    %reduce_min3A_1224 = vector.multi_reduction <minimumf>, %select_n3A_1222, %reduce_min3A_1223 [1] : vector<128x1024xf32> to vector<128xf32>
    %broadcast_in_dim3A_1225 = vector.shape_cast %reduce_min3A_1224 : vector<128xf32> to vector<128x1xf32>
    %convert_element_type3A_1226 = arith.fptosi %broadcast_in_dim3A_1225 : vector<128x1xf32> to vector<128x1xi32>
    %swap3A_1227 = arith.constant 0 : index
    %swap3A_1228 = arith.constant 12 : index
    %swap3A_1229 = vector.load %arg5[%swap3A_1227, %swap3A_1228] : memref<128x25xi32, #tpu.memory_space<vmem>>, vector<128x1xi32>
    tpu.vector_store %arg5[%swap3A_1227, %swap3A_1228], %convert_element_type3A_1226 {strides = array<i32>} : memref<128x25xi32, #tpu.memory_space<vmem>>, vector<128x1xi32>,
    %eq3A_1230 = vector.broadcast %broadcast_in_dim3A_1225 : vector<128x1xf32> to vector<128x1024xf32>
    %eq3A_1231 = arith.cmpf oeq, %convert_element_type3A_904, %eq3A_1230 : vector<128x1024xf32>
    %jit3A_1232 = arith.constant 1.000000e+30 : f32
    %broadcast_in_dim3A_1233 = vector.broadcast %jit3A_1232 : f32 to vector<128x1024xf32>
    %select_n3A_1234 = arith.select %eq3A_1231, %broadcast_in_dim3A_1233, %get3A_1214 : vector<128x1024xi1>, vector<128x1024xf32>
    %swap3A_1235 = arith.constant 0 : index
    %swap3A_1236 = arith.constant 0 : index
    %swap3A_1237 = vector.load %arg6[%swap3A_1235, %swap3A_1236] : memref<128x1024xf32, #tpu.memory_space<vmem>>, vector<128x1024xf32>
    tpu.vector_store %arg6[%swap3A_1235, %swap3A_1236], %select_n3A_1234 {strides = array<i32>} : memref<128x1024xf32, #tpu.memory_space<vmem>>, vector<128x1024xf32>,
    %get3A_1238 = arith.constant 0 : index
    %get3A_1239 = arith.constant 0 : index
    %get3A_1240 = vector.load %arg6[%get3A_1238, %get3A_1239] : memref<128x1024xf32, #tpu.memory_space<vmem>>, vector<128x1024xf32>
    %reduce_min3A_1241 = arith.constant dense<0x7F800000> : vector<128xf32>
    %reduce_min3A_1242 = vector.multi_reduction <minimumf>, %get3A_1240, %reduce_min3A_1241 [1] : vector<128x1024xf32> to vector<128xf32>
    %broadcast_in_dim3A_1243 = vector.shape_cast %reduce_min3A_1242 : vector<128xf32> to vector<128x1xf32>
    %eq3A_1244 = vector.broadcast %broadcast_in_dim3A_1243 : vector<128x1xf32> to vector<128x1024xf32>
    %eq3A_1245 = arith.cmpf oeq, %get3A_1240, %eq3A_1244 : vector<128x1024xf32>
    %jit3A_1246 = arith.constant 1.000000e+09 : f32
    %broadcast_in_dim3A_1247 = vector.broadcast %jit3A_1246 : f32 to vector<128x1024xf32>
    %select_n3A_1248 = arith.select %eq3A_1245, %convert_element_type3A_904, %broadcast_in_dim3A_1247 : vector<128x1024xi1>, vector<128x1024xf32>
    %reduce_min3A_1249 = arith.constant dense<0x7F800000> : vector<128xf32>
    %reduce_min3A_1250 = vector.multi_reduction <minimumf>, %select_n3A_1248, %reduce_min3A_1249 [1] : vector<128x1024xf32> to vector<128xf32>
    %broadcast_in_dim3A_1251 = vector.shape_cast %reduce_min3A_1250 : vector<128xf32> to vector<128x1xf32>
    %convert_element_type3A_1252 = arith.fptosi %broadcast_in_dim3A_1251 : vector<128x1xf32> to vector<128x1xi32>
    %swap3A_1253 = arith.constant 0 : index
    %swap3A_1254 = arith.constant 13 : index
    %swap3A_1255 = vector.load %arg5[%swap3A_1253, %swap3A_1254] : memref<128x25xi32, #tpu.memory_space<vmem>>, vector<128x1xi32>
    tpu.vector_store %arg5[%swap3A_1253, %swap3A_1254], %convert_element_type3A_1252 {strides = array<i32>} : memref<128x25xi32, #tpu.memory_space<vmem>>, vector<128x1xi32>,
    %eq3A_1256 = vector.broadcast %broadcast_in_dim3A_1251 : vector<128x1xf32> to vector<128x1024xf32>
    %eq3A_1257 = arith.cmpf oeq, %convert_element_type3A_904, %eq3A_1256 : vector<128x1024xf32>
    %jit3A_1258 = arith.constant 1.000000e+30 : f32
    %broadcast_in_dim3A_1259 = vector.broadcast %jit3A_1258 : f32 to vector<128x1024xf32>
    %select_n3A_1260 = arith.select %eq3A_1257, %broadcast_in_dim3A_1259, %get3A_1240 : vector<128x1024xi1>, vector<128x1024xf32>
    %swap3A_1261 = arith.constant 0 : index
    %swap3A_1262 = arith.constant 0 : index
    %swap3A_1263 = vector.load %arg6[%swap3A_1261, %swap3A_1262] : memref<128x1024xf32, #tpu.memory_space<vmem>>, vector<128x1024xf32>
    tpu.vector_store %arg6[%swap3A_1261, %swap3A_1262], %select_n3A_1260 {strides = array<i32>} : memref<128x1024xf32, #tpu.memory_space<vmem>>, vector<128x1024xf32>,
    %get3A_1264 = arith.constant 0 : index
    %get3A_1265 = arith.constant 0 : index
    %get3A_1266 = vector.load %arg6[%get3A_1264, %get3A_1265] : memref<128x1024xf32, #tpu.memory_space<vmem>>, vector<128x1024xf32>
    %reduce_min3A_1267 = arith.constant dense<0x7F800000> : vector<128xf32>
    %reduce_min3A_1268 = vector.multi_reduction <minimumf>, %get3A_1266, %reduce_min3A_1267 [1] : vector<128x1024xf32> to vector<128xf32>
    %broadcast_in_dim3A_1269 = vector.shape_cast %reduce_min3A_1268 : vector<128xf32> to vector<128x1xf32>
    %eq3A_1270 = vector.broadcast %broadcast_in_dim3A_1269 : vector<128x1xf32> to vector<128x1024xf32>
    %eq3A_1271 = arith.cmpf oeq, %get3A_1266, %eq3A_1270 : vector<128x1024xf32>
    %jit3A_1272 = arith.constant 1.000000e+09 : f32
    %broadcast_in_dim3A_1273 = vector.broadcast %jit3A_1272 : f32 to vector<128x1024xf32>
    %select_n3A_1274 = arith.select %eq3A_1271, %convert_element_type3A_904, %broadcast_in_dim3A_1273 : vector<128x1024xi1>, vector<128x1024xf32>
    %reduce_min3A_1275 = arith.constant dense<0x7F800000> : vector<128xf32>
    %reduce_min3A_1276 = vector.multi_reduction <minimumf>, %select_n3A_1274, %reduce_min3A_1275 [1] : vector<128x1024xf32> to vector<128xf32>
    %broadcast_in_dim3A_1277 = vector.shape_cast %reduce_min3A_1276 : vector<128xf32> to vector<128x1xf32>
    %convert_element_type3A_1278 = arith.fptosi %broadcast_in_dim3A_1277 : vector<128x1xf32> to vector<128x1xi32>
    %swap3A_1279 = arith.constant 0 : index
    %swap3A_1280 = arith.constant 14 : index
    %swap3A_1281 = vector.load %arg5[%swap3A_1279, %swap3A_1280] : memref<128x25xi32, #tpu.memory_space<vmem>>, vector<128x1xi32>
    tpu.vector_store %arg5[%swap3A_1279, %swap3A_1280], %convert_element_type3A_1278 {strides = array<i32>} : memref<128x25xi32, #tpu.memory_space<vmem>>, vector<128x1xi32>,
    %eq3A_1282 = vector.broadcast %broadcast_in_dim3A_1277 : vector<128x1xf32> to vector<128x1024xf32>
    %eq3A_1283 = arith.cmpf oeq, %convert_element_type3A_904, %eq3A_1282 : vector<128x1024xf32>
    %jit3A_1284 = arith.constant 1.000000e+30 : f32
    %broadcast_in_dim3A_1285 = vector.broadcast %jit3A_1284 : f32 to vector<128x1024xf32>
    %select_n3A_1286 = arith.select %eq3A_1283, %broadcast_in_dim3A_1285, %get3A_1266 : vector<128x1024xi1>, vector<128x1024xf32>
    %swap3A_1287 = arith.constant 0 : index
    %swap3A_1288 = arith.constant 0 : index
    %swap3A_1289 = vector.load %arg6[%swap3A_1287, %swap3A_1288] : memref<128x1024xf32, #tpu.memory_space<vmem>>, vector<128x1024xf32>
    tpu.vector_store %arg6[%swap3A_1287, %swap3A_1288], %select_n3A_1286 {strides = array<i32>} : memref<128x1024xf32, #tpu.memory_space<vmem>>, vector<128x1024xf32>,
    %get3A_1290 = arith.constant 0 : index
    %get3A_1291 = arith.constant 0 : index
    %get3A_1292 = vector.load %arg6[%get3A_1290, %get3A_1291] : memref<128x1024xf32, #tpu.memory_space<vmem>>, vector<128x1024xf32>
    %reduce_min3A_1293 = arith.constant dense<0x7F800000> : vector<128xf32>
    %reduce_min3A_1294 = vector.multi_reduction <minimumf>, %get3A_1292, %reduce_min3A_1293 [1] : vector<128x1024xf32> to vector<128xf32>
    %broadcast_in_dim3A_1295 = vector.shape_cast %reduce_min3A_1294 : vector<128xf32> to vector<128x1xf32>
    %eq3A_1296 = vector.broadcast %broadcast_in_dim3A_1295 : vector<128x1xf32> to vector<128x1024xf32>
    %eq3A_1297 = arith.cmpf oeq, %get3A_1292, %eq3A_1296 : vector<128x1024xf32>
    %jit3A_1298 = arith.constant 1.000000e+09 : f32
    %broadcast_in_dim3A_1299 = vector.broadcast %jit3A_1298 : f32 to vector<128x1024xf32>
    %select_n3A_1300 = arith.select %eq3A_1297, %convert_element_type3A_904, %broadcast_in_dim3A_1299 : vector<128x1024xi1>, vector<128x1024xf32>
    %reduce_min3A_1301 = arith.constant dense<0x7F800000> : vector<128xf32>
    %reduce_min3A_1302 = vector.multi_reduction <minimumf>, %select_n3A_1300, %reduce_min3A_1301 [1] : vector<128x1024xf32> to vector<128xf32>
    %broadcast_in_dim3A_1303 = vector.shape_cast %reduce_min3A_1302 : vector<128xf32> to vector<128x1xf32>
    %convert_element_type3A_1304 = arith.fptosi %broadcast_in_dim3A_1303 : vector<128x1xf32> to vector<128x1xi32>
    %swap3A_1305 = arith.constant 0 : index
    %swap3A_1306 = arith.constant 15 : index
    %swap3A_1307 = vector.load %arg5[%swap3A_1305, %swap3A_1306] : memref<128x25xi32, #tpu.memory_space<vmem>>, vector<128x1xi32>
    tpu.vector_store %arg5[%swap3A_1305, %swap3A_1306], %convert_element_type3A_1304 {strides = array<i32>} : memref<128x25xi32, #tpu.memory_space<vmem>>, vector<128x1xi32>,
    %eq3A_1308 = vector.broadcast %broadcast_in_dim3A_1303 : vector<128x1xf32> to vector<128x1024xf32>
    %eq3A_1309 = arith.cmpf oeq, %convert_element_type3A_904, %eq3A_1308 : vector<128x1024xf32>
    %jit3A_1310 = arith.constant 1.000000e+30 : f32
    %broadcast_in_dim3A_1311 = vector.broadcast %jit3A_1310 : f32 to vector<128x1024xf32>
    %select_n3A_1312 = arith.select %eq3A_1309, %broadcast_in_dim3A_1311, %get3A_1292 : vector<128x1024xi1>, vector<128x1024xf32>
    %swap3A_1313 = arith.constant 0 : index
    %swap3A_1314 = arith.constant 0 : index
    %swap3A_1315 = vector.load %arg6[%swap3A_1313, %swap3A_1314] : memref<128x1024xf32, #tpu.memory_space<vmem>>, vector<128x1024xf32>
    tpu.vector_store %arg6[%swap3A_1313, %swap3A_1314], %select_n3A_1312 {strides = array<i32>} : memref<128x1024xf32, #tpu.memory_space<vmem>>, vector<128x1024xf32>,
    %get3A_1316 = arith.constant 0 : index
    %get3A_1317 = arith.constant 0 : index
    %get3A_1318 = vector.load %arg6[%get3A_1316, %get3A_1317] : memref<128x1024xf32, #tpu.memory_space<vmem>>, vector<128x1024xf32>
    %reduce_min3A_1319 = arith.constant dense<0x7F800000> : vector<128xf32>
    %reduce_min3A_1320 = vector.multi_reduction <minimumf>, %get3A_1318, %reduce_min3A_1319 [1] : vector<128x1024xf32> to vector<128xf32>
    %broadcast_in_dim3A_1321 = vector.shape_cast %reduce_min3A_1320 : vector<128xf32> to vector<128x1xf32>
    %eq3A_1322 = vector.broadcast %broadcast_in_dim3A_1321 : vector<128x1xf32> to vector<128x1024xf32>
    %eq3A_1323 = arith.cmpf oeq, %get3A_1318, %eq3A_1322 : vector<128x1024xf32>
    %jit3A_1324 = arith.constant 1.000000e+09 : f32
    %broadcast_in_dim3A_1325 = vector.broadcast %jit3A_1324 : f32 to vector<128x1024xf32>
    %select_n3A_1326 = arith.select %eq3A_1323, %convert_element_type3A_904, %broadcast_in_dim3A_1325 : vector<128x1024xi1>, vector<128x1024xf32>
    %reduce_min3A_1327 = arith.constant dense<0x7F800000> : vector<128xf32>
    %reduce_min3A_1328 = vector.multi_reduction <minimumf>, %select_n3A_1326, %reduce_min3A_1327 [1] : vector<128x1024xf32> to vector<128xf32>
    %broadcast_in_dim3A_1329 = vector.shape_cast %reduce_min3A_1328 : vector<128xf32> to vector<128x1xf32>
    %convert_element_type3A_1330 = arith.fptosi %broadcast_in_dim3A_1329 : vector<128x1xf32> to vector<128x1xi32>
    %swap3A_1331 = arith.constant 0 : index
    %swap3A_1332 = arith.constant 16 : index
    %swap3A_1333 = vector.load %arg5[%swap3A_1331, %swap3A_1332] : memref<128x25xi32, #tpu.memory_space<vmem>>, vector<128x1xi32>
    tpu.vector_store %arg5[%swap3A_1331, %swap3A_1332], %convert_element_type3A_1330 {strides = array<i32>} : memref<128x25xi32, #tpu.memory_space<vmem>>, vector<128x1xi32>,
    %eq3A_1334 = vector.broadcast %broadcast_in_dim3A_1329 : vector<128x1xf32> to vector<128x1024xf32>
    %eq3A_1335 = arith.cmpf oeq, %convert_element_type3A_904, %eq3A_1334 : vector<128x1024xf32>
    %jit3A_1336 = arith.constant 1.000000e+30 : f32
    %broadcast_in_dim3A_1337 = vector.broadcast %jit3A_1336 : f32 to vector<128x1024xf32>
    %select_n3A_1338 = arith.select %eq3A_1335, %broadcast_in_dim3A_1337, %get3A_1318 : vector<128x1024xi1>, vector<128x1024xf32>
    %swap3A_1339 = arith.constant 0 : index
    %swap3A_1340 = arith.constant 0 : index
    %swap3A_1341 = vector.load %arg6[%swap3A_1339, %swap3A_1340] : memref<128x1024xf32, #tpu.memory_space<vmem>>, vector<128x1024xf32>
    tpu.vector_store %arg6[%swap3A_1339, %swap3A_1340], %select_n3A_1338 {strides = array<i32>} : memref<128x1024xf32, #tpu.memory_space<vmem>>, vector<128x1024xf32>,
    %get3A_1342 = arith.constant 0 : index
    %get3A_1343 = arith.constant 0 : index
    %get3A_1344 = vector.load %arg6[%get3A_1342, %get3A_1343] : memref<128x1024xf32, #tpu.memory_space<vmem>>, vector<128x1024xf32>
    %reduce_min3A_1345 = arith.constant dense<0x7F800000> : vector<128xf32>
    %reduce_min3A_1346 = vector.multi_reduction <minimumf>, %get3A_1344, %reduce_min3A_1345 [1] : vector<128x1024xf32> to vector<128xf32>
    %broadcast_in_dim3A_1347 = vector.shape_cast %reduce_min3A_1346 : vector<128xf32> to vector<128x1xf32>
    %eq3A_1348 = vector.broadcast %broadcast_in_dim3A_1347 : vector<128x1xf32> to vector<128x1024xf32>
    %eq3A_1349 = arith.cmpf oeq, %get3A_1344, %eq3A_1348 : vector<128x1024xf32>
    %jit3A_1350 = arith.constant 1.000000e+09 : f32
    %broadcast_in_dim3A_1351 = vector.broadcast %jit3A_1350 : f32 to vector<128x1024xf32>
    %select_n3A_1352 = arith.select %eq3A_1349, %convert_element_type3A_904, %broadcast_in_dim3A_1351 : vector<128x1024xi1>, vector<128x1024xf32>
    %reduce_min3A_1353 = arith.constant dense<0x7F800000> : vector<128xf32>
    %reduce_min3A_1354 = vector.multi_reduction <minimumf>, %select_n3A_1352, %reduce_min3A_1353 [1] : vector<128x1024xf32> to vector<128xf32>
    %broadcast_in_dim3A_1355 = vector.shape_cast %reduce_min3A_1354 : vector<128xf32> to vector<128x1xf32>
    %convert_element_type3A_1356 = arith.fptosi %broadcast_in_dim3A_1355 : vector<128x1xf32> to vector<128x1xi32>
    %swap3A_1357 = arith.constant 0 : index
    %swap3A_1358 = arith.constant 17 : index
    %swap3A_1359 = vector.load %arg5[%swap3A_1357, %swap3A_1358] : memref<128x25xi32, #tpu.memory_space<vmem>>, vector<128x1xi32>
    tpu.vector_store %arg5[%swap3A_1357, %swap3A_1358], %convert_element_type3A_1356 {strides = array<i32>} : memref<128x25xi32, #tpu.memory_space<vmem>>, vector<128x1xi32>,
    %eq3A_1360 = vector.broadcast %broadcast_in_dim3A_1355 : vector<128x1xf32> to vector<128x1024xf32>
    %eq3A_1361 = arith.cmpf oeq, %convert_element_type3A_904, %eq3A_1360 : vector<128x1024xf32>
    %jit3A_1362 = arith.constant 1.000000e+30 : f32
    %broadcast_in_dim3A_1363 = vector.broadcast %jit3A_1362 : f32 to vector<128x1024xf32>
    %select_n3A_1364 = arith.select %eq3A_1361, %broadcast_in_dim3A_1363, %get3A_1344 : vector<128x1024xi1>, vector<128x1024xf32>
    %swap3A_1365 = arith.constant 0 : index
    %swap3A_1366 = arith.constant 0 : index
    %swap3A_1367 = vector.load %arg6[%swap3A_1365, %swap3A_1366] : memref<128x1024xf32, #tpu.memory_space<vmem>>, vector<128x1024xf32>
    tpu.vector_store %arg6[%swap3A_1365, %swap3A_1366], %select_n3A_1364 {strides = array<i32>} : memref<128x1024xf32, #tpu.memory_space<vmem>>, vector<128x1024xf32>,
    %get3A_1368 = arith.constant 0 : index
    %get3A_1369 = arith.constant 0 : index
    %get3A_1370 = vector.load %arg6[%get3A_1368, %get3A_1369] : memref<128x1024xf32, #tpu.memory_space<vmem>>, vector<128x1024xf32>
    %reduce_min3A_1371 = arith.constant dense<0x7F800000> : vector<128xf32>
    %reduce_min3A_1372 = vector.multi_reduction <minimumf>, %get3A_1370, %reduce_min3A_1371 [1] : vector<128x1024xf32> to vector<128xf32>
    %broadcast_in_dim3A_1373 = vector.shape_cast %reduce_min3A_1372 : vector<128xf32> to vector<128x1xf32>
    %eq3A_1374 = vector.broadcast %broadcast_in_dim3A_1373 : vector<128x1xf32> to vector<128x1024xf32>
    %eq3A_1375 = arith.cmpf oeq, %get3A_1370, %eq3A_1374 : vector<128x1024xf32>
    %jit3A_1376 = arith.constant 1.000000e+09 : f32
    %broadcast_in_dim3A_1377 = vector.broadcast %jit3A_1376 : f32 to vector<128x1024xf32>
    %select_n3A_1378 = arith.select %eq3A_1375, %convert_element_type3A_904, %broadcast_in_dim3A_1377 : vector<128x1024xi1>, vector<128x1024xf32>
    %reduce_min3A_1379 = arith.constant dense<0x7F800000> : vector<128xf32>
    %reduce_min3A_1380 = vector.multi_reduction <minimumf>, %select_n3A_1378, %reduce_min3A_1379 [1] : vector<128x1024xf32> to vector<128xf32>
    %broadcast_in_dim3A_1381 = vector.shape_cast %reduce_min3A_1380 : vector<128xf32> to vector<128x1xf32>
    %convert_element_type3A_1382 = arith.fptosi %broadcast_in_dim3A_1381 : vector<128x1xf32> to vector<128x1xi32>
    %swap3A_1383 = arith.constant 0 : index
    %swap3A_1384 = arith.constant 18 : index
    %swap3A_1385 = vector.load %arg5[%swap3A_1383, %swap3A_1384] : memref<128x25xi32, #tpu.memory_space<vmem>>, vector<128x1xi32>
    tpu.vector_store %arg5[%swap3A_1383, %swap3A_1384], %convert_element_type3A_1382 {strides = array<i32>} : memref<128x25xi32, #tpu.memory_space<vmem>>, vector<128x1xi32>,
    %eq3A_1386 = vector.broadcast %broadcast_in_dim3A_1381 : vector<128x1xf32> to vector<128x1024xf32>
    %eq3A_1387 = arith.cmpf oeq, %convert_element_type3A_904, %eq3A_1386 : vector<128x1024xf32>
    %jit3A_1388 = arith.constant 1.000000e+30 : f32
    %broadcast_in_dim3A_1389 = vector.broadcast %jit3A_1388 : f32 to vector<128x1024xf32>
    %select_n3A_1390 = arith.select %eq3A_1387, %broadcast_in_dim3A_1389, %get3A_1370 : vector<128x1024xi1>, vector<128x1024xf32>
    %swap3A_1391 = arith.constant 0 : index
    %swap3A_1392 = arith.constant 0 : index
    %swap3A_1393 = vector.load %arg6[%swap3A_1391, %swap3A_1392] : memref<128x1024xf32, #tpu.memory_space<vmem>>, vector<128x1024xf32>
    tpu.vector_store %arg6[%swap3A_1391, %swap3A_1392], %select_n3A_1390 {strides = array<i32>} : memref<128x1024xf32, #tpu.memory_space<vmem>>, vector<128x1024xf32>,
    %get3A_1394 = arith.constant 0 : index
    %get3A_1395 = arith.constant 0 : index
    %get3A_1396 = vector.load %arg6[%get3A_1394, %get3A_1395] : memref<128x1024xf32, #tpu.memory_space<vmem>>, vector<128x1024xf32>
    %reduce_min3A_1397 = arith.constant dense<0x7F800000> : vector<128xf32>
    %reduce_min3A_1398 = vector.multi_reduction <minimumf>, %get3A_1396, %reduce_min3A_1397 [1] : vector<128x1024xf32> to vector<128xf32>
    %broadcast_in_dim3A_1399 = vector.shape_cast %reduce_min3A_1398 : vector<128xf32> to vector<128x1xf32>
    %eq3A_1400 = vector.broadcast %broadcast_in_dim3A_1399 : vector<128x1xf32> to vector<128x1024xf32>
    %eq3A_1401 = arith.cmpf oeq, %get3A_1396, %eq3A_1400 : vector<128x1024xf32>
    %jit3A_1402 = arith.constant 1.000000e+09 : f32
    %broadcast_in_dim3A_1403 = vector.broadcast %jit3A_1402 : f32 to vector<128x1024xf32>
    %select_n3A_1404 = arith.select %eq3A_1401, %convert_element_type3A_904, %broadcast_in_dim3A_1403 : vector<128x1024xi1>, vector<128x1024xf32>
    %reduce_min3A_1405 = arith.constant dense<0x7F800000> : vector<128xf32>
    %reduce_min3A_1406 = vector.multi_reduction <minimumf>, %select_n3A_1404, %reduce_min3A_1405 [1] : vector<128x1024xf32> to vector<128xf32>
    %broadcast_in_dim3A_1407 = vector.shape_cast %reduce_min3A_1406 : vector<128xf32> to vector<128x1xf32>
    %convert_element_type3A_1408 = arith.fptosi %broadcast_in_dim3A_1407 : vector<128x1xf32> to vector<128x1xi32>
    %swap3A_1409 = arith.constant 0 : index
    %swap3A_1410 = arith.constant 19 : index
    %swap3A_1411 = vector.load %arg5[%swap3A_1409, %swap3A_1410] : memref<128x25xi32, #tpu.memory_space<vmem>>, vector<128x1xi32>
    tpu.vector_store %arg5[%swap3A_1409, %swap3A_1410], %convert_element_type3A_1408 {strides = array<i32>} : memref<128x25xi32, #tpu.memory_space<vmem>>, vector<128x1xi32>,
    %eq3A_1412 = vector.broadcast %broadcast_in_dim3A_1407 : vector<128x1xf32> to vector<128x1024xf32>
    %eq3A_1413 = arith.cmpf oeq, %convert_element_type3A_904, %eq3A_1412 : vector<128x1024xf32>
    %jit3A_1414 = arith.constant 1.000000e+30 : f32
    %broadcast_in_dim3A_1415 = vector.broadcast %jit3A_1414 : f32 to vector<128x1024xf32>
    %select_n3A_1416 = arith.select %eq3A_1413, %broadcast_in_dim3A_1415, %get3A_1396 : vector<128x1024xi1>, vector<128x1024xf32>
    %swap3A_1417 = arith.constant 0 : index
    %swap3A_1418 = arith.constant 0 : index
    %swap3A_1419 = vector.load %arg6[%swap3A_1417, %swap3A_1418] : memref<128x1024xf32, #tpu.memory_space<vmem>>, vector<128x1024xf32>
    tpu.vector_store %arg6[%swap3A_1417, %swap3A_1418], %select_n3A_1416 {strides = array<i32>} : memref<128x1024xf32, #tpu.memory_space<vmem>>, vector<128x1024xf32>,
    %get3A_1420 = arith.constant 0 : index
    %get3A_1421 = arith.constant 0 : index
    %get3A_1422 = vector.load %arg6[%get3A_1420, %get3A_1421] : memref<128x1024xf32, #tpu.memory_space<vmem>>, vector<128x1024xf32>
    %reduce_min3A_1423 = arith.constant dense<0x7F800000> : vector<128xf32>
    %reduce_min3A_1424 = vector.multi_reduction <minimumf>, %get3A_1422, %reduce_min3A_1423 [1] : vector<128x1024xf32> to vector<128xf32>
    %broadcast_in_dim3A_1425 = vector.shape_cast %reduce_min3A_1424 : vector<128xf32> to vector<128x1xf32>
    %eq3A_1426 = vector.broadcast %broadcast_in_dim3A_1425 : vector<128x1xf32> to vector<128x1024xf32>
    %eq3A_1427 = arith.cmpf oeq, %get3A_1422, %eq3A_1426 : vector<128x1024xf32>
    %jit3A_1428 = arith.constant 1.000000e+09 : f32
    %broadcast_in_dim3A_1429 = vector.broadcast %jit3A_1428 : f32 to vector<128x1024xf32>
    %select_n3A_1430 = arith.select %eq3A_1427, %convert_element_type3A_904, %broadcast_in_dim3A_1429 : vector<128x1024xi1>, vector<128x1024xf32>
    %reduce_min3A_1431 = arith.constant dense<0x7F800000> : vector<128xf32>
    %reduce_min3A_1432 = vector.multi_reduction <minimumf>, %select_n3A_1430, %reduce_min3A_1431 [1] : vector<128x1024xf32> to vector<128xf32>
    %broadcast_in_dim3A_1433 = vector.shape_cast %reduce_min3A_1432 : vector<128xf32> to vector<128x1xf32>
    %convert_element_type3A_1434 = arith.fptosi %broadcast_in_dim3A_1433 : vector<128x1xf32> to vector<128x1xi32>
    %swap3A_1435 = arith.constant 0 : index
    %swap3A_1436 = arith.constant 20 : index
    %swap3A_1437 = vector.load %arg5[%swap3A_1435, %swap3A_1436] : memref<128x25xi32, #tpu.memory_space<vmem>>, vector<128x1xi32>
    tpu.vector_store %arg5[%swap3A_1435, %swap3A_1436], %convert_element_type3A_1434 {strides = array<i32>} : memref<128x25xi32, #tpu.memory_space<vmem>>, vector<128x1xi32>,
    %eq3A_1438 = vector.broadcast %broadcast_in_dim3A_1433 : vector<128x1xf32> to vector<128x1024xf32>
    %eq3A_1439 = arith.cmpf oeq, %convert_element_type3A_904, %eq3A_1438 : vector<128x1024xf32>
    %jit3A_1440 = arith.constant 1.000000e+30 : f32
    %broadcast_in_dim3A_1441 = vector.broadcast %jit3A_1440 : f32 to vector<128x1024xf32>
    %select_n3A_1442 = arith.select %eq3A_1439, %broadcast_in_dim3A_1441, %get3A_1422 : vector<128x1024xi1>, vector<128x1024xf32>
    %swap3A_1443 = arith.constant 0 : index
    %swap3A_1444 = arith.constant 0 : index
    %swap3A_1445 = vector.load %arg6[%swap3A_1443, %swap3A_1444] : memref<128x1024xf32, #tpu.memory_space<vmem>>, vector<128x1024xf32>
    tpu.vector_store %arg6[%swap3A_1443, %swap3A_1444], %select_n3A_1442 {strides = array<i32>} : memref<128x1024xf32, #tpu.memory_space<vmem>>, vector<128x1024xf32>,
    %get3A_1446 = arith.constant 0 : index
    %get3A_1447 = arith.constant 0 : index
    %get3A_1448 = vector.load %arg6[%get3A_1446, %get3A_1447] : memref<128x1024xf32, #tpu.memory_space<vmem>>, vector<128x1024xf32>
    %reduce_min3A_1449 = arith.constant dense<0x7F800000> : vector<128xf32>
    %reduce_min3A_1450 = vector.multi_reduction <minimumf>, %get3A_1448, %reduce_min3A_1449 [1] : vector<128x1024xf32> to vector<128xf32>
    %broadcast_in_dim3A_1451 = vector.shape_cast %reduce_min3A_1450 : vector<128xf32> to vector<128x1xf32>
    %eq3A_1452 = vector.broadcast %broadcast_in_dim3A_1451 : vector<128x1xf32> to vector<128x1024xf32>
    %eq3A_1453 = arith.cmpf oeq, %get3A_1448, %eq3A_1452 : vector<128x1024xf32>
    %jit3A_1454 = arith.constant 1.000000e+09 : f32
    %broadcast_in_dim3A_1455 = vector.broadcast %jit3A_1454 : f32 to vector<128x1024xf32>
    %select_n3A_1456 = arith.select %eq3A_1453, %convert_element_type3A_904, %broadcast_in_dim3A_1455 : vector<128x1024xi1>, vector<128x1024xf32>
    %reduce_min3A_1457 = arith.constant dense<0x7F800000> : vector<128xf32>
    %reduce_min3A_1458 = vector.multi_reduction <minimumf>, %select_n3A_1456, %reduce_min3A_1457 [1] : vector<128x1024xf32> to vector<128xf32>
    %broadcast_in_dim3A_1459 = vector.shape_cast %reduce_min3A_1458 : vector<128xf32> to vector<128x1xf32>
    %convert_element_type3A_1460 = arith.fptosi %broadcast_in_dim3A_1459 : vector<128x1xf32> to vector<128x1xi32>
    %swap3A_1461 = arith.constant 0 : index
    %swap3A_1462 = arith.constant 21 : index
    %swap3A_1463 = vector.load %arg5[%swap3A_1461, %swap3A_1462] : memref<128x25xi32, #tpu.memory_space<vmem>>, vector<128x1xi32>
    tpu.vector_store %arg5[%swap3A_1461, %swap3A_1462], %convert_element_type3A_1460 {strides = array<i32>} : memref<128x25xi32, #tpu.memory_space<vmem>>, vector<128x1xi32>,
    %eq3A_1464 = vector.broadcast %broadcast_in_dim3A_1459 : vector<128x1xf32> to vector<128x1024xf32>
    %eq3A_1465 = arith.cmpf oeq, %convert_element_type3A_904, %eq3A_1464 : vector<128x1024xf32>
    %jit3A_1466 = arith.constant 1.000000e+30 : f32
    %broadcast_in_dim3A_1467 = vector.broadcast %jit3A_1466 : f32 to vector<128x1024xf32>
    %select_n3A_1468 = arith.select %eq3A_1465, %broadcast_in_dim3A_1467, %get3A_1448 : vector<128x1024xi1>, vector<128x1024xf32>
    %swap3A_1469 = arith.constant 0 : index
    %swap3A_1470 = arith.constant 0 : index
    %swap3A_1471 = vector.load %arg6[%swap3A_1469, %swap3A_1470] : memref<128x1024xf32, #tpu.memory_space<vmem>>, vector<128x1024xf32>
    tpu.vector_store %arg6[%swap3A_1469, %swap3A_1470], %select_n3A_1468 {strides = array<i32>} : memref<128x1024xf32, #tpu.memory_space<vmem>>, vector<128x1024xf32>,
    %get3A_1472 = arith.constant 0 : index
    %get3A_1473 = arith.constant 0 : index
    %get3A_1474 = vector.load %arg6[%get3A_1472, %get3A_1473] : memref<128x1024xf32, #tpu.memory_space<vmem>>, vector<128x1024xf32>
    %reduce_min3A_1475 = arith.constant dense<0x7F800000> : vector<128xf32>
    %reduce_min3A_1476 = vector.multi_reduction <minimumf>, %get3A_1474, %reduce_min3A_1475 [1] : vector<128x1024xf32> to vector<128xf32>
    %broadcast_in_dim3A_1477 = vector.shape_cast %reduce_min3A_1476 : vector<128xf32> to vector<128x1xf32>
    %eq3A_1478 = vector.broadcast %broadcast_in_dim3A_1477 : vector<128x1xf32> to vector<128x1024xf32>
    %eq3A_1479 = arith.cmpf oeq, %get3A_1474, %eq3A_1478 : vector<128x1024xf32>
    %jit3A_1480 = arith.constant 1.000000e+09 : f32
    %broadcast_in_dim3A_1481 = vector.broadcast %jit3A_1480 : f32 to vector<128x1024xf32>
    %select_n3A_1482 = arith.select %eq3A_1479, %convert_element_type3A_904, %broadcast_in_dim3A_1481 : vector<128x1024xi1>, vector<128x1024xf32>
    %reduce_min3A_1483 = arith.constant dense<0x7F800000> : vector<128xf32>
    %reduce_min3A_1484 = vector.multi_reduction <minimumf>, %select_n3A_1482, %reduce_min3A_1483 [1] : vector<128x1024xf32> to vector<128xf32>
    %broadcast_in_dim3A_1485 = vector.shape_cast %reduce_min3A_1484 : vector<128xf32> to vector<128x1xf32>
    %convert_element_type3A_1486 = arith.fptosi %broadcast_in_dim3A_1485 : vector<128x1xf32> to vector<128x1xi32>
    %swap3A_1487 = arith.constant 0 : index
    %swap3A_1488 = arith.constant 22 : index
    %swap3A_1489 = vector.load %arg5[%swap3A_1487, %swap3A_1488] : memref<128x25xi32, #tpu.memory_space<vmem>>, vector<128x1xi32>
    tpu.vector_store %arg5[%swap3A_1487, %swap3A_1488], %convert_element_type3A_1486 {strides = array<i32>} : memref<128x25xi32, #tpu.memory_space<vmem>>, vector<128x1xi32>,
    %eq3A_1490 = vector.broadcast %broadcast_in_dim3A_1485 : vector<128x1xf32> to vector<128x1024xf32>
    %eq3A_1491 = arith.cmpf oeq, %convert_element_type3A_904, %eq3A_1490 : vector<128x1024xf32>
    %jit3A_1492 = arith.constant 1.000000e+30 : f32
    %broadcast_in_dim3A_1493 = vector.broadcast %jit3A_1492 : f32 to vector<128x1024xf32>
    %select_n3A_1494 = arith.select %eq3A_1491, %broadcast_in_dim3A_1493, %get3A_1474 : vector<128x1024xi1>, vector<128x1024xf32>
    %swap3A_1495 = arith.constant 0 : index
    %swap3A_1496 = arith.constant 0 : index
    %swap3A_1497 = vector.load %arg6[%swap3A_1495, %swap3A_1496] : memref<128x1024xf32, #tpu.memory_space<vmem>>, vector<128x1024xf32>
    tpu.vector_store %arg6[%swap3A_1495, %swap3A_1496], %select_n3A_1494 {strides = array<i32>} : memref<128x1024xf32, #tpu.memory_space<vmem>>, vector<128x1024xf32>,
    %get3A_1498 = arith.constant 0 : index
    %get3A_1499 = arith.constant 0 : index
    %get3A_1500 = vector.load %arg6[%get3A_1498, %get3A_1499] : memref<128x1024xf32, #tpu.memory_space<vmem>>, vector<128x1024xf32>
    %reduce_min3A_1501 = arith.constant dense<0x7F800000> : vector<128xf32>
    %reduce_min3A_1502 = vector.multi_reduction <minimumf>, %get3A_1500, %reduce_min3A_1501 [1] : vector<128x1024xf32> to vector<128xf32>
    %broadcast_in_dim3A_1503 = vector.shape_cast %reduce_min3A_1502 : vector<128xf32> to vector<128x1xf32>
    %eq3A_1504 = vector.broadcast %broadcast_in_dim3A_1503 : vector<128x1xf32> to vector<128x1024xf32>
    %eq3A_1505 = arith.cmpf oeq, %get3A_1500, %eq3A_1504 : vector<128x1024xf32>
    %jit3A_1506 = arith.constant 1.000000e+09 : f32
    %broadcast_in_dim3A_1507 = vector.broadcast %jit3A_1506 : f32 to vector<128x1024xf32>
    %select_n3A_1508 = arith.select %eq3A_1505, %convert_element_type3A_904, %broadcast_in_dim3A_1507 : vector<128x1024xi1>, vector<128x1024xf32>
    %reduce_min3A_1509 = arith.constant dense<0x7F800000> : vector<128xf32>
    %reduce_min3A_1510 = vector.multi_reduction <minimumf>, %select_n3A_1508, %reduce_min3A_1509 [1] : vector<128x1024xf32> to vector<128xf32>
    %broadcast_in_dim3A_1511 = vector.shape_cast %reduce_min3A_1510 : vector<128xf32> to vector<128x1xf32>
    %convert_element_type3A_1512 = arith.fptosi %broadcast_in_dim3A_1511 : vector<128x1xf32> to vector<128x1xi32>
    %swap3A_1513 = arith.constant 0 : index
    %swap3A_1514 = arith.constant 23 : index
    %swap3A_1515 = vector.load %arg5[%swap3A_1513, %swap3A_1514] : memref<128x25xi32, #tpu.memory_space<vmem>>, vector<128x1xi32>
    tpu.vector_store %arg5[%swap3A_1513, %swap3A_1514], %convert_element_type3A_1512 {strides = array<i32>} : memref<128x25xi32, #tpu.memory_space<vmem>>, vector<128x1xi32>,
    %eq3A_1516 = vector.broadcast %broadcast_in_dim3A_1511 : vector<128x1xf32> to vector<128x1024xf32>
    %eq3A_1517 = arith.cmpf oeq, %convert_element_type3A_904, %eq3A_1516 : vector<128x1024xf32>
    %jit3A_1518 = arith.constant 1.000000e+30 : f32
    %broadcast_in_dim3A_1519 = vector.broadcast %jit3A_1518 : f32 to vector<128x1024xf32>
    %select_n3A_1520 = arith.select %eq3A_1517, %broadcast_in_dim3A_1519, %get3A_1500 : vector<128x1024xi1>, vector<128x1024xf32>
    %swap3A_1521 = arith.constant 0 : index
    %swap3A_1522 = arith.constant 0 : index
    %swap3A_1523 = vector.load %arg6[%swap3A_1521, %swap3A_1522] : memref<128x1024xf32, #tpu.memory_space<vmem>>, vector<128x1024xf32>
    tpu.vector_store %arg6[%swap3A_1521, %swap3A_1522], %select_n3A_1520 {strides = array<i32>} : memref<128x1024xf32, #tpu.memory_space<vmem>>, vector<128x1024xf32>,
    %get3A_1524 = arith.constant 0 : index
    %get3A_1525 = arith.constant 0 : index
    %get3A_1526 = vector.load %arg6[%get3A_1524, %get3A_1525] : memref<128x1024xf32, #tpu.memory_space<vmem>>, vector<128x1024xf32>
    %reduce_min3A_1527 = arith.constant dense<0x7F800000> : vector<128xf32>
    %reduce_min3A_1528 = vector.multi_reduction <minimumf>, %get3A_1526, %reduce_min3A_1527 [1] : vector<128x1024xf32> to vector<128xf32>
    %broadcast_in_dim3A_1529 = vector.shape_cast %reduce_min3A_1528 : vector<128xf32> to vector<128x1xf32>
    %eq3A_1530 = vector.broadcast %broadcast_in_dim3A_1529 : vector<128x1xf32> to vector<128x1024xf32>
    %eq3A_1531 = arith.cmpf oeq, %get3A_1526, %eq3A_1530 : vector<128x1024xf32>
    %jit3A_1532 = arith.constant 1.000000e+09 : f32
    %broadcast_in_dim3A_1533 = vector.broadcast %jit3A_1532 : f32 to vector<128x1024xf32>
    %select_n3A_1534 = arith.select %eq3A_1531, %convert_element_type3A_904, %broadcast_in_dim3A_1533 : vector<128x1024xi1>, vector<128x1024xf32>
    %reduce_min3A_1535 = arith.constant dense<0x7F800000> : vector<128xf32>
    %reduce_min3A_1536 = vector.multi_reduction <minimumf>, %select_n3A_1534, %reduce_min3A_1535 [1] : vector<128x1024xf32> to vector<128xf32>
    %broadcast_in_dim3A_1537 = vector.shape_cast %reduce_min3A_1536 : vector<128xf32> to vector<128x1xf32>
    %convert_element_type3A_1538 = arith.fptosi %broadcast_in_dim3A_1537 : vector<128x1xf32> to vector<128x1xi32>
    %swap3A_1539 = arith.constant 0 : index
    %swap3A_1540 = arith.constant 24 : index
    %swap3A_1541 = vector.load %arg5[%swap3A_1539, %swap3A_1540] : memref<128x25xi32, #tpu.memory_space<vmem>>, vector<128x1xi32>
    tpu.vector_store %arg5[%swap3A_1539, %swap3A_1540], %convert_element_type3A_1538 {strides = array<i32>} : memref<128x25xi32, #tpu.memory_space<vmem>>, vector<128x1xi32>,
    %eq3A_1542 = vector.broadcast %broadcast_in_dim3A_1537 : vector<128x1xf32> to vector<128x1024xf32>
    %eq3A_1543 = arith.cmpf oeq, %convert_element_type3A_904, %eq3A_1542 : vector<128x1024xf32>
    %jit3A_1544 = arith.constant 1.000000e+30 : f32
    %broadcast_in_dim3A_1545 = vector.broadcast %jit3A_1544 : f32 to vector<128x1024xf32>
    %select_n3A_1546 = arith.select %eq3A_1543, %broadcast_in_dim3A_1545, %get3A_1526 : vector<128x1024xi1>, vector<128x1024xf32>
    %swap3A_1547 = arith.constant 0 : index
    %swap3A_1548 = arith.constant 0 : index
    %swap3A_1549 = vector.load %arg6[%swap3A_1547, %swap3A_1548] : memref<128x1024xf32, #tpu.memory_space<vmem>>, vector<128x1024xf32>
    tpu.vector_store %arg6[%swap3A_1547, %swap3A_1548], %select_n3A_1546 {strides = array<i32>} : memref<128x1024xf32, #tpu.memory_space<vmem>>, vector<128x1024xf32>,
    return
  }
  func.func @transform_0(%arg0: i32) -> (i32, i32) {
    %c0_i32 = arith.constant 0 : i32
    %c0_i32_0 = arith.constant 0 : i32
    return %arg0, %c0_i32 : i32, i32
  }
  func.func @transform_1(%arg0: i32) -> (i32, i32) {
    %c0_i32 = arith.constant 0 : i32
    %c0_i32_0 = arith.constant 0 : i32
    return %arg0, %c0_i32 : i32, i32
  }
  func.func @transform_2(%arg0: i32) -> (i32, i32) {
    %c0_i32 = arith.constant 0 : i32
    %c0_i32_0 = arith.constant 0 : i32
    %c0_i32_1 = arith.constant 0 : i32
    return %c0_i32, %c0_i32_0 : i32, i32
  }
  func.func @transform_3(%arg0: i32) -> (i32, i32) {
    %c0_i32 = arith.constant 0 : i32
    %c0_i32_0 = arith.constant 0 : i32
    %c0_i32_1 = arith.constant 0 : i32
    return %c0_i32, %c0_i32_0 : i32, i32
  }
  func.func @transform_4(%arg0: i32) -> (i32, i32) {
    %c0_i32 = arith.constant 0 : i32
    %c0_i32_0 = arith.constant 0 : i32
    return %arg0, %c0_i32 : i32, i32
  }
}

module attributes {stable_mosaic.version = 14 : i64} {
  func.func @_deint_body(%arg0: i32, %arg1: memref<2048x128xf32, #tpu.memory_space<vmem>>, %arg2: memref<2048x32xf32, #tpu.memory_space<vmem>>, %arg3: memref<2048x32xf32, #tpu.memory_space<vmem>>, %arg4: memref<2048x32xf32, #tpu.memory_space<vmem>>, %arg5: memref<2048x32xf32, #tpu.memory_space<vmem>>) attributes {dimension_semantics = [#tpu.dimension_semantics<arbitrary>], iteration_bounds = array<i64: 25>, scalar_prefetch = 0 : i64, scratch_operands = 0 : i64, tpu.core_type = #tpu.core_type<tc>, window_params = [{transform_indices = @transform_0, window_bounds = array<i64: 2048, 128>}, {transform_indices = @transform_1, window_bounds = array<i64: 2048, 32>}, {transform_indices = @transform_2, window_bounds = array<i64: 2048, 32>}, {transform_indices = @transform_3, window_bounds = array<i64: 2048, 32>}, {transform_indices = @transform_4, window_bounds = array<i64: 2048, 32>}]} {
    %get3A = arith.constant 0 : index
    %get3A_0 = arith.constant 0 : index
    %get3A_1 = vector.load %arg1[%get3A, %get3A_0] : memref<2048x128xf32, #tpu.memory_space<vmem>>, vector<2048x128xf32>
    %slice3A = vector.extract_strided_slice %get3A_1 {offsets = [0, 0], sizes = [2048, 32], strides = [1, 1]} : vector<2048x128xf32> to vector<2048x32xf32>
    %swap3A = arith.constant 0 : index
    %swap3A_2 = arith.constant 0 : index
    %swap3A_3 = vector.load %arg2[%swap3A, %swap3A_2] : memref<2048x32xf32, #tpu.memory_space<vmem>>, vector<2048x32xf32>
    tpu.vector_store %arg2[%swap3A, %swap3A_2], %slice3A {strides = array<i32>} : memref<2048x32xf32, #tpu.memory_space<vmem>>, vector<2048x32xf32>,
    %slice3A_4 = vector.extract_strided_slice %get3A_1 {offsets = [0, 32], sizes = [2048, 32], strides = [1, 1]} : vector<2048x128xf32> to vector<2048x32xf32>
    %swap3A_5 = arith.constant 0 : index
    %swap3A_6 = arith.constant 0 : index
    %swap3A_7 = vector.load %arg3[%swap3A_5, %swap3A_6] : memref<2048x32xf32, #tpu.memory_space<vmem>>, vector<2048x32xf32>
    tpu.vector_store %arg3[%swap3A_5, %swap3A_6], %slice3A_4 {strides = array<i32>} : memref<2048x32xf32, #tpu.memory_space<vmem>>, vector<2048x32xf32>,
    %slice3A_8 = vector.extract_strided_slice %get3A_1 {offsets = [0, 64], sizes = [2048, 32], strides = [1, 1]} : vector<2048x128xf32> to vector<2048x32xf32>
    %swap3A_9 = arith.constant 0 : index
    %swap3A_10 = arith.constant 0 : index
    %swap3A_11 = vector.load %arg4[%swap3A_9, %swap3A_10] : memref<2048x32xf32, #tpu.memory_space<vmem>>, vector<2048x32xf32>
    tpu.vector_store %arg4[%swap3A_9, %swap3A_10], %slice3A_8 {strides = array<i32>} : memref<2048x32xf32, #tpu.memory_space<vmem>>, vector<2048x32xf32>,
    %slice3A_12 = vector.extract_strided_slice %get3A_1 {offsets = [0, 96], sizes = [2048, 32], strides = [1, 1]} : vector<2048x128xf32> to vector<2048x32xf32>
    %swap3A_13 = arith.constant 0 : index
    %swap3A_14 = arith.constant 0 : index
    %swap3A_15 = vector.load %arg5[%swap3A_13, %swap3A_14] : memref<2048x32xf32, #tpu.memory_space<vmem>>, vector<2048x32xf32>
    tpu.vector_store %arg5[%swap3A_13, %swap3A_14], %slice3A_12 {strides = array<i32>} : memref<2048x32xf32, #tpu.memory_space<vmem>>, vector<2048x32xf32>,
    return
  }
  func.func @transform_0(%arg0: i32) -> (i32, i32) {
    %c0_i32 = arith.constant 0 : i32
    %c0_i32_0 = arith.constant 0 : i32
    return %arg0, %c0_i32 : i32, i32
  }
  func.func @transform_1(%arg0: i32) -> (i32, i32) {
    %c0_i32 = arith.constant 0 : i32
    %c0_i32_0 = arith.constant 0 : i32
    return %arg0, %c0_i32 : i32, i32
  }
  func.func @transform_2(%arg0: i32) -> (i32, i32) {
    %c0_i32 = arith.constant 0 : i32
    %c0_i32_0 = arith.constant 0 : i32
    return %arg0, %c0_i32 : i32, i32
  }
  func.func @transform_3(%arg0: i32) -> (i32, i32) {
    %c0_i32 = arith.constant 0 : i32
    %c0_i32_0 = arith.constant 0 : i32
    return %arg0, %c0_i32 : i32, i32
  }
  func.func @transform_4(%arg0: i32) -> (i32, i32) {
    %c0_i32 = arith.constant 0 : i32
    %c0_i32_0 = arith.constant 0 : i32
    return %arg0, %c0_i32 : i32, i32
  }
}

module attributes {stable_mosaic.version = 14 : i64} {
  func.func @_combine_body(%arg0: i32, %arg1: memref<128x1xf32, #tpu.memory_space<vmem>>, %arg2: memref<128x1xf32, #tpu.memory_space<vmem>>, %arg3: memref<128x800xf32, #tpu.memory_space<vmem>>, %arg4: memref<128x800xf32, #tpu.memory_space<vmem>>, %arg5: memref<128x800xf32, #tpu.memory_space<vmem>>, %arg6: memref<128x800xf32, #tpu.memory_space<vmem>>, %arg7: memref<128x1xf32, #tpu.memory_space<vmem>>) attributes {dimension_semantics = [#tpu.dimension_semantics<arbitrary>], iteration_bounds = array<i64: 16>, scalar_prefetch = 0 : i64, scratch_operands = 0 : i64, tpu.core_type = #tpu.core_type<tc>, window_params = [{transform_indices = @transform_0, window_bounds = array<i64: 128, 1>}, {transform_indices = @transform_1, window_bounds = array<i64: 128, 1>}, {transform_indices = @transform_2, window_bounds = array<i64: 128, 800>}, {transform_indices = @transform_3, window_bounds = array<i64: 128, 800>}, {transform_indices = @transform_4, window_bounds = array<i64: 128, 800>}, {transform_indices = @transform_5, window_bounds = array<i64: 128, 800>}, {transform_indices = @transform_6, window_bounds = array<i64: 128, 1>}]} {
    %get3A = arith.constant 0 : index
    %get3A_0 = arith.constant 0 : index
    %get3A_1 = vector.load %arg1[%get3A, %get3A_0] : memref<128x1xf32, #tpu.memory_space<vmem>>, vector<128x1xf32>
    %get3A_2 = arith.constant 0 : index
    %get3A_3 = arith.constant 0 : index
    %get3A_4 = vector.load %arg2[%get3A_2, %get3A_3] : memref<128x1xf32, #tpu.memory_space<vmem>>, vector<128x1xf32>
    %get3A_5 = arith.constant 0 : index
    %get3A_6 = arith.constant 0 : index
    %get3A_7 = vector.load %arg3[%get3A_5, %get3A_6] : memref<128x800xf32, #tpu.memory_space<vmem>>, vector<128x800xf32>
    %get3A_8 = arith.constant 0 : index
    %get3A_9 = arith.constant 0 : index
    %get3A_10 = vector.load %arg4[%get3A_8, %get3A_9] : memref<128x800xf32, #tpu.memory_space<vmem>>, vector<128x800xf32>
    %mul3A = arith.mulf %get3A_1, %get3A_1 : vector<128x1xf32>
    %mul3A_11 = arith.mulf %get3A_4, %get3A_4 : vector<128x1xf32>
    %add3A = arith.addf %mul3A, %mul3A_11 : vector<128x1xf32>
    %convert_element_type3A = arith.truncf %get3A_1 : vector<128x1xf32> to vector<128x1xbf16>
    %convert_element_type3A_12 = arith.extf %convert_element_type3A : vector<128x1xbf16> to vector<128x1xf32>
    %convert_element_type3A_13 = arith.truncf %get3A_7 : vector<128x800xf32> to vector<128x800xbf16>
    %convert_element_type3A_14 = arith.extf %convert_element_type3A_13 : vector<128x800xbf16> to vector<128x800xf32>
    %mul3A_15 = vector.broadcast %convert_element_type3A_12 : vector<128x1xf32> to vector<128x800xf32>
    %mul3A_16 = arith.mulf %mul3A_15, %convert_element_type3A_14 : vector<128x800xf32>
    %convert_element_type3A_17 = arith.truncf %get3A_4 : vector<128x1xf32> to vector<128x1xbf16>
    %convert_element_type3A_18 = arith.extf %convert_element_type3A_17 : vector<128x1xbf16> to vector<128x1xf32>
    %convert_element_type3A_19 = arith.truncf %get3A_10 : vector<128x800xf32> to vector<128x800xbf16>
    %convert_element_type3A_20 = arith.extf %convert_element_type3A_19 : vector<128x800xbf16> to vector<128x800xf32>
    %mul3A_21 = vector.broadcast %convert_element_type3A_18 : vector<128x1xf32> to vector<128x800xf32>
    %mul3A_22 = arith.mulf %mul3A_21, %convert_element_type3A_20 : vector<128x800xf32>
    %add3A_23 = arith.addf %mul3A_16, %mul3A_22 : vector<128x800xf32>
    %mul3A_24 = arith.constant 2.000000e+00 : f32
    %mul3A_25 = vector.broadcast %mul3A_24 : f32 to vector<128x800xf32>
    %mul3A_26 = arith.mulf %mul3A_25, %add3A_23 : vector<128x800xf32>
    %sub3A = vector.broadcast %add3A : vector<128x1xf32> to vector<128x800xf32>
    %sub3A_27 = arith.subf %sub3A, %mul3A_26 : vector<128x800xf32>
    %mul3A_28 = arith.mulf %get3A_7, %get3A_7 : vector<128x800xf32>
    %mul3A_29 = arith.mulf %get3A_10, %get3A_10 : vector<128x800xf32>
    %add3A_30 = arith.addf %mul3A_28, %mul3A_29 : vector<128x800xf32>
    %add3A_31 = arith.addf %sub3A_27, %add3A_30 : vector<128x800xf32>
    %iota3A = tpu.iota {dimensions = array<i32: 1>} : vector<128x800xi32>
    %convert_element_type3A_32 = arith.sitofp %iota3A : vector<128x800xi32> to vector<128x800xf32>
    %broadcast_in_dim3A = arith.constant false
    %broadcast_in_dim3A_33 = vector.broadcast %broadcast_in_dim3A : i1 to vector<128x800xi1>
    %reduce_min3A = arith.constant dense<0x7F800000> : vector<128xf32>
    %reduce_min3A_34 = vector.multi_reduction <minimumf>, %add3A_31, %reduce_min3A [1] : vector<128x800xf32> to vector<128xf32>
    %broadcast_in_dim3A_35 = vector.shape_cast %reduce_min3A_34 : vector<128xf32> to vector<128x1xf32>
    %eq3A = vector.broadcast %broadcast_in_dim3A_35 : vector<128x1xf32> to vector<128x800xf32>
    %eq3A_36 = arith.cmpf oeq, %add3A_31, %eq3A : vector<128x800xf32>
    %jit3A = arith.constant 1.000000e+09 : f32
    %broadcast_in_dim3A_37 = vector.broadcast %jit3A : f32 to vector<128x800xf32>
    %select_n3A = arith.select %eq3A_36, %convert_element_type3A_32, %broadcast_in_dim3A_37 : vector<128x800xi1>, vector<128x800xf32>
    %reduce_min3A_38 = arith.constant dense<0x7F800000> : vector<128xf32>
    %reduce_min3A_39 = vector.multi_reduction <minimumf>, %select_n3A, %reduce_min3A_38 [1] : vector<128x800xf32> to vector<128xf32>
    %broadcast_in_dim3A_40 = vector.shape_cast %reduce_min3A_39 : vector<128xf32> to vector<128x1xf32>
    %eq3A_41 = vector.broadcast %broadcast_in_dim3A_40 : vector<128x1xf32> to vector<128x800xf32>
    %eq3A_42 = arith.cmpf oeq, %convert_element_type3A_32, %eq3A_41 : vector<128x800xf32>
    %and3A = arith.andi %eq3A_36, %eq3A_42 : vector<128x800xi1>
    %or3A = arith.ori %broadcast_in_dim3A_33, %and3A : vector<128x800xi1>
    %jit3A_43 = arith.constant 1.000000e+30 : f32
    %broadcast_in_dim3A_44 = vector.broadcast %jit3A_43 : f32 to vector<128x800xf32>
    %select_n3A_45 = arith.select %and3A, %broadcast_in_dim3A_44, %add3A_31 : vector<128x800xi1>, vector<128x800xf32>
    %reduce_min3A_46 = arith.constant dense<0x7F800000> : vector<128xf32>
    %reduce_min3A_47 = vector.multi_reduction <minimumf>, %select_n3A_45, %reduce_min3A_46 [1] : vector<128x800xf32> to vector<128xf32>
    %broadcast_in_dim3A_48 = vector.shape_cast %reduce_min3A_47 : vector<128xf32> to vector<128x1xf32>
    %eq3A_49 = vector.broadcast %broadcast_in_dim3A_48 : vector<128x1xf32> to vector<128x800xf32>
    %eq3A_50 = arith.cmpf oeq, %select_n3A_45, %eq3A_49 : vector<128x800xf32>
    %jit3A_51 = arith.constant 1.000000e+09 : f32
    %broadcast_in_dim3A_52 = vector.broadcast %jit3A_51 : f32 to vector<128x800xf32>
    %select_n3A_53 = arith.select %eq3A_50, %convert_element_type3A_32, %broadcast_in_dim3A_52 : vector<128x800xi1>, vector<128x800xf32>
    %reduce_min3A_54 = arith.constant dense<0x7F800000> : vector<128xf32>
    %reduce_min3A_55 = vector.multi_reduction <minimumf>, %select_n3A_53, %reduce_min3A_54 [1] : vector<128x800xf32> to vector<128xf32>
    %broadcast_in_dim3A_56 = vector.shape_cast %reduce_min3A_55 : vector<128xf32> to vector<128x1xf32>
    %eq3A_57 = vector.broadcast %broadcast_in_dim3A_56 : vector<128x1xf32> to vector<128x800xf32>
    %eq3A_58 = arith.cmpf oeq, %convert_element_type3A_32, %eq3A_57 : vector<128x800xf32>
    %and3A_59 = arith.andi %eq3A_50, %eq3A_58 : vector<128x800xi1>
    %or3A_60 = arith.ori %or3A, %and3A_59 : vector<128x800xi1>
    %jit3A_61 = arith.constant 1.000000e+30 : f32
    %broadcast_in_dim3A_62 = vector.broadcast %jit3A_61 : f32 to vector<128x800xf32>
    %select_n3A_63 = arith.select %and3A_59, %broadcast_in_dim3A_62, %select_n3A_45 : vector<128x800xi1>, vector<128x800xf32>
    %reduce_min3A_64 = arith.constant dense<0x7F800000> : vector<128xf32>
    %reduce_min3A_65 = vector.multi_reduction <minimumf>, %select_n3A_63, %reduce_min3A_64 [1] : vector<128x800xf32> to vector<128xf32>
    %broadcast_in_dim3A_66 = vector.shape_cast %reduce_min3A_65 : vector<128xf32> to vector<128x1xf32>
    %eq3A_67 = vector.broadcast %broadcast_in_dim3A_66 : vector<128x1xf32> to vector<128x800xf32>
    %eq3A_68 = arith.cmpf oeq, %select_n3A_63, %eq3A_67 : vector<128x800xf32>
    %jit3A_69 = arith.constant 1.000000e+09 : f32
    %broadcast_in_dim3A_70 = vector.broadcast %jit3A_69 : f32 to vector<128x800xf32>
    %select_n3A_71 = arith.select %eq3A_68, %convert_element_type3A_32, %broadcast_in_dim3A_70 : vector<128x800xi1>, vector<128x800xf32>
    %reduce_min3A_72 = arith.constant dense<0x7F800000> : vector<128xf32>
    %reduce_min3A_73 = vector.multi_reduction <minimumf>, %select_n3A_71, %reduce_min3A_72 [1] : vector<128x800xf32> to vector<128xf32>
    %broadcast_in_dim3A_74 = vector.shape_cast %reduce_min3A_73 : vector<128xf32> to vector<128x1xf32>
    %eq3A_75 = vector.broadcast %broadcast_in_dim3A_74 : vector<128x1xf32> to vector<128x800xf32>
    %eq3A_76 = arith.cmpf oeq, %convert_element_type3A_32, %eq3A_75 : vector<128x800xf32>
    %and3A_77 = arith.andi %eq3A_68, %eq3A_76 : vector<128x800xi1>
    %or3A_78 = arith.ori %or3A_60, %and3A_77 : vector<128x800xi1>
    %jit3A_79 = arith.constant 1.000000e+30 : f32
    %broadcast_in_dim3A_80 = vector.broadcast %jit3A_79 : f32 to vector<128x800xf32>
    %select_n3A_81 = arith.select %and3A_77, %broadcast_in_dim3A_80, %select_n3A_63 : vector<128x800xi1>, vector<128x800xf32>
    %reduce_min3A_82 = arith.constant dense<0x7F800000> : vector<128xf32>
    %reduce_min3A_83 = vector.multi_reduction <minimumf>, %select_n3A_81, %reduce_min3A_82 [1] : vector<128x800xf32> to vector<128xf32>
    %broadcast_in_dim3A_84 = vector.shape_cast %reduce_min3A_83 : vector<128xf32> to vector<128x1xf32>
    %eq3A_85 = vector.broadcast %broadcast_in_dim3A_84 : vector<128x1xf32> to vector<128x800xf32>
    %eq3A_86 = arith.cmpf oeq, %select_n3A_81, %eq3A_85 : vector<128x800xf32>
    %jit3A_87 = arith.constant 1.000000e+09 : f32
    %broadcast_in_dim3A_88 = vector.broadcast %jit3A_87 : f32 to vector<128x800xf32>
    %select_n3A_89 = arith.select %eq3A_86, %convert_element_type3A_32, %broadcast_in_dim3A_88 : vector<128x800xi1>, vector<128x800xf32>
    %reduce_min3A_90 = arith.constant dense<0x7F800000> : vector<128xf32>
    %reduce_min3A_91 = vector.multi_reduction <minimumf>, %select_n3A_89, %reduce_min3A_90 [1] : vector<128x800xf32> to vector<128xf32>
    %broadcast_in_dim3A_92 = vector.shape_cast %reduce_min3A_91 : vector<128xf32> to vector<128x1xf32>
    %eq3A_93 = vector.broadcast %broadcast_in_dim3A_92 : vector<128x1xf32> to vector<128x800xf32>
    %eq3A_94 = arith.cmpf oeq, %convert_element_type3A_32, %eq3A_93 : vector<128x800xf32>
    %and3A_95 = arith.andi %eq3A_86, %eq3A_94 : vector<128x800xi1>
    %or3A_96 = arith.ori %or3A_78, %and3A_95 : vector<128x800xi1>
    %jit3A_97 = arith.constant 1.000000e+30 : f32
    %broadcast_in_dim3A_98 = vector.broadcast %jit3A_97 : f32 to vector<128x800xf32>
    %select_n3A_99 = arith.select %and3A_95, %broadcast_in_dim3A_98, %select_n3A_81 : vector<128x800xi1>, vector<128x800xf32>
    %reduce_min3A_100 = arith.constant dense<0x7F800000> : vector<128xf32>
    %reduce_min3A_101 = vector.multi_reduction <minimumf>, %select_n3A_99, %reduce_min3A_100 [1] : vector<128x800xf32> to vector<128xf32>
    %broadcast_in_dim3A_102 = vector.shape_cast %reduce_min3A_101 : vector<128xf32> to vector<128x1xf32>
    %eq3A_103 = vector.broadcast %broadcast_in_dim3A_102 : vector<128x1xf32> to vector<128x800xf32>
    %eq3A_104 = arith.cmpf oeq, %select_n3A_99, %eq3A_103 : vector<128x800xf32>
    %jit3A_105 = arith.constant 1.000000e+09 : f32
    %broadcast_in_dim3A_106 = vector.broadcast %jit3A_105 : f32 to vector<128x800xf32>
    %select_n3A_107 = arith.select %eq3A_104, %convert_element_type3A_32, %broadcast_in_dim3A_106 : vector<128x800xi1>, vector<128x800xf32>
    %reduce_min3A_108 = arith.constant dense<0x7F800000> : vector<128xf32>
    %reduce_min3A_109 = vector.multi_reduction <minimumf>, %select_n3A_107, %reduce_min3A_108 [1] : vector<128x800xf32> to vector<128xf32>
    %broadcast_in_dim3A_110 = vector.shape_cast %reduce_min3A_109 : vector<128xf32> to vector<128x1xf32>
    %eq3A_111 = vector.broadcast %broadcast_in_dim3A_110 : vector<128x1xf32> to vector<128x800xf32>
    %eq3A_112 = arith.cmpf oeq, %convert_element_type3A_32, %eq3A_111 : vector<128x800xf32>
    %and3A_113 = arith.andi %eq3A_104, %eq3A_112 : vector<128x800xi1>
    %or3A_114 = arith.ori %or3A_96, %and3A_113 : vector<128x800xi1>
    %jit3A_115 = arith.constant 1.000000e+30 : f32
    %broadcast_in_dim3A_116 = vector.broadcast %jit3A_115 : f32 to vector<128x800xf32>
    %select_n3A_117 = arith.select %and3A_113, %broadcast_in_dim3A_116, %select_n3A_99 : vector<128x800xi1>, vector<128x800xf32>
    %reduce_min3A_118 = arith.constant dense<0x7F800000> : vector<128xf32>
    %reduce_min3A_119 = vector.multi_reduction <minimumf>, %select_n3A_117, %reduce_min3A_118 [1] : vector<128x800xf32> to vector<128xf32>
    %broadcast_in_dim3A_120 = vector.shape_cast %reduce_min3A_119 : vector<128xf32> to vector<128x1xf32>
    %eq3A_121 = vector.broadcast %broadcast_in_dim3A_120 : vector<128x1xf32> to vector<128x800xf32>
    %eq3A_122 = arith.cmpf oeq, %select_n3A_117, %eq3A_121 : vector<128x800xf32>
    %jit3A_123 = arith.constant 1.000000e+09 : f32
    %broadcast_in_dim3A_124 = vector.broadcast %jit3A_123 : f32 to vector<128x800xf32>
    %select_n3A_125 = arith.select %eq3A_122, %convert_element_type3A_32, %broadcast_in_dim3A_124 : vector<128x800xi1>, vector<128x800xf32>
    %reduce_min3A_126 = arith.constant dense<0x7F800000> : vector<128xf32>
    %reduce_min3A_127 = vector.multi_reduction <minimumf>, %select_n3A_125, %reduce_min3A_126 [1] : vector<128x800xf32> to vector<128xf32>
    %broadcast_in_dim3A_128 = vector.shape_cast %reduce_min3A_127 : vector<128xf32> to vector<128x1xf32>
    %eq3A_129 = vector.broadcast %broadcast_in_dim3A_128 : vector<128x1xf32> to vector<128x800xf32>
    %eq3A_130 = arith.cmpf oeq, %convert_element_type3A_32, %eq3A_129 : vector<128x800xf32>
    %and3A_131 = arith.andi %eq3A_122, %eq3A_130 : vector<128x800xi1>
    %or3A_132 = arith.ori %or3A_114, %and3A_131 : vector<128x800xi1>
    %jit3A_133 = arith.constant 1.000000e+30 : f32
    %broadcast_in_dim3A_134 = vector.broadcast %jit3A_133 : f32 to vector<128x800xf32>
    %select_n3A_135 = arith.select %and3A_131, %broadcast_in_dim3A_134, %select_n3A_117 : vector<128x800xi1>, vector<128x800xf32>
    %reduce_min3A_136 = arith.constant dense<0x7F800000> : vector<128xf32>
    %reduce_min3A_137 = vector.multi_reduction <minimumf>, %select_n3A_135, %reduce_min3A_136 [1] : vector<128x800xf32> to vector<128xf32>
    %broadcast_in_dim3A_138 = vector.shape_cast %reduce_min3A_137 : vector<128xf32> to vector<128x1xf32>
    %eq3A_139 = vector.broadcast %broadcast_in_dim3A_138 : vector<128x1xf32> to vector<128x800xf32>
    %eq3A_140 = arith.cmpf oeq, %select_n3A_135, %eq3A_139 : vector<128x800xf32>
    %jit3A_141 = arith.constant 1.000000e+09 : f32
    %broadcast_in_dim3A_142 = vector.broadcast %jit3A_141 : f32 to vector<128x800xf32>
    %select_n3A_143 = arith.select %eq3A_140, %convert_element_type3A_32, %broadcast_in_dim3A_142 : vector<128x800xi1>, vector<128x800xf32>
    %reduce_min3A_144 = arith.constant dense<0x7F800000> : vector<128xf32>
    %reduce_min3A_145 = vector.multi_reduction <minimumf>, %select_n3A_143, %reduce_min3A_144 [1] : vector<128x800xf32> to vector<128xf32>
    %broadcast_in_dim3A_146 = vector.shape_cast %reduce_min3A_145 : vector<128xf32> to vector<128x1xf32>
    %eq3A_147 = vector.broadcast %broadcast_in_dim3A_146 : vector<128x1xf32> to vector<128x800xf32>
    %eq3A_148 = arith.cmpf oeq, %convert_element_type3A_32, %eq3A_147 : vector<128x800xf32>
    %and3A_149 = arith.andi %eq3A_140, %eq3A_148 : vector<128x800xi1>
    %or3A_150 = arith.ori %or3A_132, %and3A_149 : vector<128x800xi1>
    %jit3A_151 = arith.constant 1.000000e+30 : f32
    %broadcast_in_dim3A_152 = vector.broadcast %jit3A_151 : f32 to vector<128x800xf32>
    %select_n3A_153 = arith.select %and3A_149, %broadcast_in_dim3A_152, %select_n3A_135 : vector<128x800xi1>, vector<128x800xf32>
    %reduce_min3A_154 = arith.constant dense<0x7F800000> : vector<128xf32>
    %reduce_min3A_155 = vector.multi_reduction <minimumf>, %select_n3A_153, %reduce_min3A_154 [1] : vector<128x800xf32> to vector<128xf32>
    %broadcast_in_dim3A_156 = vector.shape_cast %reduce_min3A_155 : vector<128xf32> to vector<128x1xf32>
    %eq3A_157 = vector.broadcast %broadcast_in_dim3A_156 : vector<128x1xf32> to vector<128x800xf32>
    %eq3A_158 = arith.cmpf oeq, %select_n3A_153, %eq3A_157 : vector<128x800xf32>
    %jit3A_159 = arith.constant 1.000000e+09 : f32
    %broadcast_in_dim3A_160 = vector.broadcast %jit3A_159 : f32 to vector<128x800xf32>
    %select_n3A_161 = arith.select %eq3A_158, %convert_element_type3A_32, %broadcast_in_dim3A_160 : vector<128x800xi1>, vector<128x800xf32>
    %reduce_min3A_162 = arith.constant dense<0x7F800000> : vector<128xf32>
    %reduce_min3A_163 = vector.multi_reduction <minimumf>, %select_n3A_161, %reduce_min3A_162 [1] : vector<128x800xf32> to vector<128xf32>
    %broadcast_in_dim3A_164 = vector.shape_cast %reduce_min3A_163 : vector<128xf32> to vector<128x1xf32>
    %eq3A_165 = vector.broadcast %broadcast_in_dim3A_164 : vector<128x1xf32> to vector<128x800xf32>
    %eq3A_166 = arith.cmpf oeq, %convert_element_type3A_32, %eq3A_165 : vector<128x800xf32>
    %and3A_167 = arith.andi %eq3A_158, %eq3A_166 : vector<128x800xi1>
    %or3A_168 = arith.ori %or3A_150, %and3A_167 : vector<128x800xi1>
    %jit3A_169 = arith.constant 1.000000e+30 : f32
    %broadcast_in_dim3A_170 = vector.broadcast %jit3A_169 : f32 to vector<128x800xf32>
    %select_n3A_171 = arith.select %and3A_167, %broadcast_in_dim3A_170, %select_n3A_153 : vector<128x800xi1>, vector<128x800xf32>
    %reduce_min3A_172 = arith.constant dense<0x7F800000> : vector<128xf32>
    %reduce_min3A_173 = vector.multi_reduction <minimumf>, %select_n3A_171, %reduce_min3A_172 [1] : vector<128x800xf32> to vector<128xf32>
    %broadcast_in_dim3A_174 = vector.shape_cast %reduce_min3A_173 : vector<128xf32> to vector<128x1xf32>
    %eq3A_175 = vector.broadcast %broadcast_in_dim3A_174 : vector<128x1xf32> to vector<128x800xf32>
    %eq3A_176 = arith.cmpf oeq, %select_n3A_171, %eq3A_175 : vector<128x800xf32>
    %jit3A_177 = arith.constant 1.000000e+09 : f32
    %broadcast_in_dim3A_178 = vector.broadcast %jit3A_177 : f32 to vector<128x800xf32>
    %select_n3A_179 = arith.select %eq3A_176, %convert_element_type3A_32, %broadcast_in_dim3A_178 : vector<128x800xi1>, vector<128x800xf32>
    %reduce_min3A_180 = arith.constant dense<0x7F800000> : vector<128xf32>
    %reduce_min3A_181 = vector.multi_reduction <minimumf>, %select_n3A_179, %reduce_min3A_180 [1] : vector<128x800xf32> to vector<128xf32>
    %broadcast_in_dim3A_182 = vector.shape_cast %reduce_min3A_181 : vector<128xf32> to vector<128x1xf32>
    %eq3A_183 = vector.broadcast %broadcast_in_dim3A_182 : vector<128x1xf32> to vector<128x800xf32>
    %eq3A_184 = arith.cmpf oeq, %convert_element_type3A_32, %eq3A_183 : vector<128x800xf32>
    %and3A_185 = arith.andi %eq3A_176, %eq3A_184 : vector<128x800xi1>
    %or3A_186 = arith.ori %or3A_168, %and3A_185 : vector<128x800xi1>
    %jit3A_187 = arith.constant 1.000000e+30 : f32
    %broadcast_in_dim3A_188 = vector.broadcast %jit3A_187 : f32 to vector<128x800xf32>
    %select_n3A_189 = arith.select %and3A_185, %broadcast_in_dim3A_188, %select_n3A_171 : vector<128x800xi1>, vector<128x800xf32>
    %reduce_min3A_190 = arith.constant dense<0x7F800000> : vector<128xf32>
    %reduce_min3A_191 = vector.multi_reduction <minimumf>, %select_n3A_189, %reduce_min3A_190 [1] : vector<128x800xf32> to vector<128xf32>
    %broadcast_in_dim3A_192 = vector.shape_cast %reduce_min3A_191 : vector<128xf32> to vector<128x1xf32>
    %eq3A_193 = vector.broadcast %broadcast_in_dim3A_192 : vector<128x1xf32> to vector<128x800xf32>
    %eq3A_194 = arith.cmpf oeq, %select_n3A_189, %eq3A_193 : vector<128x800xf32>
    %jit3A_195 = arith.constant 1.000000e+09 : f32
    %broadcast_in_dim3A_196 = vector.broadcast %jit3A_195 : f32 to vector<128x800xf32>
    %select_n3A_197 = arith.select %eq3A_194, %convert_element_type3A_32, %broadcast_in_dim3A_196 : vector<128x800xi1>, vector<128x800xf32>
    %reduce_min3A_198 = arith.constant dense<0x7F800000> : vector<128xf32>
    %reduce_min3A_199 = vector.multi_reduction <minimumf>, %select_n3A_197, %reduce_min3A_198 [1] : vector<128x800xf32> to vector<128xf32>
    %broadcast_in_dim3A_200 = vector.shape_cast %reduce_min3A_199 : vector<128xf32> to vector<128x1xf32>
    %eq3A_201 = vector.broadcast %broadcast_in_dim3A_200 : vector<128x1xf32> to vector<128x800xf32>
    %eq3A_202 = arith.cmpf oeq, %convert_element_type3A_32, %eq3A_201 : vector<128x800xf32>
    %and3A_203 = arith.andi %eq3A_194, %eq3A_202 : vector<128x800xi1>
    %or3A_204 = arith.ori %or3A_186, %and3A_203 : vector<128x800xi1>
    %jit3A_205 = arith.constant 1.000000e+30 : f32
    %broadcast_in_dim3A_206 = vector.broadcast %jit3A_205 : f32 to vector<128x800xf32>
    %select_n3A_207 = arith.select %and3A_203, %broadcast_in_dim3A_206, %select_n3A_189 : vector<128x800xi1>, vector<128x800xf32>
    %reduce_min3A_208 = arith.constant dense<0x7F800000> : vector<128xf32>
    %reduce_min3A_209 = vector.multi_reduction <minimumf>, %select_n3A_207, %reduce_min3A_208 [1] : vector<128x800xf32> to vector<128xf32>
    %broadcast_in_dim3A_210 = vector.shape_cast %reduce_min3A_209 : vector<128xf32> to vector<128x1xf32>
    %eq3A_211 = vector.broadcast %broadcast_in_dim3A_210 : vector<128x1xf32> to vector<128x800xf32>
    %eq3A_212 = arith.cmpf oeq, %select_n3A_207, %eq3A_211 : vector<128x800xf32>
    %jit3A_213 = arith.constant 1.000000e+09 : f32
    %broadcast_in_dim3A_214 = vector.broadcast %jit3A_213 : f32 to vector<128x800xf32>
    %select_n3A_215 = arith.select %eq3A_212, %convert_element_type3A_32, %broadcast_in_dim3A_214 : vector<128x800xi1>, vector<128x800xf32>
    %reduce_min3A_216 = arith.constant dense<0x7F800000> : vector<128xf32>
    %reduce_min3A_217 = vector.multi_reduction <minimumf>, %select_n3A_215, %reduce_min3A_216 [1] : vector<128x800xf32> to vector<128xf32>
    %broadcast_in_dim3A_218 = vector.shape_cast %reduce_min3A_217 : vector<128xf32> to vector<128x1xf32>
    %eq3A_219 = vector.broadcast %broadcast_in_dim3A_218 : vector<128x1xf32> to vector<128x800xf32>
    %eq3A_220 = arith.cmpf oeq, %convert_element_type3A_32, %eq3A_219 : vector<128x800xf32>
    %and3A_221 = arith.andi %eq3A_212, %eq3A_220 : vector<128x800xi1>
    %or3A_222 = arith.ori %or3A_204, %and3A_221 : vector<128x800xi1>
    %jit3A_223 = arith.constant 1.000000e+30 : f32
    %broadcast_in_dim3A_224 = vector.broadcast %jit3A_223 : f32 to vector<128x800xf32>
    %select_n3A_225 = arith.select %and3A_221, %broadcast_in_dim3A_224, %select_n3A_207 : vector<128x800xi1>, vector<128x800xf32>
    %reduce_min3A_226 = arith.constant dense<0x7F800000> : vector<128xf32>
    %reduce_min3A_227 = vector.multi_reduction <minimumf>, %select_n3A_225, %reduce_min3A_226 [1] : vector<128x800xf32> to vector<128xf32>
    %broadcast_in_dim3A_228 = vector.shape_cast %reduce_min3A_227 : vector<128xf32> to vector<128x1xf32>
    %eq3A_229 = vector.broadcast %broadcast_in_dim3A_228 : vector<128x1xf32> to vector<128x800xf32>
    %eq3A_230 = arith.cmpf oeq, %select_n3A_225, %eq3A_229 : vector<128x800xf32>
    %jit3A_231 = arith.constant 1.000000e+09 : f32
    %broadcast_in_dim3A_232 = vector.broadcast %jit3A_231 : f32 to vector<128x800xf32>
    %select_n3A_233 = arith.select %eq3A_230, %convert_element_type3A_32, %broadcast_in_dim3A_232 : vector<128x800xi1>, vector<128x800xf32>
    %reduce_min3A_234 = arith.constant dense<0x7F800000> : vector<128xf32>
    %reduce_min3A_235 = vector.multi_reduction <minimumf>, %select_n3A_233, %reduce_min3A_234 [1] : vector<128x800xf32> to vector<128xf32>
    %broadcast_in_dim3A_236 = vector.shape_cast %reduce_min3A_235 : vector<128xf32> to vector<128x1xf32>
    %eq3A_237 = vector.broadcast %broadcast_in_dim3A_236 : vector<128x1xf32> to vector<128x800xf32>
    %eq3A_238 = arith.cmpf oeq, %convert_element_type3A_32, %eq3A_237 : vector<128x800xf32>
    %and3A_239 = arith.andi %eq3A_230, %eq3A_238 : vector<128x800xi1>
    %or3A_240 = arith.ori %or3A_222, %and3A_239 : vector<128x800xi1>
    %jit3A_241 = arith.constant 1.000000e+30 : f32
    %broadcast_in_dim3A_242 = vector.broadcast %jit3A_241 : f32 to vector<128x800xf32>
    %select_n3A_243 = arith.select %and3A_239, %broadcast_in_dim3A_242, %select_n3A_225 : vector<128x800xi1>, vector<128x800xf32>
    %reduce_min3A_244 = arith.constant dense<0x7F800000> : vector<128xf32>
    %reduce_min3A_245 = vector.multi_reduction <minimumf>, %select_n3A_243, %reduce_min3A_244 [1] : vector<128x800xf32> to vector<128xf32>
    %broadcast_in_dim3A_246 = vector.shape_cast %reduce_min3A_245 : vector<128xf32> to vector<128x1xf32>
    %eq3A_247 = vector.broadcast %broadcast_in_dim3A_246 : vector<128x1xf32> to vector<128x800xf32>
    %eq3A_248 = arith.cmpf oeq, %select_n3A_243, %eq3A_247 : vector<128x800xf32>
    %jit3A_249 = arith.constant 1.000000e+09 : f32
    %broadcast_in_dim3A_250 = vector.broadcast %jit3A_249 : f32 to vector<128x800xf32>
    %select_n3A_251 = arith.select %eq3A_248, %convert_element_type3A_32, %broadcast_in_dim3A_250 : vector<128x800xi1>, vector<128x800xf32>
    %reduce_min3A_252 = arith.constant dense<0x7F800000> : vector<128xf32>
    %reduce_min3A_253 = vector.multi_reduction <minimumf>, %select_n3A_251, %reduce_min3A_252 [1] : vector<128x800xf32> to vector<128xf32>
    %broadcast_in_dim3A_254 = vector.shape_cast %reduce_min3A_253 : vector<128xf32> to vector<128x1xf32>
    %eq3A_255 = vector.broadcast %broadcast_in_dim3A_254 : vector<128x1xf32> to vector<128x800xf32>
    %eq3A_256 = arith.cmpf oeq, %convert_element_type3A_32, %eq3A_255 : vector<128x800xf32>
    %and3A_257 = arith.andi %eq3A_248, %eq3A_256 : vector<128x800xi1>
    %or3A_258 = arith.ori %or3A_240, %and3A_257 : vector<128x800xi1>
    %jit3A_259 = arith.constant 1.000000e+30 : f32
    %broadcast_in_dim3A_260 = vector.broadcast %jit3A_259 : f32 to vector<128x800xf32>
    %select_n3A_261 = arith.select %and3A_257, %broadcast_in_dim3A_260, %select_n3A_243 : vector<128x800xi1>, vector<128x800xf32>
    %reduce_min3A_262 = arith.constant dense<0x7F800000> : vector<128xf32>
    %reduce_min3A_263 = vector.multi_reduction <minimumf>, %select_n3A_261, %reduce_min3A_262 [1] : vector<128x800xf32> to vector<128xf32>
    %broadcast_in_dim3A_264 = vector.shape_cast %reduce_min3A_263 : vector<128xf32> to vector<128x1xf32>
    %eq3A_265 = vector.broadcast %broadcast_in_dim3A_264 : vector<128x1xf32> to vector<128x800xf32>
    %eq3A_266 = arith.cmpf oeq, %select_n3A_261, %eq3A_265 : vector<128x800xf32>
    %jit3A_267 = arith.constant 1.000000e+09 : f32
    %broadcast_in_dim3A_268 = vector.broadcast %jit3A_267 : f32 to vector<128x800xf32>
    %select_n3A_269 = arith.select %eq3A_266, %convert_element_type3A_32, %broadcast_in_dim3A_268 : vector<128x800xi1>, vector<128x800xf32>
    %reduce_min3A_270 = arith.constant dense<0x7F800000> : vector<128xf32>
    %reduce_min3A_271 = vector.multi_reduction <minimumf>, %select_n3A_269, %reduce_min3A_270 [1] : vector<128x800xf32> to vector<128xf32>
    %broadcast_in_dim3A_272 = vector.shape_cast %reduce_min3A_271 : vector<128xf32> to vector<128x1xf32>
    %eq3A_273 = vector.broadcast %broadcast_in_dim3A_272 : vector<128x1xf32> to vector<128x800xf32>
    %eq3A_274 = arith.cmpf oeq, %convert_element_type3A_32, %eq3A_273 : vector<128x800xf32>
    %and3A_275 = arith.andi %eq3A_266, %eq3A_274 : vector<128x800xi1>
    %or3A_276 = arith.ori %or3A_258, %and3A_275 : vector<128x800xi1>
    %jit3A_277 = arith.constant 1.000000e+30 : f32
    %broadcast_in_dim3A_278 = vector.broadcast %jit3A_277 : f32 to vector<128x800xf32>
    %select_n3A_279 = arith.select %and3A_275, %broadcast_in_dim3A_278, %select_n3A_261 : vector<128x800xi1>, vector<128x800xf32>
    %reduce_min3A_280 = arith.constant dense<0x7F800000> : vector<128xf32>
    %reduce_min3A_281 = vector.multi_reduction <minimumf>, %select_n3A_279, %reduce_min3A_280 [1] : vector<128x800xf32> to vector<128xf32>
    %broadcast_in_dim3A_282 = vector.shape_cast %reduce_min3A_281 : vector<128xf32> to vector<128x1xf32>
    %eq3A_283 = vector.broadcast %broadcast_in_dim3A_282 : vector<128x1xf32> to vector<128x800xf32>
    %eq3A_284 = arith.cmpf oeq, %select_n3A_279, %eq3A_283 : vector<128x800xf32>
    %jit3A_285 = arith.constant 1.000000e+09 : f32
    %broadcast_in_dim3A_286 = vector.broadcast %jit3A_285 : f32 to vector<128x800xf32>
    %select_n3A_287 = arith.select %eq3A_284, %convert_element_type3A_32, %broadcast_in_dim3A_286 : vector<128x800xi1>, vector<128x800xf32>
    %reduce_min3A_288 = arith.constant dense<0x7F800000> : vector<128xf32>
    %reduce_min3A_289 = vector.multi_reduction <minimumf>, %select_n3A_287, %reduce_min3A_288 [1] : vector<128x800xf32> to vector<128xf32>
    %broadcast_in_dim3A_290 = vector.shape_cast %reduce_min3A_289 : vector<128xf32> to vector<128x1xf32>
    %eq3A_291 = vector.broadcast %broadcast_in_dim3A_290 : vector<128x1xf32> to vector<128x800xf32>
    %eq3A_292 = arith.cmpf oeq, %convert_element_type3A_32, %eq3A_291 : vector<128x800xf32>
    %and3A_293 = arith.andi %eq3A_284, %eq3A_292 : vector<128x800xi1>
    %or3A_294 = arith.ori %or3A_276, %and3A_293 : vector<128x800xi1>
    %jit3A_295 = arith.constant 1.000000e+30 : f32
    %broadcast_in_dim3A_296 = vector.broadcast %jit3A_295 : f32 to vector<128x800xf32>
    %select_n3A_297 = arith.select %and3A_293, %broadcast_in_dim3A_296, %select_n3A_279 : vector<128x800xi1>, vector<128x800xf32>
    %reduce_min3A_298 = arith.constant dense<0x7F800000> : vector<128xf32>
    %reduce_min3A_299 = vector.multi_reduction <minimumf>, %select_n3A_297, %reduce_min3A_298 [1] : vector<128x800xf32> to vector<128xf32>
    %broadcast_in_dim3A_300 = vector.shape_cast %reduce_min3A_299 : vector<128xf32> to vector<128x1xf32>
    %eq3A_301 = vector.broadcast %broadcast_in_dim3A_300 : vector<128x1xf32> to vector<128x800xf32>
    %eq3A_302 = arith.cmpf oeq, %select_n3A_297, %eq3A_301 : vector<128x800xf32>
    %jit3A_303 = arith.constant 1.000000e+09 : f32
    %broadcast_in_dim3A_304 = vector.broadcast %jit3A_303 : f32 to vector<128x800xf32>
    %select_n3A_305 = arith.select %eq3A_302, %convert_element_type3A_32, %broadcast_in_dim3A_304 : vector<128x800xi1>, vector<128x800xf32>
    %reduce_min3A_306 = arith.constant dense<0x7F800000> : vector<128xf32>
    %reduce_min3A_307 = vector.multi_reduction <minimumf>, %select_n3A_305, %reduce_min3A_306 [1] : vector<128x800xf32> to vector<128xf32>
    %broadcast_in_dim3A_308 = vector.shape_cast %reduce_min3A_307 : vector<128xf32> to vector<128x1xf32>
    %eq3A_309 = vector.broadcast %broadcast_in_dim3A_308 : vector<128x1xf32> to vector<128x800xf32>
    %eq3A_310 = arith.cmpf oeq, %convert_element_type3A_32, %eq3A_309 : vector<128x800xf32>
    %and3A_311 = arith.andi %eq3A_302, %eq3A_310 : vector<128x800xi1>
    %or3A_312 = arith.ori %or3A_294, %and3A_311 : vector<128x800xi1>
    %jit3A_313 = arith.constant 1.000000e+30 : f32
    %broadcast_in_dim3A_314 = vector.broadcast %jit3A_313 : f32 to vector<128x800xf32>
    %select_n3A_315 = arith.select %and3A_311, %broadcast_in_dim3A_314, %select_n3A_297 : vector<128x800xi1>, vector<128x800xf32>
    %reduce_min3A_316 = arith.constant dense<0x7F800000> : vector<128xf32>
    %reduce_min3A_317 = vector.multi_reduction <minimumf>, %select_n3A_315, %reduce_min3A_316 [1] : vector<128x800xf32> to vector<128xf32>
    %broadcast_in_dim3A_318 = vector.shape_cast %reduce_min3A_317 : vector<128xf32> to vector<128x1xf32>
    %eq3A_319 = vector.broadcast %broadcast_in_dim3A_318 : vector<128x1xf32> to vector<128x800xf32>
    %eq3A_320 = arith.cmpf oeq, %select_n3A_315, %eq3A_319 : vector<128x800xf32>
    %jit3A_321 = arith.constant 1.000000e+09 : f32
    %broadcast_in_dim3A_322 = vector.broadcast %jit3A_321 : f32 to vector<128x800xf32>
    %select_n3A_323 = arith.select %eq3A_320, %convert_element_type3A_32, %broadcast_in_dim3A_322 : vector<128x800xi1>, vector<128x800xf32>
    %reduce_min3A_324 = arith.constant dense<0x7F800000> : vector<128xf32>
    %reduce_min3A_325 = vector.multi_reduction <minimumf>, %select_n3A_323, %reduce_min3A_324 [1] : vector<128x800xf32> to vector<128xf32>
    %broadcast_in_dim3A_326 = vector.shape_cast %reduce_min3A_325 : vector<128xf32> to vector<128x1xf32>
    %eq3A_327 = vector.broadcast %broadcast_in_dim3A_326 : vector<128x1xf32> to vector<128x800xf32>
    %eq3A_328 = arith.cmpf oeq, %convert_element_type3A_32, %eq3A_327 : vector<128x800xf32>
    %and3A_329 = arith.andi %eq3A_320, %eq3A_328 : vector<128x800xi1>
    %or3A_330 = arith.ori %or3A_312, %and3A_329 : vector<128x800xi1>
    %jit3A_331 = arith.constant 1.000000e+30 : f32
    %broadcast_in_dim3A_332 = vector.broadcast %jit3A_331 : f32 to vector<128x800xf32>
    %select_n3A_333 = arith.select %and3A_329, %broadcast_in_dim3A_332, %select_n3A_315 : vector<128x800xi1>, vector<128x800xf32>
    %reduce_min3A_334 = arith.constant dense<0x7F800000> : vector<128xf32>
    %reduce_min3A_335 = vector.multi_reduction <minimumf>, %select_n3A_333, %reduce_min3A_334 [1] : vector<128x800xf32> to vector<128xf32>
    %broadcast_in_dim3A_336 = vector.shape_cast %reduce_min3A_335 : vector<128xf32> to vector<128x1xf32>
    %eq3A_337 = vector.broadcast %broadcast_in_dim3A_336 : vector<128x1xf32> to vector<128x800xf32>
    %eq3A_338 = arith.cmpf oeq, %select_n3A_333, %eq3A_337 : vector<128x800xf32>
    %jit3A_339 = arith.constant 1.000000e+09 : f32
    %broadcast_in_dim3A_340 = vector.broadcast %jit3A_339 : f32 to vector<128x800xf32>
    %select_n3A_341 = arith.select %eq3A_338, %convert_element_type3A_32, %broadcast_in_dim3A_340 : vector<128x800xi1>, vector<128x800xf32>
    %reduce_min3A_342 = arith.constant dense<0x7F800000> : vector<128xf32>
    %reduce_min3A_343 = vector.multi_reduction <minimumf>, %select_n3A_341, %reduce_min3A_342 [1] : vector<128x800xf32> to vector<128xf32>
    %broadcast_in_dim3A_344 = vector.shape_cast %reduce_min3A_343 : vector<128xf32> to vector<128x1xf32>
    %eq3A_345 = vector.broadcast %broadcast_in_dim3A_344 : vector<128x1xf32> to vector<128x800xf32>
    %eq3A_346 = arith.cmpf oeq, %convert_element_type3A_32, %eq3A_345 : vector<128x800xf32>
    %and3A_347 = arith.andi %eq3A_338, %eq3A_346 : vector<128x800xi1>
    %or3A_348 = arith.ori %or3A_330, %and3A_347 : vector<128x800xi1>
    %jit3A_349 = arith.constant 1.000000e+30 : f32
    %broadcast_in_dim3A_350 = vector.broadcast %jit3A_349 : f32 to vector<128x800xf32>
    %select_n3A_351 = arith.select %and3A_347, %broadcast_in_dim3A_350, %select_n3A_333 : vector<128x800xi1>, vector<128x800xf32>
    %reduce_min3A_352 = arith.constant dense<0x7F800000> : vector<128xf32>
    %reduce_min3A_353 = vector.multi_reduction <minimumf>, %select_n3A_351, %reduce_min3A_352 [1] : vector<128x800xf32> to vector<128xf32>
    %broadcast_in_dim3A_354 = vector.shape_cast %reduce_min3A_353 : vector<128xf32> to vector<128x1xf32>
    %eq3A_355 = vector.broadcast %broadcast_in_dim3A_354 : vector<128x1xf32> to vector<128x800xf32>
    %eq3A_356 = arith.cmpf oeq, %select_n3A_351, %eq3A_355 : vector<128x800xf32>
    %jit3A_357 = arith.constant 1.000000e+09 : f32
    %broadcast_in_dim3A_358 = vector.broadcast %jit3A_357 : f32 to vector<128x800xf32>
    %select_n3A_359 = arith.select %eq3A_356, %convert_element_type3A_32, %broadcast_in_dim3A_358 : vector<128x800xi1>, vector<128x800xf32>
    %reduce_min3A_360 = arith.constant dense<0x7F800000> : vector<128xf32>
    %reduce_min3A_361 = vector.multi_reduction <minimumf>, %select_n3A_359, %reduce_min3A_360 [1] : vector<128x800xf32> to vector<128xf32>
    %broadcast_in_dim3A_362 = vector.shape_cast %reduce_min3A_361 : vector<128xf32> to vector<128x1xf32>
    %eq3A_363 = vector.broadcast %broadcast_in_dim3A_362 : vector<128x1xf32> to vector<128x800xf32>
    %eq3A_364 = arith.cmpf oeq, %convert_element_type3A_32, %eq3A_363 : vector<128x800xf32>
    %and3A_365 = arith.andi %eq3A_356, %eq3A_364 : vector<128x800xi1>
    %or3A_366 = arith.ori %or3A_348, %and3A_365 : vector<128x800xi1>
    %jit3A_367 = arith.constant 1.000000e+30 : f32
    %broadcast_in_dim3A_368 = vector.broadcast %jit3A_367 : f32 to vector<128x800xf32>
    %select_n3A_369 = arith.select %and3A_365, %broadcast_in_dim3A_368, %select_n3A_351 : vector<128x800xi1>, vector<128x800xf32>
    %reduce_min3A_370 = arith.constant dense<0x7F800000> : vector<128xf32>
    %reduce_min3A_371 = vector.multi_reduction <minimumf>, %select_n3A_369, %reduce_min3A_370 [1] : vector<128x800xf32> to vector<128xf32>
    %broadcast_in_dim3A_372 = vector.shape_cast %reduce_min3A_371 : vector<128xf32> to vector<128x1xf32>
    %eq3A_373 = vector.broadcast %broadcast_in_dim3A_372 : vector<128x1xf32> to vector<128x800xf32>
    %eq3A_374 = arith.cmpf oeq, %select_n3A_369, %eq3A_373 : vector<128x800xf32>
    %jit3A_375 = arith.constant 1.000000e+09 : f32
    %broadcast_in_dim3A_376 = vector.broadcast %jit3A_375 : f32 to vector<128x800xf32>
    %select_n3A_377 = arith.select %eq3A_374, %convert_element_type3A_32, %broadcast_in_dim3A_376 : vector<128x800xi1>, vector<128x800xf32>
    %reduce_min3A_378 = arith.constant dense<0x7F800000> : vector<128xf32>
    %reduce_min3A_379 = vector.multi_reduction <minimumf>, %select_n3A_377, %reduce_min3A_378 [1] : vector<128x800xf32> to vector<128xf32>
    %broadcast_in_dim3A_380 = vector.shape_cast %reduce_min3A_379 : vector<128xf32> to vector<128x1xf32>
    %eq3A_381 = vector.broadcast %broadcast_in_dim3A_380 : vector<128x1xf32> to vector<128x800xf32>
    %eq3A_382 = arith.cmpf oeq, %convert_element_type3A_32, %eq3A_381 : vector<128x800xf32>
    %and3A_383 = arith.andi %eq3A_374, %eq3A_382 : vector<128x800xi1>
    %or3A_384 = arith.ori %or3A_366, %and3A_383 : vector<128x800xi1>
    %jit3A_385 = arith.constant 1.000000e+30 : f32
    %broadcast_in_dim3A_386 = vector.broadcast %jit3A_385 : f32 to vector<128x800xf32>
    %select_n3A_387 = arith.select %and3A_383, %broadcast_in_dim3A_386, %select_n3A_369 : vector<128x800xi1>, vector<128x800xf32>
    %reduce_min3A_388 = arith.constant dense<0x7F800000> : vector<128xf32>
    %reduce_min3A_389 = vector.multi_reduction <minimumf>, %select_n3A_387, %reduce_min3A_388 [1] : vector<128x800xf32> to vector<128xf32>
    %broadcast_in_dim3A_390 = vector.shape_cast %reduce_min3A_389 : vector<128xf32> to vector<128x1xf32>
    %eq3A_391 = vector.broadcast %broadcast_in_dim3A_390 : vector<128x1xf32> to vector<128x800xf32>
    %eq3A_392 = arith.cmpf oeq, %select_n3A_387, %eq3A_391 : vector<128x800xf32>
    %jit3A_393 = arith.constant 1.000000e+09 : f32
    %broadcast_in_dim3A_394 = vector.broadcast %jit3A_393 : f32 to vector<128x800xf32>
    %select_n3A_395 = arith.select %eq3A_392, %convert_element_type3A_32, %broadcast_in_dim3A_394 : vector<128x800xi1>, vector<128x800xf32>
    %reduce_min3A_396 = arith.constant dense<0x7F800000> : vector<128xf32>
    %reduce_min3A_397 = vector.multi_reduction <minimumf>, %select_n3A_395, %reduce_min3A_396 [1] : vector<128x800xf32> to vector<128xf32>
    %broadcast_in_dim3A_398 = vector.shape_cast %reduce_min3A_397 : vector<128xf32> to vector<128x1xf32>
    %eq3A_399 = vector.broadcast %broadcast_in_dim3A_398 : vector<128x1xf32> to vector<128x800xf32>
    %eq3A_400 = arith.cmpf oeq, %convert_element_type3A_32, %eq3A_399 : vector<128x800xf32>
    %and3A_401 = arith.andi %eq3A_392, %eq3A_400 : vector<128x800xi1>
    %or3A_402 = arith.ori %or3A_384, %and3A_401 : vector<128x800xi1>
    %jit3A_403 = arith.constant 1.000000e+30 : f32
    %broadcast_in_dim3A_404 = vector.broadcast %jit3A_403 : f32 to vector<128x800xf32>
    %select_n3A_405 = arith.select %and3A_401, %broadcast_in_dim3A_404, %select_n3A_387 : vector<128x800xi1>, vector<128x800xf32>
    %reduce_min3A_406 = arith.constant dense<0x7F800000> : vector<128xf32>
    %reduce_min3A_407 = vector.multi_reduction <minimumf>, %select_n3A_405, %reduce_min3A_406 [1] : vector<128x800xf32> to vector<128xf32>
    %broadcast_in_dim3A_408 = vector.shape_cast %reduce_min3A_407 : vector<128xf32> to vector<128x1xf32>
    %eq3A_409 = vector.broadcast %broadcast_in_dim3A_408 : vector<128x1xf32> to vector<128x800xf32>
    %eq3A_410 = arith.cmpf oeq, %select_n3A_405, %eq3A_409 : vector<128x800xf32>
    %jit3A_411 = arith.constant 1.000000e+09 : f32
    %broadcast_in_dim3A_412 = vector.broadcast %jit3A_411 : f32 to vector<128x800xf32>
    %select_n3A_413 = arith.select %eq3A_410, %convert_element_type3A_32, %broadcast_in_dim3A_412 : vector<128x800xi1>, vector<128x800xf32>
    %reduce_min3A_414 = arith.constant dense<0x7F800000> : vector<128xf32>
    %reduce_min3A_415 = vector.multi_reduction <minimumf>, %select_n3A_413, %reduce_min3A_414 [1] : vector<128x800xf32> to vector<128xf32>
    %broadcast_in_dim3A_416 = vector.shape_cast %reduce_min3A_415 : vector<128xf32> to vector<128x1xf32>
    %eq3A_417 = vector.broadcast %broadcast_in_dim3A_416 : vector<128x1xf32> to vector<128x800xf32>
    %eq3A_418 = arith.cmpf oeq, %convert_element_type3A_32, %eq3A_417 : vector<128x800xf32>
    %and3A_419 = arith.andi %eq3A_410, %eq3A_418 : vector<128x800xi1>
    %or3A_420 = arith.ori %or3A_402, %and3A_419 : vector<128x800xi1>
    %jit3A_421 = arith.constant 1.000000e+30 : f32
    %broadcast_in_dim3A_422 = vector.broadcast %jit3A_421 : f32 to vector<128x800xf32>
    %select_n3A_423 = arith.select %and3A_419, %broadcast_in_dim3A_422, %select_n3A_405 : vector<128x800xi1>, vector<128x800xf32>
    %reduce_min3A_424 = arith.constant dense<0x7F800000> : vector<128xf32>
    %reduce_min3A_425 = vector.multi_reduction <minimumf>, %select_n3A_423, %reduce_min3A_424 [1] : vector<128x800xf32> to vector<128xf32>
    %broadcast_in_dim3A_426 = vector.shape_cast %reduce_min3A_425 : vector<128xf32> to vector<128x1xf32>
    %eq3A_427 = vector.broadcast %broadcast_in_dim3A_426 : vector<128x1xf32> to vector<128x800xf32>
    %eq3A_428 = arith.cmpf oeq, %select_n3A_423, %eq3A_427 : vector<128x800xf32>
    %jit3A_429 = arith.constant 1.000000e+09 : f32
    %broadcast_in_dim3A_430 = vector.broadcast %jit3A_429 : f32 to vector<128x800xf32>
    %select_n3A_431 = arith.select %eq3A_428, %convert_element_type3A_32, %broadcast_in_dim3A_430 : vector<128x800xi1>, vector<128x800xf32>
    %reduce_min3A_432 = arith.constant dense<0x7F800000> : vector<128xf32>
    %reduce_min3A_433 = vector.multi_reduction <minimumf>, %select_n3A_431, %reduce_min3A_432 [1] : vector<128x800xf32> to vector<128xf32>
    %broadcast_in_dim3A_434 = vector.shape_cast %reduce_min3A_433 : vector<128xf32> to vector<128x1xf32>
    %eq3A_435 = vector.broadcast %broadcast_in_dim3A_434 : vector<128x1xf32> to vector<128x800xf32>
    %eq3A_436 = arith.cmpf oeq, %convert_element_type3A_32, %eq3A_435 : vector<128x800xf32>
    %and3A_437 = arith.andi %eq3A_428, %eq3A_436 : vector<128x800xi1>
    %or3A_438 = arith.ori %or3A_420, %and3A_437 : vector<128x800xi1>
    %jit3A_439 = arith.constant 1.000000e+30 : f32
    %broadcast_in_dim3A_440 = vector.broadcast %jit3A_439 : f32 to vector<128x800xf32>
    %select_n3A_441 = arith.select %and3A_437, %broadcast_in_dim3A_440, %select_n3A_423 : vector<128x800xi1>, vector<128x800xf32>
    %reduce_min3A_442 = arith.constant dense<0x7F800000> : vector<128xf32>
    %reduce_min3A_443 = vector.multi_reduction <minimumf>, %select_n3A_441, %reduce_min3A_442 [1] : vector<128x800xf32> to vector<128xf32>
    %broadcast_in_dim3A_444 = vector.shape_cast %reduce_min3A_443 : vector<128xf32> to vector<128x1xf32>
    %eq3A_445 = vector.broadcast %broadcast_in_dim3A_444 : vector<128x1xf32> to vector<128x800xf32>
    %eq3A_446 = arith.cmpf oeq, %select_n3A_441, %eq3A_445 : vector<128x800xf32>
    %jit3A_447 = arith.constant 1.000000e+09 : f32
    %broadcast_in_dim3A_448 = vector.broadcast %jit3A_447 : f32 to vector<128x800xf32>
    %select_n3A_449 = arith.select %eq3A_446, %convert_element_type3A_32, %broadcast_in_dim3A_448 : vector<128x800xi1>, vector<128x800xf32>
    %reduce_min3A_450 = arith.constant dense<0x7F800000> : vector<128xf32>
    %reduce_min3A_451 = vector.multi_reduction <minimumf>, %select_n3A_449, %reduce_min3A_450 [1] : vector<128x800xf32> to vector<128xf32>
    %broadcast_in_dim3A_452 = vector.shape_cast %reduce_min3A_451 : vector<128xf32> to vector<128x1xf32>
    %eq3A_453 = vector.broadcast %broadcast_in_dim3A_452 : vector<128x1xf32> to vector<128x800xf32>
    %eq3A_454 = arith.cmpf oeq, %convert_element_type3A_32, %eq3A_453 : vector<128x800xf32>
    %and3A_455 = arith.andi %eq3A_446, %eq3A_454 : vector<128x800xi1>
    %or3A_456 = arith.ori %or3A_438, %and3A_455 : vector<128x800xi1>
    %jit3A_457 = arith.constant 1.000000e+30 : f32
    %broadcast_in_dim3A_458 = vector.broadcast %jit3A_457 : f32 to vector<128x800xf32>
    %select_n3A_459 = arith.select %and3A_455, %broadcast_in_dim3A_458, %select_n3A_441 : vector<128x800xi1>, vector<128x800xf32>
    %reduce_min3A_460 = arith.constant dense<0x7F800000> : vector<128xf32>
    %reduce_min3A_461 = vector.multi_reduction <minimumf>, %select_n3A_459, %reduce_min3A_460 [1] : vector<128x800xf32> to vector<128xf32>
    %broadcast_in_dim3A_462 = vector.shape_cast %reduce_min3A_461 : vector<128xf32> to vector<128x1xf32>
    %eq3A_463 = vector.broadcast %broadcast_in_dim3A_462 : vector<128x1xf32> to vector<128x800xf32>
    %eq3A_464 = arith.cmpf oeq, %select_n3A_459, %eq3A_463 : vector<128x800xf32>
    %jit3A_465 = arith.constant 1.000000e+09 : f32
    %broadcast_in_dim3A_466 = vector.broadcast %jit3A_465 : f32 to vector<128x800xf32>
    %select_n3A_467 = arith.select %eq3A_464, %convert_element_type3A_32, %broadcast_in_dim3A_466 : vector<128x800xi1>, vector<128x800xf32>
    %reduce_min3A_468 = arith.constant dense<0x7F800000> : vector<128xf32>
    %reduce_min3A_469 = vector.multi_reduction <minimumf>, %select_n3A_467, %reduce_min3A_468 [1] : vector<128x800xf32> to vector<128xf32>
    %broadcast_in_dim3A_470 = vector.shape_cast %reduce_min3A_469 : vector<128xf32> to vector<128x1xf32>
    %eq3A_471 = vector.broadcast %broadcast_in_dim3A_470 : vector<128x1xf32> to vector<128x800xf32>
    %eq3A_472 = arith.cmpf oeq, %convert_element_type3A_32, %eq3A_471 : vector<128x800xf32>
    %and3A_473 = arith.andi %eq3A_464, %eq3A_472 : vector<128x800xi1>
    %or3A_474 = arith.ori %or3A_456, %and3A_473 : vector<128x800xi1>
    %get3A_475 = arith.constant 0 : index
    %get3A_476 = arith.constant 0 : index
    %get3A_477 = vector.load %arg5[%get3A_475, %get3A_476] : memref<128x800xf32, #tpu.memory_space<vmem>>, vector<128x800xf32>
    %sub3A_478 = vector.broadcast %get3A_1 : vector<128x1xf32> to vector<128x800xf32>
    %sub3A_479 = arith.subf %sub3A_478, %get3A_7 : vector<128x800xf32>
    %sub3A_480 = vector.broadcast %get3A_4 : vector<128x1xf32> to vector<128x800xf32>
    %sub3A_481 = arith.subf %sub3A_480, %get3A_10 : vector<128x800xf32>
    %div3A = arith.divf %sub3A_479, %get3A_477 : vector<128x800xf32>
    %div3A_482 = arith.divf %sub3A_481, %get3A_477 : vector<128x800xf32>
    %mul3A_483 = arith.mulf %div3A, %div3A : vector<128x800xf32>
    %mul3A_484 = arith.mulf %div3A_482, %div3A_482 : vector<128x800xf32>
    %add3A_485 = arith.addf %mul3A_483, %mul3A_484 : vector<128x800xf32>
    %neg3A = arith.constant 0.000000e+00 : f32
    %neg3A_486 = vector.broadcast %neg3A : f32 to vector<128x800xf32>
    %neg3A_487 = arith.subf %neg3A_486, %add3A_485 : vector<128x800xf32>
    %exp3A = math.exp %neg3A_487 : vector<128x800xf32>
    %jit3A_488 = arith.constant 0.000000e+00 : f32
    %broadcast_in_dim3A_489 = vector.broadcast %jit3A_488 : f32 to vector<128x800xf32>
    %select_n3A_490 = arith.select %or3A_474, %exp3A, %broadcast_in_dim3A_489 : vector<128x800xi1>, vector<128x800xf32>
    %reduce_sum3A = arith.constant dense<0.000000e+00> : vector<128xf32>
    %reduce_sum3A_491 = vector.multi_reduction <add>, %select_n3A_490, %reduce_sum3A [1] : vector<128x800xf32> to vector<128xf32>
    %broadcast_in_dim3A_492 = vector.shape_cast %reduce_sum3A_491 : vector<128xf32> to vector<128x1xf32>
    %get3A_493 = arith.constant 0 : index
    %get3A_494 = arith.constant 0 : index
    %get3A_495 = vector.load %arg6[%get3A_493, %get3A_494] : memref<128x800xf32, #tpu.memory_space<vmem>>, vector<128x800xf32>
    %mul3A_496 = arith.mulf %get3A_495, %select_n3A_490 : vector<128x800xf32>
    %reduce_sum3A_497 = arith.constant dense<0.000000e+00> : vector<128xf32>
    %reduce_sum3A_498 = vector.multi_reduction <add>, %mul3A_496, %reduce_sum3A_497 [1] : vector<128x800xf32> to vector<128xf32>
    %broadcast_in_dim3A_499 = vector.shape_cast %reduce_sum3A_498 : vector<128xf32> to vector<128x1xf32>
    %div3A_500 = arith.divf %broadcast_in_dim3A_499, %broadcast_in_dim3A_492 : vector<128x1xf32>
    %swap3A = arith.constant 0 : index
    %swap3A_501 = arith.constant 0 : index
    %swap3A_502 = vector.load %arg7[%swap3A, %swap3A_501] : memref<128x1xf32, #tpu.memory_space<vmem>>, vector<128x1xf32>
    tpu.vector_store %arg7[%swap3A, %swap3A_501], %div3A_500 {strides = array<i32>} : memref<128x1xf32, #tpu.memory_space<vmem>>, vector<128x1xf32>,
    return
  }
  func.func @transform_0(%arg0: i32) -> (i32, i32) {
    %c0_i32 = arith.constant 0 : i32
    %c0_i32_0 = arith.constant 0 : i32
    return %arg0, %c0_i32 : i32, i32
  }
  func.func @transform_1(%arg0: i32) -> (i32, i32) {
    %c0_i32 = arith.constant 0 : i32
    %c0_i32_0 = arith.constant 0 : i32
    return %arg0, %c0_i32 : i32, i32
  }
  func.func @transform_2(%arg0: i32) -> (i32, i32) {
    %c0_i32 = arith.constant 0 : i32
    %c0_i32_0 = arith.constant 0 : i32
    return %arg0, %c0_i32 : i32, i32
  }
  func.func @transform_3(%arg0: i32) -> (i32, i32) {
    %c0_i32 = arith.constant 0 : i32
    %c0_i32_0 = arith.constant 0 : i32
    return %arg0, %c0_i32 : i32, i32
  }
  func.func @transform_4(%arg0: i32) -> (i32, i32) {
    %c0_i32 = arith.constant 0 : i32
    %c0_i32_0 = arith.constant 0 : i32
    return %arg0, %c0_i32 : i32, i32
  }
  func.func @transform_5(%arg0: i32) -> (i32, i32) {
    %c0_i32 = arith.constant 0 : i32
    %c0_i32_0 = arith.constant 0 : i32
    return %arg0, %c0_i32 : i32, i32
  }
  func.func @transform_6(%arg0: i32) -> (i32, i32) {
    %c0_i32 = arith.constant 0 : i32
    %c0_i32_0 = arith.constant 0 : i32
    return %arg0, %c0_i32 : i32, i32
  }
}

</mosaic_0001>

<sc_bundles>
// kernel: kernel.10.cloned.1.call-start
scs
__scs_entry_jumppad:
0x0: {  	(pc) =	sbr.rel $0x88, $3  }
0x1: {  	(tag) =	ssettag $0x0;
	lr =	simm.s32 $0x1  }
0x2: {  	[smem:$0x3F9C] =	sst lr;
	_ =	strace $0xD0000000  }
0x3: {  	_ = 	snop  }
0x4: {  	_ = 	snop  }
0x5: {  	_ = 	snop  }
0x6: {  	_ = 	snop  }
0x7: {  	_ = 	snop  }
__scs_overlays_trampoline_lowered:
0x8: {  	[smem:$0x3FAB] =	sst s0  }
0x9: {  	[smem:$0x3FAC] =	sst s1  }
0xa: {  	[smem:$0x3FAD] =	sst s2  }
0xb: {  	[smem:$0x3FAE] =	sst s3  }
0xc: {  	[smem:$0x3FAF] =	sst s4  }
0xd: {  	[smem:$0x3FB0] =	sst s5  }
0xe: {  	[smem:$0x3FB1] =	sst s6  }
0xf: {  	[smem:$0x3FB2] =	sst s7  }
0x10: {  	[smem:$0x3FB3] =	sst s8  }
0x11: {  	[smem:$0x3FB4] =	sst s9;
	s0 =	simm.s32 @!p0 $0x0  }
0x12: {  	s1 =	sld [smem:$0x3F9A];
	s0 =	simm.s32 @p0 $0x1  }
0x13: {  	[smem:$0x3FB5] =	sst s0;
	s0 =	simm.s32 @!p1 $0x0  }
0x14: {  	s2 =	sld [smem:$0x3F99];
	s0 =	simm.s32 @p1 $0x1  }
0x15: {  	[smem:$0x3FB6] =	sst s0;
	s0 =	simm.s32 @!p2 $0x0  }
0x16: {  	s3 =	sld [smem:$0x3FDB];
	s0 =	simm.s32 @p2 $0x1  }
0x17: {  	s4 =	simm.s32 $0x1BF5;
	[smem:$0x3FB8] =	sst s0  }
0x18: {  	s0 =	sld [smem:$0x3F9B];
	_ =	swait.ge [sflag:s4], $0x0  }
0x19: {  	s7 =	sld [smem:$0x3F9C]  }
0x1a: {  	s8 =	sadd.s32 $0xFFFFE003, lr  }
0x1b: {  	s9 =	sadd.s32 $0xFFFFFEF7, lr;
	s5 =	simm.s32 $0xFFFFFFFF;
	p2 =	slt.u32 s8, $0xFFFFF086  }
0x1c: {  	p1 =	slt.u32 s9, $0xF7A;
	s5 =	simm.s32 @!p2 $0x0  }
0x1d: {  	s5 =	simm.s32 @p1 $0x1;
	p0 =	seq.s32 s7, s2  }
0x1e: {  	s7 =	smul.u32 @!p0 $0xF7A, s2;
	p2 =	seq.s32 @!p0 s5, $0x0  }
0x1f: {  	s9 =	smul.u32 $0xF7A, s1;
	s8 =	simm.s32 @!p0 $0x1BF5;
	p2 =	por !p2, p0  }
0x20: {  	[sflag:s8] =	ssyncset.s32 @!p0 $0xFFFFF086;
	s6 =	sadd.s32 @!p0 s3, s7;
	s7 =	simm.s32 @!p0 $0x108  }
0x21: {  	s3 =	sadd.s32 s3, s9;
	s6 =	sadd.s32 @!p0 $0x88, s6;
	s7 =	simm.s32 @p2 $0x1082  }
0x22: {  	[simem:s7], [sflag:s8] =	dma.local @!p0 [hbm:s6], $0xF7A  }
0x23: {  	s9 =	sor.u32 $0xD0000000, s2;
	s6 =	simm.s32 $0x108;
	_ =	swait.ge @!p0 [sflag:s8], $0x0  }
0x24: {  	s3 =	sadd.s32 $0x88, s3;
	s6 =	simm.s32 @!p1 $0x1082;
	[sflag:s4] =	ssyncset.s32 $0xFFFFF086  }
0x25: {  	[simem:s6], [sflag:s4] =	dma.local [hbm:s3], $0xF7A  }
0x26: {  	[smem:$0x3F9C] =	sst s1;
	(tag) =	ssettag s2;
	_ =	strace s9  }
0x27: {  	s1 =	sld [smem:$0x3FAC]  }
0x28: {  	s2 =	sld [smem:$0x3FAD]  }
0x29: {  	s4 =	sld [smem:$0x3FAF]  }
0x2a: {  	p0 =	seq.s32 s5, $0x0;
	s5 =	sld [smem:$0x3FB0]  }
0x2b: {  	s6 =	sld [smem:$0x3FB1]  }
0x2c: {  	s7 =	sld [smem:$0x3FB2]  }
0x2d: {  	s3 =	simm.s32 $0x108;
	s8 =	sld [smem:$0x3FB3]  }
0x2e: {  	s3 =	simm.s32 @!p0 $0x1082;
	s9 =	sld [smem:$0x3FB4]  }
0x2f: {  	lr =	sadd.s32 s0, s3;
	s0 =	sld [smem:$0x3FAB]  }
0x30: {  	s3 =	sld [smem:$0x3FAE]  }
0x31: {  	[smem:$0x3FB7] =	sst s10  }
0x32: {  	s10 =	sld [smem:$0x3FB5];
	_ =	sdelay $0x3  }
0x33: {  	p0 =	seq.s32 s10, $0x1;
	s10 =	sld [smem:$0x3FB7];
	_ =	sdelay $0x3  }
0x34: {  	[smem:$0x3FB7] =	sst s10  }
0x35: {  	s10 =	sld [smem:$0x3FB6];
	_ =	sdelay $0x3  }
0x36: {  	p1 =	seq.s32 s10, $0x1;
	s10 =	sld [smem:$0x3FB7];
	_ =	sdelay $0x3  }
0x37: {  	[smem:$0x3FB7] =	sst s10  }
0x38: {  	s10 =	sld [smem:$0x3FB8]  }
0x39: {  	_ = 	snop;
	(pc) =	sbr.ind lr, $3  }
0x3a: {  	_ = 	snop  }
0x3b: {  	_ = 	snop  }
0x3c: {  	p2 =	seq.s32 s10, $0x1;
	s10 =	sld [smem:$0x3FB7]  }
0x3d: {  	_ =	shalt  }
0x3e: {  	_ =	shalt  }
0x3f: {  	_ =	shalt  }
0x40: {  	_ =	shalt  }
0x41: {  	_ =	shalt  }
0x42: {  	_ =	shalt  }
0x43: {  	_ =	shalt  }
0x44: {  	_ =	shalt  }
0x45: {  	_ =	shalt  }
0x46: {  	_ =	shalt  }
0x47: {  	_ =	shalt  }
0x48: {  	_ =	shalt  }
0x49: {  	_ =	shalt  }
0x4a: {  	_ =	shalt  }
0x4b: {  	_ =	shalt  }
0x4c: {  	_ =	shalt  }
0x4d: {  	_ =	shalt  }
0x4e: {  	_ =	shalt  }
0x4f: {  	_ =	shalt  }
0x50: {  	_ =	shalt  }
0x51: {  	_ =	shalt  }
0x52: {  	_ =	shalt  }
0x53: {  	_ =	shalt  }
0x54: {  	_ =	shalt  }
0x55: {  	_ =	shalt  }
0x56: {  	_ =	shalt  }
0x57: {  	_ =	shalt  }
0x58: {  	_ =	shalt  }
0x59: {  	_ =	shalt  }
0x5a: {  	_ =	shalt  }
0x5b: {  	_ =	shalt  }
0x5c: {  	_ =	shalt  }
0x5d: {  	_ =	shalt  }
0x5e: {  	_ =	shalt  }
0x5f: {  	_ =	shalt  }
0x60: {  	_ =	shalt  }
0x61: {  	_ =	shalt  }
0x62: {  	_ =	shalt  }
0x63: {  	_ =	shalt  }
0x64: {  	_ =	shalt  }
0x65: {  	_ =	shalt  }
0x66: {  	_ =	shalt  }
0x67: {  	_ =	shalt  }
0x68: {  	_ =	shalt  }
0x69: {  	_ =	shalt  }
0x6a: {  	_ =	shalt  }
0x6b: {  	_ =	shalt  }
0x6c: {  	_ =	shalt  }
0x6d: {  	_ =	shalt  }
0x6e: {  	_ =	shalt  }
0x6f: {  	_ =	shalt  }
0x70: {  	_ =	shalt  }
0x71: {  	_ =	shalt  }
0x72: {  	_ =	shalt  }
0x73: {  	_ =	shalt  }
0x74: {  	_ =	shalt  }
0x75: {  	_ =	shalt  }
0x76: {  	_ =	shalt  }
0x77: {  	_ =	shalt  }
0x78: {  	_ =	shalt  }
0x79: {  	_ =	shalt  }
0x7a: {  	_ =	shalt  }
0x7b: {  	_ =	shalt  }
0x7c: {  	_ =	shalt  }
0x7d: {  	_ =	shalt  }
0x7e: {  	_ =	shalt  }
0x7f: {  	_ =	shalt  }
0x80: {  	_ =	shalt  }
0x81: {  	_ =	shalt  }
0x82: {  	_ =	shalt  }
0x83: {  	_ =	shalt  }
0x84: {  	_ =	shalt  }
0x85: {  	_ =	shalt  }
0x86: {  	_ =	shalt  }
0x87: {  	_ =	shalt  }
.Lfunc_end0:
.L_simem_size_0:
called_computation_lowered:
.L_overlay_start_0:
0x88: {  	s2 =	sld [smem:$0x3FD9]  }
0x89: {  	s3 =	sld [smem:$0x3FFE];
	_ =	sdelay $0x1  }
0x8a: {  	s1 =	srdreg.scid  }
0x8b: {  	s0 =	sand.u32 $0x1, s1  }
0x8c: {  	s16 =	sshll.u32 s0, $0xA;
	s2 =	sadd.s32 s3, s2  }
0x8d: {  	s2 =	sadd.s32 s2, s16  }
0x8e: {  	[smem:$0x3FC3] =	sst s2  }
0x8f: {  	_ = 	snop  }
0x90: {  	(tm) =	ssettm $0x1  }
0x91: {  	s17 =	sld [smem:$0x3FFB];
	_ =	sdelay $0x3  }
0x92: {  	_ =	strace s17  }
0x93: {  	s2 =	sld [smem:$0x3FFC];
	_ =	sdelay $0x3  }
0x94: {  	_ =	strace s2  }
0x95: {  	s2 =	sld [smem:$0x3FFD];
	_ =	sdelay $0x3  }
0x96: {  	_ =	strace s2  }
0x97: {  	_ =	strace $0x8FFFFFFF  }
0x98: {  	s18 =	sld [smem:$0x3FDB];
	_ =	sdelay $0x1  }
0x99: {  	s19 =	simm.s32 $_scs_section_size  }
0x9a: {  	s4 =	simm.s32 $_size__tile_overlayer_lowered;
	s5 =	simm.s32 $_tile_overlayer_lowered  }
0x9b: {  	s22 =	simm.s32 $0x1BFF;
	s21 =	sshll.u32 s5, $0x1;
	s2 =	sadd.s32 s19, s18  }
0x9c: {  	s6 =	simm.s32 $0x0;
	s20 =	sshll.u32 s4, $0x1;
	s4 =	sadd.s32 s21, s2  }
0x9d: {  	[timem:s6], [sflag:s22] =	dma.local [hbm:s4], s20  }
0x9e: {  	_ =	swait.ge [sflag:s22], s20  }
0x9f: {  	s3 =	ssub.s32 $0x0, s20;
	[sflag:s22] =	ssyncset.done $0x0  }
0xa0: {  	[sflag:s22] =	ssyncadd.s32 s3;
	_ =	sdelay $0x1  }
0xa1: {  	s23 =	simm.s32 $0x1B8B  }
0xa2: {  	_ =	swait.ge [sflag:s23], $0x1  }
0xa3: {  	[sflag:s23] =	ssyncset.done $0x0  }
0xa4: {  	s25 =	simm.s32 $0x1B8E;
	s24 =	sld [smem:$0x3FFE];
	[sflag:s23] =	ssyncadd.s32 $0xFFFFFFFF  }
0xa5: {  	s26 =	simm.s32 $execute0_lowered;
	[smem:$0x3FD2] =	sst s25  }
0xa6: {  	s4 =	sshll.u32 s26, $0x1;
	_ =	strace $0x80000046;
	[dreg:$0x1] =	wrdreg $0xFFFFFFFF  }
0xa7: {  	s28 =	simm.s32 $_size_execute0_lowered;
	s2 =	sadd.s32 s2, s4;
	[dreg:$0x0] =	wrdreg $0x0  }
0xa8: {  	s4 =	sshll.u32 s28, $0x1;
	[dreg:$0x2] =	wrdreg s2  }
0xa9: {  	[dreg:$0x3] =	wrdreg s4  }
0xaa: {  	[dreg:$0x4] =	wrdreg $0xC0  }
0xab: {  	_ =	task [dreg:s6], $0x5FFFF  }
0xac: {  	[dreg:$0x1] =	wrdreg $0xFFFFFFFF  }
0xad: {  	[dreg:$0x0] =	wrdreg $0x60  }
0xae: {  	[dreg:$0x2] =	wrdreg s24  }
0xaf: {  	[dreg:$0x3] =	wrdreg $0x9  }
0xb0: {  	_ =	task.clear_ibuf [dreg:s6], $0x4FFFF;
	_ =	strace $0x90000046  }
0xb1: {  	s29 =	simm.s32 $0x9;
	_ =	strace $0x80000048  }
0xb2: {  	_ =	swait.ge [sflag:s29], $0x1  }
0xb3: {  	[sflag:s29] =	ssyncadd.s32 $0xFFFFFFFF  }
0xb4: {  	_ =	strace $0x90000048  }
0xb5: {  	_ =	sfence  }
0xb6: {  	s30 =	sld [smem:$0x0];
	_ =	sdelay $0x2  }
0xb7: {  	s31 =	sshll.u32 s1, $0xD;
	s1 =	sshrl.u32 s1, $0x2  }
0xb8: {  	s3 =	sand.u32 $0x4000, s31;
	s1 =	sadd.s32 s1, s30  }
0xb9: {  	s0 =	sor.u32 s3, s0;
	s1 =	sshll.u32 s1, $0x11  }
0xba: {  	s0 =	sor.u32 s1, s0  }
0xbb: {  	s0 =	sadd.s32 $0x8F2B, s0  }
0xbc: {  	[sflag:s0] =	ssyncadd.remote.s32 $0x1  }
0xbd: {  	_ =	sfence.sel $0xFFFF  }
0xbe: {  	[dreg:$0x0] =	wrdreg $0xFFFFFFFF;
	(pc) =	sbr.abs _section_cstart, $3  }
0xbf: {  	[dreg:$0x1] =	wrdreg $0xFFFFFFFF  }
0xc0: {  	_ =	task.clear_ibuf [dreg:s6], $0x2FFFF;
	_ =	strace $0x9FFFFFFF  }
0xc1: {  	(tm) =	ssettm $0x7FFFFFFF  }
tec
execute0_lowered:
.L_overlay_start_1:
0x0: {  	(tag) =	ssettag $0x1  }
0x1: {  	s0 =	srdreg.scid;
	s12 =	stileid.u32  }
0x2: {  	s3 =	rddreg [dreg:$0x0];
	s2 =	simm.s32 $0x0;
	s22 =	simm.s32 $0x80  }
0x3: {  	s7 =	simm.s32 $0x40;
	s23 =	simm.s32 $0x100;
	s24 =	simm.s32 $0x180  }
0x4: {  	s8 =	simm.s32 $0x3000;
	s25 =	simm.s32 $0x200;
	s9 =	simm.s32 $0x5000  }
0x5: {  	s10 =	simm.s32 $0x7000;
	s11 =	simm.s32 $0x9000;
	s26 =	simm.s32 $0x280  }
0x6: {  	s29 =	simm.s32 $0x300;
	s30 =	simm.s32 $0x380;
	s31 =	simm.s32 $0x400  }
0x7: {  	s28 =	simm.s32 $0x700;
	p0 =	por $0x0, $0x0;
	[smem:$0x7FF] =	sst s2  }
0x8: {  	s13 =	simm.s32 $0xA00;
	_ =	strace $0x80000047;
	[dreg:$0x8] =	wrdreg s22  }
0x9: {  	s14 =	simm.s32 $0xA80;
	s15 =	simm.s32 $0xB00;
	[dreg:$0x9] =	wrdreg s23  }
0xa: {  	s16 =	simm.s32 $0xB80;
	s0 =	sand.u32 $0x1, s0;
	[dreg:$0xa] =	wrdreg s24  }
0xb: {  	s1 =	sshll.u32 s12, $0x1;
	s5 =	sadd.s32 $0x4000, s3;
	[dreg:$0xb] =	wrdreg s25  }
0xc: {  	s1 =	sor.u32 s0, s1;
	s0 =	ssub.s32 $0x2, s0;
	[dreg:$0xc] =	wrdreg s26  }
0xd: {  	s23 =	simm.s32 $0x500;
	s24 =	simm.s32 $0x580;
	s25 =	simm.s32 $0x600  }
0xe: {  	s26 =	simm.s32 $0x680;
	s4 =	smul.u32 $0x32000, s1;
	s6 =	sshrl.u32 s0, $0x1  }
0xf: {  	s22 =	simm.s32 $0x980;
	s1 =	sshll.u32 s1, $0x9;
	s0 =	ssub.s32 s0, s6  }
0x10: {  	s1 =	sadd.s32 s3, s1;
	s4 =	sshrl.u32 s4, $0x3;
	s0 =	smax.u32 s0, $0x1  }
0x11: {  	[dreg:$0x2] =	wrdreg s1;
	s4 =	sadd.s32 s4, s3;
	p1 =	sne.s32 s0, $0x1  }
0x12: {  	s1 =	sadd.s32 $0xFFFFFFFF, s0;
	s0 =	rddreg [dreg:$0x2];
	s17 =	sadd.s32 $0x8000, s4  }
0x13: {  	s6 =	simm.s32 $0x1;
	s18 =	sadd.s32 $0x9400, s4;
	[dreg:$0x3] =	wrdreg s17  }
.Ltmp0:
0x14: {  	s19 =	sadd.s32 $0xA800, s4;
	[dreg:$0x4] =	wrdreg s18;
	(pc) =	sbr.rel @!p1 .LBB2_1-.Ltmp0, $4  }
0x15: {  	s3 =	simm.s32 $0x2;
	s20 =	sadd.s32 $0xBC00, s4;
	[dreg:$0x5] =	wrdreg s19  }
0x16: {  	s21 =	sadd.s32 $0xD000, s4;
	s4 =	simm.s32 $0x1000;
	[dreg:$0x6] =	wrdreg s20  }
0x17: {  	[dreg:$0x7] =	wrdreg s21;
	s18 =	simm.s32 $0x480;
	s19 =	simm.s32 $0x800  }
0x18: {  	s20 =	simm.s32 $0x880;
	s21 =	simm.s32 $0x900;
	s17 =	simm.s32 $0xC00  }
0x19: {  	[tilespmem:s2], [sflag:$0x2] =	stream.linear.gather [hbm4b:s0+s2], $0xC80, $0x38;
	[tilespmem:$0xB000] =	vst v63  }
0x1a: {  	_ =	swait.ge [sflag:s3], $0xC80  }
0x1b: {  	[sflag:s3] =	ssyncset.done $0x0  }
0x1c: {  	[sflag:s3] =	ssyncadd.s32 $0xFFFFF380  }
0x1d: {  	[tilespmem:s4], [sflag:$0x1] =	stream.indirect.gather [hbm4b:s5+s7], $0x80, s2, s7, $0xb8;
	[tilespmem:$0xB000] =	vst v63  }
0x1e: {  	s0 =	rddreg [dreg:$0x8]  }
0x1f: {  	[tilespmem:s8], [sflag:$0x1] =	stream.indirect.gather [hbm4b:s5+s7], $0x80, s0, s7, $0xb8;
	[tilespmem:$0xB000] =	vst v63  }
0x20: {  	s12 =	smov.u32 s1;
	s1 =	rddreg [dreg:$0x9]  }
0x21: {  	[tilespmem:s9], [sflag:$0x1] =	stream.indirect.gather [hbm4b:s5+s7], $0x80, s1, s7, $0xb8;
	[tilespmem:$0xB000] =	vst v63  }
0x22: {  	s0 =	rddreg [dreg:$0xa]  }
0x23: {  	[tilespmem:s10], [sflag:$0x1] =	stream.indirect.gather [hbm4b:s5+s7], $0x80, s0, s7, $0xb8;
	[tilespmem:$0xB000] =	vst v63  }
0x24: {  	s1 =	rddreg [dreg:$0xb]  }
0x25: {  	[tilespmem:s11], [sflag:$0x1] =	stream.indirect.gather [hbm4b:s5+s7], $0x80, s1, s7, $0xb8;
	[tilespmem:$0xB000] =	vst v63  }
0x26: {  	_ =	swait.ge [sflag:s6], $0x2000  }
0x27: {  	[sflag:s6] =	ssyncset.done $0x0  }
0x28: {  	[sflag:s6] =	ssyncadd.s32 $0xFFFFE000  }
0x29: {  	_ =	swait.ge [sflag:s6], $0x2000  }
0x2a: {  	[sflag:s6] =	ssyncset.done $0x0  }
0x2b: {  	[sflag:s6] =	ssyncadd.s32 $0xFFFFE000  }
0x2c: {  	_ =	swait.ge [sflag:s6], $0x2000  }
0x2d: {  	[sflag:s6] =	ssyncset.done $0x0  }
0x2e: {  	[sflag:s6] =	ssyncadd.s32 $0xFFFFE000  }
0x2f: {  	_ =	swait.ge [sflag:s6], $0x2000  }
0x30: {  	[sflag:s6] =	ssyncset.done $0x0  }
0x31: {  	[sflag:s6] =	ssyncadd.s32 $0xFFFFE000  }
0x32: {  	_ =	swait.ge [sflag:s6], $0x2000  }
0x33: {  	[sflag:s6] =	ssyncset.done $0x0  }
0x34: {  	s1 =	rddreg [dreg:$0x3];
	[sflag:s6] =	ssyncadd.s32 $0xFFFFE000  }
0x35: {  	[hbm4b:s1+s2] =	stream.linear.scatter [tilespmem:s4], [sflag:$0x2], $0xA000, $0x38;
	[tilespmem:$0xB000] =	vst v63  }
0x36: {  	_ =	swait.ge [sflag:s3], $0xA000  }
0x37: {  	[sflag:s3] =	ssyncset.done $0x0  }
0x38: {  	s1 =	rddreg [dreg:$0xc];
	[sflag:s3] =	ssyncadd.s32 $0xFFFF6000  }
0x39: {  	[tilespmem:s4], [sflag:$0x1] =	stream.indirect.gather [hbm4b:s5+s7], $0x80, s1, s7, $0xb8;
	[tilespmem:$0xB000] =	vst v63  }
0x3a: {  	_ = 	snop  }
0x3b: {  	[tilespmem:s8], [sflag:$0x1] =	stream.indirect.gather [hbm4b:s5+s7], $0x80, s29, s7, $0xb8;
	[tilespmem:$0xB000] =	vst v63  }
0x3c: {  	_ = 	snop  }
0x3d: {  	[tilespmem:s9], [sflag:$0x1] =	stream.indirect.gather [hbm4b:s5+s7], $0x80, s30, s7, $0xb8;
	[tilespmem:$0xB000] =	vst v63  }
0x3e: {  	_ = 	snop  }
0x3f: {  	[tilespmem:s10], [sflag:$0x1] =	stream.indirect.gather [hbm4b:s5+s7], $0x80, s31, s7, $0xb8;
	[tilespmem:$0xB000] =	vst v63  }
0x40: {  	_ = 	snop  }
0x41: {  	[tilespmem:s11], [sflag:$0x1] =	stream.indirect.gather [hbm4b:s5+s7], $0x80, s18, s7, $0xb8;
	[tilespmem:$0xB000] =	vst v63  }
0x42: {  	_ =	swait.ge [sflag:s6], $0x2000  }
0x43: {  	[sflag:s6] =	ssyncset.done $0x0  }
0x44: {  	[sflag:s6] =	ssyncadd.s32 $0xFFFFE000  }
0x45: {  	_ =	swait.ge [sflag:s6], $0x2000  }
0x46: {  	[sflag:s6] =	ssyncset.done $0x0  }
0x47: {  	[sflag:s6] =	ssyncadd.s32 $0xFFFFE000  }
0x48: {  	_ =	swait.ge [sflag:s6], $0x2000  }
0x49: {  	[sflag:s6] =	ssyncset.done $0x0  }
0x4a: {  	[sflag:s6] =	ssyncadd.s32 $0xFFFFE000  }
0x4b: {  	_ =	swait.ge [sflag:s6], $0x2000  }
0x4c: {  	[sflag:s6] =	ssyncset.done $0x0  }
0x4d: {  	[sflag:s6] =	ssyncadd.s32 $0xFFFFE000  }
0x4e: {  	_ =	swait.ge [sflag:s6], $0x2000  }
0x4f: {  	[sflag:s6] =	ssyncset.done $0x0  }
0x50: {  	s1 =	rddreg [dreg:$0x4];
	[sflag:s6] =	ssyncadd.s32 $0xFFFFE000  }
0x51: {  	[hbm4b:s1+s2] =	stream.linear.scatter [tilespmem:s4], [sflag:$0x2], $0xA000, $0x38;
	[tilespmem:$0xB000] =	vst v63  }
0x52: {  	_ =	swait.ge [sflag:s3], $0xA000  }
0x53: {  	[sflag:s3] =	ssyncset.done $0x0  }
0x54: {  	[sflag:s3] =	ssyncadd.s32 $0xFFFF6000  }
0x55: {  	[tilespmem:s4], [sflag:$0x1] =	stream.indirect.gather [hbm4b:s5+s7], $0x80, s23, s7, $0xb8;
	[tilespmem:$0xB000] =	vst v63  }
0x56: {  	_ = 	snop  }
0x57: {  	[tilespmem:s8], [sflag:$0x1] =	stream.indirect.gather [hbm4b:s5+s7], $0x80, s24, s7, $0xb8;
	[tilespmem:$0xB000] =	vst v63  }
0x58: {  	_ = 	snop  }
0x59: {  	[tilespmem:s9], [sflag:$0x1] =	stream.indirect.gather [hbm4b:s5+s7], $0x80, s25, s7, $0xb8;
	[tilespmem:$0xB000] =	vst v63  }
0x5a: {  	_ = 	snop  }
0x5b: {  	[tilespmem:s10], [sflag:$0x1] =	stream.indirect.gather [hbm4b:s5+s7], $0x80, s26, s7, $0xb8;
	[tilespmem:$0xB000] =	vst v63  }
0x5c: {  	_ = 	snop  }
0x5d: {  	[tilespmem:s11], [sflag:$0x1] =	stream.indirect.gather [hbm4b:s5+s7], $0x80, s28, s7, $0xb8;
	[tilespmem:$0xB000] =	vst v63  }
0x5e: {  	_ =	swait.ge [sflag:s6], $0x2000  }
0x5f: {  	[sflag:s6] =	ssyncset.done $0x0  }
0x60: {  	[sflag:s6] =	ssyncadd.s32 $0xFFFFE000  }
0x61: {  	_ =	swait.ge [sflag:s6], $0x2000  }
0x62: {  	[sflag:s6] =	ssyncset.done $0x0  }
0x63: {  	[sflag:s6] =	ssyncadd.s32 $0xFFFFE000  }
0x64: {  	_ =	swait.ge [sflag:s6], $0x2000  }
0x65: {  	[sflag:s6] =	ssyncset.done $0x0  }
0x66: {  	[sflag:s6] =	ssyncadd.s32 $0xFFFFE000  }
0x67: {  	_ =	swait.ge [sflag:s6], $0x2000  }
0x68: {  	[sflag:s6] =	ssyncset.done $0x0  }
0x69: {  	[sflag:s6] =	ssyncadd.s32 $0xFFFFE000  }
0x6a: {  	_ =	swait.ge [sflag:s6], $0x2000  }
0x6b: {  	[sflag:s6] =	ssyncset.done $0x0  }
0x6c: {  	s1 =	rddreg [dreg:$0x5];
	[sflag:s6] =	ssyncadd.s32 $0xFFFFE000  }
0x6d: {  	[hbm4b:s1+s2] =	stream.linear.scatter [tilespmem:s4], [sflag:$0x2], $0xA000, $0x38;
	[tilespmem:$0xB000] =	vst v63  }
0x6e: {  	_ =	swait.ge [sflag:s3], $0xA000  }
0x6f: {  	[sflag:s3] =	ssyncset.done $0x0  }
0x70: {  	s1 =	simm.s32 $0x780;
	[sflag:s3] =	ssyncadd.s32 $0xFFFF6000  }
0x71: {  	[tilespmem:s4], [sflag:$0x1] =	stream.indirect.gather [hbm4b:s5+s7], $0x80, s1, s7, $0xb8;
	[tilespmem:$0xB000] =	vst v63  }
0x72: {  	_ = 	snop  }
0x73: {  	[tilespmem:s8], [sflag:$0x1] =	stream.indirect.gather [hbm4b:s5+s7], $0x80, s19, s7, $0xb8;
	[tilespmem:$0xB000] =	vst v63  }
0x74: {  	_ = 	snop  }
0x75: {  	[tilespmem:s9], [sflag:$0x1] =	stream.indirect.gather [hbm4b:s5+s7], $0x80, s20, s7, $0xb8;
	[tilespmem:$0xB000] =	vst v63  }
0x76: {  	_ = 	snop  }
0x77: {  	[tilespmem:s10], [sflag:$0x1] =	stream.indirect.gather [hbm4b:s5+s7], $0x80, s21, s7, $0xb8;
	[tilespmem:$0xB000] =	vst v63  }
0x78: {  	_ = 	snop  }
0x79: {  	[tilespmem:s11], [sflag:$0x1] =	stream.indirect.gather [hbm4b:s5+s7], $0x80, s22, s7, $0xb8;
	[tilespmem:$0xB000] =	vst v63  }
0x7a: {  	_ =	swait.ge [sflag:s6], $0x2000  }
0x7b: {  	[sflag:s6] =	ssyncset.done $0x0  }
0x7c: {  	[sflag:s6] =	ssyncadd.s32 $0xFFFFE000  }
0x7d: {  	_ =	swait.ge [sflag:s6], $0x2000  }
0x7e: {  	[sflag:s6] =	ssyncset.done $0x0  }
0x7f: {  	[sflag:s6] =	ssyncadd.s32 $0xFFFFE000  }
0x80: {  	_ =	swait.ge [sflag:s6], $0x2000  }
0x81: {  	[sflag:s6] =	ssyncset.done $0x0  }
0x82: {  	[sflag:s6] =	ssyncadd.s32 $0xFFFFE000  }
0x83: {  	_ =	swait.ge [sflag:s6], $0x2000  }
0x84: {  	[sflag:s6] =	ssyncset.done $0x0  }
0x85: {  	[sflag:s6] =	ssyncadd.s32 $0xFFFFE000  }
0x86: {  	_ =	swait.ge [sflag:s6], $0x2000  }
0x87: {  	[sflag:s6] =	ssyncset.done $0x0  }
0x88: {  	s1 =	rddreg [dreg:$0x6];
	[sflag:s6] =	ssyncadd.s32 $0xFFFFE000  }
0x89: {  	[hbm4b:s1+s2] =	stream.linear.scatter [tilespmem:s4], [sflag:$0x2], $0xA000, $0x38;
	[tilespmem:$0xB000] =	vst v63  }
0x8a: {  	_ =	swait.ge [sflag:s3], $0xA000  }
0x8b: {  	[sflag:s3] =	ssyncset.done $0x0  }
0x8c: {  	[sflag:s3] =	ssyncadd.s32 $0xFFFF6000  }
0x8d: {  	[tilespmem:s4], [sflag:$0x1] =	stream.indirect.gather [hbm4b:s5+s7], $0x80, s13, s7, $0xb8;
	[tilespmem:$0xB000] =	vst v63  }
0x8e: {  	_ = 	snop  }
0x8f: {  	[tilespmem:s8], [sflag:$0x1] =	stream.indirect.gather [hbm4b:s5+s7], $0x80, s14, s7, $0xb8;
	[tilespmem:$0xB000] =	vst v63  }
0x90: {  	_ = 	snop  }
0x91: {  	[tilespmem:s9], [sflag:$0x1] =	stream.indirect.gather [hbm4b:s5+s7], $0x80, s15, s7, $0xb8;
	[tilespmem:$0xB000] =	vst v63  }
0x92: {  	_ = 	snop  }
0x93: {  	[tilespmem:s10], [sflag:$0x1] =	stream.indirect.gather [hbm4b:s5+s7], $0x80, s16, s7, $0xb8;
	[tilespmem:$0xB000] =	vst v63  }
0x94: {  	_ = 	snop  }
0x95: {  	[tilespmem:s11], [sflag:$0x1] =	stream.indirect.gather [hbm4b:s5+s7], $0x80, s17, s7, $0xb8;
	[tilespmem:$0xB000] =	vst v63  }
0x96: {  	_ =	swait.ge [sflag:s6], $0x2000  }
0x97: {  	[sflag:s6] =	ssyncset.done $0x0  }
0x98: {  	[sflag:s6] =	ssyncadd.s32 $0xFFFFE000  }
0x99: {  	_ =	swait.ge [sflag:s6], $0x2000  }
0x9a: {  	[sflag:s6] =	ssyncset.done $0x0  }
0x9b: {  	[sflag:s6] =	ssyncadd.s32 $0xFFFFE000  }
0x9c: {  	_ =	swait.ge [sflag:s6], $0x2000  }
0x9d: {  	[sflag:s6] =	ssyncset.done $0x0  }
0x9e: {  	[sflag:s6] =	ssyncadd.s32 $0xFFFFE000  }
0x9f: {  	_ =	swait.ge [sflag:s6], $0x2000  }
0xa0: {  	[sflag:s6] =	ssyncset.done $0x0  }
0xa1: {  	[sflag:s6] =	ssyncadd.s32 $0xFFFFE000  }
0xa2: {  	p1 =	sne.s32 s12, $0x1;
	_ =	swait.ge [sflag:s6], $0x2000  }
.Ltmp1:
0xa3: {  	[sflag:s6] =	ssyncset.done $0x0;
	(pc) =	sbr.rel @!p1 .LBB2_3-.Ltmp1, $4  }
0xa4: {  	s1 =	rddreg [dreg:$0x7];
	[sflag:s6] =	ssyncadd.s32 $0xFFFFE000  }
0xa5: {  	[hbm4b:s1+s2] =	stream.linear.scatter [tilespmem:s4], [sflag:$0x2], $0xA000, $0x38;
	[tilespmem:$0xB000] =	vst v63  }
0xa6: {  	p0 =	por $0x1, $0x1;
	_ =	swait.ge [sflag:s3], $0xA000  }
0xa7: {  	s1 =	sadd.s32 $0xFFFFFFFF, s12;
	s0 =	rddreg [dreg:$0x2];
	[sflag:s3] =	ssyncset.done $0x0  }
.LBB2_4:
0xa8: {  	[sflag:s3] =	ssyncadd.s32 $0xFFFF6000  }
0xa9: {  	[tilespmem:s2], [sflag:$0x2] =	stream.linear.gather [hbm4b:s0+s2], $0xC80, $0x38;
	[tilespmem:$0xB000] =	vst v63  }
0xaa: {  	_ =	swait.ge [sflag:s3], $0xC80  }
0xab: {  	[sflag:s3] =	ssyncset.done $0x0  }
0xac: {  	[sflag:s3] =	ssyncadd.s32 $0xFFFFF380  }
0xad: {  	[tilespmem:s4], [sflag:$0x1] =	stream.indirect.gather [hbm4b:s5+s7], $0x80, s2, s7, $0xb8;
	[tilespmem:$0xB000] =	vst v63  }
0xae: {  	s0 =	rddreg [dreg:$0x8]  }
0xaf: {  	[tilespmem:s8], [sflag:$0x1] =	stream.indirect.gather [hbm4b:s5+s7], $0x80, s0, s7, $0xb8;
	[tilespmem:$0xB000] =	vst v63  }
0xb0: {  	s12 =	rddreg [dreg:$0x9]  }
0xb1: {  	[tilespmem:s9], [sflag:$0x1] =	stream.indirect.gather [hbm4b:s5+s7], $0x80, s12, s7, $0xb8;
	[tilespmem:$0xB000] =	vst v63  }
0xb2: {  	s0 =	rddreg [dreg:$0xa]  }
0xb3: {  	[tilespmem:s10], [sflag:$0x1] =	stream.indirect.gather [hbm4b:s5+s7], $0x80, s0, s7, $0xb8;
	[tilespmem:$0xB000] =	vst v63  }
0xb4: {  	s12 =	rddreg [dreg:$0xb]  }
0xb5: {  	[tilespmem:s11], [sflag:$0x1] =	stream.indirect.gather [hbm4b:s5+s7], $0x80, s12, s7, $0xb8;
	[tilespmem:$0xB000] =	vst v63  }
0xb6: {  	_ =	swait.ge [sflag:s6], $0x2000  }
0xb7: {  	[sflag:s6] =	ssyncset.done $0x0  }
0xb8: {  	[sflag:s6] =	ssyncadd.s32 $0xFFFFE000  }
0xb9: {  	_ =	swait.ge [sflag:s6], $0x2000  }
0xba: {  	[sflag:s6] =	ssyncset.done $0x0  }
0xbb: {  	[sflag:s6] =	ssyncadd.s32 $0xFFFFE000  }
0xbc: {  	_ =	swait.ge [sflag:s6], $0x2000  }
0xbd: {  	[sflag:s6] =	ssyncset.done $0x0  }
0xbe: {  	[sflag:s6] =	ssyncadd.s32 $0xFFFFE000  }
0xbf: {  	_ =	swait.ge [sflag:s6], $0x2000  }
0xc0: {  	[sflag:s6] =	ssyncset.done $0x0  }
0xc1: {  	[sflag:s6] =	ssyncadd.s32 $0xFFFFE000  }
0xc2: {  	_ =	swait.ge [sflag:s6], $0x2000  }
0xc3: {  	[sflag:s6] =	ssyncset.done $0x0  }
0xc4: {  	s12 =	rddreg [dreg:$0x3];
	[sflag:s6] =	ssyncadd.s32 $0xFFFFE000  }
0xc5: {  	[hbm4b:s12+s2] =	stream.linear.scatter [tilespmem:s4], [sflag:$0x2], $0xA000, $0x38;
	[tilespmem:$0xB000] =	vst v63  }
0xc6: {  	_ =	swait.ge [sflag:s3], $0xA000  }
0xc7: {  	[sflag:s3] =	ssyncset.done $0x0  }
0xc8: {  	s12 =	rddreg [dreg:$0xc];
	[sflag:s3] =	ssyncadd.s32 $0xFFFF6000  }
0xc9: {  	[tilespmem:s4], [sflag:$0x1] =	stream.indirect.gather [hbm4b:s5+s7], $0x80, s12, s7, $0xb8;
	[tilespmem:$0xB000] =	vst v63  }
0xca: {  	_ = 	snop  }
0xcb: {  	[tilespmem:s8], [sflag:$0x1] =	stream.indirect.gather [hbm4b:s5+s7], $0x80, s29, s7, $0xb8;
	[tilespmem:$0xB000] =	vst v63  }
0xcc: {  	_ = 	snop  }
0xcd: {  	[tilespmem:s9], [sflag:$0x1] =	stream.indirect.gather [hbm4b:s5+s7], $0x80, s30, s7, $0xb8;
	[tilespmem:$0xB000] =	vst v63  }
0xce: {  	_ = 	snop  }
0xcf: {  	[tilespmem:s10], [sflag:$0x1] =	stream.indirect.gather [hbm4b:s5+s7], $0x80, s31, s7, $0xb8;
	[tilespmem:$0xB000] =	vst v63  }
0xd0: {  	_ = 	snop  }
0xd1: {  	[tilespmem:s11], [sflag:$0x1] =	stream.indirect.gather [hbm4b:s5+s7], $0x80, s18, s7, $0xb8;
	[tilespmem:$0xB000] =	vst v63  }
0xd2: {  	_ =	swait.ge [sflag:s6], $0x2000  }
0xd3: {  	[sflag:s6] =	ssyncset.done $0x0  }
0xd4: {  	[sflag:s6] =	ssyncadd.s32 $0xFFFFE000  }
0xd5: {  	_ =	swait.ge [sflag:s6], $0x2000  }
0xd6: {  	[sflag:s6] =	ssyncset.done $0x0  }
0xd7: {  	[sflag:s6] =	ssyncadd.s32 $0xFFFFE000  }
0xd8: {  	_ =	swait.ge [sflag:s6], $0x2000  }
0xd9: {  	[sflag:s6] =	ssyncset.done $0x0  }
0xda: {  	[sflag:s6] =	ssyncadd.s32 $0xFFFFE000  }
0xdb: {  	_ =	swait.ge [sflag:s6], $0x2000  }
0xdc: {  	[sflag:s6] =	ssyncset.done $0x0  }
0xdd: {  	[sflag:s6] =	ssyncadd.s32 $0xFFFFE000  }
0xde: {  	_ =	swait.ge [sflag:s6], $0x2000  }
0xdf: {  	[sflag:s6] =	ssyncset.done $0x0  }
0xe0: {  	s12 =	rddreg [dreg:$0x4];
	[sflag:s6] =	ssyncadd.s32 $0xFFFFE000  }
0xe1: {  	[hbm4b:s12+s2] =	stream.linear.scatter [tilespmem:s4], [sflag:$0x2], $0xA000, $0x38;
	[tilespmem:$0xB000] =	vst v63  }
0xe2: {  	_ =	swait.ge [sflag:s3], $0xA000  }
0xe3: {  	[sflag:s3] =	ssyncset.done $0x0  }
0xe4: {  	[sflag:s3] =	ssyncadd.s32 $0xFFFF6000  }
0xe5: {  	[tilespmem:s4], [sflag:$0x1] =	stream.indirect.gather [hbm4b:s5+s7], $0x80, s23, s7, $0xb8;
	[tilespmem:$0xB000] =	vst v63  }
0xe6: {  	_ = 	snop  }
0xe7: {  	[tilespmem:s8], [sflag:$0x1] =	stream.indirect.gather [hbm4b:s5+s7], $0x80, s24, s7, $0xb8;
	[tilespmem:$0xB000] =	vst v63  }
0xe8: {  	_ = 	snop  }
0xe9: {  	[tilespmem:s9], [sflag:$0x1] =	stream.indirect.gather [hbm4b:s5+s7], $0x80, s25, s7, $0xb8;
	[tilespmem:$0xB000] =	vst v63  }
0xea: {  	_ = 	snop  }
0xeb: {  	[tilespmem:s10], [sflag:$0x1] =	stream.indirect.gather [hbm4b:s5+s7], $0x80, s26, s7, $0xb8;
	[tilespmem:$0xB000] =	vst v63  }
0xec: {  	_ = 	snop  }
0xed: {  	[tilespmem:s11], [sflag:$0x1] =	stream.indirect.gather [hbm4b:s5+s7], $0x80, s28, s7, $0xb8;
	[tilespmem:$0xB000] =	vst v63  }
0xee: {  	_ =	swait.ge [sflag:s6], $0x2000  }
0xef: {  	[sflag:s6] =	ssyncset.done $0x0  }
0xf0: {  	[sflag:s6] =	ssyncadd.s32 $0xFFFFE000  }
0xf1: {  	_ =	swait.ge [sflag:s6], $0x2000  }
0xf2: {  	[sflag:s6] =	ssyncset.done $0x0  }
0xf3: {  	[sflag:s6] =	ssyncadd.s32 $0xFFFFE000  }
0xf4: {  	_ =	swait.ge [sflag:s6], $0x2000  }
0xf5: {  	[sflag:s6] =	ssyncset.done $0x0  }
0xf6: {  	[sflag:s6] =	ssyncadd.s32 $0xFFFFE000  }
0xf7: {  	_ =	swait.ge [sflag:s6], $0x2000  }
0xf8: {  	[sflag:s6] =	ssyncset.done $0x0  }
0xf9: {  	[sflag:s6] =	ssyncadd.s32 $0xFFFFE000  }
0xfa: {  	_ =	swait.ge [sflag:s6], $0x2000  }
0xfb: {  	[sflag:s6] =	ssyncset.done $0x0  }
0xfc: {  	s12 =	rddreg [dreg:$0x5];
	[sflag:s6] =	ssyncadd.s32 $0xFFFFE000  }
0xfd: {  	[hbm4b:s12+s2] =	stream.linear.scatter [tilespmem:s4], [sflag:$0x2], $0xA000, $0x38;
	[tilespmem:$0xB000] =	vst v63  }
0xfe: {  	_ =	swait.ge [sflag:s3], $0xA000  }
0xff: {  	[sflag:s3] =	ssyncset.done $0x0  }
0x100: {  	s12 =	simm.s32 $0x780;
	[sflag:s3] =	ssyncadd.s32 $0xFFFF6000  }
0x101: {  	[tilespmem:s4], [sflag:$0x1] =	stream.indirect.gather [hbm4b:s5+s7], $0x80, s12, s7, $0xb8;
	[tilespmem:$0xB000] =	vst v63  }
0x102: {  	_ = 	snop  }
0x103: {  	[tilespmem:s8], [sflag:$0x1] =	stream.indirect.gather [hbm4b:s5+s7], $0x80, s19, s7, $0xb8;
	[tilespmem:$0xB000] =	vst v63  }
0x104: {  	_ = 	snop  }
0x105: {  	[tilespmem:s9], [sflag:$0x1] =	stream.indirect.gather [hbm4b:s5+s7], $0x80, s20, s7, $0xb8;
	[tilespmem:$0xB000] =	vst v63  }
0x106: {  	_ = 	snop  }
0x107: {  	[tilespmem:s10], [sflag:$0x1] =	stream.indirect.gather [hbm4b:s5+s7], $0x80, s21, s7, $0xb8;
	[tilespmem:$0xB000] =	vst v63  }
0x108: {  	_ = 	snop  }
0x109: {  	[tilespmem:s11], [sflag:$0x1] =	stream.indirect.gather [hbm4b:s5+s7], $0x80, s22, s7, $0xb8;
	[tilespmem:$0xB000] =	vst v63  }
0x10a: {  	_ =	swait.ge [sflag:s6], $0x2000  }
0x10b: {  	[sflag:s6] =	ssyncset.done $0x0  }
0x10c: {  	[sflag:s6] =	ssyncadd.s32 $0xFFFFE000  }
0x10d: {  	_ =	swait.ge [sflag:s6], $0x2000  }
0x10e: {  	[sflag:s6] =	ssyncset.done $0x0  }
0x10f: {  	[sflag:s6] =	ssyncadd.s32 $0xFFFFE000  }
0x110: {  	_ =	swait.ge [sflag:s6], $0x2000  }
0x111: {  	[sflag:s6] =	ssyncset.done $0x0  }
0x112: {  	[sflag:s6] =	ssyncadd.s32 $0xFFFFE000  }
0x113: {  	_ =	swait.ge [sflag:s6], $0x2000  }
0x114: {  	[sflag:s6] =	ssyncset.done $0x0  }
0x115: {  	[sflag:s6] =	ssyncadd.s32 $0xFFFFE000  }
0x116: {  	_ =	swait.ge [sflag:s6], $0x2000  }
0x117: {  	[sflag:s6] =	ssyncset.done $0x0  }
0x118: {  	s12 =	rddreg [dreg:$0x6];
	[sflag:s6] =	ssyncadd.s32 $0xFFFFE000  }
0x119: {  	[hbm4b:s12+s2] =	stream.linear.scatter [tilespmem:s4], [sflag:$0x2], $0xA000, $0x38;
	[tilespmem:$0xB000] =	vst v63  }
0x11a: {  	_ =	swait.ge [sflag:s3], $0xA000  }
0x11b: {  	[sflag:s3] =	ssyncset.done $0x0  }
0x11c: {  	[sflag:s3] =	ssyncadd.s32 $0xFFFF6000  }
0x11d: {  	[tilespmem:s4], [sflag:$0x1] =	stream.indirect.gather [hbm4b:s5+s7], $0x80, s13, s7, $0xb8;
	[tilespmem:$0xB000] =	vst v63  }
0x11e: {  	_ = 	snop  }
0x11f: {  	[tilespmem:s8], [sflag:$0x1] =	stream.indirect.gather [hbm4b:s5+s7], $0x80, s14, s7, $0xb8;
	[tilespmem:$0xB000] =	vst v63  }
0x120: {  	_ = 	snop  }
0x121: {  	[tilespmem:s9], [sflag:$0x1] =	stream.indirect.gather [hbm4b:s5+s7], $0x80, s15, s7, $0xb8;
	[tilespmem:$0xB000] =	vst v63  }
0x122: {  	_ = 	snop  }
0x123: {  	[tilespmem:s10], [sflag:$0x1] =	stream.indirect.gather [hbm4b:s5+s7], $0x80, s16, s7, $0xb8;
	[tilespmem:$0xB000] =	vst v63  }
0x124: {  	_ = 	snop  }
0x125: {  	[tilespmem:s11], [sflag:$0x1] =	stream.indirect.gather [hbm4b:s5+s7], $0x80, s17, s7, $0xb8;
	[tilespmem:$0xB000] =	vst v63  }
0x126: {  	_ =	swait.ge [sflag:s6], $0x2000  }
0x127: {  	[sflag:s6] =	ssyncset.done $0x0  }
0x128: {  	[sflag:s6] =	ssyncadd.s32 $0xFFFFE000  }
0x129: {  	_ =	swait.ge [sflag:s6], $0x2000  }
0x12a: {  	[sflag:s6] =	ssyncset.done $0x0  }
0x12b: {  	[sflag:s6] =	ssyncadd.s32 $0xFFFFE000  }
0x12c: {  	_ =	swait.ge [sflag:s6], $0x2000  }
0x12d: {  	[sflag:s6] =	ssyncset.done $0x0  }
0x12e: {  	[sflag:s6] =	ssyncadd.s32 $0xFFFFE000  }
0x12f: {  	_ =	swait.ge [sflag:s6], $0x2000  }
0x130: {  	[sflag:s6] =	ssyncset.done $0x0  }
0x131: {  	[sflag:s6] =	ssyncadd.s32 $0xFFFFE000  }
0x132: {  	p1 =	sne.s32 s1, $0x1;
	_ =	swait.ge [sflag:s6], $0x2000  }
.Ltmp2:
0x133: {  	[sflag:s6] =	ssyncset.done $0x0;
	(pc) =	sbr.rel @p1 .LBB2_4-.Ltmp2, $4  }
0x134: {  	s12 =	rddreg [dreg:$0x7];
	[sflag:s6] =	ssyncadd.s32 $0xFFFFE000  }
0x135: {  	[hbm4b:s12+s2] =	stream.linear.scatter [tilespmem:s4], [sflag:$0x2], $0xA000, $0x38;
	[tilespmem:$0xB000] =	vst v63  }
0x136: {  	_ =	swait.ge [sflag:s3], $0xA000  }
0x137: {  	s1 =	sadd.s32 $0xFFFFFFFF, s1;
	s0 =	rddreg [dreg:$0x2];
	[sflag:s3] =	ssyncset.done $0x0  }
0x138: {  	s17 =	simm.s32 $0x480  }
0x139: {  	s31 =	simm.s32 $0x400;
	s30 =	simm.s32 $0x380;
	s29 =	simm.s32 $0x300  }
0x13a: {  	s28 =	simm.s32 $0x700;
	s26 =	simm.s32 $0x680;
	s25 =	simm.s32 $0x600  }
0x13b: {  	s24 =	simm.s32 $0x580;
	s23 =	simm.s32 $0x500;
	s22 =	simm.s32 $0x980  }
0x13c: {  	s21 =	simm.s32 $0x900;
	s20 =	simm.s32 $0x880;
	s19 =	simm.s32 $0x800  }
0x13d: {  	s18 =	simm.s32 $0x780;
	s16 =	simm.s32 $0xB80;
	s15 =	simm.s32 $0xB00  }
0x13e: {  	s14 =	simm.s32 $0xA80;
	s13 =	simm.s32 $0xA00;
	s12 =	stileid.u32  }
.LBB2_6:
0x13f: {  	[sflag:s3] =	ssyncadd.s32 @p0 $0xFFFF6000  }
0x140: {  	[tilespmem:s2], [sflag:$0x2] =	stream.linear.gather [hbm4b:s0+s2], $0xC80, $0x38;
	[tilespmem:$0xB000] =	vst v63  }
0x141: {  	_ =	swait.ge [sflag:s3], $0xC80  }
0x142: {  	[sflag:s3] =	ssyncset.done $0x0  }
0x143: {  	[sflag:s3] =	ssyncadd.s32 $0xFFFFF380  }
0x144: {  	[tilespmem:s4], [sflag:$0x1] =	stream.indirect.gather [hbm4b:s5+s7], $0x80, s2, s7, $0xb8;
	[tilespmem:$0xB000] =	vst v63  }
0x145: {  	s0 =	rddreg [dreg:$0x8]  }
0x146: {  	[tilespmem:s8], [sflag:$0x1] =	stream.indirect.gather [hbm4b:s5+s7], $0x80, s0, s7, $0xb8;
	[tilespmem:$0xB000] =	vst v63  }
0x147: {  	s1 =	rddreg [dreg:$0x9]  }
0x148: {  	[tilespmem:s9], [sflag:$0x1] =	stream.indirect.gather [hbm4b:s5+s7], $0x80, s1, s7, $0xb8;
	[tilespmem:$0xB000] =	vst v63  }
0x149: {  	s0 =	rddreg [dreg:$0xa]  }
0x14a: {  	[tilespmem:s10], [sflag:$0x1] =	stream.indirect.gather [hbm4b:s5+s7], $0x80, s0, s7, $0xb8;
	[tilespmem:$0xB000] =	vst v63  }
0x14b: {  	s1 =	rddreg [dreg:$0xb]  }
0x14c: {  	[tilespmem:s11], [sflag:$0x1] =	stream.indirect.gather [hbm4b:s5+s7], $0x80, s1, s7, $0xb8;
	[tilespmem:$0xB000] =	vst v63  }
0x14d: {  	_ =	swait.ge [sflag:s6], $0x2000  }
0x14e: {  	[sflag:s6] =	ssyncset.done $0x0  }
0x14f: {  	[sflag:s6] =	ssyncadd.s32 $0xFFFFE000  }
0x150: {  	_ =	swait.ge [sflag:s6], $0x2000  }
0x151: {  	[sflag:s6] =	ssyncset.done $0x0  }
0x152: {  	[sflag:s6] =	ssyncadd.s32 $0xFFFFE000  }
0x153: {  	_ =	swait.ge [sflag:s6], $0x2000  }
0x154: {  	[sflag:s6] =	ssyncset.done $0x0  }
0x155: {  	[sflag:s6] =	ssyncadd.s32 $0xFFFFE000  }
0x156: {  	_ =	swait.ge [sflag:s6], $0x2000  }
0x157: {  	[sflag:s6] =	ssyncset.done $0x0  }
0x158: {  	[sflag:s6] =	ssyncadd.s32 $0xFFFFE000  }
0x159: {  	_ =	swait.ge [sflag:s6], $0x2000  }
0x15a: {  	[sflag:s6] =	ssyncset.done $0x0  }
0x15b: {  	s1 =	rddreg [dreg:$0x3];
	[sflag:s6] =	ssyncadd.s32 $0xFFFFE000  }
0x15c: {  	[hbm4b:s1+s2] =	stream.linear.scatter [tilespmem:s4], [sflag:$0x2], $0xA000, $0x38;
	[tilespmem:$0xB000] =	vst v63  }
0x15d: {  	_ =	swait.ge [sflag:s3], $0xA000  }
0x15e: {  	[sflag:s3] =	ssyncset.done $0x0  }
0x15f: {  	s1 =	rddreg [dreg:$0xc];
	[sflag:s3] =	ssyncadd.s32 $0xFFFF6000  }
0x160: {  	[tilespmem:s4], [sflag:$0x1] =	stream.indirect.gather [hbm4b:s5+s7], $0x80, s1, s7, $0xb8;
	[tilespmem:$0xB000] =	vst v63  }
0x161: {  	_ = 	snop  }
0x162: {  	[tilespmem:s8], [sflag:$0x1] =	stream.indirect.gather [hbm4b:s5+s7], $0x80, s29, s7, $0xb8;
	[tilespmem:$0xB000] =	vst v63  }
0x163: {  	_ = 	snop  }
0x164: {  	[tilespmem:s9], [sflag:$0x1] =	stream.indirect.gather [hbm4b:s5+s7], $0x80, s30, s7, $0xb8;
	[tilespmem:$0xB000] =	vst v63  }
0x165: {  	_ = 	snop  }
0x166: {  	[tilespmem:s10], [sflag:$0x1] =	stream.indirect.gather [hbm4b:s5+s7], $0x80, s31, s7, $0xb8;
	[tilespmem:$0xB000] =	vst v63  }
0x167: {  	_ = 	snop  }
0x168: {  	[tilespmem:s11], [sflag:$0x1] =	stream.indirect.gather [hbm4b:s5+s7], $0x80, s17, s7, $0xb8;
	[tilespmem:$0xB000] =	vst v63  }
0x169: {  	_ =	swait.ge [sflag:s6], $0x2000  }
0x16a: {  	[sflag:s6] =	ssyncset.done $0x0  }
0x16b: {  	[sflag:s6] =	ssyncadd.s32 $0xFFFFE000  }
0x16c: {  	_ =	swait.ge [sflag:s6], $0x2000  }
0x16d: {  	[sflag:s6] =	ssyncset.done $0x0  }
0x16e: {  	[sflag:s6] =	ssyncadd.s32 $0xFFFFE000  }
0x16f: {  	_ =	swait.ge [sflag:s6], $0x2000  }
0x170: {  	[sflag:s6] =	ssyncset.done $0x0  }
0x171: {  	[sflag:s6] =	ssyncadd.s32 $0xFFFFE000  }
0x172: {  	_ =	swait.ge [sflag:s6], $0x2000  }
0x173: {  	[sflag:s6] =	ssyncset.done $0x0  }
0x174: {  	[sflag:s6] =	ssyncadd.s32 $0xFFFFE000  }
0x175: {  	_ =	swait.ge [sflag:s6], $0x2000  }
0x176: {  	[sflag:s6] =	ssyncset.done $0x0  }
0x177: {  	s17 =	rddreg [dreg:$0x4];
	[sflag:s6] =	ssyncadd.s32 $0xFFFFE000  }
0x178: {  	[hbm4b:s17+s2] =	stream.linear.scatter [tilespmem:s4], [sflag:$0x2], $0xA000, $0x38;
	[tilespmem:$0xB000] =	vst v63  }
0x179: {  	_ =	swait.ge [sflag:s3], $0xA000  }
0x17a: {  	[sflag:s3] =	ssyncset.done $0x0  }
0x17b: {  	[sflag:s3] =	ssyncadd.s32 $0xFFFF6000  }
0x17c: {  	[tilespmem:s4], [sflag:$0x1] =	stream.indirect.gather [hbm4b:s5+s7], $0x80, s23, s7, $0xb8;
	[tilespmem:$0xB000] =	vst v63  }
0x17d: {  	_ = 	snop  }
0x17e: {  	[tilespmem:s8], [sflag:$0x1] =	stream.indirect.gather [hbm4b:s5+s7], $0x80, s24, s7, $0xb8;
	[tilespmem:$0xB000] =	vst v63  }
0x17f: {  	_ = 	snop  }
0x180: {  	[tilespmem:s9], [sflag:$0x1] =	stream.indirect.gather [hbm4b:s5+s7], $0x80, s25, s7, $0xb8;
	[tilespmem:$0xB000] =	vst v63  }
0x181: {  	_ = 	snop  }
0x182: {  	[tilespmem:s10], [sflag:$0x1] =	stream.indirect.gather [hbm4b:s5+s7], $0x80, s26, s7, $0xb8;
	[tilespmem:$0xB000] =	vst v63  }
0x183: {  	_ = 	snop  }
0x184: {  	[tilespmem:s11], [sflag:$0x1] =	stream.indirect.gather [hbm4b:s5+s7], $0x80, s28, s7, $0xb8;
	[tilespmem:$0xB000] =	vst v63  }
0x185: {  	_ =	swait.ge [sflag:s6], $0x2000  }
0x186: {  	[sflag:s6] =	ssyncset.done $0x0  }
0x187: {  	[sflag:s6] =	ssyncadd.s32 $0xFFFFE000  }
0x188: {  	_ =	swait.ge [sflag:s6], $0x2000  }
0x189: {  	[sflag:s6] =	ssyncset.done $0x0  }
0x18a: {  	[sflag:s6] =	ssyncadd.s32 $0xFFFFE000  }
0x18b: {  	_ =	swait.ge [sflag:s6], $0x2000  }
0x18c: {  	[sflag:s6] =	ssyncset.done $0x0  }
0x18d: {  	[sflag:s6] =	ssyncadd.s32 $0xFFFFE000  }
0x18e: {  	_ =	swait.ge [sflag:s6], $0x2000  }
0x18f: {  	[sflag:s6] =	ssyncset.done $0x0  }
0x190: {  	[sflag:s6] =	ssyncadd.s32 $0xFFFFE000  }
0x191: {  	_ =	swait.ge [sflag:s6], $0x2000  }
0x192: {  	[sflag:s6] =	ssyncset.done $0x0  }
0x193: {  	s28 =	rddreg [dreg:$0x5];
	[sflag:s6] =	ssyncadd.s32 $0xFFFFE000  }
0x194: {  	[hbm4b:s28+s2] =	stream.linear.scatter [tilespmem:s4], [sflag:$0x2], $0xA000, $0x38;
	[tilespmem:$0xB000] =	vst v63  }
0x195: {  	_ =	swait.ge [sflag:s3], $0xA000  }
0x196: {  	[sflag:s3] =	ssyncset.done $0x0  }
0x197: {  	[sflag:s3] =	ssyncadd.s32 $0xFFFF6000  }
0x198: {  	[tilespmem:s4], [sflag:$0x1] =	stream.indirect.gather [hbm4b:s5+s7], $0x80, s18, s7, $0xb8;
	[tilespmem:$0xB000] =	vst v63  }
0x199: {  	_ = 	snop  }
0x19a: {  	[tilespmem:s8], [sflag:$0x1] =	stream.indirect.gather [hbm4b:s5+s7], $0x80, s19, s7, $0xb8;
	[tilespmem:$0xB000] =	vst v63  }
0x19b: {  	_ = 	snop  }
0x19c: {  	[tilespmem:s9], [sflag:$0x1] =	stream.indirect.gather [hbm4b:s5+s7], $0x80, s20, s7, $0xb8;
	[tilespmem:$0xB000] =	vst v63  }
0x19d: {  	_ = 	snop  }
0x19e: {  	[tilespmem:s10], [sflag:$0x1] =	stream.indirect.gather [hbm4b:s5+s7], $0x80, s21, s7, $0xb8;
	[tilespmem:$0xB000] =	vst v63  }
0x19f: {  	_ = 	snop  }
0x1a0: {  	[tilespmem:s11], [sflag:$0x1] =	stream.indirect.gather [hbm4b:s5+s7], $0x80, s22, s7, $0xb8;
	[tilespmem:$0xB000] =	vst v63  }
0x1a1: {  	_ =	swait.ge [sflag:s6], $0x2000  }
0x1a2: {  	[sflag:s6] =	ssyncset.done $0x0  }
0x1a3: {  	[sflag:s6] =	ssyncadd.s32 $0xFFFFE000  }
0x1a4: {  	_ =	swait.ge [sflag:s6], $0x2000  }
0x1a5: {  	[sflag:s6] =	ssyncset.done $0x0  }
0x1a6: {  	[sflag:s6] =	ssyncadd.s32 $0xFFFFE000  }
0x1a7: {  	_ =	swait.ge [sflag:s6], $0x2000  }
0x1a8: {  	[sflag:s6] =	ssyncset.done $0x0  }
0x1a9: {  	[sflag:s6] =	ssyncadd.s32 $0xFFFFE000  }
0x1aa: {  	_ =	swait.ge [sflag:s6], $0x2000  }
0x1ab: {  	[sflag:s6] =	ssyncset.done $0x0  }
0x1ac: {  	[sflag:s6] =	ssyncadd.s32 $0xFFFFE000  }
0x1ad: {  	_ =	swait.ge [sflag:s6], $0x2000  }
0x1ae: {  	[sflag:s6] =	ssyncset.done $0x0  }
0x1af: {  	s29 =	rddreg [dreg:$0x6];
	[sflag:s6] =	ssyncadd.s32 $0xFFFFE000  }
0x1b0: {  	[hbm4b:s29+s2] =	stream.linear.scatter [tilespmem:s4], [sflag:$0x2], $0xA000, $0x38;
	[tilespmem:$0xB000] =	vst v63  }
0x1b1: {  	_ =	swait.ge [sflag:s3], $0xA000  }
0x1b2: {  	[sflag:s3] =	ssyncset.done $0x0  }
0x1b3: {  	[sflag:s3] =	ssyncadd.s32 $0xFFFF6000  }
0x1b4: {  	[tilespmem:s4], [sflag:$0x1] =	stream.indirect.gather [hbm4b:s5+s7], $0x80, s13, s7, $0xb8;
	[tilespmem:$0xB000] =	vst v63  }
0x1b5: {  	_ = 	snop  }
0x1b6: {  	[tilespmem:s8], [sflag:$0x1] =	stream.indirect.gather [hbm4b:s5+s7], $0x80, s14, s7, $0xb8;
	[tilespmem:$0xB000] =	vst v63  }
0x1b7: {  	_ = 	snop  }
0x1b8: {  	[tilespmem:s9], [sflag:$0x1] =	stream.indirect.gather [hbm4b:s5+s7], $0x80, s15, s7, $0xb8;
	[tilespmem:$0xB000] =	vst v63  }
0x1b9: {  	_ = 	snop  }
0x1ba: {  	[tilespmem:s10], [sflag:$0x1] =	stream.indirect.gather [hbm4b:s5+s7], $0x80, s16, s7, $0xb8;
	[tilespmem:$0xB000] =	vst v63  }
0x1bb: {  	s30 =	simm.s32 $0xC00  }
0x1bc: {  	[tilespmem:s11], [sflag:$0x1] =	stream.indirect.gather [hbm4b:s5+s7], $0x80, s30, s7, $0xb8;
	[tilespmem:$0xB000] =	vst v63  }
0x1bd: {  	_ =	swait.ge [sflag:s6], $0x2000  }
0x1be: {  	[sflag:s6] =	ssyncset.done $0x0  }
0x1bf: {  	[sflag:s6] =	ssyncadd.s32 $0xFFFFE000  }
0x1c0: {  	_ =	swait.ge [sflag:s6], $0x2000  }
0x1c1: {  	[sflag:s6] =	ssyncset.done $0x0  }
0x1c2: {  	[sflag:s6] =	ssyncadd.s32 $0xFFFFE000  }
0x1c3: {  	_ =	swait.ge [sflag:s6], $0x2000  }
0x1c4: {  	[sflag:s6] =	ssyncset.done $0x0  }
0x1c5: {  	[sflag:s6] =	ssyncadd.s32 $0xFFFFE000  }
0x1c6: {  	_ =	swait.ge [sflag:s6], $0x2000  }
0x1c7: {  	[sflag:s6] =	ssyncset.done $0x0  }
0x1c8: {  	[sflag:s6] =	ssyncadd.s32 $0xFFFFE000  }
0x1c9: {  	_ =	swait.ge [sflag:s6], $0x2000  }
0x1ca: {  	[sflag:s6] =	ssyncset.done $0x0  }
0x1cb: {  	s31 =	rddreg [dreg:$0x7];
	[sflag:s6] =	ssyncadd.s32 $0xFFFFE000  }
0x1cc: {  	[hbm4b:s31+s2] =	stream.linear.scatter [tilespmem:s4], [sflag:$0x2], $0xA000, $0x38;
	[tilespmem:$0xB000] =	vst v63  }
0x1cd: {  	_ =	swait.ge [sflag:s3], $0xA000  }
0x1ce: {  	[sflag:s3] =	ssyncset.done $0x0  }
0x1cf: {  	[sflag:s3] =	ssyncadd.s32 $0xFFFF6000  }
0x1d0: {  	_ =	sfence.sel $0x180000  }
0x1d1: {  	[bflag:$0x0] =	sbarrier.arrive $0xFFFF  }
0x1d2: {  	_ =	strace $0x90000047  }
0x1d3: {  	[bflag:$0x2] =	sbarrier.arrive $0xFFFF  }
0x1d4: {  	p0 =	sne.s32 s12, $0x0;
	s0 =	rddreg [dreg:$0x1]  }
0x1d5: {  	s0 =	sadd.s32 @!p0 $0x100000, s0  }
0x1d6: {  	[sflag:s0] =	ssyncadd.tile.s32 @!p0 $0x1;
	_ =	shalt  }
.LBB2_1:
0x1d7: {  	s17 =	simm.s32 $0x480  }
0x1d8: {  	s31 =	simm.s32 $0x400;
	s30 =	simm.s32 $0x380;
	s29 =	simm.s32 $0x300  }
.Ltmp3:
0x1d9: {  	s28 =	simm.s32 $0x700;
	s26 =	simm.s32 $0x680;
	(pc) =	sbr.rel .LBB2_6-.Ltmp3, $4  }
0x1da: {  	s25 =	simm.s32 $0x600;
	s24 =	simm.s32 $0x580;
	s23 =	simm.s32 $0x500  }
0x1db: {  	s22 =	simm.s32 $0x980;
	s21 =	simm.s32 $0x900;
	s20 =	simm.s32 $0x880  }
0x1dc: {  	s19 =	simm.s32 $0x800;
	s18 =	simm.s32 $0x780;
	s16 =	simm.s32 $0xB80  }
0x1dd: {  	s15 =	simm.s32 $0xB00;
	s14 =	simm.s32 $0xA80;
	s13 =	simm.s32 $0xA00  }
.LBB2_3:
0x1de: {  	s17 =	simm.s32 $0x480;
	s31 =	simm.s32 $0x400  }
0x1df: {  	s30 =	simm.s32 $0x380;
	s29 =	simm.s32 $0x300;
	s28 =	simm.s32 $0x700  }
.Ltmp4:
0x1e0: {  	s26 =	simm.s32 $0x680;
	s25 =	simm.s32 $0x600;
	(pc) =	sbr.rel .LBB2_6-.Ltmp4, $4  }
0x1e1: {  	s24 =	simm.s32 $0x580;
	s23 =	simm.s32 $0x500;
	s22 =	simm.s32 $0x980  }
0x1e2: {  	s21 =	simm.s32 $0x900;
	s20 =	simm.s32 $0x880;
	s19 =	simm.s32 $0x800  }
0x1e3: {  	s18 =	simm.s32 $0x780;
	s16 =	simm.s32 $0xB80;
	s15 =	simm.s32 $0xB00  }
0x1e4: {  	s14 =	simm.s32 $0xA80;
	s13 =	simm.s32 $0xA00;
	s12 =	stileid.u32  }
.Lfunc_end2:
_tile_overlayer_lowered:
.L_overlay_start_2:
0x1e5: {  	(tag) =	ssettag $0x2  }
0x1e6: {  	s0 =	rddreg [dreg:$0x0];
	s2 =	stileid.u32  }
0x1e7: {  	s1 =	rddreg [dreg:$0x1];
	p0 =	sne.s32 s2, $0x0  }
0x1e8: {  	s3 =	rddreg [dreg:$0x2];
	[bflag:$0x3] =	sbarrier.arrive $0xFFFF;
	s2 =	simm.s32 @!p0 $0x1C02  }
0x1e9: {  	[timem:s3], [sflag:s2] =	dma.local @!p0 [hbm:s0], s1  }
0x1ea: {  	s0 =	simm.s32 @!p0 $0x2  }
0x1eb: {  	_ =	swait.ge @!p0 [sflag:s0], s1  }
0x1ec: {  	s1 =	ssub.s32 @!p0 $0x0, s1;
	[sflag:s0] =	ssyncset.done @!p0 $0x0  }
0x1ed: {  	[sflag:s0] =	ssyncadd.s32 @!p0 s1  }
0x1ee: {  	[bflag:$0x3] =	sbarrier.arrive $0xFFFF  }
0x1ef: {  	_ =	shalt  }

// kernel: kernel.13.cloned.1.call-start
scs
__scs_entry_jumppad:
0x0: {  	(pc) =	sbr.rel $0x88, $3  }
0x1: {  	(tag) =	ssettag $0x0;
	lr =	simm.s32 $0x1  }
0x2: {  	[smem:$0x3F9C] =	sst lr;
	_ =	strace $0xD0000000  }
0x3: {  	_ = 	snop  }
0x4: {  	_ = 	snop  }
0x5: {  	_ = 	snop  }
0x6: {  	_ = 	snop  }
0x7: {  	_ = 	snop  }
__scs_overlays_trampoline_lowered:
0x8: {  	[smem:$0x3FAB] =	sst s0  }
0x9: {  	[smem:$0x3FAC] =	sst s1  }
0xa: {  	[smem:$0x3FAD] =	sst s2  }
0xb: {  	[smem:$0x3FAE] =	sst s3  }
0xc: {  	[smem:$0x3FAF] =	sst s4  }
0xd: {  	[smem:$0x3FB0] =	sst s5  }
0xe: {  	[smem:$0x3FB1] =	sst s6  }
0xf: {  	[smem:$0x3FB2] =	sst s7  }
0x10: {  	[smem:$0x3FB3] =	sst s8  }
0x11: {  	[smem:$0x3FB4] =	sst s9;
	s0 =	simm.s32 @!p0 $0x0  }
0x12: {  	s1 =	sld [smem:$0x3F9A];
	s0 =	simm.s32 @p0 $0x1  }
0x13: {  	[smem:$0x3FB5] =	sst s0;
	s0 =	simm.s32 @!p1 $0x0  }
0x14: {  	s2 =	sld [smem:$0x3F99];
	s0 =	simm.s32 @p1 $0x1  }
0x15: {  	[smem:$0x3FB6] =	sst s0;
	s0 =	simm.s32 @!p2 $0x0  }
0x16: {  	s3 =	sld [smem:$0x3FDB];
	s0 =	simm.s32 @p2 $0x1  }
0x17: {  	s4 =	simm.s32 $0x1BF5;
	[smem:$0x3FB8] =	sst s0  }
0x18: {  	s0 =	sld [smem:$0x3F9B];
	_ =	swait.ge [sflag:s4], $0x0  }
0x19: {  	s7 =	sld [smem:$0x3F9C]  }
0x1a: {  	s8 =	sadd.s32 $0xFFFFE003, lr  }
0x1b: {  	s9 =	sadd.s32 $0xFFFFFEF7, lr;
	s5 =	simm.s32 $0xFFFFFFFF;
	p2 =	slt.u32 s8, $0xFFFFF086  }
0x1c: {  	p1 =	slt.u32 s9, $0xF7A;
	s5 =	simm.s32 @!p2 $0x0  }
0x1d: {  	s5 =	simm.s32 @p1 $0x1;
	p0 =	seq.s32 s7, s2  }
0x1e: {  	s7 =	smul.u32 @!p0 $0xF7A, s2;
	p2 =	seq.s32 @!p0 s5, $0x0  }
0x1f: {  	s9 =	smul.u32 $0xF7A, s1;
	s8 =	simm.s32 @!p0 $0x1BF5;
	p2 =	por !p2, p0  }
0x20: {  	[sflag:s8] =	ssyncset.s32 @!p0 $0xFFFFF086;
	s6 =	sadd.s32 @!p0 s3, s7;
	s7 =	simm.s32 @!p0 $0x108  }
0x21: {  	s3 =	sadd.s32 s3, s9;
	s6 =	sadd.s32 @!p0 $0x88, s6;
	s7 =	simm.s32 @p2 $0x1082  }
0x22: {  	[simem:s7], [sflag:s8] =	dma.local @!p0 [hbm:s6], $0xF7A  }
0x23: {  	s9 =	sor.u32 $0xD0000000, s2;
	s6 =	simm.s32 $0x108;
	_ =	swait.ge @!p0 [sflag:s8], $0x0  }
0x24: {  	s3 =	sadd.s32 $0x88, s3;
	s6 =	simm.s32 @!p1 $0x1082;
	[sflag:s4] =	ssyncset.s32 $0xFFFFF086  }
0x25: {  	[simem:s6], [sflag:s4] =	dma.local [hbm:s3], $0xF7A  }
0x26: {  	[smem:$0x3F9C] =	sst s1;
	(tag) =	ssettag s2;
	_ =	strace s9  }
0x27: {  	s1 =	sld [smem:$0x3FAC]  }
0x28: {  	s2 =	sld [smem:$0x3FAD]  }
0x29: {  	s4 =	sld [smem:$0x3FAF]  }
0x2a: {  	p0 =	seq.s32 s5, $0x0;
	s5 =	sld [smem:$0x3FB0]  }
0x2b: {  	s6 =	sld [smem:$0x3FB1]  }
0x2c: {  	s7 =	sld [smem:$0x3FB2]  }
0x2d: {  	s3 =	simm.s32 $0x108;
	s8 =	sld [smem:$0x3FB3]  }
0x2e: {  	s3 =	simm.s32 @!p0 $0x1082;
	s9 =	sld [smem:$0x3FB4]  }
0x2f: {  	lr =	sadd.s32 s0, s3;
	s0 =	sld [smem:$0x3FAB]  }
0x30: {  	s3 =	sld [smem:$0x3FAE]  }
0x31: {  	[smem:$0x3FB7] =	sst s10  }
0x32: {  	s10 =	sld [smem:$0x3FB5];
	_ =	sdelay $0x3  }
0x33: {  	p0 =	seq.s32 s10, $0x1;
	s10 =	sld [smem:$0x3FB7];
	_ =	sdelay $0x3  }
0x34: {  	[smem:$0x3FB7] =	sst s10  }
0x35: {  	s10 =	sld [smem:$0x3FB6];
	_ =	sdelay $0x3  }
0x36: {  	p1 =	seq.s32 s10, $0x1;
	s10 =	sld [smem:$0x3FB7];
	_ =	sdelay $0x3  }
0x37: {  	[smem:$0x3FB7] =	sst s10  }
0x38: {  	s10 =	sld [smem:$0x3FB8]  }
0x39: {  	_ = 	snop;
	(pc) =	sbr.ind lr, $3  }
0x3a: {  	_ = 	snop  }
0x3b: {  	_ = 	snop  }
0x3c: {  	p2 =	seq.s32 s10, $0x1;
	s10 =	sld [smem:$0x3FB7]  }
0x3d: {  	_ =	shalt  }
0x3e: {  	_ =	shalt  }
0x3f: {  	_ =	shalt  }
0x40: {  	_ =	shalt  }
0x41: {  	_ =	shalt  }
0x42: {  	_ =	shalt  }
0x43: {  	_ =	shalt  }
0x44: {  	_ =	shalt  }
0x45: {  	_ =	shalt  }
0x46: {  	_ =	shalt  }
0x47: {  	_ =	shalt  }
0x48: {  	_ =	shalt  }
0x49: {  	_ =	shalt  }
0x4a: {  	_ =	shalt  }
0x4b: {  	_ =	shalt  }
0x4c: {  	_ =	shalt  }
0x4d: {  	_ =	shalt  }
0x4e: {  	_ =	shalt  }
0x4f: {  	_ =	shalt  }
0x50: {  	_ =	shalt  }
0x51: {  	_ =	shalt  }
0x52: {  	_ =	shalt  }
0x53: {  	_ =	shalt  }
0x54: {  	_ =	shalt  }
0x55: {  	_ =	shalt  }
0x56: {  	_ =	shalt  }
0x57: {  	_ =	shalt  }
0x58: {  	_ =	shalt  }
0x59: {  	_ =	shalt  }
0x5a: {  	_ =	shalt  }
0x5b: {  	_ =	shalt  }
0x5c: {  	_ =	shalt  }
0x5d: {  	_ =	shalt  }
0x5e: {  	_ =	shalt  }
0x5f: {  	_ =	shalt  }
0x60: {  	_ =	shalt  }
0x61: {  	_ =	shalt  }
0x62: {  	_ =	shalt  }
0x63: {  	_ =	shalt  }
0x64: {  	_ =	shalt  }
0x65: {  	_ =	shalt  }
0x66: {  	_ =	shalt  }
0x67: {  	_ =	shalt  }
0x68: {  	_ =	shalt  }
0x69: {  	_ =	shalt  }
0x6a: {  	_ =	shalt  }
0x6b: {  	_ =	shalt  }
0x6c: {  	_ =	shalt  }
0x6d: {  	_ =	shalt  }
0x6e: {  	_ =	shalt  }
0x6f: {  	_ =	shalt  }
0x70: {  	_ =	shalt  }
0x71: {  	_ =	shalt  }
0x72: {  	_ =	shalt  }
0x73: {  	_ =	shalt  }
0x74: {  	_ =	shalt  }
0x75: {  	_ =	shalt  }
0x76: {  	_ =	shalt  }
0x77: {  	_ =	shalt  }
0x78: {  	_ =	shalt  }
0x79: {  	_ =	shalt  }
0x7a: {  	_ =	shalt  }
0x7b: {  	_ =	shalt  }
0x7c: {  	_ =	shalt  }
0x7d: {  	_ =	shalt  }
0x7e: {  	_ =	shalt  }
0x7f: {  	_ =	shalt  }
0x80: {  	_ =	shalt  }
0x81: {  	_ =	shalt  }
0x82: {  	_ =	shalt  }
0x83: {  	_ =	shalt  }
0x84: {  	_ =	shalt  }
0x85: {  	_ =	shalt  }
0x86: {  	_ =	shalt  }
0x87: {  	_ =	shalt  }
.Lfunc_end0:
.L_simem_size_0:
called_computation.1_lowered:
.L_overlay_start_0:
0x88: {  	s2 =	sld [smem:$0x3FD9]  }
0x89: {  	s3 =	sld [smem:$0x3FFE];
	_ =	sdelay $0x1  }
0x8a: {  	s1 =	srdreg.scid  }
0x8b: {  	s0 =	sand.u32 $0x1, s1  }
0x8c: {  	s17 =	sshll.u32 s0, $0xA;
	s2 =	sadd.s32 s3, s2  }
0x8d: {  	s2 =	sadd.s32 s2, s17  }
0x8e: {  	[smem:$0x3FC3] =	sst s2  }
0x8f: {  	_ = 	snop  }
0x90: {  	(tm) =	ssettm $0x1  }
0x91: {  	s18 =	sld [smem:$0x3FFB];
	_ =	sdelay $0x3  }
0x92: {  	_ =	strace s18  }
0x93: {  	s2 =	sld [smem:$0x3FFC];
	_ =	sdelay $0x3  }
0x94: {  	_ =	strace s2  }
0x95: {  	s2 =	sld [smem:$0x3FFD];
	_ =	sdelay $0x3  }
0x96: {  	_ =	strace s2  }
0x97: {  	_ =	strace $0x8FFFFFFF  }
0x98: {  	s19 =	sld [smem:$0x3FDB];
	_ =	sdelay $0x1  }
0x99: {  	s20 =	simm.s32 $_scs_section_size  }
0x9a: {  	s4 =	simm.s32 $_size__tile_overlayer_lowered;
	s5 =	simm.s32 $_tile_overlayer_lowered  }
0x9b: {  	s6 =	simm.s32 $0x1BFF;
	s21 =	sshll.u32 s5, $0x1;
	s3 =	sadd.s32 s20, s19  }
0x9c: {  	s22 =	simm.s32 $0x0;
	s4 =	sshll.u32 s4, $0x1;
	s5 =	sadd.s32 s21, s3  }
0x9d: {  	[timem:s22], [sflag:s6] =	dma.local [hbm:s5], s4  }
0x9e: {  	_ =	swait.ge [sflag:s6], s4  }
0x9f: {  	s4 =	ssub.s32 $0x0, s4;
	[sflag:s6] =	ssyncset.done $0x0  }
0xa0: {  	[sflag:s6] =	ssyncadd.s32 s4;
	_ =	sdelay $0x1  }
0xa1: {  	s23 =	simm.s32 $0x1B8B  }
0xa2: {  	_ =	swait.ge [sflag:s23], $0x1  }
0xa3: {  	[sflag:s23] =	ssyncset.done $0x0  }
0xa4: {  	[sflag:s23] =	ssyncadd.s32 $0xFFFFFFFF  }
0xa5: {  	s4 =	sld [smem:$0x0]  }
0xa6: {  	s5 =	sand.u32 $0xFFFFFFFE, s1  }
0xa7: {  	p0 =	sne.s32 s1, s5  }
0xa8: {  	s5 =	sshll.u32 @p0 s5, $0xE  }
0xa9: {  	s5 =	sadd.s32 @p0 $0x11B8D, s5;
	s6 =	sshll.u32 @p0 s4, $0x11  }
0xaa: {  	s5 =	sor.u32 @p0 s6, s5  }
0xab: {  	[sflag:s5] =	ssyncadd.remote.s32 @p0 $0x1;
	_ =	sdelay $0x1  }
0xac: {  	s5 =	simm.s32 @p0 $0x1B8D  }
0xad: {  	_ =	swait.eq @p0 [sflag:s5], $0x1  }
0xae: {  	[sflag:s5] =	ssyncadd.s32 @p0 $0xFFFFFFFF  }
0xaf: {  	s6 =	sshll.u32 @!p0 s1, $0xE  }
0xb0: {  	s6 =	sor.u32 @!p0 $0x4000, s6;
	s5 =	simm.s32 @!p0 $0x1B8D  }
0xb1: {  	s4 =	sshll.u32 @!p0 s4, $0x11;
	s6 =	sadd.s32 @!p0 $0x11B8D, s6;
	_ =	swait.eq @!p0 [sflag:s5], $0x1  }
0xb2: {  	s4 =	sor.u32 @!p0 s4, s6;
	[sflag:s5] =	ssyncadd.s32 @!p0 $0xFFFFFFFF  }
0xb3: {  	s25 =	simm.s32 $0x1B8E;
	s24 =	sld [smem:$0x3FFE];
	[sflag:s4] =	ssyncadd.remote.s32 @!p0 $0x1  }
0xb4: {  	s26 =	simm.s32 $execute0_lowered;
	[smem:$0x3FD2] =	sst s25  }
0xb5: {  	s5 =	sshll.u32 s26, $0x1;
	_ =	strace $0x80000049;
	[dreg:$0x1] =	wrdreg $0xFFFFFFFF  }
0xb6: {  	s28 =	simm.s32 $_size_execute0_lowered;
	s3 =	sadd.s32 s3, s5;
	[dreg:$0x0] =	wrdreg $0x0  }
0xb7: {  	s5 =	sshll.u32 s28, $0x1;
	[dreg:$0x2] =	wrdreg s3  }
0xb8: {  	[dreg:$0x3] =	wrdreg s5  }
0xb9: {  	[dreg:$0x4] =	wrdreg $0xC0  }
0xba: {  	_ =	task [dreg:s22], $0x5FFFF  }
0xbb: {  	[dreg:$0x1] =	wrdreg $0xFFFFFFFF  }
0xbc: {  	[dreg:$0x0] =	wrdreg $0x60  }
0xbd: {  	[dreg:$0x2] =	wrdreg s24  }
0xbe: {  	[dreg:$0x3] =	wrdreg $0xA  }
0xbf: {  	_ =	task.clear_ibuf [dreg:s22], $0x4FFFF;
	_ =	strace $0x90000049  }
0xc0: {  	s29 =	simm.s32 $0xA;
	_ =	strace $0x8000004B  }
0xc1: {  	_ =	swait.ge [sflag:s29], $0x1  }
0xc2: {  	[sflag:s29] =	ssyncadd.s32 $0xFFFFFFFF  }
0xc3: {  	_ =	strace $0x9000004B  }
0xc4: {  	_ =	sfence  }
0xc5: {  	s30 =	sld [smem:$0x0];
	_ =	sdelay $0x2  }
0xc6: {  	s31 =	sshll.u32 s1, $0xD;
	s1 =	sshrl.u32 s1, $0x2  }
0xc7: {  	s4 =	sand.u32 $0x4000, s31;
	s1 =	sadd.s32 s1, s30  }
0xc8: {  	s0 =	sor.u32 s4, s0;
	s1 =	sshll.u32 s1, $0x11  }
0xc9: {  	s0 =	sor.u32 s1, s0  }
0xca: {  	s0 =	sadd.s32 $0x8F2B, s0  }
0xcb: {  	[sflag:s0] =	ssyncadd.remote.s32 $0x1  }
0xcc: {  	_ =	sfence.sel $0xFFFF  }
0xcd: {  	[dreg:$0x0] =	wrdreg $0xFFFFFFFF;
	(pc) =	sbr.abs _section_cstart, $3  }
0xce: {  	[dreg:$0x1] =	wrdreg $0xFFFFFFFF  }
0xcf: {  	_ =	task.clear_ibuf [dreg:s22], $0x2FFFF;
	_ =	strace $0x9FFFFFFF  }
0xd0: {  	(tm) =	ssettm $0x7FFFFFFF  }
0xd1: {  	_ =	shalt  }
tec
execute0_lowered:
.L_overlay_start_1:
0x0: {  	(tag) =	ssettag $0x1  }
0x1: {  	s0 =	srdreg.scid  }
0x2: {  	s12 =	stileid.u32;
	s3 =	rddreg [dreg:$0x0]  }
0x3: {  	s2 =	simm.s32 $0x0;
	s22 =	simm.s32 $0x80;
	s7 =	simm.s32 $0x40  }
0x4: {  	s23 =	simm.s32 $0x100;
	s24 =	simm.s32 $0x180;
	s8 =	simm.s32 $0x3000  }
0x5: {  	s25 =	simm.s32 $0x200;
	s9 =	simm.s32 $0x5000;
	s10 =	simm.s32 $0x7000  }
0x6: {  	s11 =	simm.s32 $0x9000;
	s26 =	simm.s32 $0x280;
	s29 =	simm.s32 $0x300  }
0x7: {  	s30 =	simm.s32 $0x380;
	s31 =	simm.s32 $0x400;
	s28 =	simm.s32 $0x700  }
0x8: {  	p0 =	por $0x0, $0x0;
	s13 =	simm.s32 $0xA00;
	[smem:$0x7FF] =	sst s2  }
0x9: {  	s14 =	simm.s32 $0xA80;
	_ =	strace $0x8000004A;
	[dreg:$0x8] =	wrdreg s22  }
0xa: {  	s15 =	simm.s32 $0xB00;
	s16 =	simm.s32 $0xB80;
	[dreg:$0x9] =	wrdreg s23  }
0xb: {  	s0 =	sand.u32 $0x1, s0;
	s1 =	sshll.u32 s12, $0x1;
	[dreg:$0xa] =	wrdreg s24  }
0xc: {  	s5 =	sadd.s32 $0x4000, s3;
	s1 =	sor.u32 s0, s1;
	[dreg:$0xb] =	wrdreg s25  }
0xd: {  	s0 =	ssub.s32 $0x2, s0;
	[dreg:$0xc] =	wrdreg s26;
	s23 =	simm.s32 $0x500  }
0xe: {  	s24 =	simm.s32 $0x580;
	s25 =	simm.s32 $0x600;
	s26 =	simm.s32 $0x680  }
0xf: {  	s4 =	smul.u32 $0x32000, s1;
	s1 =	sshll.u32 s1, $0x9;
	s6 =	sshrl.u32 s0, $0x1  }
0x10: {  	s22 =	simm.s32 $0x980;
	s1 =	sadd.s32 s1, s3;
	s0 =	ssub.s32 s0, s6  }
0x11: {  	s4 =	sshrl.u32 s4, $0x3;
	s1 =	sadd.s32 $0xD0000, s1;
	s0 =	smax.u32 s0, $0x1  }
0x12: {  	s4 =	sadd.s32 s4, s3;
	[dreg:$0x2] =	wrdreg s1;
	p1 =	sne.s32 s0, $0x1  }
0x13: {  	s1 =	sadd.s32 $0xFFFFFFFF, s0;
	s17 =	sadd.s32 $0xD4000, s4;
	s0 =	rddreg [dreg:$0x2]  }
0x14: {  	s6 =	simm.s32 $0x1;
	s18 =	sadd.s32 $0xD5400, s4;
	[dreg:$0x3] =	wrdreg s17  }
.Ltmp0:
0x15: {  	s19 =	sadd.s32 $0xD6800, s4;
	[dreg:$0x4] =	wrdreg s18;
	(pc) =	sbr.rel @!p1 .LBB2_1-.Ltmp0, $4  }
0x16: {  	s3 =	simm.s32 $0x2;
	s20 =	sadd.s32 $0xD7C00, s4;
	[dreg:$0x5] =	wrdreg s19  }
0x17: {  	s21 =	sadd.s32 $0xD9000, s4;
	s4 =	simm.s32 $0x1000;
	[dreg:$0x6] =	wrdreg s20  }
0x18: {  	[dreg:$0x7] =	wrdreg s21;
	s18 =	simm.s32 $0x480;
	s19 =	simm.s32 $0x800  }
0x19: {  	s20 =	simm.s32 $0x880;
	s21 =	simm.s32 $0x900;
	s17 =	simm.s32 $0xC00  }
0x1a: {  	[tilespmem:s2], [sflag:$0x2] =	stream.linear.gather [hbm4b:s0+s2], $0xC80, $0x38;
	[tilespmem:$0xB000] =	vst v63  }
0x1b: {  	_ =	swait.ge [sflag:s3], $0xC80  }
0x1c: {  	[sflag:s3] =	ssyncset.done $0x0  }
0x1d: {  	[sflag:s3] =	ssyncadd.s32 $0xFFFFF380  }
0x1e: {  	[tilespmem:s4], [sflag:$0x1] =	stream.indirect.gather [hbm4b:s5+s7], $0x80, s2, s7, $0xb8;
	[tilespmem:$0xB000] =	vst v63  }
0x1f: {  	s0 =	rddreg [dreg:$0x8]  }
0x20: {  	[tilespmem:s8], [sflag:$0x1] =	stream.indirect.gather [hbm4b:s5+s7], $0x80, s0, s7, $0xb8;
	[tilespmem:$0xB000] =	vst v63  }
0x21: {  	s12 =	smov.u32 s1;
	s1 =	rddreg [dreg:$0x9]  }
0x22: {  	[tilespmem:s9], [sflag:$0x1] =	stream.indirect.gather [hbm4b:s5+s7], $0x80, s1, s7, $0xb8;
	[tilespmem:$0xB000] =	vst v63  }
0x23: {  	s0 =	rddreg [dreg:$0xa]  }
0x24: {  	[tilespmem:s10], [sflag:$0x1] =	stream.indirect.gather [hbm4b:s5+s7], $0x80, s0, s7, $0xb8;
	[tilespmem:$0xB000] =	vst v63  }
0x25: {  	s1 =	rddreg [dreg:$0xb]  }
0x26: {  	[tilespmem:s11], [sflag:$0x1] =	stream.indirect.gather [hbm4b:s5+s7], $0x80, s1, s7, $0xb8;
	[tilespmem:$0xB000] =	vst v63  }
0x27: {  	_ =	swait.ge [sflag:s6], $0x2000  }
0x28: {  	[sflag:s6] =	ssyncset.done $0x0  }
0x29: {  	[sflag:s6] =	ssyncadd.s32 $0xFFFFE000  }
0x2a: {  	_ =	swait.ge [sflag:s6], $0x2000  }
0x2b: {  	[sflag:s6] =	ssyncset.done $0x0  }
0x2c: {  	[sflag:s6] =	ssyncadd.s32 $0xFFFFE000  }
0x2d: {  	_ =	swait.ge [sflag:s6], $0x2000  }
0x2e: {  	[sflag:s6] =	ssyncset.done $0x0  }
0x2f: {  	[sflag:s6] =	ssyncadd.s32 $0xFFFFE000  }
0x30: {  	_ =	swait.ge [sflag:s6], $0x2000  }
0x31: {  	[sflag:s6] =	ssyncset.done $0x0  }
0x32: {  	[sflag:s6] =	ssyncadd.s32 $0xFFFFE000  }
0x33: {  	_ =	swait.ge [sflag:s6], $0x2000  }
0x34: {  	[sflag:s6] =	ssyncset.done $0x0  }
0x35: {  	s1 =	rddreg [dreg:$0x3];
	[sflag:s6] =	ssyncadd.s32 $0xFFFFE000  }
0x36: {  	[hbm4b:s1+s2] =	stream.linear.scatter [tilespmem:s4], [sflag:$0x2], $0xA000, $0x38;
	[tilespmem:$0xB000] =	vst v63  }
0x37: {  	_ =	swait.ge [sflag:s3], $0xA000  }
0x38: {  	[sflag:s3] =	ssyncset.done $0x0  }
0x39: {  	s1 =	rddreg [dreg:$0xc];
	[sflag:s3] =	ssyncadd.s32 $0xFFFF6000  }
0x3a: {  	[tilespmem:s4], [sflag:$0x1] =	stream.indirect.gather [hbm4b:s5+s7], $0x80, s1, s7, $0xb8;
	[tilespmem:$0xB000] =	vst v63  }
0x3b: {  	_ = 	snop  }
0x3c: {  	[tilespmem:s8], [sflag:$0x1] =	stream.indirect.gather [hbm4b:s5+s7], $0x80, s29, s7, $0xb8;
	[tilespmem:$0xB000] =	vst v63  }
0x3d: {  	_ = 	snop  }
0x3e: {  	[tilespmem:s9], [sflag:$0x1] =	stream.indirect.gather [hbm4b:s5+s7], $0x80, s30, s7, $0xb8;
	[tilespmem:$0xB000] =	vst v63  }
0x3f: {  	_ = 	snop  }
0x40: {  	[tilespmem:s10], [sflag:$0x1] =	stream.indirect.gather [hbm4b:s5+s7], $0x80, s31, s7, $0xb8;
	[tilespmem:$0xB000] =	vst v63  }
0x41: {  	_ = 	snop  }
0x42: {  	[tilespmem:s11], [sflag:$0x1] =	stream.indirect.gather [hbm4b:s5+s7], $0x80, s18, s7, $0xb8;
	[tilespmem:$0xB000] =	vst v63  }
0x43: {  	_ =	swait.ge [sflag:s6], $0x2000  }
0x44: {  	[sflag:s6] =	ssyncset.done $0x0  }
0x45: {  	[sflag:s6] =	ssyncadd.s32 $0xFFFFE000  }
0x46: {  	_ =	swait.ge [sflag:s6], $0x2000  }
0x47: {  	[sflag:s6] =	ssyncset.done $0x0  }
0x48: {  	[sflag:s6] =	ssyncadd.s32 $0xFFFFE000  }
0x49: {  	_ =	swait.ge [sflag:s6], $0x2000  }
0x4a: {  	[sflag:s6] =	ssyncset.done $0x0  }
0x4b: {  	[sflag:s6] =	ssyncadd.s32 $0xFFFFE000  }
0x4c: {  	_ =	swait.ge [sflag:s6], $0x2000  }
0x4d: {  	[sflag:s6] =	ssyncset.done $0x0  }
0x4e: {  	[sflag:s6] =	ssyncadd.s32 $0xFFFFE000  }
0x4f: {  	_ =	swait.ge [sflag:s6], $0x2000  }
0x50: {  	[sflag:s6] =	ssyncset.done $0x0  }
0x51: {  	s1 =	rddreg [dreg:$0x4];
	[sflag:s6] =	ssyncadd.s32 $0xFFFFE000  }
0x52: {  	[hbm4b:s1+s2] =	stream.linear.scatter [tilespmem:s4], [sflag:$0x2], $0xA000, $0x38;
	[tilespmem:$0xB000] =	vst v63  }
0x53: {  	_ =	swait.ge [sflag:s3], $0xA000  }
0x54: {  	[sflag:s3] =	ssyncset.done $0x0  }
0x55: {  	[sflag:s3] =	ssyncadd.s32 $0xFFFF6000  }
0x56: {  	[tilespmem:s4], [sflag:$0x1] =	stream.indirect.gather [hbm4b:s5+s7], $0x80, s23, s7, $0xb8;
	[tilespmem:$0xB000] =	vst v63  }
0x57: {  	_ = 	snop  }
0x58: {  	[tilespmem:s8], [sflag:$0x1] =	stream.indirect.gather [hbm4b:s5+s7], $0x80, s24, s7, $0xb8;
	[tilespmem:$0xB000] =	vst v63  }
0x59: {  	_ = 	snop  }
0x5a: {  	[tilespmem:s9], [sflag:$0x1] =	stream.indirect.gather [hbm4b:s5+s7], $0x80, s25, s7, $0xb8;
	[tilespmem:$0xB000] =	vst v63  }
0x5b: {  	_ = 	snop  }
0x5c: {  	[tilespmem:s10], [sflag:$0x1] =	stream.indirect.gather [hbm4b:s5+s7], $0x80, s26, s7, $0xb8;
	[tilespmem:$0xB000] =	vst v63  }
0x5d: {  	_ = 	snop  }
0x5e: {  	[tilespmem:s11], [sflag:$0x1] =	stream.indirect.gather [hbm4b:s5+s7], $0x80, s28, s7, $0xb8;
	[tilespmem:$0xB000] =	vst v63  }
0x5f: {  	_ =	swait.ge [sflag:s6], $0x2000  }
0x60: {  	[sflag:s6] =	ssyncset.done $0x0  }
0x61: {  	[sflag:s6] =	ssyncadd.s32 $0xFFFFE000  }
0x62: {  	_ =	swait.ge [sflag:s6], $0x2000  }
0x63: {  	[sflag:s6] =	ssyncset.done $0x0  }
0x64: {  	[sflag:s6] =	ssyncadd.s32 $0xFFFFE000  }
0x65: {  	_ =	swait.ge [sflag:s6], $0x2000  }
0x66: {  	[sflag:s6] =	ssyncset.done $0x0  }
0x67: {  	[sflag:s6] =	ssyncadd.s32 $0xFFFFE000  }
0x68: {  	_ =	swait.ge [sflag:s6], $0x2000  }
0x69: {  	[sflag:s6] =	ssyncset.done $0x0  }
0x6a: {  	[sflag:s6] =	ssyncadd.s32 $0xFFFFE000  }
0x6b: {  	_ =	swait.ge [sflag:s6], $0x2000  }
0x6c: {  	[sflag:s6] =	ssyncset.done $0x0  }
0x6d: {  	s1 =	rddreg [dreg:$0x5];
	[sflag:s6] =	ssyncadd.s32 $0xFFFFE000  }
0x6e: {  	[hbm4b:s1+s2] =	stream.linear.scatter [tilespmem:s4], [sflag:$0x2], $0xA000, $0x38;
	[tilespmem:$0xB000] =	vst v63  }
0x6f: {  	_ =	swait.ge [sflag:s3], $0xA000  }
0x70: {  	[sflag:s3] =	ssyncset.done $0x0  }
0x71: {  	s1 =	simm.s32 $0x780;
	[sflag:s3] =	ssyncadd.s32 $0xFFFF6000  }
0x72: {  	[tilespmem:s4], [sflag:$0x1] =	stream.indirect.gather [hbm4b:s5+s7], $0x80, s1, s7, $0xb8;
	[tilespmem:$0xB000] =	vst v63  }
0x73: {  	_ = 	snop  }
0x74: {  	[tilespmem:s8], [sflag:$0x1] =	stream.indirect.gather [hbm4b:s5+s7], $0x80, s19, s7, $0xb8;
	[tilespmem:$0xB000] =	vst v63  }
0x75: {  	_ = 	snop  }
0x76: {  	[tilespmem:s9], [sflag:$0x1] =	stream.indirect.gather [hbm4b:s5+s7], $0x80, s20, s7, $0xb8;
	[tilespmem:$0xB000] =	vst v63  }
0x77: {  	_ = 	snop  }
0x78: {  	[tilespmem:s10], [sflag:$0x1] =	stream.indirect.gather [hbm4b:s5+s7], $0x80, s21, s7, $0xb8;
	[tilespmem:$0xB000] =	vst v63  }
0x79: {  	_ = 	snop  }
0x7a: {  	[tilespmem:s11], [sflag:$0x1] =	stream.indirect.gather [hbm4b:s5+s7], $0x80, s22, s7, $0xb8;
	[tilespmem:$0xB000] =	vst v63  }
0x7b: {  	_ =	swait.ge [sflag:s6], $0x2000  }
0x7c: {  	[sflag:s6] =	ssyncset.done $0x0  }
0x7d: {  	[sflag:s6] =	ssyncadd.s32 $0xFFFFE000  }
0x7e: {  	_ =	swait.ge [sflag:s6], $0x2000  }
0x7f: {  	[sflag:s6] =	ssyncset.done $0x0  }
0x80: {  	[sflag:s6] =	ssyncadd.s32 $0xFFFFE000  }
0x81: {  	_ =	swait.ge [sflag:s6], $0x2000  }
0x82: {  	[sflag:s6] =	ssyncset.done $0x0  }
0x83: {  	[sflag:s6] =	ssyncadd.s32 $0xFFFFE000  }
0x84: {  	_ =	swait.ge [sflag:s6], $0x2000  }
0x85: {  	[sflag:s6] =	ssyncset.done $0x0  }
0x86: {  	[sflag:s6] =	ssyncadd.s32 $0xFFFFE000  }
0x87: {  	_ =	swait.ge [sflag:s6], $0x2000  }
0x88: {  	[sflag:s6] =	ssyncset.done $0x0  }
0x89: {  	s1 =	rddreg [dreg:$0x6];
	[sflag:s6] =	ssyncadd.s32 $0xFFFFE000  }
0x8a: {  	[hbm4b:s1+s2] =	stream.linear.scatter [tilespmem:s4], [sflag:$0x2], $0xA000, $0x38;
	[tilespmem:$0xB000] =	vst v63  }
0x8b: {  	_ =	swait.ge [sflag:s3], $0xA000  }
0x8c: {  	[sflag:s3] =	ssyncset.done $0x0  }
0x8d: {  	[sflag:s3] =	ssyncadd.s32 $0xFFFF6000  }
0x8e: {  	[tilespmem:s4], [sflag:$0x1] =	stream.indirect.gather [hbm4b:s5+s7], $0x80, s13, s7, $0xb8;
	[tilespmem:$0xB000] =	vst v63  }
0x8f: {  	_ = 	snop  }
0x90: {  	[tilespmem:s8], [sflag:$0x1] =	stream.indirect.gather [hbm4b:s5+s7], $0x80, s14, s7, $0xb8;
	[tilespmem:$0xB000] =	vst v63  }
0x91: {  	_ = 	snop  }
0x92: {  	[tilespmem:s9], [sflag:$0x1] =	stream.indirect.gather [hbm4b:s5+s7], $0x80, s15, s7, $0xb8;
	[tilespmem:$0xB000] =	vst v63  }
0x93: {  	_ = 	snop  }
0x94: {  	[tilespmem:s10], [sflag:$0x1] =	stream.indirect.gather [hbm4b:s5+s7], $0x80, s16, s7, $0xb8;
	[tilespmem:$0xB000] =	vst v63  }
0x95: {  	_ = 	snop  }
0x96: {  	[tilespmem:s11], [sflag:$0x1] =	stream.indirect.gather [hbm4b:s5+s7], $0x80, s17, s7, $0xb8;
	[tilespmem:$0xB000] =	vst v63  }
0x97: {  	_ =	swait.ge [sflag:s6], $0x2000  }
0x98: {  	[sflag:s6] =	ssyncset.done $0x0  }
0x99: {  	[sflag:s6] =	ssyncadd.s32 $0xFFFFE000  }
0x9a: {  	_ =	swait.ge [sflag:s6], $0x2000  }
0x9b: {  	[sflag:s6] =	ssyncset.done $0x0  }
0x9c: {  	[sflag:s6] =	ssyncadd.s32 $0xFFFFE000  }
0x9d: {  	_ =	swait.ge [sflag:s6], $0x2000  }
0x9e: {  	[sflag:s6] =	ssyncset.done $0x0  }
0x9f: {  	[sflag:s6] =	ssyncadd.s32 $0xFFFFE000  }
0xa0: {  	_ =	swait.ge [sflag:s6], $0x2000  }
0xa1: {  	[sflag:s6] =	ssyncset.done $0x0  }
0xa2: {  	[sflag:s6] =	ssyncadd.s32 $0xFFFFE000  }
0xa3: {  	p1 =	sne.s32 s12, $0x1;
	_ =	swait.ge [sflag:s6], $0x2000  }
.Ltmp1:
0xa4: {  	[sflag:s6] =	ssyncset.done $0x0;
	(pc) =	sbr.rel @!p1 .LBB2_3-.Ltmp1, $4  }
0xa5: {  	s1 =	rddreg [dreg:$0x7];
	[sflag:s6] =	ssyncadd.s32 $0xFFFFE000  }
0xa6: {  	[hbm4b:s1+s2] =	stream.linear.scatter [tilespmem:s4], [sflag:$0x2], $0xA000, $0x38;
	[tilespmem:$0xB000] =	vst v63  }
0xa7: {  	p0 =	por $0x1, $0x1;
	_ =	swait.ge [sflag:s3], $0xA000  }
0xa8: {  	s1 =	sadd.s32 $0xFFFFFFFF, s12;
	s0 =	rddreg [dreg:$0x2];
	[sflag:s3] =	ssyncset.done $0x0  }
.LBB2_4:
0xa9: {  	[sflag:s3] =	ssyncadd.s32 $0xFFFF6000  }
0xaa: {  	[tilespmem:s2], [sflag:$0x2] =	stream.linear.gather [hbm4b:s0+s2], $0xC80, $0x38;
	[tilespmem:$0xB000] =	vst v63  }
0xab: {  	_ =	swait.ge [sflag:s3], $0xC80  }
0xac: {  	[sflag:s3] =	ssyncset.done $0x0  }
0xad: {  	[sflag:s3] =	ssyncadd.s32 $0xFFFFF380  }
0xae: {  	[tilespmem:s4], [sflag:$0x1] =	stream.indirect.gather [hbm4b:s5+s7], $0x80, s2, s7, $0xb8;
	[tilespmem:$0xB000] =	vst v63  }
0xaf: {  	s0 =	rddreg [dreg:$0x8]  }
0xb0: {  	[tilespmem:s8], [sflag:$0x1] =	stream.indirect.gather [hbm4b:s5+s7], $0x80, s0, s7, $0xb8;
	[tilespmem:$0xB000] =	vst v63  }
0xb1: {  	s12 =	rddreg [dreg:$0x9]  }
0xb2: {  	[tilespmem:s9], [sflag:$0x1] =	stream.indirect.gather [hbm4b:s5+s7], $0x80, s12, s7, $0xb8;
	[tilespmem:$0xB000] =	vst v63  }
0xb3: {  	s0 =	rddreg [dreg:$0xa]  }
0xb4: {  	[tilespmem:s10], [sflag:$0x1] =	stream.indirect.gather [hbm4b:s5+s7], $0x80, s0, s7, $0xb8;
	[tilespmem:$0xB000] =	vst v63  }
0xb5: {  	s12 =	rddreg [dreg:$0xb]  }
0xb6: {  	[tilespmem:s11], [sflag:$0x1] =	stream.indirect.gather [hbm4b:s5+s7], $0x80, s12, s7, $0xb8;
	[tilespmem:$0xB000] =	vst v63  }
0xb7: {  	_ =	swait.ge [sflag:s6], $0x2000  }
0xb8: {  	[sflag:s6] =	ssyncset.done $0x0  }
0xb9: {  	[sflag:s6] =	ssyncadd.s32 $0xFFFFE000  }
0xba: {  	_ =	swait.ge [sflag:s6], $0x2000  }
0xbb: {  	[sflag:s6] =	ssyncset.done $0x0  }
0xbc: {  	[sflag:s6] =	ssyncadd.s32 $0xFFFFE000  }
0xbd: {  	_ =	swait.ge [sflag:s6], $0x2000  }
0xbe: {  	[sflag:s6] =	ssyncset.done $0x0  }
0xbf: {  	[sflag:s6] =	ssyncadd.s32 $0xFFFFE000  }
0xc0: {  	_ =	swait.ge [sflag:s6], $0x2000  }
0xc1: {  	[sflag:s6] =	ssyncset.done $0x0  }
0xc2: {  	[sflag:s6] =	ssyncadd.s32 $0xFFFFE000  }
0xc3: {  	_ =	swait.ge [sflag:s6], $0x2000  }
0xc4: {  	[sflag:s6] =	ssyncset.done $0x0  }
0xc5: {  	s12 =	rddreg [dreg:$0x3];
	[sflag:s6] =	ssyncadd.s32 $0xFFFFE000  }
0xc6: {  	[hbm4b:s12+s2] =	stream.linear.scatter [tilespmem:s4], [sflag:$0x2], $0xA000, $0x38;
	[tilespmem:$0xB000] =	vst v63  }
0xc7: {  	_ =	swait.ge [sflag:s3], $0xA000  }
0xc8: {  	[sflag:s3] =	ssyncset.done $0x0  }
0xc9: {  	s12 =	rddreg [dreg:$0xc];
	[sflag:s3] =	ssyncadd.s32 $0xFFFF6000  }
0xca: {  	[tilespmem:s4], [sflag:$0x1] =	stream.indirect.gather [hbm4b:s5+s7], $0x80, s12, s7, $0xb8;
	[tilespmem:$0xB000] =	vst v63  }
0xcb: {  	_ = 	snop  }
0xcc: {  	[tilespmem:s8], [sflag:$0x1] =	stream.indirect.gather [hbm4b:s5+s7], $0x80, s29, s7, $0xb8;
	[tilespmem:$0xB000] =	vst v63  }
0xcd: {  	_ = 	snop  }
0xce: {  	[tilespmem:s9], [sflag:$0x1] =	stream.indirect.gather [hbm4b:s5+s7], $0x80, s30, s7, $0xb8;
	[tilespmem:$0xB000] =	vst v63  }
0xcf: {  	_ = 	snop  }
0xd0: {  	[tilespmem:s10], [sflag:$0x1] =	stream.indirect.gather [hbm4b:s5+s7], $0x80, s31, s7, $0xb8;
	[tilespmem:$0xB000] =	vst v63  }
0xd1: {  	_ = 	snop  }
0xd2: {  	[tilespmem:s11], [sflag:$0x1] =	stream.indirect.gather [hbm4b:s5+s7], $0x80, s18, s7, $0xb8;
	[tilespmem:$0xB000] =	vst v63  }
0xd3: {  	_ =	swait.ge [sflag:s6], $0x2000  }
0xd4: {  	[sflag:s6] =	ssyncset.done $0x0  }
0xd5: {  	[sflag:s6] =	ssyncadd.s32 $0xFFFFE000  }
0xd6: {  	_ =	swait.ge [sflag:s6], $0x2000  }
0xd7: {  	[sflag:s6] =	ssyncset.done $0x0  }
0xd8: {  	[sflag:s6] =	ssyncadd.s32 $0xFFFFE000  }
0xd9: {  	_ =	swait.ge [sflag:s6], $0x2000  }
0xda: {  	[sflag:s6] =	ssyncset.done $0x0  }
0xdb: {  	[sflag:s6] =	ssyncadd.s32 $0xFFFFE000  }
0xdc: {  	_ =	swait.ge [sflag:s6], $0x2000  }
0xdd: {  	[sflag:s6] =	ssyncset.done $0x0  }
0xde: {  	[sflag:s6] =	ssyncadd.s32 $0xFFFFE000  }
0xdf: {  	_ =	swait.ge [sflag:s6], $0x2000  }
0xe0: {  	[sflag:s6] =	ssyncset.done $0x0  }
0xe1: {  	s12 =	rddreg [dreg:$0x4];
	[sflag:s6] =	ssyncadd.s32 $0xFFFFE000  }
0xe2: {  	[hbm4b:s12+s2] =	stream.linear.scatter [tilespmem:s4], [sflag:$0x2], $0xA000, $0x38;
	[tilespmem:$0xB000] =	vst v63  }
0xe3: {  	_ =	swait.ge [sflag:s3], $0xA000  }
0xe4: {  	[sflag:s3] =	ssyncset.done $0x0  }
0xe5: {  	[sflag:s3] =	ssyncadd.s32 $0xFFFF6000  }
0xe6: {  	[tilespmem:s4], [sflag:$0x1] =	stream.indirect.gather [hbm4b:s5+s7], $0x80, s23, s7, $0xb8;
	[tilespmem:$0xB000] =	vst v63  }
0xe7: {  	_ = 	snop  }
0xe8: {  	[tilespmem:s8], [sflag:$0x1] =	stream.indirect.gather [hbm4b:s5+s7], $0x80, s24, s7, $0xb8;
	[tilespmem:$0xB000] =	vst v63  }
0xe9: {  	_ = 	snop  }
0xea: {  	[tilespmem:s9], [sflag:$0x1] =	stream.indirect.gather [hbm4b:s5+s7], $0x80, s25, s7, $0xb8;
	[tilespmem:$0xB000] =	vst v63  }
0xeb: {  	_ = 	snop  }
0xec: {  	[tilespmem:s10], [sflag:$0x1] =	stream.indirect.gather [hbm4b:s5+s7], $0x80, s26, s7, $0xb8;
	[tilespmem:$0xB000] =	vst v63  }
0xed: {  	_ = 	snop  }
0xee: {  	[tilespmem:s11], [sflag:$0x1] =	stream.indirect.gather [hbm4b:s5+s7], $0x80, s28, s7, $0xb8;
	[tilespmem:$0xB000] =	vst v63  }
0xef: {  	_ =	swait.ge [sflag:s6], $0x2000  }
0xf0: {  	[sflag:s6] =	ssyncset.done $0x0  }
0xf1: {  	[sflag:s6] =	ssyncadd.s32 $0xFFFFE000  }
0xf2: {  	_ =	swait.ge [sflag:s6], $0x2000  }
0xf3: {  	[sflag:s6] =	ssyncset.done $0x0  }
0xf4: {  	[sflag:s6] =	ssyncadd.s32 $0xFFFFE000  }
0xf5: {  	_ =	swait.ge [sflag:s6], $0x2000  }
0xf6: {  	[sflag:s6] =	ssyncset.done $0x0  }
0xf7: {  	[sflag:s6] =	ssyncadd.s32 $0xFFFFE000  }
0xf8: {  	_ =	swait.ge [sflag:s6], $0x2000  }
0xf9: {  	[sflag:s6] =	ssyncset.done $0x0  }
0xfa: {  	[sflag:s6] =	ssyncadd.s32 $0xFFFFE000  }
0xfb: {  	_ =	swait.ge [sflag:s6], $0x2000  }
0xfc: {  	[sflag:s6] =	ssyncset.done $0x0  }
0xfd: {  	s12 =	rddreg [dreg:$0x5];
	[sflag:s6] =	ssyncadd.s32 $0xFFFFE000  }
0xfe: {  	[hbm4b:s12+s2] =	stream.linear.scatter [tilespmem:s4], [sflag:$0x2], $0xA000, $0x38;
	[tilespmem:$0xB000] =	vst v63  }
0xff: {  	_ =	swait.ge [sflag:s3], $0xA000  }
0x100: {  	[sflag:s3] =	ssyncset.done $0x0  }
0x101: {  	s12 =	simm.s32 $0x780;
	[sflag:s3] =	ssyncadd.s32 $0xFFFF6000  }
0x102: {  	[tilespmem:s4], [sflag:$0x1] =	stream.indirect.gather [hbm4b:s5+s7], $0x80, s12, s7, $0xb8;
	[tilespmem:$0xB000] =	vst v63  }
0x103: {  	_ = 	snop  }
0x104: {  	[tilespmem:s8], [sflag:$0x1] =	stream.indirect.gather [hbm4b:s5+s7], $0x80, s19, s7, $0xb8;
	[tilespmem:$0xB000] =	vst v63  }
0x105: {  	_ = 	snop  }
0x106: {  	[tilespmem:s9], [sflag:$0x1] =	stream.indirect.gather [hbm4b:s5+s7], $0x80, s20, s7, $0xb8;
	[tilespmem:$0xB000] =	vst v63  }
0x107: {  	_ = 	snop  }
0x108: {  	[tilespmem:s10], [sflag:$0x1] =	stream.indirect.gather [hbm4b:s5+s7], $0x80, s21, s7, $0xb8;
	[tilespmem:$0xB000] =	vst v63  }
0x109: {  	_ = 	snop  }
0x10a: {  	[tilespmem:s11], [sflag:$0x1] =	stream.indirect.gather [hbm4b:s5+s7], $0x80, s22, s7, $0xb8;
	[tilespmem:$0xB000] =	vst v63  }
0x10b: {  	_ =	swait.ge [sflag:s6], $0x2000  }
0x10c: {  	[sflag:s6] =	ssyncset.done $0x0  }
0x10d: {  	[sflag:s6] =	ssyncadd.s32 $0xFFFFE000  }
0x10e: {  	_ =	swait.ge [sflag:s6], $0x2000  }
0x10f: {  	[sflag:s6] =	ssyncset.done $0x0  }
0x110: {  	[sflag:s6] =	ssyncadd.s32 $0xFFFFE000  }
0x111: {  	_ =	swait.ge [sflag:s6], $0x2000  }
0x112: {  	[sflag:s6] =	ssyncset.done $0x0  }
0x113: {  	[sflag:s6] =	ssyncadd.s32 $0xFFFFE000  }
0x114: {  	_ =	swait.ge [sflag:s6], $0x2000  }
0x115: {  	[sflag:s6] =	ssyncset.done $0x0  }
0x116: {  	[sflag:s6] =	ssyncadd.s32 $0xFFFFE000  }
0x117: {  	_ =	swait.ge [sflag:s6], $0x2000  }
0x118: {  	[sflag:s6] =	ssyncset.done $0x0  }
0x119: {  	s12 =	rddreg [dreg:$0x6];
	[sflag:s6] =	ssyncadd.s32 $0xFFFFE000  }
0x11a: {  	[hbm4b:s12+s2] =	stream.linear.scatter [tilespmem:s4], [sflag:$0x2], $0xA000, $0x38;
	[tilespmem:$0xB000] =	vst v63  }
0x11b: {  	_ =	swait.ge [sflag:s3], $0xA000  }
0x11c: {  	[sflag:s3] =	ssyncset.done $0x0  }
0x11d: {  	[sflag:s3] =	ssyncadd.s32 $0xFFFF6000  }
0x11e: {  	[tilespmem:s4], [sflag:$0x1] =	stream.indirect.gather [hbm4b:s5+s7], $0x80, s13, s7, $0xb8;
	[tilespmem:$0xB000] =	vst v63  }
0x11f: {  	_ = 	snop  }
0x120: {  	[tilespmem:s8], [sflag:$0x1] =	stream.indirect.gather [hbm4b:s5+s7], $0x80, s14, s7, $0xb8;
	[tilespmem:$0xB000] =	vst v63  }
0x121: {  	_ = 	snop  }
0x122: {  	[tilespmem:s9], [sflag:$0x1] =	stream.indirect.gather [hbm4b:s5+s7], $0x80, s15, s7, $0xb8;
	[tilespmem:$0xB000] =	vst v63  }
0x123: {  	_ = 	snop  }
0x124: {  	[tilespmem:s10], [sflag:$0x1] =	stream.indirect.gather [hbm4b:s5+s7], $0x80, s16, s7, $0xb8;
	[tilespmem:$0xB000] =	vst v63  }
0x125: {  	_ = 	snop  }
0x126: {  	[tilespmem:s11], [sflag:$0x1] =	stream.indirect.gather [hbm4b:s5+s7], $0x80, s17, s7, $0xb8;
	[tilespmem:$0xB000] =	vst v63  }
0x127: {  	_ =	swait.ge [sflag:s6], $0x2000  }
0x128: {  	[sflag:s6] =	ssyncset.done $0x0  }
0x129: {  	[sflag:s6] =	ssyncadd.s32 $0xFFFFE000  }
0x12a: {  	_ =	swait.ge [sflag:s6], $0x2000  }
0x12b: {  	[sflag:s6] =	ssyncset.done $0x0  }
0x12c: {  	[sflag:s6] =	ssyncadd.s32 $0xFFFFE000  }
0x12d: {  	_ =	swait.ge [sflag:s6], $0x2000  }
0x12e: {  	[sflag:s6] =	ssyncset.done $0x0  }
0x12f: {  	[sflag:s6] =	ssyncadd.s32 $0xFFFFE000  }
0x130: {  	_ =	swait.ge [sflag:s6], $0x2000  }
0x131: {  	[sflag:s6] =	ssyncset.done $0x0  }
0x132: {  	[sflag:s6] =	ssyncadd.s32 $0xFFFFE000  }
0x133: {  	p1 =	sne.s32 s1, $0x1;
	_ =	swait.ge [sflag:s6], $0x2000  }
.Ltmp2:
0x134: {  	[sflag:s6] =	ssyncset.done $0x0;
	(pc) =	sbr.rel @p1 .LBB2_4-.Ltmp2, $4  }
0x135: {  	s12 =	rddreg [dreg:$0x7];
	[sflag:s6] =	ssyncadd.s32 $0xFFFFE000  }
0x136: {  	[hbm4b:s12+s2] =	stream.linear.scatter [tilespmem:s4], [sflag:$0x2], $0xA000, $0x38;
	[tilespmem:$0xB000] =	vst v63  }
0x137: {  	_ =	swait.ge [sflag:s3], $0xA000  }
0x138: {  	s1 =	sadd.s32 $0xFFFFFFFF, s1;
	s0 =	rddreg [dreg:$0x2];
	[sflag:s3] =	ssyncset.done $0x0  }
0x139: {  	s17 =	simm.s32 $0x480  }
0x13a: {  	s31 =	simm.s32 $0x400;
	s30 =	simm.s32 $0x380;
	s29 =	simm.s32 $0x300  }
0x13b: {  	s28 =	simm.s32 $0x700;
	s26 =	simm.s32 $0x680;
	s25 =	simm.s32 $0x600  }
0x13c: {  	s24 =	simm.s32 $0x580;
	s23 =	simm.s32 $0x500;
	s22 =	simm.s32 $0x980  }
0x13d: {  	s21 =	simm.s32 $0x900;
	s20 =	simm.s32 $0x880;
	s19 =	simm.s32 $0x800  }
0x13e: {  	s18 =	simm.s32 $0x780;
	s16 =	simm.s32 $0xB80;
	s15 =	simm.s32 $0xB00  }
0x13f: {  	s14 =	simm.s32 $0xA80;
	s13 =	simm.s32 $0xA00;
	s12 =	stileid.u32  }
.LBB2_6:
0x140: {  	[sflag:s3] =	ssyncadd.s32 @p0 $0xFFFF6000  }
0x141: {  	[tilespmem:s2], [sflag:$0x2] =	stream.linear.gather [hbm4b:s0+s2], $0xC80, $0x38;
	[tilespmem:$0xB000] =	vst v63  }
0x142: {  	_ =	swait.ge [sflag:s3], $0xC80  }
0x143: {  	[sflag:s3] =	ssyncset.done $0x0  }
0x144: {  	[sflag:s3] =	ssyncadd.s32 $0xFFFFF380  }
0x145: {  	[tilespmem:s4], [sflag:$0x1] =	stream.indirect.gather [hbm4b:s5+s7], $0x80, s2, s7, $0xb8;
	[tilespmem:$0xB000] =	vst v63  }
0x146: {  	s0 =	rddreg [dreg:$0x8]  }
0x147: {  	[tilespmem:s8], [sflag:$0x1] =	stream.indirect.gather [hbm4b:s5+s7], $0x80, s0, s7, $0xb8;
	[tilespmem:$0xB000] =	vst v63  }
0x148: {  	s1 =	rddreg [dreg:$0x9]  }
0x149: {  	[tilespmem:s9], [sflag:$0x1] =	stream.indirect.gather [hbm4b:s5+s7], $0x80, s1, s7, $0xb8;
	[tilespmem:$0xB000] =	vst v63  }
0x14a: {  	s0 =	rddreg [dreg:$0xa]  }
0x14b: {  	[tilespmem:s10], [sflag:$0x1] =	stream.indirect.gather [hbm4b:s5+s7], $0x80, s0, s7, $0xb8;
	[tilespmem:$0xB000] =	vst v63  }
0x14c: {  	s1 =	rddreg [dreg:$0xb]  }
0x14d: {  	[tilespmem:s11], [sflag:$0x1] =	stream.indirect.gather [hbm4b:s5+s7], $0x80, s1, s7, $0xb8;
	[tilespmem:$0xB000] =	vst v63  }
0x14e: {  	_ =	swait.ge [sflag:s6], $0x2000  }
0x14f: {  	[sflag:s6] =	ssyncset.done $0x0  }
0x150: {  	[sflag:s6] =	ssyncadd.s32 $0xFFFFE000  }
0x151: {  	_ =	swait.ge [sflag:s6], $0x2000  }
0x152: {  	[sflag:s6] =	ssyncset.done $0x0  }
0x153: {  	[sflag:s6] =	ssyncadd.s32 $0xFFFFE000  }
0x154: {  	_ =	swait.ge [sflag:s6], $0x2000  }
0x155: {  	[sflag:s6] =	ssyncset.done $0x0  }
0x156: {  	[sflag:s6] =	ssyncadd.s32 $0xFFFFE000  }
0x157: {  	_ =	swait.ge [sflag:s6], $0x2000  }
0x158: {  	[sflag:s6] =	ssyncset.done $0x0  }
0x159: {  	[sflag:s6] =	ssyncadd.s32 $0xFFFFE000  }
0x15a: {  	_ =	swait.ge [sflag:s6], $0x2000  }
0x15b: {  	[sflag:s6] =	ssyncset.done $0x0  }
0x15c: {  	s1 =	rddreg [dreg:$0x3];
	[sflag:s6] =	ssyncadd.s32 $0xFFFFE000  }
0x15d: {  	[hbm4b:s1+s2] =	stream.linear.scatter [tilespmem:s4], [sflag:$0x2], $0xA000, $0x38;
	[tilespmem:$0xB000] =	vst v63  }
0x15e: {  	_ =	swait.ge [sflag:s3], $0xA000  }
0x15f: {  	[sflag:s3] =	ssyncset.done $0x0  }
0x160: {  	s1 =	rddreg [dreg:$0xc];
	[sflag:s3] =	ssyncadd.s32 $0xFFFF6000  }
0x161: {  	[tilespmem:s4], [sflag:$0x1] =	stream.indirect.gather [hbm4b:s5+s7], $0x80, s1, s7, $0xb8;
	[tilespmem:$0xB000] =	vst v63  }
0x162: {  	_ = 	snop  }
0x163: {  	[tilespmem:s8], [sflag:$0x1] =	stream.indirect.gather [hbm4b:s5+s7], $0x80, s29, s7, $0xb8;
	[tilespmem:$0xB000] =	vst v63  }
0x164: {  	_ = 	snop  }
0x165: {  	[tilespmem:s9], [sflag:$0x1] =	stream.indirect.gather [hbm4b:s5+s7], $0x80, s30, s7, $0xb8;
	[tilespmem:$0xB000] =	vst v63  }
0x166: {  	_ = 	snop  }
0x167: {  	[tilespmem:s10], [sflag:$0x1] =	stream.indirect.gather [hbm4b:s5+s7], $0x80, s31, s7, $0xb8;
	[tilespmem:$0xB000] =	vst v63  }
0x168: {  	_ = 	snop  }
0x169: {  	[tilespmem:s11], [sflag:$0x1] =	stream.indirect.gather [hbm4b:s5+s7], $0x80, s17, s7, $0xb8;
	[tilespmem:$0xB000] =	vst v63  }
0x16a: {  	_ =	swait.ge [sflag:s6], $0x2000  }
0x16b: {  	[sflag:s6] =	ssyncset.done $0x0  }
0x16c: {  	[sflag:s6] =	ssyncadd.s32 $0xFFFFE000  }
0x16d: {  	_ =	swait.ge [sflag:s6], $0x2000  }
0x16e: {  	[sflag:s6] =	ssyncset.done $0x0  }
0x16f: {  	[sflag:s6] =	ssyncadd.s32 $0xFFFFE000  }
0x170: {  	_ =	swait.ge [sflag:s6], $0x2000  }
0x171: {  	[sflag:s6] =	ssyncset.done $0x0  }
0x172: {  	[sflag:s6] =	ssyncadd.s32 $0xFFFFE000  }
0x173: {  	_ =	swait.ge [sflag:s6], $0x2000  }
0x174: {  	[sflag:s6] =	ssyncset.done $0x0  }
0x175: {  	[sflag:s6] =	ssyncadd.s32 $0xFFFFE000  }
0x176: {  	_ =	swait.ge [sflag:s6], $0x2000  }
0x177: {  	[sflag:s6] =	ssyncset.done $0x0  }
0x178: {  	s17 =	rddreg [dreg:$0x4];
	[sflag:s6] =	ssyncadd.s32 $0xFFFFE000  }
0x179: {  	[hbm4b:s17+s2] =	stream.linear.scatter [tilespmem:s4], [sflag:$0x2], $0xA000, $0x38;
	[tilespmem:$0xB000] =	vst v63  }
0x17a: {  	_ =	swait.ge [sflag:s3], $0xA000  }
0x17b: {  	[sflag:s3] =	ssyncset.done $0x0  }
0x17c: {  	[sflag:s3] =	ssyncadd.s32 $0xFFFF6000  }
0x17d: {  	[tilespmem:s4], [sflag:$0x1] =	stream.indirect.gather [hbm4b:s5+s7], $0x80, s23, s7, $0xb8;
	[tilespmem:$0xB000] =	vst v63  }
0x17e: {  	_ = 	snop  }
0x17f: {  	[tilespmem:s8], [sflag:$0x1] =	stream.indirect.gather [hbm4b:s5+s7], $0x80, s24, s7, $0xb8;
	[tilespmem:$0xB000] =	vst v63  }
0x180: {  	_ = 	snop  }
0x181: {  	[tilespmem:s9], [sflag:$0x1] =	stream.indirect.gather [hbm4b:s5+s7], $0x80, s25, s7, $0xb8;
	[tilespmem:$0xB000] =	vst v63  }
0x182: {  	_ = 	snop  }
0x183: {  	[tilespmem:s10], [sflag:$0x1] =	stream.indirect.gather [hbm4b:s5+s7], $0x80, s26, s7, $0xb8;
	[tilespmem:$0xB000] =	vst v63  }
0x184: {  	_ = 	snop  }
0x185: {  	[tilespmem:s11], [sflag:$0x1] =	stream.indirect.gather [hbm4b:s5+s7], $0x80, s28, s7, $0xb8;
	[tilespmem:$0xB000] =	vst v63  }
0x186: {  	_ =	swait.ge [sflag:s6], $0x2000  }
0x187: {  	[sflag:s6] =	ssyncset.done $0x0  }
0x188: {  	[sflag:s6] =	ssyncadd.s32 $0xFFFFE000  }
0x189: {  	_ =	swait.ge [sflag:s6], $0x2000  }
0x18a: {  	[sflag:s6] =	ssyncset.done $0x0  }
0x18b: {  	[sflag:s6] =	ssyncadd.s32 $0xFFFFE000  }
0x18c: {  	_ =	swait.ge [sflag:s6], $0x2000  }
0x18d: {  	[sflag:s6] =	ssyncset.done $0x0  }
0x18e: {  	[sflag:s6] =	ssyncadd.s32 $0xFFFFE000  }
0x18f: {  	_ =	swait.ge [sflag:s6], $0x2000  }
0x190: {  	[sflag:s6] =	ssyncset.done $0x0  }
0x191: {  	[sflag:s6] =	ssyncadd.s32 $0xFFFFE000  }
0x192: {  	_ =	swait.ge [sflag:s6], $0x2000  }
0x193: {  	[sflag:s6] =	ssyncset.done $0x0  }
0x194: {  	s28 =	rddreg [dreg:$0x5];
	[sflag:s6] =	ssyncadd.s32 $0xFFFFE000  }
0x195: {  	[hbm4b:s28+s2] =	stream.linear.scatter [tilespmem:s4], [sflag:$0x2], $0xA000, $0x38;
	[tilespmem:$0xB000] =	vst v63  }
0x196: {  	_ =	swait.ge [sflag:s3], $0xA000  }
0x197: {  	[sflag:s3] =	ssyncset.done $0x0  }
0x198: {  	[sflag:s3] =	ssyncadd.s32 $0xFFFF6000  }
0x199: {  	[tilespmem:s4], [sflag:$0x1] =	stream.indirect.gather [hbm4b:s5+s7], $0x80, s18, s7, $0xb8;
	[tilespmem:$0xB000] =	vst v63  }
0x19a: {  	_ = 	snop  }
0x19b: {  	[tilespmem:s8], [sflag:$0x1] =	stream.indirect.gather [hbm4b:s5+s7], $0x80, s19, s7, $0xb8;
	[tilespmem:$0xB000] =	vst v63  }
0x19c: {  	_ = 	snop  }
0x19d: {  	[tilespmem:s9], [sflag:$0x1] =	stream.indirect.gather [hbm4b:s5+s7], $0x80, s20, s7, $0xb8;
	[tilespmem:$0xB000] =	vst v63  }
0x19e: {  	_ = 	snop  }
0x19f: {  	[tilespmem:s10], [sflag:$0x1] =	stream.indirect.gather [hbm4b:s5+s7], $0x80, s21, s7, $0xb8;
	[tilespmem:$0xB000] =	vst v63  }
0x1a0: {  	_ = 	snop  }
0x1a1: {  	[tilespmem:s11], [sflag:$0x1] =	stream.indirect.gather [hbm4b:s5+s7], $0x80, s22, s7, $0xb8;
	[tilespmem:$0xB000] =	vst v63  }
0x1a2: {  	_ =	swait.ge [sflag:s6], $0x2000  }
0x1a3: {  	[sflag:s6] =	ssyncset.done $0x0  }
0x1a4: {  	[sflag:s6] =	ssyncadd.s32 $0xFFFFE000  }
0x1a5: {  	_ =	swait.ge [sflag:s6], $0x2000  }
0x1a6: {  	[sflag:s6] =	ssyncset.done $0x0  }
0x1a7: {  	[sflag:s6] =	ssyncadd.s32 $0xFFFFE000  }
0x1a8: {  	_ =	swait.ge [sflag:s6], $0x2000  }
0x1a9: {  	[sflag:s6] =	ssyncset.done $0x0  }
0x1aa: {  	[sflag:s6] =	ssyncadd.s32 $0xFFFFE000  }
0x1ab: {  	_ =	swait.ge [sflag:s6], $0x2000  }
0x1ac: {  	[sflag:s6] =	ssyncset.done $0x0  }
0x1ad: {  	[sflag:s6] =	ssyncadd.s32 $0xFFFFE000  }
0x1ae: {  	_ =	swait.ge [sflag:s6], $0x2000  }
0x1af: {  	[sflag:s6] =	ssyncset.done $0x0  }
0x1b0: {  	s29 =	rddreg [dreg:$0x6];
	[sflag:s6] =	ssyncadd.s32 $0xFFFFE000  }
0x1b1: {  	[hbm4b:s29+s2] =	stream.linear.scatter [tilespmem:s4], [sflag:$0x2], $0xA000, $0x38;
	[tilespmem:$0xB000] =	vst v63  }
0x1b2: {  	_ =	swait.ge [sflag:s3], $0xA000  }
0x1b3: {  	[sflag:s3] =	ssyncset.done $0x0  }
0x1b4: {  	[sflag:s3] =	ssyncadd.s32 $0xFFFF6000  }
0x1b5: {  	[tilespmem:s4], [sflag:$0x1] =	stream.indirect.gather [hbm4b:s5+s7], $0x80, s13, s7, $0xb8;
	[tilespmem:$0xB000] =	vst v63  }
0x1b6: {  	_ = 	snop  }
0x1b7: {  	[tilespmem:s8], [sflag:$0x1] =	stream.indirect.gather [hbm4b:s5+s7], $0x80, s14, s7, $0xb8;
	[tilespmem:$0xB000] =	vst v63  }
0x1b8: {  	_ = 	snop  }
0x1b9: {  	[tilespmem:s9], [sflag:$0x1] =	stream.indirect.gather [hbm4b:s5+s7], $0x80, s15, s7, $0xb8;
	[tilespmem:$0xB000] =	vst v63  }
0x1ba: {  	_ = 	snop  }
0x1bb: {  	[tilespmem:s10], [sflag:$0x1] =	stream.indirect.gather [hbm4b:s5+s7], $0x80, s16, s7, $0xb8;
	[tilespmem:$0xB000] =	vst v63  }
0x1bc: {  	s30 =	simm.s32 $0xC00  }
0x1bd: {  	[tilespmem:s11], [sflag:$0x1] =	stream.indirect.gather [hbm4b:s5+s7], $0x80, s30, s7, $0xb8;
	[tilespmem:$0xB000] =	vst v63  }
0x1be: {  	_ =	swait.ge [sflag:s6], $0x2000  }
0x1bf: {  	[sflag:s6] =	ssyncset.done $0x0  }
0x1c0: {  	[sflag:s6] =	ssyncadd.s32 $0xFFFFE000  }
0x1c1: {  	_ =	swait.ge [sflag:s6], $0x2000  }
0x1c2: {  	[sflag:s6] =	ssyncset.done $0x0  }
0x1c3: {  	[sflag:s6] =	ssyncadd.s32 $0xFFFFE000  }
0x1c4: {  	_ =	swait.ge [sflag:s6], $0x2000  }
0x1c5: {  	[sflag:s6] =	ssyncset.done $0x0  }
0x1c6: {  	[sflag:s6] =	ssyncadd.s32 $0xFFFFE000  }
0x1c7: {  	_ =	swait.ge [sflag:s6], $0x2000  }
0x1c8: {  	[sflag:s6] =	ssyncset.done $0x0  }
0x1c9: {  	[sflag:s6] =	ssyncadd.s32 $0xFFFFE000  }
0x1ca: {  	_ =	swait.ge [sflag:s6], $0x2000  }
0x1cb: {  	[sflag:s6] =	ssyncset.done $0x0  }
0x1cc: {  	s31 =	rddreg [dreg:$0x7];
	[sflag:s6] =	ssyncadd.s32 $0xFFFFE000  }
0x1cd: {  	[hbm4b:s31+s2] =	stream.linear.scatter [tilespmem:s4], [sflag:$0x2], $0xA000, $0x38;
	[tilespmem:$0xB000] =	vst v63  }
0x1ce: {  	_ =	swait.ge [sflag:s3], $0xA000  }
0x1cf: {  	[sflag:s3] =	ssyncset.done $0x0  }
0x1d0: {  	[sflag:s3] =	ssyncadd.s32 $0xFFFF6000  }
0x1d1: {  	_ =	sfence.sel $0x180000  }
0x1d2: {  	[bflag:$0x0] =	sbarrier.arrive $0xFFFF  }
0x1d3: {  	_ =	strace $0x9000004A  }
0x1d4: {  	[bflag:$0x2] =	sbarrier.arrive $0xFFFF  }
0x1d5: {  	p0 =	sne.s32 s12, $0x0;
	s0 =	rddreg [dreg:$0x1]  }
0x1d6: {  	s0 =	sadd.s32 @!p0 $0x100000, s0  }
0x1d7: {  	[sflag:s0] =	ssyncadd.tile.s32 @!p0 $0x1;
	_ =	shalt  }
.LBB2_1:
0x1d8: {  	s17 =	simm.s32 $0x480  }
0x1d9: {  	s31 =	simm.s32 $0x400;
	s30 =	simm.s32 $0x380;
	s29 =	simm.s32 $0x300  }
.Ltmp3:
0x1da: {  	s28 =	simm.s32 $0x700;
	s26 =	simm.s32 $0x680;
	(pc) =	sbr.rel .LBB2_6-.Ltmp3, $4  }
0x1db: {  	s25 =	simm.s32 $0x600;
	s24 =	simm.s32 $0x580;
	s23 =	simm.s32 $0x500  }
0x1dc: {  	s22 =	simm.s32 $0x980;
	s21 =	simm.s32 $0x900;
	s20 =	simm.s32 $0x880  }
0x1dd: {  	s19 =	simm.s32 $0x800;
	s18 =	simm.s32 $0x780;
	s16 =	simm.s32 $0xB80  }
0x1de: {  	s15 =	simm.s32 $0xB00;
	s14 =	simm.s32 $0xA80;
	s13 =	simm.s32 $0xA00  }
.LBB2_3:
0x1df: {  	s17 =	simm.s32 $0x480;
	s31 =	simm.s32 $0x400  }
0x1e0: {  	s30 =	simm.s32 $0x380;
	s29 =	simm.s32 $0x300;
	s28 =	simm.s32 $0x700  }
.Ltmp4:
0x1e1: {  	s26 =	simm.s32 $0x680;
	s25 =	simm.s32 $0x600;
	(pc) =	sbr.rel .LBB2_6-.Ltmp4, $4  }
0x1e2: {  	s24 =	simm.s32 $0x580;
	s23 =	simm.s32 $0x500;
	s22 =	simm.s32 $0x980  }
0x1e3: {  	s21 =	simm.s32 $0x900;
	s20 =	simm.s32 $0x880;
	s19 =	simm.s32 $0x800  }
0x1e4: {  	s18 =	simm.s32 $0x780;
	s16 =	simm.s32 $0xB80;
	s15 =	simm.s32 $0xB00  }
0x1e5: {  	s14 =	simm.s32 $0xA80;
	s13 =	simm.s32 $0xA00;
	s12 =	stileid.u32  }
.Lfunc_end2:
_tile_overlayer_lowered:
.L_overlay_start_2:
0x1e6: {  	(tag) =	ssettag $0x2  }
0x1e7: {  	s0 =	rddreg [dreg:$0x0];
	s2 =	stileid.u32  }
0x1e8: {  	s1 =	rddreg [dreg:$0x1];
	p0 =	sne.s32 s2, $0x0  }
0x1e9: {  	s3 =	rddreg [dreg:$0x2];
	[bflag:$0x3] =	sbarrier.arrive $0xFFFF;
	s2 =	simm.s32 @!p0 $0x1C02  }
0x1ea: {  	[timem:s3], [sflag:s2] =	dma.local @!p0 [hbm:s0], s1  }
0x1eb: {  	s0 =	simm.s32 @!p0 $0x2  }
0x1ec: {  	_ =	swait.ge @!p0 [sflag:s0], s1  }
0x1ed: {  	s1 =	ssub.s32 @!p0 $0x0, s1;
	[sflag:s0] =	ssyncset.done @!p0 $0x0  }
0x1ee: {  	[sflag:s0] =	ssyncadd.s32 @!p0 s1  }
0x1ef: {  	[bflag:$0x3] =	sbarrier.arrive $0xFFFF  }
0x1f0: {  	_ =	shalt  }

</sc_bundles>
